<compile_context>
chip_gen: v7x
topology: tpu7x:2x2x1
jax: 0.10.2.dev20260603
libtpu: 0.0.44.dev20260713+nightly
codegen_flags: <defaults>
</compile_context>

<pallas_src>
import functools

import jax
import jax.numpy as jnp
from jax import lax
from jax.experimental import pallas as pl
from jax.experimental.pallas import tpu as pltpu
from jax.experimental.pallas import tpu_sc as plsc

N = 10000
D = 128
E = 320000
NC = 2
NS = 16
NW = NC * NS
FPW = D // NW
CH = 128
CPW = 80
EP = NW * CPW * CH
EBP = EP // CH
CBR = 64
NCH = EBP // CBR
NP = 10240
BLK = 512

_mesh = plsc.VectorSubcoreMesh(core_axis_name="c", subcore_axis_name="s")
_sc_params = pltpu.CompilerParams(
    needs_layout_passes=False, use_tc_tiling_on_sc=False)


@functools.partial(
    pl.kernel,
    out_type=jax.ShapeDtypeStruct((NW, NP), jnp.float32),
    mesh=_mesh,
    compiler_params=_sc_params,
    scratch_types=[
        pltpu.VMEM((CPW, CH), jnp.int32),
        pltpu.VMEM((NP,), jnp.float32),
    ],
)
def _sc_degrees(dst_hbm, zer_hbm, deg_hbm, idx_v, acc_v):
    cid = lax.axis_index("c")
    sid = lax.axis_index("s")
    wid = sid * NC + cid
    pltpu.sync_copy(zer_hbm, acc_v)
    pltpu.sync_copy(dst_hbm.at[wid], idx_v)

    def row(j, carry):
        ones = jnp.ones((16,), jnp.float32)
        for k in range(CH // 16):
            d16 = idx_v[j, pl.ds(k * 16, 16)]
            plsc.addupdate_scatter(acc_v, [d16], ones)
        return carry

    lax.fori_loop(0, CPW, row, 0)
    pltpu.sync_copy(acc_v, deg_hbm.at[wid])


@functools.partial(
    pl.kernel,
    out_type=jax.ShapeDtypeStruct((D, NP), jnp.float32),
    mesh=_mesh,
    compiler_params=_sc_params,
    scratch_types=[
        [pltpu.VMEM((NP,), jnp.float32) for _ in range(FPW)],
        [pltpu.VMEM((NP,), jnp.float32) for _ in range(FPW)],
        [pltpu.VMEM((CBR, CH), jnp.int32) for _ in range(2)],
        [pltpu.VMEM((CBR, CH), jnp.int32) for _ in range(2)],
        pltpu.SemaphoreType.DMA,
        pltpu.SemaphoreType.DMA,
    ],
)
def _sc_scatter(yt_hbm, src_hbm, dst_hbm, zer_hbm, out_hbm,
                ys, ac, sbuf, dbuf, semA, semB):
    cid = lax.axis_index("c")
    sid = lax.axis_index("s")
    wid = sid * NC + cid
    f0 = wid * FPW
    for f in range(FPW):
        pltpu.sync_copy(yt_hbm.at[f0 + f], ys[f])
        pltpu.sync_copy(zer_hbm, ac[f])

    def start(c, b, sem):
        pltpu.async_copy(src_hbm.at[pl.ds(c * CBR, CBR)], sbuf[b], sem)
        pltpu.async_copy(dst_hbm.at[pl.ds(c * CBR, CBR)], dbuf[b], sem)

    def drain(b, sem):
        pltpu.make_async_copy(src_hbm.at[pl.ds(0, CBR)], sbuf[b], sem).wait()
        pltpu.make_async_copy(dst_hbm.at[pl.ds(0, CBR)], dbuf[b], sem).wait()

    def process(b):
        def row(r, carry2):
            for h in range(2):
                ks = range(h * 4, h * 4 + 4)
                s = [sbuf[b][r, pl.ds(k * 16, 16)] for k in ks]
                d = [dbuf[b][r, pl.ds(k * 16, 16)] for k in ks]
                g = [[plsc.load_gather(ys[f], [s[k]]) for f in range(FPW)]
                     for k in range(4)]
                for k in range(4):
                    for f in range(FPW):
                        plsc.addupdate_scatter(ac[f], [d[k]], g[k][f])
            return carry2

        lax.fori_loop(0, CBR, row, 0)

    start(0, 0, semA)

    def pair(i, carry):
        c0 = 2 * i
        drain(0, semA)
        start(c0 + 1, 1, semB)
        process(0)
        drain(1, semB)

        @pl.when(c0 + 2 < NCH)
        def _():
            start(c0 + 2, 0, semA)

        process(1)
        return carry

    lax.fori_loop(0, NCH // 2, pair, 0)
    for f in range(FPW):
        pltpu.sync_copy(ac[f], out_hbm.at[f0 + f])


def _prep_body(x_ref, w_ref, degp_ref, yt_ref, dinv_ref):
    deg = jnp.sum(degp_ref[...], axis=0, keepdims=True) + 1.0
    dinv = lax.rsqrt(deg)
    h = jnp.dot(x_ref[...], w_ref[...], preferred_element_type=jnp.float32)
    yt_ref[...] = h.T * dinv
    dinv_ref[...] = jnp.broadcast_to(dinv, (8, BLK))


def _tc_prep(xp, w, degp):
    return pl.pallas_call(
        _prep_body,
        grid=(NP // BLK,),
        in_specs=[
            pl.BlockSpec((BLK, D), lambda i: (i, 0)),
            pl.BlockSpec((D, D), lambda i: (0, 0)),
            pl.BlockSpec((NW, BLK), lambda i: (0, i)),
        ],
        out_specs=[
            pl.BlockSpec((D, BLK), lambda i: (0, i)),
            pl.BlockSpec((8, BLK), lambda i: (0, i)),
        ],
        out_shape=[
            jax.ShapeDtypeStruct((D, NP), jnp.float32),
            jax.ShapeDtypeStruct((8, NP), jnp.float32),
        ],
    )(xp, w, degp)


def _mid_body(p_ref, y0_ref, dinv_ref, b_ref, w_ref, y1_ref):
    dinv = dinv_ref[0:1, :]
    agg = p_ref[...] + y0_ref[...]
    h = jnp.maximum(agg * dinv + b_ref[...], 0.0)
    y1 = lax.dot_general(w_ref[...], h, (((0,), (0,)), ((), ())),
                         preferred_element_type=jnp.float32)
    y1_ref[...] = y1 * dinv


def _tc_mid(p, y0t, dinv8, bc, w):
    return pl.pallas_call(
        _mid_body,
        grid=(NP // BLK,),
        in_specs=[
            pl.BlockSpec((D, BLK), lambda i: (0, i)),
            pl.BlockSpec((D, BLK), lambda i: (0, i)),
            pl.BlockSpec((8, BLK), lambda i: (0, i)),
            pl.BlockSpec((D, 1), lambda i: (0, 0)),
            pl.BlockSpec((D, D), lambda i: (0, 0)),
        ],
        out_specs=pl.BlockSpec((D, BLK), lambda i: (0, i)),
        out_shape=jax.ShapeDtypeStruct((D, NP), jnp.float32),
    )(p, y0t, dinv8, bc, w)


def _fin_body(q_ref, y1_ref, dinv_ref, b_ref, z_ref):
    dinv = dinv_ref[0:1, :]
    zt = (q_ref[...] + y1_ref[...]) * dinv + b_ref[...]
    z_ref[...] = zt.T


def _tc_fin(q, y1t, dinv8, bc):
    return pl.pallas_call(
        _fin_body,
        grid=(NP // BLK,),
        in_specs=[
            pl.BlockSpec((D, BLK), lambda i: (0, i)),
            pl.BlockSpec((D, BLK), lambda i: (0, i)),
            pl.BlockSpec((8, BLK), lambda i: (0, i)),
            pl.BlockSpec((D, 1), lambda i: (0, 0)),
        ],
        out_specs=pl.BlockSpec((BLK, D), lambda i: (i, 0)),
        out_shape=jax.ShapeDtypeStruct((NP, D), jnp.float32),
    )(q, y1t, dinv8, bc)


def kernel(x1, edge_index1, x2, edge_index2, W0, b0, W1, b1):
    zer = jnp.zeros((NP,), jnp.float32)
    b0c = b0.reshape(D, 1)
    b1c = b1.reshape(D, 1)
    x1p = jnp.pad(x1, ((0, NP - N), (0, 0)))
    x2p = jnp.pad(x2, ((0, NP - N), (0, 0)))

    def prep_edges(ei):
        pad = jnp.full((EP - E,), N, dtype=jnp.int32)
        src = jnp.concatenate([ei[0].astype(jnp.int32), pad]).reshape(EBP, CH)
        dstf = jnp.concatenate([ei[1].astype(jnp.int32), pad])
        return src, dstf.reshape(EBP, CH), dstf.reshape(NW, CPW, CH)

    src1, dst1, dstp1 = prep_edges(edge_index1)
    src2, dst2, dstp2 = prep_edges(edge_index2)

    degp1 = _sc_degrees(dstp1, zer)
    degp2 = _sc_degrees(dstp2, zer)

    def backbone(xp, degp, src, dst):
        y0t, dinv8 = _tc_prep(xp, W0, degp)
        p = _sc_scatter(y0t, src, dst, zer)
        y1t = _tc_mid(p, y0t, dinv8, b0c, W1)
        q = _sc_scatter(y1t, src, dst, zer)
        return _tc_fin(q, y1t, dinv8, b1c)

    z1 = backbone(x1p, degp1, src1, dst1)[:N]
    z2 = backbone(x2p, degp2, src2, dst2)[:N]
    return (z1, z2)

# --- scband reference (transcript-rebuilt; emitter-appended) ---
"""Pipeline reference for scband-grace-23630910063292 (READ-ONLY COPY).

The authoritative reference and input builder live on the scoring server;
editing this copy changes nothing except your own understanding.
"""

import jax, jax.numpy as jnp
import numpy as np

N_NODES = 10000
N_EDGES = 320000
IN_DIM = 128
HID_DIM = 128


def gcn_conv(x, edge_index, W, b):
    n = x.shape[0]
    src = edge_index[0]
    dst = edge_index[1]
    # add self loops (PyG GCNConv default)
    loop = jnp.arange(n, dtype=src.dtype)
    src = jnp.concatenate([src, loop])
    dst = jnp.concatenate([dst, loop])
    # symmetric normalization D^-1/2 (A+I) D^-1/2
    deg = jnp.zeros((n,), dtype=x.dtype).at[dst].add(1.0)
    dinv = jnp.where(deg > 0, deg ** -0.5, 0.0)
    norm = dinv[src] * dinv[dst]
    xw = x @ W
    msg = xw[src] * norm[:, None]
    out = jnp.zeros((n, W.shape[1]), dtype=x.dtype).at[dst].add(msg)
    return out + b


def gcn_backbone(x, edge_index, W0, b0, W1, b1):
    # n_layers = 2: relu after first conv, no activation after last
    h = jax.nn.relu(gcn_conv(x, edge_index, W0, b0))
    h = gcn_conv(h, edge_index, W1, b1)
    return h


def setup_inputs(seed: int = 0) -> dict:
    key = jax.random.key(seed)
    k1, k2, k3, k4, k5, k6 = jax.random.split(key, 6)
    x1 = jax.random.normal(k1, (N_NODES, IN_DIM), dtype=jnp.float32)
    x2 = jax.random.normal(k2, (N_NODES, IN_DIM), dtype=jnp.float32)
    edge_index1 = jax.random.randint(k3, (2, N_EDGES), 0, N_NODES, dtype=jnp.int64 if jax.config.jax_enable_x64 else jnp.int32)
    edge_index2 = jax.random.randint(k4, (2, N_EDGES), 0, N_NODES, dtype=jnp.int64 if jax.config.jax_enable_x64 else jnp.int32)
    W0 = jax.random.normal(k5, (IN_DIM, HID_DIM), dtype=jnp.float32) * (1.0 / np.sqrt(IN_DIM))
    b0 = jnp.zeros((HID_DIM,), dtype=jnp.float32)
    W1 = jax.random.normal(k6, (HID_DIM, HID_DIM), dtype=jnp.float32) * (1.0 / np.sqrt(HID_DIM))
    b1 = jnp.zeros((HID_DIM,), dtype=jnp.float32)
    return {"x1": x1, "edge_index1": edge_index1, "x2": x2, "edge_index2": edge_index2,
            "W0": W0, "b0": b0, "W1": W1, "b1": b1}


def reference(x1, edge_index1, x2, edge_index2, W0, b0, W1, b1):
    z1 = gcn_backbone(x1, edge_index1, W0, b0, W1, b1)
    z2 = gcn_backbone(x2, edge_index2, W0, b0, W1, b1)
    return (z1, z2)

if __name__ == "__main__":
    import jax
    _d = setup_inputs()
    print(jax.jit(kernel)(*tuple(_d.values())))

</pallas_src>

<mosaic_0001>
#map = affine_map<(d0, d1) -> (0, 0, 0)>
#map1 = affine_map<(d0, d1) -> (0)>
#map2 = affine_map<(d0, d1) -> (0, 0)>
module attributes {stable_mosaic.version = 14 : i64} {
  func.func @_sc_degrees(%arg0: i32, %arg1: i32, %arg2: memref<32x80x128xi32, #tpu.memory_space<hbm>>, %arg3: memref<10240xf32, #tpu.memory_space<hbm>>, %arg4: memref<32x10240xf32, #tpu.memory_space<hbm>>, %arg5: memref<80x128xi32, #tpu.memory_space<vmem>>, %arg6: memref<10240xf32, #tpu.memory_space<vmem>>) attributes {dimension_semantics = [#tpu.dimension_semantics<core_parallel>, #tpu.dimension_semantics<subcore_parallel>], iteration_bounds = array<i64: 2, 16>, scalar_prefetch = 0 : i64, scratch_operands = 2 : i64, tpu.core_type = #tpu.core_type<sc_vector_subcore>, window_params = [{transform_indices = #map}, {transform_indices = #map1}, {transform_indices = #map2}]} {
    %mul3A = arith.constant 2 : i32
    %mul3A_0 = arith.muli %arg1, %mul3A : i32
    %add3A = arith.addi %mul3A_0, %arg0 : i32
    "tpu.region"() ({
      %run_scoped3A = tpu.sem_alloc : memref<!tpu.dma_semaphore, #tpu.memory_space<semaphore_mem>>
      tpu.enqueue_dma source(%arg3 : memref<10240xf32, #tpu.memory_space<hbm>>) target(%arg6 : memref<10240xf32, #tpu.memory_space<vmem>>) target_semaphore(%run_scoped3A : memref<!tpu.dma_semaphore, #tpu.memory_space<semaphore_mem>>)
      tpu.wait_dma2 semaphore(%run_scoped3A : memref<!tpu.dma_semaphore, #tpu.memory_space<semaphore_mem>>) src(%arg3 : memref<10240xf32, #tpu.memory_space<hbm>>) dst(%arg6 : memref<10240xf32, #tpu.memory_space<vmem>>)
      tpu.yield
    }) : () -> ()
    "tpu.region"() ({
      %run_scoped3A = tpu.sem_alloc : memref<!tpu.dma_semaphore, #tpu.memory_space<semaphore_mem>>
      %dma_start3A = arith.constant 0 : i32
      %dma_start3A_6 = arith.constant 0 : i32
      %dma_start3A_7 = tpu.memref_slice %arg2[%add3A, %dma_start3A, %dma_start3A_6] : memref<32x80x128xi32, #tpu.memory_space<hbm>> -> memref<1x80x128xi32, #tpu.memory_space<hbm>>
      %dma_start3A_8 = tpu.memref_squeeze %dma_start3A_7 : memref<1x80x128xi32, #tpu.memory_space<hbm>> -> memref<80x128xi32, #tpu.memory_space<hbm>>
      %dma_start3A_9 = arith.constant 0 : i32
      %dma_start3A_10 = arith.constant 0 : i32
      %dma_start3A_11 = tpu.memref_slice %arg2[%add3A, %dma_start3A_9, %dma_start3A_10] : memref<32x80x128xi32, #tpu.memory_space<hbm>> -> memref<1x80x128xi32, #tpu.memory_space<hbm>>
      %dma_start3A_12 = tpu.memref_squeeze %dma_start3A_11 : memref<1x80x128xi32, #tpu.memory_space<hbm>> -> memref<80x128xi32, #tpu.memory_space<hbm>>
      tpu.enqueue_dma source(%dma_start3A_12 : memref<80x128xi32, #tpu.memory_space<hbm>>) target(%arg5 : memref<80x128xi32, #tpu.memory_space<vmem>>) target_semaphore(%run_scoped3A : memref<!tpu.dma_semaphore, #tpu.memory_space<semaphore_mem>>)
      %dma_wait3A = arith.constant 0 : i32
      %dma_wait3A_13 = arith.constant 0 : i32
      %dma_wait3A_14 = tpu.memref_slice %arg2[%add3A, %dma_wait3A, %dma_wait3A_13] : memref<32x80x128xi32, #tpu.memory_space<hbm>> -> memref<1x80x128xi32, #tpu.memory_space<hbm>>
      %dma_wait3A_15 = tpu.memref_squeeze %dma_wait3A_14 : memref<1x80x128xi32, #tpu.memory_space<hbm>> -> memref<80x128xi32, #tpu.memory_space<hbm>>
      %dma_wait3A_16 = arith.constant 0 : i32
      %dma_wait3A_17 = arith.constant 0 : i32
      %dma_wait3A_18 = tpu.memref_slice %arg2[%add3A, %dma_wait3A_16, %dma_wait3A_17] : memref<32x80x128xi32, #tpu.memory_space<hbm>> -> memref<1x80x128xi32, #tpu.memory_space<hbm>>
      %dma_wait3A_19 = tpu.memref_squeeze %dma_wait3A_18 : memref<1x80x128xi32, #tpu.memory_space<hbm>> -> memref<80x128xi32, #tpu.memory_space<hbm>>
      tpu.wait_dma2 semaphore(%run_scoped3A : memref<!tpu.dma_semaphore, #tpu.memory_space<semaphore_mem>>) src(%dma_wait3A_19 : memref<80x128xi32, #tpu.memory_space<hbm>>) dst(%arg5 : memref<80x128xi32, #tpu.memory_space<vmem>>)
      tpu.yield
    }) : () -> ()
    %scan3A = arith.constant 0 : i32
    %scan3A_1 = arith.constant 0 : i32
    %scan3A_2 = arith.constant 80 : i32
    %scan3A_3 = arith.addi %scan3A_1, %scan3A_2 : i32
    %scan3A_4 = arith.constant 1 : i32
    scf.for %scan3A_6 = %scan3A_1 to %scan3A_3 step %scan3A_4  : i32 {
      %broadcast_in_dim3A = arith.constant 1.000000e+00 : f32
      %broadcast_in_dim3A_7 = vector.broadcast %broadcast_in_dim3A : f32 to vector<16xf32>
      %get3A = arith.index_cast %scan3A_6 : i32 to index
      %get3A_8 = arith.constant 0 : index
      %get3A_9 = tpu.vector_load %arg5[%get3A, %get3A_8] {strides = array<i32>} : memref<80x128xi32, #tpu.memory_space<vmem>>, vector<16xi32>,
      tpu.vector_store_idx %arg6[%get3A_9], %broadcast_in_dim3A_7 {add = true} : memref<10240xf32, #tpu.memory_space<vmem>>[vector<16xi32>], vector<16xf32>,
      %get3A_10 = arith.index_cast %scan3A_6 : i32 to index
      %get3A_11 = arith.constant 16 : index
      %get3A_12 = tpu.vector_load %arg5[%get3A_10, %get3A_11] {strides = array<i32>} : memref<80x128xi32, #tpu.memory_space<vmem>>, vector<16xi32>,
      tpu.vector_store_idx %arg6[%get3A_12], %broadcast_in_dim3A_7 {add = true} : memref<10240xf32, #tpu.memory_space<vmem>>[vector<16xi32>], vector<16xf32>,
      %get3A_13 = arith.index_cast %scan3A_6 : i32 to index
      %get3A_14 = arith.constant 32 : index
      %get3A_15 = tpu.vector_load %arg5[%get3A_13, %get3A_14] {strides = array<i32>} : memref<80x128xi32, #tpu.memory_space<vmem>>, vector<16xi32>,
      tpu.vector_store_idx %arg6[%get3A_15], %broadcast_in_dim3A_7 {add = true} : memref<10240xf32, #tpu.memory_space<vmem>>[vector<16xi32>], vector<16xf32>,
      %get3A_16 = arith.index_cast %scan3A_6 : i32 to index
      %get3A_17 = arith.constant 48 : index
      %get3A_18 = tpu.vector_load %arg5[%get3A_16, %get3A_17] {strides = array<i32>} : memref<80x128xi32, #tpu.memory_space<vmem>>, vector<16xi32>,
      tpu.vector_store_idx %arg6[%get3A_18], %broadcast_in_dim3A_7 {add = true} : memref<10240xf32, #tpu.memory_space<vmem>>[vector<16xi32>], vector<16xf32>,
      %get3A_19 = arith.index_cast %scan3A_6 : i32 to index
      %get3A_20 = arith.constant 64 : index
      %get3A_21 = tpu.vector_load %arg5[%get3A_19, %get3A_20] {strides = array<i32>} : memref<80x128xi32, #tpu.memory_space<vmem>>, vector<16xi32>,
      tpu.vector_store_idx %arg6[%get3A_21], %broadcast_in_dim3A_7 {add = true} : memref<10240xf32, #tpu.memory_space<vmem>>[vector<16xi32>], vector<16xf32>,
      %get3A_22 = arith.index_cast %scan3A_6 : i32 to index
      %get3A_23 = arith.constant 80 : index
      %get3A_24 = tpu.vector_load %arg5[%get3A_22, %get3A_23] {strides = array<i32>} : memref<80x128xi32, #tpu.memory_space<vmem>>, vector<16xi32>,
      tpu.vector_store_idx %arg6[%get3A_24], %broadcast_in_dim3A_7 {add = true} : memref<10240xf32, #tpu.memory_space<vmem>>[vector<16xi32>], vector<16xf32>,
      %get3A_25 = arith.index_cast %scan3A_6 : i32 to index
      %get3A_26 = arith.constant 96 : index
      %get3A_27 = tpu.vector_load %arg5[%get3A_25, %get3A_26] {strides = array<i32>} : memref<80x128xi32, #tpu.memory_space<vmem>>, vector<16xi32>,
      tpu.vector_store_idx %arg6[%get3A_27], %broadcast_in_dim3A_7 {add = true} : memref<10240xf32, #tpu.memory_space<vmem>>[vector<16xi32>], vector<16xf32>,
      %get3A_28 = arith.index_cast %scan3A_6 : i32 to index
      %get3A_29 = arith.constant 112 : index
      %get3A_30 = tpu.vector_load %arg5[%get3A_28, %get3A_29] {strides = array<i32>} : memref<80x128xi32, #tpu.memory_space<vmem>>, vector<16xi32>,
      tpu.vector_store_idx %arg6[%get3A_30], %broadcast_in_dim3A_7 {add = true} : memref<10240xf32, #tpu.memory_space<vmem>>[vector<16xi32>], vector<16xf32>,
    }
    %scan3A_5 = arith.constant 80 : i32
    "tpu.region"() ({
      %run_scoped3A = tpu.sem_alloc : memref<!tpu.dma_semaphore, #tpu.memory_space<semaphore_mem>>
      %dma_start3A = arith.constant 0 : i32
      %dma_start3A_6 = tpu.memref_slice %arg4[%add3A, %dma_start3A] : memref<32x10240xf32, #tpu.memory_space<hbm>> -> memref<1x10240xf32, #tpu.memory_space<hbm>>
      %dma_start3A_7 = tpu.memref_squeeze %dma_start3A_6 : memref<1x10240xf32, #tpu.memory_space<hbm>> -> memref<10240xf32, #tpu.memory_space<hbm>>
      %dma_start3A_8 = arith.constant 0 : i32
      %dma_start3A_9 = tpu.memref_slice %arg4[%add3A, %dma_start3A_8] : memref<32x10240xf32, #tpu.memory_space<hbm>> -> memref<1x10240xf32, #tpu.memory_space<hbm>>
      %dma_start3A_10 = tpu.memref_squeeze %dma_start3A_9 : memref<1x10240xf32, #tpu.memory_space<hbm>> -> memref<10240xf32, #tpu.memory_space<hbm>>
      tpu.enqueue_dma source(%arg6 : memref<10240xf32, #tpu.memory_space<vmem>>) target(%dma_start3A_10 : memref<10240xf32, #tpu.memory_space<hbm>>) target_semaphore(%run_scoped3A : memref<!tpu.dma_semaphore, #tpu.memory_space<semaphore_mem>>)
      %dma_wait3A = arith.constant 0 : i32
      %dma_wait3A_11 = tpu.memref_slice %arg4[%add3A, %dma_wait3A] : memref<32x10240xf32, #tpu.memory_space<hbm>> -> memref<1x10240xf32, #tpu.memory_space<hbm>>
      %dma_wait3A_12 = tpu.memref_squeeze %dma_wait3A_11 : memref<1x10240xf32, #tpu.memory_space<hbm>> -> memref<10240xf32, #tpu.memory_space<hbm>>
      %dma_wait3A_13 = arith.constant 0 : i32
      %dma_wait3A_14 = tpu.memref_slice %arg4[%add3A, %dma_wait3A_13] : memref<32x10240xf32, #tpu.memory_space<hbm>> -> memref<1x10240xf32, #tpu.memory_space<hbm>>
      %dma_wait3A_15 = tpu.memref_squeeze %dma_wait3A_14 : memref<1x10240xf32, #tpu.memory_space<hbm>> -> memref<10240xf32, #tpu.memory_space<hbm>>
      tpu.wait_dma2 semaphore(%run_scoped3A : memref<!tpu.dma_semaphore, #tpu.memory_space<semaphore_mem>>) src(%arg6 : memref<10240xf32, #tpu.memory_space<vmem>>) dst(%dma_wait3A_15 : memref<10240xf32, #tpu.memory_space<hbm>>)
      tpu.yield
    }) : () -> ()
    return
  }
}

#map = affine_map<(d0, d1) -> (0, 0)>
#map1 = affine_map<(d0, d1) -> (0)>
module attributes {stable_mosaic.version = 14 : i64} {
  func.func @_sc_scatter(%arg0: i32, %arg1: i32, %arg2: memref<128x10240xf32, #tpu.memory_space<hbm>>, %arg3: memref<2560x128xi32, #tpu.memory_space<hbm>>, %arg4: memref<2560x128xi32, #tpu.memory_space<hbm>>, %arg5: memref<10240xf32, #tpu.memory_space<hbm>>, %arg6: memref<128x10240xf32, #tpu.memory_space<hbm>>, %arg7: memref<10240xf32, #tpu.memory_space<vmem>>, %arg8: memref<10240xf32, #tpu.memory_space<vmem>>, %arg9: memref<10240xf32, #tpu.memory_space<vmem>>, %arg10: memref<10240xf32, #tpu.memory_space<vmem>>, %arg11: memref<10240xf32, #tpu.memory_space<vmem>>, %arg12: memref<10240xf32, #tpu.memory_space<vmem>>, %arg13: memref<10240xf32, #tpu.memory_space<vmem>>, %arg14: memref<10240xf32, #tpu.memory_space<vmem>>, %arg15: memref<64x128xi32, #tpu.memory_space<vmem>>, %arg16: memref<64x128xi32, #tpu.memory_space<vmem>>, %arg17: memref<64x128xi32, #tpu.memory_space<vmem>>, %arg18: memref<64x128xi32, #tpu.memory_space<vmem>>, %arg19: memref<!tpu.dma_semaphore, #tpu.memory_space<semaphore_mem>>, %arg20: memref<!tpu.dma_semaphore, #tpu.memory_space<semaphore_mem>>) attributes {dimension_semantics = [#tpu.dimension_semantics<core_parallel>, #tpu.dimension_semantics<subcore_parallel>], iteration_bounds = array<i64: 2, 16>, scalar_prefetch = 0 : i64, scratch_operands = 14 : i64, tpu.core_type = #tpu.core_type<sc_vector_subcore>, window_params = [{transform_indices = #map}, {transform_indices = #map}, {transform_indices = #map}, {transform_indices = #map1}, {transform_indices = #map}]} {
    %mul3A = arith.constant 2 : i32
    %mul3A_0 = arith.muli %arg1, %mul3A : i32
    %add3A = arith.addi %mul3A_0, %arg0 : i32
    %mul3A_1 = arith.constant 4 : i32
    %mul3A_2 = arith.muli %add3A, %mul3A_1 : i32
    %add3A_3 = arith.constant 0 : i32
    %add3A_4 = arith.addi %mul3A_2, %add3A_3 : i32
    "tpu.region"() ({
      %run_scoped3A = tpu.sem_alloc : memref<!tpu.dma_semaphore, #tpu.memory_space<semaphore_mem>>
      %dma_start3A_35 = arith.constant 0 : i32
      %dma_start3A_36 = tpu.memref_slice %arg2[%add3A_4, %dma_start3A_35] : memref<128x10240xf32, #tpu.memory_space<hbm>> -> memref<1x10240xf32, #tpu.memory_space<hbm>>
      %dma_start3A_37 = tpu.memref_squeeze %dma_start3A_36 : memref<1x10240xf32, #tpu.memory_space<hbm>> -> memref<10240xf32, #tpu.memory_space<hbm>>
      %dma_start3A_38 = arith.constant 0 : i32
      %dma_start3A_39 = tpu.memref_slice %arg2[%add3A_4, %dma_start3A_38] : memref<128x10240xf32, #tpu.memory_space<hbm>> -> memref<1x10240xf32, #tpu.memory_space<hbm>>
      %dma_start3A_40 = tpu.memref_squeeze %dma_start3A_39 : memref<1x10240xf32, #tpu.memory_space<hbm>> -> memref<10240xf32, #tpu.memory_space<hbm>>
      tpu.enqueue_dma source(%dma_start3A_40 : memref<10240xf32, #tpu.memory_space<hbm>>) target(%arg7 : memref<10240xf32, #tpu.memory_space<vmem>>) target_semaphore(%run_scoped3A : memref<!tpu.dma_semaphore, #tpu.memory_space<semaphore_mem>>)
      %dma_wait3A = arith.constant 0 : i32
      %dma_wait3A_41 = tpu.memref_slice %arg2[%add3A_4, %dma_wait3A] : memref<128x10240xf32, #tpu.memory_space<hbm>> -> memref<1x10240xf32, #tpu.memory_space<hbm>>
      %dma_wait3A_42 = tpu.memref_squeeze %dma_wait3A_41 : memref<1x10240xf32, #tpu.memory_space<hbm>> -> memref<10240xf32, #tpu.memory_space<hbm>>
      %dma_wait3A_43 = arith.constant 0 : i32
      %dma_wait3A_44 = tpu.memref_slice %arg2[%add3A_4, %dma_wait3A_43] : memref<128x10240xf32, #tpu.memory_space<hbm>> -> memref<1x10240xf32, #tpu.memory_space<hbm>>
      %dma_wait3A_45 = tpu.memref_squeeze %dma_wait3A_44 : memref<1x10240xf32, #tpu.memory_space<hbm>> -> memref<10240xf32, #tpu.memory_space<hbm>>
      tpu.wait_dma2 semaphore(%run_scoped3A : memref<!tpu.dma_semaphore, #tpu.memory_space<semaphore_mem>>) src(%dma_wait3A_45 : memref<10240xf32, #tpu.memory_space<hbm>>) dst(%arg7 : memref<10240xf32, #tpu.memory_space<vmem>>)
      tpu.yield
    }) : () -> ()
    "tpu.region"() ({
      %run_scoped3A = tpu.sem_alloc : memref<!tpu.dma_semaphore, #tpu.memory_space<semaphore_mem>>
      tpu.enqueue_dma source(%arg5 : memref<10240xf32, #tpu.memory_space<hbm>>) target(%arg11 : memref<10240xf32, #tpu.memory_space<vmem>>) target_semaphore(%run_scoped3A : memref<!tpu.dma_semaphore, #tpu.memory_space<semaphore_mem>>)
      tpu.wait_dma2 semaphore(%run_scoped3A : memref<!tpu.dma_semaphore, #tpu.memory_space<semaphore_mem>>) src(%arg5 : memref<10240xf32, #tpu.memory_space<hbm>>) dst(%arg11 : memref<10240xf32, #tpu.memory_space<vmem>>)
      tpu.yield
    }) : () -> ()
    %add3A_5 = arith.constant 1 : i32
    %add3A_6 = arith.addi %mul3A_2, %add3A_5 : i32
    "tpu.region"() ({
      %run_scoped3A = tpu.sem_alloc : memref<!tpu.dma_semaphore, #tpu.memory_space<semaphore_mem>>
      %dma_start3A_35 = arith.constant 0 : i32
      %dma_start3A_36 = tpu.memref_slice %arg2[%add3A_6, %dma_start3A_35] : memref<128x10240xf32, #tpu.memory_space<hbm>> -> memref<1x10240xf32, #tpu.memory_space<hbm>>
      %dma_start3A_37 = tpu.memref_squeeze %dma_start3A_36 : memref<1x10240xf32, #tpu.memory_space<hbm>> -> memref<10240xf32, #tpu.memory_space<hbm>>
      %dma_start3A_38 = arith.constant 0 : i32
      %dma_start3A_39 = tpu.memref_slice %arg2[%add3A_6, %dma_start3A_38] : memref<128x10240xf32, #tpu.memory_space<hbm>> -> memref<1x10240xf32, #tpu.memory_space<hbm>>
      %dma_start3A_40 = tpu.memref_squeeze %dma_start3A_39 : memref<1x10240xf32, #tpu.memory_space<hbm>> -> memref<10240xf32, #tpu.memory_space<hbm>>
      tpu.enqueue_dma source(%dma_start3A_40 : memref<10240xf32, #tpu.memory_space<hbm>>) target(%arg8 : memref<10240xf32, #tpu.memory_space<vmem>>) target_semaphore(%run_scoped3A : memref<!tpu.dma_semaphore, #tpu.memory_space<semaphore_mem>>)
      %dma_wait3A = arith.constant 0 : i32
      %dma_wait3A_41 = tpu.memref_slice %arg2[%add3A_6, %dma_wait3A] : memref<128x10240xf32, #tpu.memory_space<hbm>> -> memref<1x10240xf32, #tpu.memory_space<hbm>>
      %dma_wait3A_42 = tpu.memref_squeeze %dma_wait3A_41 : memref<1x10240xf32, #tpu.memory_space<hbm>> -> memref<10240xf32, #tpu.memory_space<hbm>>
      %dma_wait3A_43 = arith.constant 0 : i32
      %dma_wait3A_44 = tpu.memref_slice %arg2[%add3A_6, %dma_wait3A_43] : memref<128x10240xf32, #tpu.memory_space<hbm>> -> memref<1x10240xf32, #tpu.memory_space<hbm>>
      %dma_wait3A_45 = tpu.memref_squeeze %dma_wait3A_44 : memref<1x10240xf32, #tpu.memory_space<hbm>> -> memref<10240xf32, #tpu.memory_space<hbm>>
      tpu.wait_dma2 semaphore(%run_scoped3A : memref<!tpu.dma_semaphore, #tpu.memory_space<semaphore_mem>>) src(%dma_wait3A_45 : memref<10240xf32, #tpu.memory_space<hbm>>) dst(%arg8 : memref<10240xf32, #tpu.memory_space<vmem>>)
      tpu.yield
    }) : () -> ()
    "tpu.region"() ({
      %run_scoped3A = tpu.sem_alloc : memref<!tpu.dma_semaphore, #tpu.memory_space<semaphore_mem>>
      tpu.enqueue_dma source(%arg5 : memref<10240xf32, #tpu.memory_space<hbm>>) target(%arg12 : memref<10240xf32, #tpu.memory_space<vmem>>) target_semaphore(%run_scoped3A : memref<!tpu.dma_semaphore, #tpu.memory_space<semaphore_mem>>)
      tpu.wait_dma2 semaphore(%run_scoped3A : memref<!tpu.dma_semaphore, #tpu.memory_space<semaphore_mem>>) src(%arg5 : memref<10240xf32, #tpu.memory_space<hbm>>) dst(%arg12 : memref<10240xf32, #tpu.memory_space<vmem>>)
      tpu.yield
    }) : () -> ()
    %add3A_7 = arith.constant 2 : i32
    %add3A_8 = arith.addi %mul3A_2, %add3A_7 : i32
    "tpu.region"() ({
      %run_scoped3A = tpu.sem_alloc : memref<!tpu.dma_semaphore, #tpu.memory_space<semaphore_mem>>
      %dma_start3A_35 = arith.constant 0 : i32
      %dma_start3A_36 = tpu.memref_slice %arg2[%add3A_8, %dma_start3A_35] : memref<128x10240xf32, #tpu.memory_space<hbm>> -> memref<1x10240xf32, #tpu.memory_space<hbm>>
      %dma_start3A_37 = tpu.memref_squeeze %dma_start3A_36 : memref<1x10240xf32, #tpu.memory_space<hbm>> -> memref<10240xf32, #tpu.memory_space<hbm>>
      %dma_start3A_38 = arith.constant 0 : i32
      %dma_start3A_39 = tpu.memref_slice %arg2[%add3A_8, %dma_start3A_38] : memref<128x10240xf32, #tpu.memory_space<hbm>> -> memref<1x10240xf32, #tpu.memory_space<hbm>>
      %dma_start3A_40 = tpu.memref_squeeze %dma_start3A_39 : memref<1x10240xf32, #tpu.memory_space<hbm>> -> memref<10240xf32, #tpu.memory_space<hbm>>
      tpu.enqueue_dma source(%dma_start3A_40 : memref<10240xf32, #tpu.memory_space<hbm>>) target(%arg9 : memref<10240xf32, #tpu.memory_space<vmem>>) target_semaphore(%run_scoped3A : memref<!tpu.dma_semaphore, #tpu.memory_space<semaphore_mem>>)
      %dma_wait3A = arith.constant 0 : i32
      %dma_wait3A_41 = tpu.memref_slice %arg2[%add3A_8, %dma_wait3A] : memref<128x10240xf32, #tpu.memory_space<hbm>> -> memref<1x10240xf32, #tpu.memory_space<hbm>>
      %dma_wait3A_42 = tpu.memref_squeeze %dma_wait3A_41 : memref<1x10240xf32, #tpu.memory_space<hbm>> -> memref<10240xf32, #tpu.memory_space<hbm>>
      %dma_wait3A_43 = arith.constant 0 : i32
      %dma_wait3A_44 = tpu.memref_slice %arg2[%add3A_8, %dma_wait3A_43] : memref<128x10240xf32, #tpu.memory_space<hbm>> -> memref<1x10240xf32, #tpu.memory_space<hbm>>
      %dma_wait3A_45 = tpu.memref_squeeze %dma_wait3A_44 : memref<1x10240xf32, #tpu.memory_space<hbm>> -> memref<10240xf32, #tpu.memory_space<hbm>>
      tpu.wait_dma2 semaphore(%run_scoped3A : memref<!tpu.dma_semaphore, #tpu.memory_space<semaphore_mem>>) src(%dma_wait3A_45 : memref<10240xf32, #tpu.memory_space<hbm>>) dst(%arg9 : memref<10240xf32, #tpu.memory_space<vmem>>)
      tpu.yield
    }) : () -> ()
    "tpu.region"() ({
      %run_scoped3A = tpu.sem_alloc : memref<!tpu.dma_semaphore, #tpu.memory_space<semaphore_mem>>
      tpu.enqueue_dma source(%arg5 : memref<10240xf32, #tpu.memory_space<hbm>>) target(%arg13 : memref<10240xf32, #tpu.memory_space<vmem>>) target_semaphore(%run_scoped3A : memref<!tpu.dma_semaphore, #tpu.memory_space<semaphore_mem>>)
      tpu.wait_dma2 semaphore(%run_scoped3A : memref<!tpu.dma_semaphore, #tpu.memory_space<semaphore_mem>>) src(%arg5 : memref<10240xf32, #tpu.memory_space<hbm>>) dst(%arg13 : memref<10240xf32, #tpu.memory_space<vmem>>)
      tpu.yield
    }) : () -> ()
    %add3A_9 = arith.constant 3 : i32
    %add3A_10 = arith.addi %mul3A_2, %add3A_9 : i32
    "tpu.region"() ({
      %run_scoped3A = tpu.sem_alloc : memref<!tpu.dma_semaphore, #tpu.memory_space<semaphore_mem>>
      %dma_start3A_35 = arith.constant 0 : i32
      %dma_start3A_36 = tpu.memref_slice %arg2[%add3A_10, %dma_start3A_35] : memref<128x10240xf32, #tpu.memory_space<hbm>> -> memref<1x10240xf32, #tpu.memory_space<hbm>>
      %dma_start3A_37 = tpu.memref_squeeze %dma_start3A_36 : memref<1x10240xf32, #tpu.memory_space<hbm>> -> memref<10240xf32, #tpu.memory_space<hbm>>
      %dma_start3A_38 = arith.constant 0 : i32
      %dma_start3A_39 = tpu.memref_slice %arg2[%add3A_10, %dma_start3A_38] : memref<128x10240xf32, #tpu.memory_space<hbm>> -> memref<1x10240xf32, #tpu.memory_space<hbm>>
      %dma_start3A_40 = tpu.memref_squeeze %dma_start3A_39 : memref<1x10240xf32, #tpu.memory_space<hbm>> -> memref<10240xf32, #tpu.memory_space<hbm>>
      tpu.enqueue_dma source(%dma_start3A_40 : memref<10240xf32, #tpu.memory_space<hbm>>) target(%arg10 : memref<10240xf32, #tpu.memory_space<vmem>>) target_semaphore(%run_scoped3A : memref<!tpu.dma_semaphore, #tpu.memory_space<semaphore_mem>>)
      %dma_wait3A = arith.constant 0 : i32
      %dma_wait3A_41 = tpu.memref_slice %arg2[%add3A_10, %dma_wait3A] : memref<128x10240xf32, #tpu.memory_space<hbm>> -> memref<1x10240xf32, #tpu.memory_space<hbm>>
      %dma_wait3A_42 = tpu.memref_squeeze %dma_wait3A_41 : memref<1x10240xf32, #tpu.memory_space<hbm>> -> memref<10240xf32, #tpu.memory_space<hbm>>
      %dma_wait3A_43 = arith.constant 0 : i32
      %dma_wait3A_44 = tpu.memref_slice %arg2[%add3A_10, %dma_wait3A_43] : memref<128x10240xf32, #tpu.memory_space<hbm>> -> memref<1x10240xf32, #tpu.memory_space<hbm>>
      %dma_wait3A_45 = tpu.memref_squeeze %dma_wait3A_44 : memref<1x10240xf32, #tpu.memory_space<hbm>> -> memref<10240xf32, #tpu.memory_space<hbm>>
      tpu.wait_dma2 semaphore(%run_scoped3A : memref<!tpu.dma_semaphore, #tpu.memory_space<semaphore_mem>>) src(%dma_wait3A_45 : memref<10240xf32, #tpu.memory_space<hbm>>) dst(%arg10 : memref<10240xf32, #tpu.memory_space<vmem>>)
      tpu.yield
    }) : () -> ()
    "tpu.region"() ({
      %run_scoped3A = tpu.sem_alloc : memref<!tpu.dma_semaphore, #tpu.memory_space<semaphore_mem>>
      tpu.enqueue_dma source(%arg5 : memref<10240xf32, #tpu.memory_space<hbm>>) target(%arg14 : memref<10240xf32, #tpu.memory_space<vmem>>) target_semaphore(%run_scoped3A : memref<!tpu.dma_semaphore, #tpu.memory_space<semaphore_mem>>)
      tpu.wait_dma2 semaphore(%run_scoped3A : memref<!tpu.dma_semaphore, #tpu.memory_space<semaphore_mem>>) src(%arg5 : memref<10240xf32, #tpu.memory_space<hbm>>) dst(%arg14 : memref<10240xf32, #tpu.memory_space<vmem>>)
      tpu.yield
    }) : () -> ()
    %dma_start3A = arith.constant 0 : i32
    %dma_start3A_11 = arith.constant 0 : i32
    %dma_start3A_12 = tpu.memref_slice %arg3[%dma_start3A, %dma_start3A_11] : memref<2560x128xi32, #tpu.memory_space<hbm>> -> memref<64x128xi32, #tpu.memory_space<hbm>>
    %dma_start3A_13 = arith.constant 0 : i32
    %dma_start3A_14 = arith.constant 0 : i32
    %dma_start3A_15 = tpu.memref_slice %arg3[%dma_start3A_13, %dma_start3A_14] : memref<2560x128xi32, #tpu.memory_space<hbm>> -> memref<64x128xi32, #tpu.memory_space<hbm>>
    tpu.enqueue_dma source(%dma_start3A_15 : memref<64x128xi32, #tpu.memory_space<hbm>>) target(%arg15 : memref<64x128xi32, #tpu.memory_space<vmem>>) target_semaphore(%arg19 : memref<!tpu.dma_semaphore, #tpu.memory_space<semaphore_mem>>)
    %dma_start3A_16 = arith.constant 0 : i32
    %dma_start3A_17 = arith.constant 0 : i32
    %dma_start3A_18 = tpu.memref_slice %arg4[%dma_start3A_16, %dma_start3A_17] : memref<2560x128xi32, #tpu.memory_space<hbm>> -> memref<64x128xi32, #tpu.memory_space<hbm>>
    %dma_start3A_19 = arith.constant 0 : i32
    %dma_start3A_20 = arith.constant 0 : i32
    %dma_start3A_21 = tpu.memref_slice %arg4[%dma_start3A_19, %dma_start3A_20] : memref<2560x128xi32, #tpu.memory_space<hbm>> -> memref<64x128xi32, #tpu.memory_space<hbm>>
    tpu.enqueue_dma source(%dma_start3A_21 : memref<64x128xi32, #tpu.memory_space<hbm>>) target(%arg17 : memref<64x128xi32, #tpu.memory_space<vmem>>) target_semaphore(%arg19 : memref<!tpu.dma_semaphore, #tpu.memory_space<semaphore_mem>>)
    %scan3A = arith.constant 0 : i32
    %scan3A_22 = arith.constant 0 : i32
    %scan3A_23 = arith.constant 20 : i32
    %scan3A_24 = arith.addi %scan3A_22, %scan3A_23 : i32
    %scan3A_25 = arith.constant 1 : i32
    scf.for %scan3A_35 = %scan3A_22 to %scan3A_24 step %scan3A_25  : i32 {
      %mul3A_36 = arith.constant 2 : i32
      %mul3A_37 = arith.muli %mul3A_36, %scan3A_35 : i32
      %dma_wait3A = arith.constant 0 : i32
      %dma_wait3A_38 = arith.constant 0 : i32
      %dma_wait3A_39 = tpu.memref_slice %arg3[%dma_wait3A, %dma_wait3A_38] : memref<2560x128xi32, #tpu.memory_space<hbm>> -> memref<64x128xi32, #tpu.memory_space<hbm>>
      %dma_wait3A_40 = arith.constant 0 : i32
      %dma_wait3A_41 = arith.constant 0 : i32
      %dma_wait3A_42 = tpu.memref_slice %arg3[%dma_wait3A_40, %dma_wait3A_41] : memref<2560x128xi32, #tpu.memory_space<hbm>> -> memref<64x128xi32, #tpu.memory_space<hbm>>
      tpu.wait_dma2 semaphore(%arg19 : memref<!tpu.dma_semaphore, #tpu.memory_space<semaphore_mem>>) src(%dma_wait3A_42 : memref<64x128xi32, #tpu.memory_space<hbm>>) dst(%arg15 : memref<64x128xi32, #tpu.memory_space<vmem>>)
      %dma_wait3A_43 = arith.constant 0 : i32
      %dma_wait3A_44 = arith.constant 0 : i32
      %dma_wait3A_45 = tpu.memref_slice %arg4[%dma_wait3A_43, %dma_wait3A_44] : memref<2560x128xi32, #tpu.memory_space<hbm>> -> memref<64x128xi32, #tpu.memory_space<hbm>>
      %dma_wait3A_46 = arith.constant 0 : i32
      %dma_wait3A_47 = arith.constant 0 : i32
      %dma_wait3A_48 = tpu.memref_slice %arg4[%dma_wait3A_46, %dma_wait3A_47] : memref<2560x128xi32, #tpu.memory_space<hbm>> -> memref<64x128xi32, #tpu.memory_space<hbm>>
      tpu.wait_dma2 semaphore(%arg19 : memref<!tpu.dma_semaphore, #tpu.memory_space<semaphore_mem>>) src(%dma_wait3A_48 : memref<64x128xi32, #tpu.memory_space<hbm>>) dst(%arg17 : memref<64x128xi32, #tpu.memory_space<vmem>>)
      %add3A_49 = arith.constant 1 : i32
      %add3A_50 = arith.addi %mul3A_37, %add3A_49 : i32
      %mul3A_51 = arith.constant 64 : i32
      %mul3A_52 = arith.muli %add3A_50, %mul3A_51 : i32
      %dma_start3A_53 = arith.constant 0 : i32
      %dma_start3A_54 = tpu.memref_slice %arg3[%mul3A_52, %dma_start3A_53] : memref<2560x128xi32, #tpu.memory_space<hbm>> -> memref<64x128xi32, #tpu.memory_space<hbm>>
      %dma_start3A_55 = arith.constant 0 : i32
      %dma_start3A_56 = tpu.memref_slice %arg3[%mul3A_52, %dma_start3A_55] : memref<2560x128xi32, #tpu.memory_space<hbm>> -> memref<64x128xi32, #tpu.memory_space<hbm>>
      tpu.enqueue_dma source(%dma_start3A_56 : memref<64x128xi32, #tpu.memory_space<hbm>>) target(%arg16 : memref<64x128xi32, #tpu.memory_space<vmem>>) target_semaphore(%arg20 : memref<!tpu.dma_semaphore, #tpu.memory_space<semaphore_mem>>)
      %mul3A_57 = arith.constant 64 : i32
      %mul3A_58 = arith.muli %add3A_50, %mul3A_57 : i32
      %dma_start3A_59 = arith.constant 0 : i32
      %dma_start3A_60 = tpu.memref_slice %arg4[%mul3A_58, %dma_start3A_59] : memref<2560x128xi32, #tpu.memory_space<hbm>> -> memref<64x128xi32, #tpu.memory_space<hbm>>
      %dma_start3A_61 = arith.constant 0 : i32
      %dma_start3A_62 = tpu.memref_slice %arg4[%mul3A_58, %dma_start3A_61] : memref<2560x128xi32, #tpu.memory_space<hbm>> -> memref<64x128xi32, #tpu.memory_space<hbm>>
      tpu.enqueue_dma source(%dma_start3A_62 : memref<64x128xi32, #tpu.memory_space<hbm>>) target(%arg18 : memref<64x128xi32, #tpu.memory_space<vmem>>) target_semaphore(%arg20 : memref<!tpu.dma_semaphore, #tpu.memory_space<semaphore_mem>>)
      %scan3A_63 = arith.constant 0 : i32
      %scan3A_64 = arith.constant 0 : i32
      %scan3A_65 = arith.constant 64 : i32
      %scan3A_66 = arith.addi %scan3A_64, %scan3A_65 : i32
      %scan3A_67 = arith.constant 1 : i32
      scf.for %scan3A_91 = %scan3A_64 to %scan3A_66 step %scan3A_67  : i32 {
        %get3A = arith.index_cast %scan3A_91 : i32 to index
        %get3A_92 = arith.constant 0 : index
        %get3A_93 = tpu.vector_load %arg15[%get3A, %get3A_92] {strides = array<i32>} : memref<64x128xi32, #tpu.memory_space<vmem>>, vector<16xi32>,
        %get3A_94 = arith.index_cast %scan3A_91 : i32 to index
        %get3A_95 = arith.constant 16 : index
        %get3A_96 = tpu.vector_load %arg15[%get3A_94, %get3A_95] {strides = array<i32>} : memref<64x128xi32, #tpu.memory_space<vmem>>, vector<16xi32>,
        %get3A_97 = arith.index_cast %scan3A_91 : i32 to index
        %get3A_98 = arith.constant 32 : index
        %get3A_99 = tpu.vector_load %arg15[%get3A_97, %get3A_98] {strides = array<i32>} : memref<64x128xi32, #tpu.memory_space<vmem>>, vector<16xi32>,
        %get3A_100 = arith.index_cast %scan3A_91 : i32 to index
        %get3A_101 = arith.constant 48 : index
        %get3A_102 = tpu.vector_load %arg15[%get3A_100, %get3A_101] {strides = array<i32>} : memref<64x128xi32, #tpu.memory_space<vmem>>, vector<16xi32>,
        %get3A_103 = arith.index_cast %scan3A_91 : i32 to index
        %get3A_104 = arith.constant 0 : index
        %get3A_105 = tpu.vector_load %arg17[%get3A_103, %get3A_104] {strides = array<i32>} : memref<64x128xi32, #tpu.memory_space<vmem>>, vector<16xi32>,
        %get3A_106 = arith.index_cast %scan3A_91 : i32 to index
        %get3A_107 = arith.constant 16 : index
        %get3A_108 = tpu.vector_load %arg17[%get3A_106, %get3A_107] {strides = array<i32>} : memref<64x128xi32, #tpu.memory_space<vmem>>, vector<16xi32>,
        %get3A_109 = arith.index_cast %scan3A_91 : i32 to index
        %get3A_110 = arith.constant 32 : index
        %get3A_111 = tpu.vector_load %arg17[%get3A_109, %get3A_110] {strides = array<i32>} : memref<64x128xi32, #tpu.memory_space<vmem>>, vector<16xi32>,
        %get3A_112 = arith.index_cast %scan3A_91 : i32 to index
        %get3A_113 = arith.constant 48 : index
        %get3A_114 = tpu.vector_load %arg17[%get3A_112, %get3A_113] {strides = array<i32>} : memref<64x128xi32, #tpu.memory_space<vmem>>, vector<16xi32>,
        %gather3A = tpu.vector_load_idx %arg7[%get3A_93] : memref<10240xf32, #tpu.memory_space<vmem>>[vector<16xi32>], vector<16xf32>,
        %gather3A_115 = tpu.vector_load_idx %arg8[%get3A_93] : memref<10240xf32, #tpu.memory_space<vmem>>[vector<16xi32>], vector<16xf32>,
        %gather3A_116 = tpu.vector_load_idx %arg9[%get3A_93] : memref<10240xf32, #tpu.memory_space<vmem>>[vector<16xi32>], vector<16xf32>,
        %gather3A_117 = tpu.vector_load_idx %arg10[%get3A_93] : memref<10240xf32, #tpu.memory_space<vmem>>[vector<16xi32>], vector<16xf32>,
        %gather3A_118 = tpu.vector_load_idx %arg7[%get3A_96] : memref<10240xf32, #tpu.memory_space<vmem>>[vector<16xi32>], vector<16xf32>,
        %gather3A_119 = tpu.vector_load_idx %arg8[%get3A_96] : memref<10240xf32, #tpu.memory_space<vmem>>[vector<16xi32>], vector<16xf32>,
        %gather3A_120 = tpu.vector_load_idx %arg9[%get3A_96] : memref<10240xf32, #tpu.memory_space<vmem>>[vector<16xi32>], vector<16xf32>,
        %gather3A_121 = tpu.vector_load_idx %arg10[%get3A_96] : memref<10240xf32, #tpu.memory_space<vmem>>[vector<16xi32>], vector<16xf32>,
        %gather3A_122 = tpu.vector_load_idx %arg7[%get3A_99] : memref<10240xf32, #tpu.memory_space<vmem>>[vector<16xi32>], vector<16xf32>,
        %gather3A_123 = tpu.vector_load_idx %arg8[%get3A_99] : memref<10240xf32, #tpu.memory_space<vmem>>[vector<16xi32>], vector<16xf32>,
        %gather3A_124 = tpu.vector_load_idx %arg9[%get3A_99] : memref<10240xf32, #tpu.memory_space<vmem>>[vector<16xi32>], vector<16xf32>,
        %gather3A_125 = tpu.vector_load_idx %arg10[%get3A_99] : memref<10240xf32, #tpu.memory_space<vmem>>[vector<16xi32>], vector<16xf32>,
        %gather3A_126 = tpu.vector_load_idx %arg7[%get3A_102] : memref<10240xf32, #tpu.memory_space<vmem>>[vector<16xi32>], vector<16xf32>,
        %gather3A_127 = tpu.vector_load_idx %arg8[%get3A_102] : memref<10240xf32, #tpu.memory_space<vmem>>[vector<16xi32>], vector<16xf32>,
        %gather3A_128 = tpu.vector_load_idx %arg9[%get3A_102] : memref<10240xf32, #tpu.memory_space<vmem>>[vector<16xi32>], vector<16xf32>,
        %gather3A_129 = tpu.vector_load_idx %arg10[%get3A_102] : memref<10240xf32, #tpu.memory_space<vmem>>[vector<16xi32>], vector<16xf32>,
        tpu.vector_store_idx %arg11[%get3A_105], %gather3A {add = true} : memref<10240xf32, #tpu.memory_space<vmem>>[vector<16xi32>], vector<16xf32>,
        tpu.vector_store_idx %arg12[%get3A_105], %gather3A_115 {add = true} : memref<10240xf32, #tpu.memory_space<vmem>>[vector<16xi32>], vector<16xf32>,
        tpu.vector_store_idx %arg13[%get3A_105], %gather3A_116 {add = true} : memref<10240xf32, #tpu.memory_space<vmem>>[vector<16xi32>], vector<16xf32>,
        tpu.vector_store_idx %arg14[%get3A_105], %gather3A_117 {add = true} : memref<10240xf32, #tpu.memory_space<vmem>>[vector<16xi32>], vector<16xf32>,
        tpu.vector_store_idx %arg11[%get3A_108], %gather3A_118 {add = true} : memref<10240xf32, #tpu.memory_space<vmem>>[vector<16xi32>], vector<16xf32>,
        tpu.vector_store_idx %arg12[%get3A_108], %gather3A_119 {add = true} : memref<10240xf32, #tpu.memory_space<vmem>>[vector<16xi32>], vector<16xf32>,
        tpu.vector_store_idx %arg13[%get3A_108], %gather3A_120 {add = true} : memref<10240xf32, #tpu.memory_space<vmem>>[vector<16xi32>], vector<16xf32>,
        tpu.vector_store_idx %arg14[%get3A_108], %gather3A_121 {add = true} : memref<10240xf32, #tpu.memory_space<vmem>>[vector<16xi32>], vector<16xf32>,
        tpu.vector_store_idx %arg11[%get3A_111], %gather3A_122 {add = true} : memref<10240xf32, #tpu.memory_space<vmem>>[vector<16xi32>], vector<16xf32>,
        tpu.vector_store_idx %arg12[%get3A_111], %gather3A_123 {add = true} : memref<10240xf32, #tpu.memory_space<vmem>>[vector<16xi32>], vector<16xf32>,
        tpu.vector_store_idx %arg13[%get3A_111], %gather3A_124 {add = true} : memref<10240xf32, #tpu.memory_space<vmem>>[vector<16xi32>], vector<16xf32>,
        tpu.vector_store_idx %arg14[%get3A_111], %gather3A_125 {add = true} : memref<10240xf32, #tpu.memory_space<vmem>>[vector<16xi32>], vector<16xf32>,
        tpu.vector_store_idx %arg11[%get3A_114], %gather3A_126 {add = true} : memref<10240xf32, #tpu.memory_space<vmem>>[vector<16xi32>], vector<16xf32>,
        tpu.vector_store_idx %arg12[%get3A_114], %gather3A_127 {add = true} : memref<10240xf32, #tpu.memory_space<vmem>>[vector<16xi32>], vector<16xf32>,
        tpu.vector_store_idx %arg13[%get3A_114], %gather3A_128 {add = true} : memref<10240xf32, #tpu.memory_space<vmem>>[vector<16xi32>], vector<16xf32>,
        tpu.vector_store_idx %arg14[%get3A_114], %gather3A_129 {add = true} : memref<10240xf32, #tpu.memory_space<vmem>>[vector<16xi32>], vector<16xf32>,
        %get3A_130 = arith.index_cast %scan3A_91 : i32 to index
        %get3A_131 = arith.constant 64 : index
        %get3A_132 = tpu.vector_load %arg15[%get3A_130, %get3A_131] {strides = array<i32>} : memref<64x128xi32, #tpu.memory_space<vmem>>, vector<16xi32>,
        %get3A_133 = arith.index_cast %scan3A_91 : i32 to index
        %get3A_134 = arith.constant 80 : index
        %get3A_135 = tpu.vector_load %arg15[%get3A_133, %get3A_134] {strides = array<i32>} : memref<64x128xi32, #tpu.memory_space<vmem>>, vector<16xi32>,
        %get3A_136 = arith.index_cast %scan3A_91 : i32 to index
        %get3A_137 = arith.constant 96 : index
        %get3A_138 = tpu.vector_load %arg15[%get3A_136, %get3A_137] {strides = array<i32>} : memref<64x128xi32, #tpu.memory_space<vmem>>, vector<16xi32>,
        %get3A_139 = arith.index_cast %scan3A_91 : i32 to index
        %get3A_140 = arith.constant 112 : index
        %get3A_141 = tpu.vector_load %arg15[%get3A_139, %get3A_140] {strides = array<i32>} : memref<64x128xi32, #tpu.memory_space<vmem>>, vector<16xi32>,
        %get3A_142 = arith.index_cast %scan3A_91 : i32 to index
        %get3A_143 = arith.constant 64 : index
        %get3A_144 = tpu.vector_load %arg17[%get3A_142, %get3A_143] {strides = array<i32>} : memref<64x128xi32, #tpu.memory_space<vmem>>, vector<16xi32>,
        %get3A_145 = arith.index_cast %scan3A_91 : i32 to index
        %get3A_146 = arith.constant 80 : index
        %get3A_147 = tpu.vector_load %arg17[%get3A_145, %get3A_146] {strides = array<i32>} : memref<64x128xi32, #tpu.memory_space<vmem>>, vector<16xi32>,
        %get3A_148 = arith.index_cast %scan3A_91 : i32 to index
        %get3A_149 = arith.constant 96 : index
        %get3A_150 = tpu.vector_load %arg17[%get3A_148, %get3A_149] {strides = array<i32>} : memref<64x128xi32, #tpu.memory_space<vmem>>, vector<16xi32>,
        %get3A_151 = arith.index_cast %scan3A_91 : i32 to index
        %get3A_152 = arith.constant 112 : index
        %get3A_153 = tpu.vector_load %arg17[%get3A_151, %get3A_152] {strides = array<i32>} : memref<64x128xi32, #tpu.memory_space<vmem>>, vector<16xi32>,
        %gather3A_154 = tpu.vector_load_idx %arg7[%get3A_132] : memref<10240xf32, #tpu.memory_space<vmem>>[vector<16xi32>], vector<16xf32>,
        %gather3A_155 = tpu.vector_load_idx %arg8[%get3A_132] : memref<10240xf32, #tpu.memory_space<vmem>>[vector<16xi32>], vector<16xf32>,
        %gather3A_156 = tpu.vector_load_idx %arg9[%get3A_132] : memref<10240xf32, #tpu.memory_space<vmem>>[vector<16xi32>], vector<16xf32>,
        %gather3A_157 = tpu.vector_load_idx %arg10[%get3A_132] : memref<10240xf32, #tpu.memory_space<vmem>>[vector<16xi32>], vector<16xf32>,
        %gather3A_158 = tpu.vector_load_idx %arg7[%get3A_135] : memref<10240xf32, #tpu.memory_space<vmem>>[vector<16xi32>], vector<16xf32>,
        %gather3A_159 = tpu.vector_load_idx %arg8[%get3A_135] : memref<10240xf32, #tpu.memory_space<vmem>>[vector<16xi32>], vector<16xf32>,
        %gather3A_160 = tpu.vector_load_idx %arg9[%get3A_135] : memref<10240xf32, #tpu.memory_space<vmem>>[vector<16xi32>], vector<16xf32>,
        %gather3A_161 = tpu.vector_load_idx %arg10[%get3A_135] : memref<10240xf32, #tpu.memory_space<vmem>>[vector<16xi32>], vector<16xf32>,
        %gather3A_162 = tpu.vector_load_idx %arg7[%get3A_138] : memref<10240xf32, #tpu.memory_space<vmem>>[vector<16xi32>], vector<16xf32>,
        %gather3A_163 = tpu.vector_load_idx %arg8[%get3A_138] : memref<10240xf32, #tpu.memory_space<vmem>>[vector<16xi32>], vector<16xf32>,
        %gather3A_164 = tpu.vector_load_idx %arg9[%get3A_138] : memref<10240xf32, #tpu.memory_space<vmem>>[vector<16xi32>], vector<16xf32>,
        %gather3A_165 = tpu.vector_load_idx %arg10[%get3A_138] : memref<10240xf32, #tpu.memory_space<vmem>>[vector<16xi32>], vector<16xf32>,
        %gather3A_166 = tpu.vector_load_idx %arg7[%get3A_141] : memref<10240xf32, #tpu.memory_space<vmem>>[vector<16xi32>], vector<16xf32>,
        %gather3A_167 = tpu.vector_load_idx %arg8[%get3A_141] : memref<10240xf32, #tpu.memory_space<vmem>>[vector<16xi32>], vector<16xf32>,
        %gather3A_168 = tpu.vector_load_idx %arg9[%get3A_141] : memref<10240xf32, #tpu.memory_space<vmem>>[vector<16xi32>], vector<16xf32>,
        %gather3A_169 = tpu.vector_load_idx %arg10[%get3A_141] : memref<10240xf32, #tpu.memory_space<vmem>>[vector<16xi32>], vector<16xf32>,
        tpu.vector_store_idx %arg11[%get3A_144], %gather3A_154 {add = true} : memref<10240xf32, #tpu.memory_space<vmem>>[vector<16xi32>], vector<16xf32>,
        tpu.vector_store_idx %arg12[%get3A_144], %gather3A_155 {add = true} : memref<10240xf32, #tpu.memory_space<vmem>>[vector<16xi32>], vector<16xf32>,
        tpu.vector_store_idx %arg13[%get3A_144], %gather3A_156 {add = true} : memref<10240xf32, #tpu.memory_space<vmem>>[vector<16xi32>], vector<16xf32>,
        tpu.vector_store_idx %arg14[%get3A_144], %gather3A_157 {add = true} : memref<10240xf32, #tpu.memory_space<vmem>>[vector<16xi32>], vector<16xf32>,
        tpu.vector_store_idx %arg11[%get3A_147], %gather3A_158 {add = true} : memref<10240xf32, #tpu.memory_space<vmem>>[vector<16xi32>], vector<16xf32>,
        tpu.vector_store_idx %arg12[%get3A_147], %gather3A_159 {add = true} : memref<10240xf32, #tpu.memory_space<vmem>>[vector<16xi32>], vector<16xf32>,
        tpu.vector_store_idx %arg13[%get3A_147], %gather3A_160 {add = true} : memref<10240xf32, #tpu.memory_space<vmem>>[vector<16xi32>], vector<16xf32>,
        tpu.vector_store_idx %arg14[%get3A_147], %gather3A_161 {add = true} : memref<10240xf32, #tpu.memory_space<vmem>>[vector<16xi32>], vector<16xf32>,
        tpu.vector_store_idx %arg11[%get3A_150], %gather3A_162 {add = true} : memref<10240xf32, #tpu.memory_space<vmem>>[vector<16xi32>], vector<16xf32>,
        tpu.vector_store_idx %arg12[%get3A_150], %gather3A_163 {add = true} : memref<10240xf32, #tpu.memory_space<vmem>>[vector<16xi32>], vector<16xf32>,
        tpu.vector_store_idx %arg13[%get3A_150], %gather3A_164 {add = true} : memref<10240xf32, #tpu.memory_space<vmem>>[vector<16xi32>], vector<16xf32>,
        tpu.vector_store_idx %arg14[%get3A_150], %gather3A_165 {add = true} : memref<10240xf32, #tpu.memory_space<vmem>>[vector<16xi32>], vector<16xf32>,
        tpu.vector_store_idx %arg11[%get3A_153], %gather3A_166 {add = true} : memref<10240xf32, #tpu.memory_space<vmem>>[vector<16xi32>], vector<16xf32>,
        tpu.vector_store_idx %arg12[%get3A_153], %gather3A_167 {add = true} : memref<10240xf32, #tpu.memory_space<vmem>>[vector<16xi32>], vector<16xf32>,
        tpu.vector_store_idx %arg13[%get3A_153], %gather3A_168 {add = true} : memref<10240xf32, #tpu.memory_space<vmem>>[vector<16xi32>], vector<16xf32>,
        tpu.vector_store_idx %arg14[%get3A_153], %gather3A_169 {add = true} : memref<10240xf32, #tpu.memory_space<vmem>>[vector<16xi32>], vector<16xf32>,
      }
      %scan3A_68 = arith.constant 64 : i32
      %dma_wait3A_69 = arith.constant 0 : i32
      %dma_wait3A_70 = arith.constant 0 : i32
      %dma_wait3A_71 = tpu.memref_slice %arg3[%dma_wait3A_69, %dma_wait3A_70] : memref<2560x128xi32, #tpu.memory_space<hbm>> -> memref<64x128xi32, #tpu.memory_space<hbm>>
      %dma_wait3A_72 = arith.constant 0 : i32
      %dma_wait3A_73 = arith.constant 0 : i32
      %dma_wait3A_74 = tpu.memref_slice %arg3[%dma_wait3A_72, %dma_wait3A_73] : memref<2560x128xi32, #tpu.memory_space<hbm>> -> memref<64x128xi32, #tpu.memory_space<hbm>>
      tpu.wait_dma2 semaphore(%arg20 : memref<!tpu.dma_semaphore, #tpu.memory_space<semaphore_mem>>) src(%dma_wait3A_74 : memref<64x128xi32, #tpu.memory_space<hbm>>) dst(%arg16 : memref<64x128xi32, #tpu.memory_space<vmem>>)
      %dma_wait3A_75 = arith.constant 0 : i32
      %dma_wait3A_76 = arith.constant 0 : i32
      %dma_wait3A_77 = tpu.memref_slice %arg4[%dma_wait3A_75, %dma_wait3A_76] : memref<2560x128xi32, #tpu.memory_space<hbm>> -> memref<64x128xi32, #tpu.memory_space<hbm>>
      %dma_wait3A_78 = arith.constant 0 : i32
      %dma_wait3A_79 = arith.constant 0 : i32
      %dma_wait3A_80 = tpu.memref_slice %arg4[%dma_wait3A_78, %dma_wait3A_79] : memref<2560x128xi32, #tpu.memory_space<hbm>> -> memref<64x128xi32, #tpu.memory_space<hbm>>
      tpu.wait_dma2 semaphore(%arg20 : memref<!tpu.dma_semaphore, #tpu.memory_space<semaphore_mem>>) src(%dma_wait3A_80 : memref<64x128xi32, #tpu.memory_space<hbm>>) dst(%arg18 : memref<64x128xi32, #tpu.memory_space<vmem>>)
      %add3A_81 = arith.constant 2 : i32
      %add3A_82 = arith.addi %mul3A_37, %add3A_81 : i32
      %lt3A = arith.constant 40 : i32
      %lt3A_83 = arith.cmpi slt, %add3A_82, %lt3A : i32
      %convert_element_type3A = arith.extui %lt3A_83 : i1 to i32
      %cond3A = arith.constant 0 : i32
      %cond3A_84 = arith.cmpi ne, %convert_element_type3A, %cond3A : i32
      scf.if %cond3A_84 {
        %add3A_91 = arith.constant 2 : i32
        %add3A_92 = arith.addi %mul3A_37, %add3A_91 : i32
        %mul3A_93 = arith.constant 64 : i32
        %mul3A_94 = arith.muli %add3A_92, %mul3A_93 : i32
        %dma_start3A_95 = arith.constant 0 : i32
        %dma_start3A_96 = tpu.memref_slice %arg3[%mul3A_94, %dma_start3A_95] : memref<2560x128xi32, #tpu.memory_space<hbm>> -> memref<64x128xi32, #tpu.memory_space<hbm>>
        %dma_start3A_97 = arith.constant 0 : i32
        %dma_start3A_98 = tpu.memref_slice %arg3[%mul3A_94, %dma_start3A_97] : memref<2560x128xi32, #tpu.memory_space<hbm>> -> memref<64x128xi32, #tpu.memory_space<hbm>>
        tpu.enqueue_dma source(%dma_start3A_98 : memref<64x128xi32, #tpu.memory_space<hbm>>) target(%arg15 : memref<64x128xi32, #tpu.memory_space<vmem>>) target_semaphore(%arg19 : memref<!tpu.dma_semaphore, #tpu.memory_space<semaphore_mem>>)
        %mul3A_99 = arith.constant 64 : i32
        %mul3A_100 = arith.muli %add3A_92, %mul3A_99 : i32
        %dma_start3A_101 = arith.constant 0 : i32
        %dma_start3A_102 = tpu.memref_slice %arg4[%mul3A_100, %dma_start3A_101] : memref<2560x128xi32, #tpu.memory_space<hbm>> -> memref<64x128xi32, #tpu.memory_space<hbm>>
        %dma_start3A_103 = arith.constant 0 : i32
        %dma_start3A_104 = tpu.memref_slice %arg4[%mul3A_100, %dma_start3A_103] : memref<2560x128xi32, #tpu.memory_space<hbm>> -> memref<64x128xi32, #tpu.memory_space<hbm>>
        tpu.enqueue_dma source(%dma_start3A_104 : memref<64x128xi32, #tpu.memory_space<hbm>>) target(%arg17 : memref<64x128xi32, #tpu.memory_space<vmem>>) target_semaphore(%arg19 : memref<!tpu.dma_semaphore, #tpu.memory_space<semaphore_mem>>)
      } else {
      }
      %scan3A_85 = arith.constant 0 : i32
      %scan3A_86 = arith.constant 0 : i32
      %scan3A_87 = arith.constant 64 : i32
      %scan3A_88 = arith.addi %scan3A_86, %scan3A_87 : i32
      %scan3A_89 = arith.constant 1 : i32
      scf.for %scan3A_91 = %scan3A_86 to %scan3A_88 step %scan3A_89  : i32 {
        %get3A = arith.index_cast %scan3A_91 : i32 to index
        %get3A_92 = arith.constant 0 : index
        %get3A_93 = tpu.vector_load %arg16[%get3A, %get3A_92] {strides = array<i32>} : memref<64x128xi32, #tpu.memory_space<vmem>>, vector<16xi32>,
        %get3A_94 = arith.index_cast %scan3A_91 : i32 to index
        %get3A_95 = arith.constant 16 : index
        %get3A_96 = tpu.vector_load %arg16[%get3A_94, %get3A_95] {strides = array<i32>} : memref<64x128xi32, #tpu.memory_space<vmem>>, vector<16xi32>,
        %get3A_97 = arith.index_cast %scan3A_91 : i32 to index
        %get3A_98 = arith.constant 32 : index
        %get3A_99 = tpu.vector_load %arg16[%get3A_97, %get3A_98] {strides = array<i32>} : memref<64x128xi32, #tpu.memory_space<vmem>>, vector<16xi32>,
        %get3A_100 = arith.index_cast %scan3A_91 : i32 to index
        %get3A_101 = arith.constant 48 : index
        %get3A_102 = tpu.vector_load %arg16[%get3A_100, %get3A_101] {strides = array<i32>} : memref<64x128xi32, #tpu.memory_space<vmem>>, vector<16xi32>,
        %get3A_103 = arith.index_cast %scan3A_91 : i32 to index
        %get3A_104 = arith.constant 0 : index
        %get3A_105 = tpu.vector_load %arg18[%get3A_103, %get3A_104] {strides = array<i32>} : memref<64x128xi32, #tpu.memory_space<vmem>>, vector<16xi32>,
        %get3A_106 = arith.index_cast %scan3A_91 : i32 to index
        %get3A_107 = arith.constant 16 : index
        %get3A_108 = tpu.vector_load %arg18[%get3A_106, %get3A_107] {strides = array<i32>} : memref<64x128xi32, #tpu.memory_space<vmem>>, vector<16xi32>,
        %get3A_109 = arith.index_cast %scan3A_91 : i32 to index
        %get3A_110 = arith.constant 32 : index
        %get3A_111 = tpu.vector_load %arg18[%get3A_109, %get3A_110] {strides = array<i32>} : memref<64x128xi32, #tpu.memory_space<vmem>>, vector<16xi32>,
        %get3A_112 = arith.index_cast %scan3A_91 : i32 to index
        %get3A_113 = arith.constant 48 : index
        %get3A_114 = tpu.vector_load %arg18[%get3A_112, %get3A_113] {strides = array<i32>} : memref<64x128xi32, #tpu.memory_space<vmem>>, vector<16xi32>,
        %gather3A = tpu.vector_load_idx %arg7[%get3A_93] : memref<10240xf32, #tpu.memory_space<vmem>>[vector<16xi32>], vector<16xf32>,
        %gather3A_115 = tpu.vector_load_idx %arg8[%get3A_93] : memref<10240xf32, #tpu.memory_space<vmem>>[vector<16xi32>], vector<16xf32>,
        %gather3A_116 = tpu.vector_load_idx %arg9[%get3A_93] : memref<10240xf32, #tpu.memory_space<vmem>>[vector<16xi32>], vector<16xf32>,
        %gather3A_117 = tpu.vector_load_idx %arg10[%get3A_93] : memref<10240xf32, #tpu.memory_space<vmem>>[vector<16xi32>], vector<16xf32>,
        %gather3A_118 = tpu.vector_load_idx %arg7[%get3A_96] : memref<10240xf32, #tpu.memory_space<vmem>>[vector<16xi32>], vector<16xf32>,
        %gather3A_119 = tpu.vector_load_idx %arg8[%get3A_96] : memref<10240xf32, #tpu.memory_space<vmem>>[vector<16xi32>], vector<16xf32>,
        %gather3A_120 = tpu.vector_load_idx %arg9[%get3A_96] : memref<10240xf32, #tpu.memory_space<vmem>>[vector<16xi32>], vector<16xf32>,
        %gather3A_121 = tpu.vector_load_idx %arg10[%get3A_96] : memref<10240xf32, #tpu.memory_space<vmem>>[vector<16xi32>], vector<16xf32>,
        %gather3A_122 = tpu.vector_load_idx %arg7[%get3A_99] : memref<10240xf32, #tpu.memory_space<vmem>>[vector<16xi32>], vector<16xf32>,
        %gather3A_123 = tpu.vector_load_idx %arg8[%get3A_99] : memref<10240xf32, #tpu.memory_space<vmem>>[vector<16xi32>], vector<16xf32>,
        %gather3A_124 = tpu.vector_load_idx %arg9[%get3A_99] : memref<10240xf32, #tpu.memory_space<vmem>>[vector<16xi32>], vector<16xf32>,
        %gather3A_125 = tpu.vector_load_idx %arg10[%get3A_99] : memref<10240xf32, #tpu.memory_space<vmem>>[vector<16xi32>], vector<16xf32>,
        %gather3A_126 = tpu.vector_load_idx %arg7[%get3A_102] : memref<10240xf32, #tpu.memory_space<vmem>>[vector<16xi32>], vector<16xf32>,
        %gather3A_127 = tpu.vector_load_idx %arg8[%get3A_102] : memref<10240xf32, #tpu.memory_space<vmem>>[vector<16xi32>], vector<16xf32>,
        %gather3A_128 = tpu.vector_load_idx %arg9[%get3A_102] : memref<10240xf32, #tpu.memory_space<vmem>>[vector<16xi32>], vector<16xf32>,
        %gather3A_129 = tpu.vector_load_idx %arg10[%get3A_102] : memref<10240xf32, #tpu.memory_space<vmem>>[vector<16xi32>], vector<16xf32>,
        tpu.vector_store_idx %arg11[%get3A_105], %gather3A {add = true} : memref<10240xf32, #tpu.memory_space<vmem>>[vector<16xi32>], vector<16xf32>,
        tpu.vector_store_idx %arg12[%get3A_105], %gather3A_115 {add = true} : memref<10240xf32, #tpu.memory_space<vmem>>[vector<16xi32>], vector<16xf32>,
        tpu.vector_store_idx %arg13[%get3A_105], %gather3A_116 {add = true} : memref<10240xf32, #tpu.memory_space<vmem>>[vector<16xi32>], vector<16xf32>,
        tpu.vector_store_idx %arg14[%get3A_105], %gather3A_117 {add = true} : memref<10240xf32, #tpu.memory_space<vmem>>[vector<16xi32>], vector<16xf32>,
        tpu.vector_store_idx %arg11[%get3A_108], %gather3A_118 {add = true} : memref<10240xf32, #tpu.memory_space<vmem>>[vector<16xi32>], vector<16xf32>,
        tpu.vector_store_idx %arg12[%get3A_108], %gather3A_119 {add = true} : memref<10240xf32, #tpu.memory_space<vmem>>[vector<16xi32>], vector<16xf32>,
        tpu.vector_store_idx %arg13[%get3A_108], %gather3A_120 {add = true} : memref<10240xf32, #tpu.memory_space<vmem>>[vector<16xi32>], vector<16xf32>,
        tpu.vector_store_idx %arg14[%get3A_108], %gather3A_121 {add = true} : memref<10240xf32, #tpu.memory_space<vmem>>[vector<16xi32>], vector<16xf32>,
        tpu.vector_store_idx %arg11[%get3A_111], %gather3A_122 {add = true} : memref<10240xf32, #tpu.memory_space<vmem>>[vector<16xi32>], vector<16xf32>,
        tpu.vector_store_idx %arg12[%get3A_111], %gather3A_123 {add = true} : memref<10240xf32, #tpu.memory_space<vmem>>[vector<16xi32>], vector<16xf32>,
        tpu.vector_store_idx %arg13[%get3A_111], %gather3A_124 {add = true} : memref<10240xf32, #tpu.memory_space<vmem>>[vector<16xi32>], vector<16xf32>,
        tpu.vector_store_idx %arg14[%get3A_111], %gather3A_125 {add = true} : memref<10240xf32, #tpu.memory_space<vmem>>[vector<16xi32>], vector<16xf32>,
        tpu.vector_store_idx %arg11[%get3A_114], %gather3A_126 {add = true} : memref<10240xf32, #tpu.memory_space<vmem>>[vector<16xi32>], vector<16xf32>,
        tpu.vector_store_idx %arg12[%get3A_114], %gather3A_127 {add = true} : memref<10240xf32, #tpu.memory_space<vmem>>[vector<16xi32>], vector<16xf32>,
        tpu.vector_store_idx %arg13[%get3A_114], %gather3A_128 {add = true} : memref<10240xf32, #tpu.memory_space<vmem>>[vector<16xi32>], vector<16xf32>,
        tpu.vector_store_idx %arg14[%get3A_114], %gather3A_129 {add = true} : memref<10240xf32, #tpu.memory_space<vmem>>[vector<16xi32>], vector<16xf32>,
        %get3A_130 = arith.index_cast %scan3A_91 : i32 to index
        %get3A_131 = arith.constant 64 : index
        %get3A_132 = tpu.vector_load %arg16[%get3A_130, %get3A_131] {strides = array<i32>} : memref<64x128xi32, #tpu.memory_space<vmem>>, vector<16xi32>,
        %get3A_133 = arith.index_cast %scan3A_91 : i32 to index
        %get3A_134 = arith.constant 80 : index
        %get3A_135 = tpu.vector_load %arg16[%get3A_133, %get3A_134] {strides = array<i32>} : memref<64x128xi32, #tpu.memory_space<vmem>>, vector<16xi32>,
        %get3A_136 = arith.index_cast %scan3A_91 : i32 to index
        %get3A_137 = arith.constant 96 : index
        %get3A_138 = tpu.vector_load %arg16[%get3A_136, %get3A_137] {strides = array<i32>} : memref<64x128xi32, #tpu.memory_space<vmem>>, vector<16xi32>,
        %get3A_139 = arith.index_cast %scan3A_91 : i32 to index
        %get3A_140 = arith.constant 112 : index
        %get3A_141 = tpu.vector_load %arg16[%get3A_139, %get3A_140] {strides = array<i32>} : memref<64x128xi32, #tpu.memory_space<vmem>>, vector<16xi32>,
        %get3A_142 = arith.index_cast %scan3A_91 : i32 to index
        %get3A_143 = arith.constant 64 : index
        %get3A_144 = tpu.vector_load %arg18[%get3A_142, %get3A_143] {strides = array<i32>} : memref<64x128xi32, #tpu.memory_space<vmem>>, vector<16xi32>,
        %get3A_145 = arith.index_cast %scan3A_91 : i32 to index
        %get3A_146 = arith.constant 80 : index
        %get3A_147 = tpu.vector_load %arg18[%get3A_145, %get3A_146] {strides = array<i32>} : memref<64x128xi32, #tpu.memory_space<vmem>>, vector<16xi32>,
        %get3A_148 = arith.index_cast %scan3A_91 : i32 to index
        %get3A_149 = arith.constant 96 : index
        %get3A_150 = tpu.vector_load %arg18[%get3A_148, %get3A_149] {strides = array<i32>} : memref<64x128xi32, #tpu.memory_space<vmem>>, vector<16xi32>,
        %get3A_151 = arith.index_cast %scan3A_91 : i32 to index
        %get3A_152 = arith.constant 112 : index
        %get3A_153 = tpu.vector_load %arg18[%get3A_151, %get3A_152] {strides = array<i32>} : memref<64x128xi32, #tpu.memory_space<vmem>>, vector<16xi32>,
        %gather3A_154 = tpu.vector_load_idx %arg7[%get3A_132] : memref<10240xf32, #tpu.memory_space<vmem>>[vector<16xi32>], vector<16xf32>,
        %gather3A_155 = tpu.vector_load_idx %arg8[%get3A_132] : memref<10240xf32, #tpu.memory_space<vmem>>[vector<16xi32>], vector<16xf32>,
        %gather3A_156 = tpu.vector_load_idx %arg9[%get3A_132] : memref<10240xf32, #tpu.memory_space<vmem>>[vector<16xi32>], vector<16xf32>,
        %gather3A_157 = tpu.vector_load_idx %arg10[%get3A_132] : memref<10240xf32, #tpu.memory_space<vmem>>[vector<16xi32>], vector<16xf32>,
        %gather3A_158 = tpu.vector_load_idx %arg7[%get3A_135] : memref<10240xf32, #tpu.memory_space<vmem>>[vector<16xi32>], vector<16xf32>,
        %gather3A_159 = tpu.vector_load_idx %arg8[%get3A_135] : memref<10240xf32, #tpu.memory_space<vmem>>[vector<16xi32>], vector<16xf32>,
        %gather3A_160 = tpu.vector_load_idx %arg9[%get3A_135] : memref<10240xf32, #tpu.memory_space<vmem>>[vector<16xi32>], vector<16xf32>,
        %gather3A_161 = tpu.vector_load_idx %arg10[%get3A_135] : memref<10240xf32, #tpu.memory_space<vmem>>[vector<16xi32>], vector<16xf32>,
        %gather3A_162 = tpu.vector_load_idx %arg7[%get3A_138] : memref<10240xf32, #tpu.memory_space<vmem>>[vector<16xi32>], vector<16xf32>,
        %gather3A_163 = tpu.vector_load_idx %arg8[%get3A_138] : memref<10240xf32, #tpu.memory_space<vmem>>[vector<16xi32>], vector<16xf32>,
        %gather3A_164 = tpu.vector_load_idx %arg9[%get3A_138] : memref<10240xf32, #tpu.memory_space<vmem>>[vector<16xi32>], vector<16xf32>,
        %gather3A_165 = tpu.vector_load_idx %arg10[%get3A_138] : memref<10240xf32, #tpu.memory_space<vmem>>[vector<16xi32>], vector<16xf32>,
        %gather3A_166 = tpu.vector_load_idx %arg7[%get3A_141] : memref<10240xf32, #tpu.memory_space<vmem>>[vector<16xi32>], vector<16xf32>,
        %gather3A_167 = tpu.vector_load_idx %arg8[%get3A_141] : memref<10240xf32, #tpu.memory_space<vmem>>[vector<16xi32>], vector<16xf32>,
        %gather3A_168 = tpu.vector_load_idx %arg9[%get3A_141] : memref<10240xf32, #tpu.memory_space<vmem>>[vector<16xi32>], vector<16xf32>,
        %gather3A_169 = tpu.vector_load_idx %arg10[%get3A_141] : memref<10240xf32, #tpu.memory_space<vmem>>[vector<16xi32>], vector<16xf32>,
        tpu.vector_store_idx %arg11[%get3A_144], %gather3A_154 {add = true} : memref<10240xf32, #tpu.memory_space<vmem>>[vector<16xi32>], vector<16xf32>,
        tpu.vector_store_idx %arg12[%get3A_144], %gather3A_155 {add = true} : memref<10240xf32, #tpu.memory_space<vmem>>[vector<16xi32>], vector<16xf32>,
        tpu.vector_store_idx %arg13[%get3A_144], %gather3A_156 {add = true} : memref<10240xf32, #tpu.memory_space<vmem>>[vector<16xi32>], vector<16xf32>,
        tpu.vector_store_idx %arg14[%get3A_144], %gather3A_157 {add = true} : memref<10240xf32, #tpu.memory_space<vmem>>[vector<16xi32>], vector<16xf32>,
        tpu.vector_store_idx %arg11[%get3A_147], %gather3A_158 {add = true} : memref<10240xf32, #tpu.memory_space<vmem>>[vector<16xi32>], vector<16xf32>,
        tpu.vector_store_idx %arg12[%get3A_147], %gather3A_159 {add = true} : memref<10240xf32, #tpu.memory_space<vmem>>[vector<16xi32>], vector<16xf32>,
        tpu.vector_store_idx %arg13[%get3A_147], %gather3A_160 {add = true} : memref<10240xf32, #tpu.memory_space<vmem>>[vector<16xi32>], vector<16xf32>,
        tpu.vector_store_idx %arg14[%get3A_147], %gather3A_161 {add = true} : memref<10240xf32, #tpu.memory_space<vmem>>[vector<16xi32>], vector<16xf32>,
        tpu.vector_store_idx %arg11[%get3A_150], %gather3A_162 {add = true} : memref<10240xf32, #tpu.memory_space<vmem>>[vector<16xi32>], vector<16xf32>,
        tpu.vector_store_idx %arg12[%get3A_150], %gather3A_163 {add = true} : memref<10240xf32, #tpu.memory_space<vmem>>[vector<16xi32>], vector<16xf32>,
        tpu.vector_store_idx %arg13[%get3A_150], %gather3A_164 {add = true} : memref<10240xf32, #tpu.memory_space<vmem>>[vector<16xi32>], vector<16xf32>,
        tpu.vector_store_idx %arg14[%get3A_150], %gather3A_165 {add = true} : memref<10240xf32, #tpu.memory_space<vmem>>[vector<16xi32>], vector<16xf32>,
        tpu.vector_store_idx %arg11[%get3A_153], %gather3A_166 {add = true} : memref<10240xf32, #tpu.memory_space<vmem>>[vector<16xi32>], vector<16xf32>,
        tpu.vector_store_idx %arg12[%get3A_153], %gather3A_167 {add = true} : memref<10240xf32, #tpu.memory_space<vmem>>[vector<16xi32>], vector<16xf32>,
        tpu.vector_store_idx %arg13[%get3A_153], %gather3A_168 {add = true} : memref<10240xf32, #tpu.memory_space<vmem>>[vector<16xi32>], vector<16xf32>,
        tpu.vector_store_idx %arg14[%get3A_153], %gather3A_169 {add = true} : memref<10240xf32, #tpu.memory_space<vmem>>[vector<16xi32>], vector<16xf32>,
      }
      %scan3A_90 = arith.constant 64 : i32
    }
    %scan3A_26 = arith.constant 20 : i32
    %add3A_27 = arith.constant 0 : i32
    %add3A_28 = arith.addi %mul3A_2, %add3A_27 : i32
    "tpu.region"() ({
      %run_scoped3A = tpu.sem_alloc : memref<!tpu.dma_semaphore, #tpu.memory_space<semaphore_mem>>
      %dma_start3A_35 = arith.constant 0 : i32
      %dma_start3A_36 = tpu.memref_slice %arg6[%add3A_28, %dma_start3A_35] : memref<128x10240xf32, #tpu.memory_space<hbm>> -> memref<1x10240xf32, #tpu.memory_space<hbm>>
      %dma_start3A_37 = tpu.memref_squeeze %dma_start3A_36 : memref<1x10240xf32, #tpu.memory_space<hbm>> -> memref<10240xf32, #tpu.memory_space<hbm>>
      %dma_start3A_38 = arith.constant 0 : i32
      %dma_start3A_39 = tpu.memref_slice %arg6[%add3A_28, %dma_start3A_38] : memref<128x10240xf32, #tpu.memory_space<hbm>> -> memref<1x10240xf32, #tpu.memory_space<hbm>>
      %dma_start3A_40 = tpu.memref_squeeze %dma_start3A_39 : memref<1x10240xf32, #tpu.memory_space<hbm>> -> memref<10240xf32, #tpu.memory_space<hbm>>
      tpu.enqueue_dma source(%arg11 : memref<10240xf32, #tpu.memory_space<vmem>>) target(%dma_start3A_40 : memref<10240xf32, #tpu.memory_space<hbm>>) target_semaphore(%run_scoped3A : memref<!tpu.dma_semaphore, #tpu.memory_space<semaphore_mem>>)
      %dma_wait3A = arith.constant 0 : i32
      %dma_wait3A_41 = tpu.memref_slice %arg6[%add3A_28, %dma_wait3A] : memref<128x10240xf32, #tpu.memory_space<hbm>> -> memref<1x10240xf32, #tpu.memory_space<hbm>>
      %dma_wait3A_42 = tpu.memref_squeeze %dma_wait3A_41 : memref<1x10240xf32, #tpu.memory_space<hbm>> -> memref<10240xf32, #tpu.memory_space<hbm>>
      %dma_wait3A_43 = arith.constant 0 : i32
      %dma_wait3A_44 = tpu.memref_slice %arg6[%add3A_28, %dma_wait3A_43] : memref<128x10240xf32, #tpu.memory_space<hbm>> -> memref<1x10240xf32, #tpu.memory_space<hbm>>
      %dma_wait3A_45 = tpu.memref_squeeze %dma_wait3A_44 : memref<1x10240xf32, #tpu.memory_space<hbm>> -> memref<10240xf32, #tpu.memory_space<hbm>>
      tpu.wait_dma2 semaphore(%run_scoped3A : memref<!tpu.dma_semaphore, #tpu.memory_space<semaphore_mem>>) src(%arg11 : memref<10240xf32, #tpu.memory_space<vmem>>) dst(%dma_wait3A_45 : memref<10240xf32, #tpu.memory_space<hbm>>)
      tpu.yield
    }) : () -> ()
    %add3A_29 = arith.constant 1 : i32
    %add3A_30 = arith.addi %mul3A_2, %add3A_29 : i32
    "tpu.region"() ({
      %run_scoped3A = tpu.sem_alloc : memref<!tpu.dma_semaphore, #tpu.memory_space<semaphore_mem>>
      %dma_start3A_35 = arith.constant 0 : i32
      %dma_start3A_36 = tpu.memref_slice %arg6[%add3A_30, %dma_start3A_35] : memref<128x10240xf32, #tpu.memory_space<hbm>> -> memref<1x10240xf32, #tpu.memory_space<hbm>>
      %dma_start3A_37 = tpu.memref_squeeze %dma_start3A_36 : memref<1x10240xf32, #tpu.memory_space<hbm>> -> memref<10240xf32, #tpu.memory_space<hbm>>
      %dma_start3A_38 = arith.constant 0 : i32
      %dma_start3A_39 = tpu.memref_slice %arg6[%add3A_30, %dma_start3A_38] : memref<128x10240xf32, #tpu.memory_space<hbm>> -> memref<1x10240xf32, #tpu.memory_space<hbm>>
      %dma_start3A_40 = tpu.memref_squeeze %dma_start3A_39 : memref<1x10240xf32, #tpu.memory_space<hbm>> -> memref<10240xf32, #tpu.memory_space<hbm>>
      tpu.enqueue_dma source(%arg12 : memref<10240xf32, #tpu.memory_space<vmem>>) target(%dma_start3A_40 : memref<10240xf32, #tpu.memory_space<hbm>>) target_semaphore(%run_scoped3A : memref<!tpu.dma_semaphore, #tpu.memory_space<semaphore_mem>>)
      %dma_wait3A = arith.constant 0 : i32
      %dma_wait3A_41 = tpu.memref_slice %arg6[%add3A_30, %dma_wait3A] : memref<128x10240xf32, #tpu.memory_space<hbm>> -> memref<1x10240xf32, #tpu.memory_space<hbm>>
      %dma_wait3A_42 = tpu.memref_squeeze %dma_wait3A_41 : memref<1x10240xf32, #tpu.memory_space<hbm>> -> memref<10240xf32, #tpu.memory_space<hbm>>
      %dma_wait3A_43 = arith.constant 0 : i32
      %dma_wait3A_44 = tpu.memref_slice %arg6[%add3A_30, %dma_wait3A_43] : memref<128x10240xf32, #tpu.memory_space<hbm>> -> memref<1x10240xf32, #tpu.memory_space<hbm>>
      %dma_wait3A_45 = tpu.memref_squeeze %dma_wait3A_44 : memref<1x10240xf32, #tpu.memory_space<hbm>> -> memref<10240xf32, #tpu.memory_space<hbm>>
      tpu.wait_dma2 semaphore(%run_scoped3A : memref<!tpu.dma_semaphore, #tpu.memory_space<semaphore_mem>>) src(%arg12 : memref<10240xf32, #tpu.memory_space<vmem>>) dst(%dma_wait3A_45 : memref<10240xf32, #tpu.memory_space<hbm>>)
      tpu.yield
    }) : () -> ()
    %add3A_31 = arith.constant 2 : i32
    %add3A_32 = arith.addi %mul3A_2, %add3A_31 : i32
    "tpu.region"() ({
      %run_scoped3A = tpu.sem_alloc : memref<!tpu.dma_semaphore, #tpu.memory_space<semaphore_mem>>
      %dma_start3A_35 = arith.constant 0 : i32
      %dma_start3A_36 = tpu.memref_slice %arg6[%add3A_32, %dma_start3A_35] : memref<128x10240xf32, #tpu.memory_space<hbm>> -> memref<1x10240xf32, #tpu.memory_space<hbm>>
      %dma_start3A_37 = tpu.memref_squeeze %dma_start3A_36 : memref<1x10240xf32, #tpu.memory_space<hbm>> -> memref<10240xf32, #tpu.memory_space<hbm>>
      %dma_start3A_38 = arith.constant 0 : i32
      %dma_start3A_39 = tpu.memref_slice %arg6[%add3A_32, %dma_start3A_38] : memref<128x10240xf32, #tpu.memory_space<hbm>> -> memref<1x10240xf32, #tpu.memory_space<hbm>>
      %dma_start3A_40 = tpu.memref_squeeze %dma_start3A_39 : memref<1x10240xf32, #tpu.memory_space<hbm>> -> memref<10240xf32, #tpu.memory_space<hbm>>
      tpu.enqueue_dma source(%arg13 : memref<10240xf32, #tpu.memory_space<vmem>>) target(%dma_start3A_40 : memref<10240xf32, #tpu.memory_space<hbm>>) target_semaphore(%run_scoped3A : memref<!tpu.dma_semaphore, #tpu.memory_space<semaphore_mem>>)
      %dma_wait3A = arith.constant 0 : i32
      %dma_wait3A_41 = tpu.memref_slice %arg6[%add3A_32, %dma_wait3A] : memref<128x10240xf32, #tpu.memory_space<hbm>> -> memref<1x10240xf32, #tpu.memory_space<hbm>>
      %dma_wait3A_42 = tpu.memref_squeeze %dma_wait3A_41 : memref<1x10240xf32, #tpu.memory_space<hbm>> -> memref<10240xf32, #tpu.memory_space<hbm>>
      %dma_wait3A_43 = arith.constant 0 : i32
      %dma_wait3A_44 = tpu.memref_slice %arg6[%add3A_32, %dma_wait3A_43] : memref<128x10240xf32, #tpu.memory_space<hbm>> -> memref<1x10240xf32, #tpu.memory_space<hbm>>
      %dma_wait3A_45 = tpu.memref_squeeze %dma_wait3A_44 : memref<1x10240xf32, #tpu.memory_space<hbm>> -> memref<10240xf32, #tpu.memory_space<hbm>>
      tpu.wait_dma2 semaphore(%run_scoped3A : memref<!tpu.dma_semaphore, #tpu.memory_space<semaphore_mem>>) src(%arg13 : memref<10240xf32, #tpu.memory_space<vmem>>) dst(%dma_wait3A_45 : memref<10240xf32, #tpu.memory_space<hbm>>)
      tpu.yield
    }) : () -> ()
    %add3A_33 = arith.constant 3 : i32
    %add3A_34 = arith.addi %mul3A_2, %add3A_33 : i32
    "tpu.region"() ({
      %run_scoped3A = tpu.sem_alloc : memref<!tpu.dma_semaphore, #tpu.memory_space<semaphore_mem>>
      %dma_start3A_35 = arith.constant 0 : i32
      %dma_start3A_36 = tpu.memref_slice %arg6[%add3A_34, %dma_start3A_35] : memref<128x10240xf32, #tpu.memory_space<hbm>> -> memref<1x10240xf32, #tpu.memory_space<hbm>>
      %dma_start3A_37 = tpu.memref_squeeze %dma_start3A_36 : memref<1x10240xf32, #tpu.memory_space<hbm>> -> memref<10240xf32, #tpu.memory_space<hbm>>
      %dma_start3A_38 = arith.constant 0 : i32
      %dma_start3A_39 = tpu.memref_slice %arg6[%add3A_34, %dma_start3A_38] : memref<128x10240xf32, #tpu.memory_space<hbm>> -> memref<1x10240xf32, #tpu.memory_space<hbm>>
      %dma_start3A_40 = tpu.memref_squeeze %dma_start3A_39 : memref<1x10240xf32, #tpu.memory_space<hbm>> -> memref<10240xf32, #tpu.memory_space<hbm>>
      tpu.enqueue_dma source(%arg14 : memref<10240xf32, #tpu.memory_space<vmem>>) target(%dma_start3A_40 : memref<10240xf32, #tpu.memory_space<hbm>>) target_semaphore(%run_scoped3A : memref<!tpu.dma_semaphore, #tpu.memory_space<semaphore_mem>>)
      %dma_wait3A = arith.constant 0 : i32
      %dma_wait3A_41 = tpu.memref_slice %arg6[%add3A_34, %dma_wait3A] : memref<128x10240xf32, #tpu.memory_space<hbm>> -> memref<1x10240xf32, #tpu.memory_space<hbm>>
      %dma_wait3A_42 = tpu.memref_squeeze %dma_wait3A_41 : memref<1x10240xf32, #tpu.memory_space<hbm>> -> memref<10240xf32, #tpu.memory_space<hbm>>
      %dma_wait3A_43 = arith.constant 0 : i32
      %dma_wait3A_44 = tpu.memref_slice %arg6[%add3A_34, %dma_wait3A_43] : memref<128x10240xf32, #tpu.memory_space<hbm>> -> memref<1x10240xf32, #tpu.memory_space<hbm>>
      %dma_wait3A_45 = tpu.memref_squeeze %dma_wait3A_44 : memref<1x10240xf32, #tpu.memory_space<hbm>> -> memref<10240xf32, #tpu.memory_space<hbm>>
      tpu.wait_dma2 semaphore(%run_scoped3A : memref<!tpu.dma_semaphore, #tpu.memory_space<semaphore_mem>>) src(%arg14 : memref<10240xf32, #tpu.memory_space<vmem>>) dst(%dma_wait3A_45 : memref<10240xf32, #tpu.memory_space<hbm>>)
      tpu.yield
    }) : () -> ()
    return
  }
}

#map = affine_map<(d0, d1) -> (0, 0, 0)>
#map1 = affine_map<(d0, d1) -> (0)>
#map2 = affine_map<(d0, d1) -> (0, 0)>
module attributes {stable_mosaic.version = 14 : i64} {
  func.func @_sc_degrees(%arg0: i32, %arg1: i32, %arg2: memref<32x80x128xi32, #tpu.memory_space<hbm>>, %arg3: memref<10240xf32, #tpu.memory_space<hbm>>, %arg4: memref<32x10240xf32, #tpu.memory_space<hbm>>, %arg5: memref<80x128xi32, #tpu.memory_space<vmem>>, %arg6: memref<10240xf32, #tpu.memory_space<vmem>>) attributes {dimension_semantics = [#tpu.dimension_semantics<core_parallel>, #tpu.dimension_semantics<subcore_parallel>], iteration_bounds = array<i64: 2, 16>, scalar_prefetch = 0 : i64, scratch_operands = 2 : i64, tpu.core_type = #tpu.core_type<sc_vector_subcore>, window_params = [{transform_indices = #map}, {transform_indices = #map1}, {transform_indices = #map2}]} {
    %mul3A = arith.constant 2 : i32
    %mul3A_0 = arith.muli %arg1, %mul3A : i32
    %add3A = arith.addi %mul3A_0, %arg0 : i32
    "tpu.region"() ({
      %run_scoped3A = tpu.sem_alloc : memref<!tpu.dma_semaphore, #tpu.memory_space<semaphore_mem>>
      tpu.enqueue_dma source(%arg3 : memref<10240xf32, #tpu.memory_space<hbm>>) target(%arg6 : memref<10240xf32, #tpu.memory_space<vmem>>) target_semaphore(%run_scoped3A : memref<!tpu.dma_semaphore, #tpu.memory_space<semaphore_mem>>)
      tpu.wait_dma2 semaphore(%run_scoped3A : memref<!tpu.dma_semaphore, #tpu.memory_space<semaphore_mem>>) src(%arg3 : memref<10240xf32, #tpu.memory_space<hbm>>) dst(%arg6 : memref<10240xf32, #tpu.memory_space<vmem>>)
      tpu.yield
    }) : () -> ()
    "tpu.region"() ({
      %run_scoped3A = tpu.sem_alloc : memref<!tpu.dma_semaphore, #tpu.memory_space<semaphore_mem>>
      %dma_start3A = arith.constant 0 : i32
      %dma_start3A_6 = arith.constant 0 : i32
      %dma_start3A_7 = tpu.memref_slice %arg2[%add3A, %dma_start3A, %dma_start3A_6] : memref<32x80x128xi32, #tpu.memory_space<hbm>> -> memref<1x80x128xi32, #tpu.memory_space<hbm>>
      %dma_start3A_8 = tpu.memref_squeeze %dma_start3A_7 : memref<1x80x128xi32, #tpu.memory_space<hbm>> -> memref<80x128xi32, #tpu.memory_space<hbm>>
      %dma_start3A_9 = arith.constant 0 : i32
      %dma_start3A_10 = arith.constant 0 : i32
      %dma_start3A_11 = tpu.memref_slice %arg2[%add3A, %dma_start3A_9, %dma_start3A_10] : memref<32x80x128xi32, #tpu.memory_space<hbm>> -> memref<1x80x128xi32, #tpu.memory_space<hbm>>
      %dma_start3A_12 = tpu.memref_squeeze %dma_start3A_11 : memref<1x80x128xi32, #tpu.memory_space<hbm>> -> memref<80x128xi32, #tpu.memory_space<hbm>>
      tpu.enqueue_dma source(%dma_start3A_12 : memref<80x128xi32, #tpu.memory_space<hbm>>) target(%arg5 : memref<80x128xi32, #tpu.memory_space<vmem>>) target_semaphore(%run_scoped3A : memref<!tpu.dma_semaphore, #tpu.memory_space<semaphore_mem>>)
      %dma_wait3A = arith.constant 0 : i32
      %dma_wait3A_13 = arith.constant 0 : i32
      %dma_wait3A_14 = tpu.memref_slice %arg2[%add3A, %dma_wait3A, %dma_wait3A_13] : memref<32x80x128xi32, #tpu.memory_space<hbm>> -> memref<1x80x128xi32, #tpu.memory_space<hbm>>
      %dma_wait3A_15 = tpu.memref_squeeze %dma_wait3A_14 : memref<1x80x128xi32, #tpu.memory_space<hbm>> -> memref<80x128xi32, #tpu.memory_space<hbm>>
      %dma_wait3A_16 = arith.constant 0 : i32
      %dma_wait3A_17 = arith.constant 0 : i32
      %dma_wait3A_18 = tpu.memref_slice %arg2[%add3A, %dma_wait3A_16, %dma_wait3A_17] : memref<32x80x128xi32, #tpu.memory_space<hbm>> -> memref<1x80x128xi32, #tpu.memory_space<hbm>>
      %dma_wait3A_19 = tpu.memref_squeeze %dma_wait3A_18 : memref<1x80x128xi32, #tpu.memory_space<hbm>> -> memref<80x128xi32, #tpu.memory_space<hbm>>
      tpu.wait_dma2 semaphore(%run_scoped3A : memref<!tpu.dma_semaphore, #tpu.memory_space<semaphore_mem>>) src(%dma_wait3A_19 : memref<80x128xi32, #tpu.memory_space<hbm>>) dst(%arg5 : memref<80x128xi32, #tpu.memory_space<vmem>>)
      tpu.yield
    }) : () -> ()
    %scan3A = arith.constant 0 : i32
    %scan3A_1 = arith.constant 0 : i32
    %scan3A_2 = arith.constant 80 : i32
    %scan3A_3 = arith.addi %scan3A_1, %scan3A_2 : i32
    %scan3A_4 = arith.constant 1 : i32
    scf.for %scan3A_6 = %scan3A_1 to %scan3A_3 step %scan3A_4  : i32 {
      %broadcast_in_dim3A = arith.constant 1.000000e+00 : f32
      %broadcast_in_dim3A_7 = vector.broadcast %broadcast_in_dim3A : f32 to vector<16xf32>
      %get3A = arith.index_cast %scan3A_6 : i32 to index
      %get3A_8 = arith.constant 0 : index
      %get3A_9 = tpu.vector_load %arg5[%get3A, %get3A_8] {strides = array<i32>} : memref<80x128xi32, #tpu.memory_space<vmem>>, vector<16xi32>,
      tpu.vector_store_idx %arg6[%get3A_9], %broadcast_in_dim3A_7 {add = true} : memref<10240xf32, #tpu.memory_space<vmem>>[vector<16xi32>], vector<16xf32>,
      %get3A_10 = arith.index_cast %scan3A_6 : i32 to index
      %get3A_11 = arith.constant 16 : index
      %get3A_12 = tpu.vector_load %arg5[%get3A_10, %get3A_11] {strides = array<i32>} : memref<80x128xi32, #tpu.memory_space<vmem>>, vector<16xi32>,
      tpu.vector_store_idx %arg6[%get3A_12], %broadcast_in_dim3A_7 {add = true} : memref<10240xf32, #tpu.memory_space<vmem>>[vector<16xi32>], vector<16xf32>,
      %get3A_13 = arith.index_cast %scan3A_6 : i32 to index
      %get3A_14 = arith.constant 32 : index
      %get3A_15 = tpu.vector_load %arg5[%get3A_13, %get3A_14] {strides = array<i32>} : memref<80x128xi32, #tpu.memory_space<vmem>>, vector<16xi32>,
      tpu.vector_store_idx %arg6[%get3A_15], %broadcast_in_dim3A_7 {add = true} : memref<10240xf32, #tpu.memory_space<vmem>>[vector<16xi32>], vector<16xf32>,
      %get3A_16 = arith.index_cast %scan3A_6 : i32 to index
      %get3A_17 = arith.constant 48 : index
      %get3A_18 = tpu.vector_load %arg5[%get3A_16, %get3A_17] {strides = array<i32>} : memref<80x128xi32, #tpu.memory_space<vmem>>, vector<16xi32>,
      tpu.vector_store_idx %arg6[%get3A_18], %broadcast_in_dim3A_7 {add = true} : memref<10240xf32, #tpu.memory_space<vmem>>[vector<16xi32>], vector<16xf32>,
      %get3A_19 = arith.index_cast %scan3A_6 : i32 to index
      %get3A_20 = arith.constant 64 : index
      %get3A_21 = tpu.vector_load %arg5[%get3A_19, %get3A_20] {strides = array<i32>} : memref<80x128xi32, #tpu.memory_space<vmem>>, vector<16xi32>,
      tpu.vector_store_idx %arg6[%get3A_21], %broadcast_in_dim3A_7 {add = true} : memref<10240xf32, #tpu.memory_space<vmem>>[vector<16xi32>], vector<16xf32>,
      %get3A_22 = arith.index_cast %scan3A_6 : i32 to index
      %get3A_23 = arith.constant 80 : index
      %get3A_24 = tpu.vector_load %arg5[%get3A_22, %get3A_23] {strides = array<i32>} : memref<80x128xi32, #tpu.memory_space<vmem>>, vector<16xi32>,
      tpu.vector_store_idx %arg6[%get3A_24], %broadcast_in_dim3A_7 {add = true} : memref<10240xf32, #tpu.memory_space<vmem>>[vector<16xi32>], vector<16xf32>,
      %get3A_25 = arith.index_cast %scan3A_6 : i32 to index
      %get3A_26 = arith.constant 96 : index
      %get3A_27 = tpu.vector_load %arg5[%get3A_25, %get3A_26] {strides = array<i32>} : memref<80x128xi32, #tpu.memory_space<vmem>>, vector<16xi32>,
      tpu.vector_store_idx %arg6[%get3A_27], %broadcast_in_dim3A_7 {add = true} : memref<10240xf32, #tpu.memory_space<vmem>>[vector<16xi32>], vector<16xf32>,
      %get3A_28 = arith.index_cast %scan3A_6 : i32 to index
      %get3A_29 = arith.constant 112 : index
      %get3A_30 = tpu.vector_load %arg5[%get3A_28, %get3A_29] {strides = array<i32>} : memref<80x128xi32, #tpu.memory_space<vmem>>, vector<16xi32>,
      tpu.vector_store_idx %arg6[%get3A_30], %broadcast_in_dim3A_7 {add = true} : memref<10240xf32, #tpu.memory_space<vmem>>[vector<16xi32>], vector<16xf32>,
    }
    %scan3A_5 = arith.constant 80 : i32
    "tpu.region"() ({
      %run_scoped3A = tpu.sem_alloc : memref<!tpu.dma_semaphore, #tpu.memory_space<semaphore_mem>>
      %dma_start3A = arith.constant 0 : i32
      %dma_start3A_6 = tpu.memref_slice %arg4[%add3A, %dma_start3A] : memref<32x10240xf32, #tpu.memory_space<hbm>> -> memref<1x10240xf32, #tpu.memory_space<hbm>>
      %dma_start3A_7 = tpu.memref_squeeze %dma_start3A_6 : memref<1x10240xf32, #tpu.memory_space<hbm>> -> memref<10240xf32, #tpu.memory_space<hbm>>
      %dma_start3A_8 = arith.constant 0 : i32
      %dma_start3A_9 = tpu.memref_slice %arg4[%add3A, %dma_start3A_8] : memref<32x10240xf32, #tpu.memory_space<hbm>> -> memref<1x10240xf32, #tpu.memory_space<hbm>>
      %dma_start3A_10 = tpu.memref_squeeze %dma_start3A_9 : memref<1x10240xf32, #tpu.memory_space<hbm>> -> memref<10240xf32, #tpu.memory_space<hbm>>
      tpu.enqueue_dma source(%arg6 : memref<10240xf32, #tpu.memory_space<vmem>>) target(%dma_start3A_10 : memref<10240xf32, #tpu.memory_space<hbm>>) target_semaphore(%run_scoped3A : memref<!tpu.dma_semaphore, #tpu.memory_space<semaphore_mem>>)
      %dma_wait3A = arith.constant 0 : i32
      %dma_wait3A_11 = tpu.memref_slice %arg4[%add3A, %dma_wait3A] : memref<32x10240xf32, #tpu.memory_space<hbm>> -> memref<1x10240xf32, #tpu.memory_space<hbm>>
      %dma_wait3A_12 = tpu.memref_squeeze %dma_wait3A_11 : memref<1x10240xf32, #tpu.memory_space<hbm>> -> memref<10240xf32, #tpu.memory_space<hbm>>
      %dma_wait3A_13 = arith.constant 0 : i32
      %dma_wait3A_14 = tpu.memref_slice %arg4[%add3A, %dma_wait3A_13] : memref<32x10240xf32, #tpu.memory_space<hbm>> -> memref<1x10240xf32, #tpu.memory_space<hbm>>
      %dma_wait3A_15 = tpu.memref_squeeze %dma_wait3A_14 : memref<1x10240xf32, #tpu.memory_space<hbm>> -> memref<10240xf32, #tpu.memory_space<hbm>>
      tpu.wait_dma2 semaphore(%run_scoped3A : memref<!tpu.dma_semaphore, #tpu.memory_space<semaphore_mem>>) src(%arg6 : memref<10240xf32, #tpu.memory_space<vmem>>) dst(%dma_wait3A_15 : memref<10240xf32, #tpu.memory_space<hbm>>)
      tpu.yield
    }) : () -> ()
    return
  }
}

#map = affine_map<(d0, d1) -> (0, 0)>
#map1 = affine_map<(d0, d1) -> (0)>
module attributes {stable_mosaic.version = 14 : i64} {
  func.func @_sc_scatter(%arg0: i32, %arg1: i32, %arg2: memref<128x10240xf32, #tpu.memory_space<hbm>>, %arg3: memref<2560x128xi32, #tpu.memory_space<hbm>>, %arg4: memref<2560x128xi32, #tpu.memory_space<hbm>>, %arg5: memref<10240xf32, #tpu.memory_space<hbm>>, %arg6: memref<128x10240xf32, #tpu.memory_space<hbm>>, %arg7: memref<10240xf32, #tpu.memory_space<vmem>>, %arg8: memref<10240xf32, #tpu.memory_space<vmem>>, %arg9: memref<10240xf32, #tpu.memory_space<vmem>>, %arg10: memref<10240xf32, #tpu.memory_space<vmem>>, %arg11: memref<10240xf32, #tpu.memory_space<vmem>>, %arg12: memref<10240xf32, #tpu.memory_space<vmem>>, %arg13: memref<10240xf32, #tpu.memory_space<vmem>>, %arg14: memref<10240xf32, #tpu.memory_space<vmem>>, %arg15: memref<64x128xi32, #tpu.memory_space<vmem>>, %arg16: memref<64x128xi32, #tpu.memory_space<vmem>>, %arg17: memref<64x128xi32, #tpu.memory_space<vmem>>, %arg18: memref<64x128xi32, #tpu.memory_space<vmem>>, %arg19: memref<!tpu.dma_semaphore, #tpu.memory_space<semaphore_mem>>, %arg20: memref<!tpu.dma_semaphore, #tpu.memory_space<semaphore_mem>>) attributes {dimension_semantics = [#tpu.dimension_semantics<core_parallel>, #tpu.dimension_semantics<subcore_parallel>], iteration_bounds = array<i64: 2, 16>, scalar_prefetch = 0 : i64, scratch_operands = 14 : i64, tpu.core_type = #tpu.core_type<sc_vector_subcore>, window_params = [{transform_indices = #map}, {transform_indices = #map}, {transform_indices = #map}, {transform_indices = #map1}, {transform_indices = #map}]} {
    %mul3A = arith.constant 2 : i32
    %mul3A_0 = arith.muli %arg1, %mul3A : i32
    %add3A = arith.addi %mul3A_0, %arg0 : i32
    %mul3A_1 = arith.constant 4 : i32
    %mul3A_2 = arith.muli %add3A, %mul3A_1 : i32
    %add3A_3 = arith.constant 0 : i32
    %add3A_4 = arith.addi %mul3A_2, %add3A_3 : i32
    "tpu.region"() ({
      %run_scoped3A = tpu.sem_alloc : memref<!tpu.dma_semaphore, #tpu.memory_space<semaphore_mem>>
      %dma_start3A_35 = arith.constant 0 : i32
      %dma_start3A_36 = tpu.memref_slice %arg2[%add3A_4, %dma_start3A_35] : memref<128x10240xf32, #tpu.memory_space<hbm>> -> memref<1x10240xf32, #tpu.memory_space<hbm>>
      %dma_start3A_37 = tpu.memref_squeeze %dma_start3A_36 : memref<1x10240xf32, #tpu.memory_space<hbm>> -> memref<10240xf32, #tpu.memory_space<hbm>>
      %dma_start3A_38 = arith.constant 0 : i32
      %dma_start3A_39 = tpu.memref_slice %arg2[%add3A_4, %dma_start3A_38] : memref<128x10240xf32, #tpu.memory_space<hbm>> -> memref<1x10240xf32, #tpu.memory_space<hbm>>
      %dma_start3A_40 = tpu.memref_squeeze %dma_start3A_39 : memref<1x10240xf32, #tpu.memory_space<hbm>> -> memref<10240xf32, #tpu.memory_space<hbm>>
      tpu.enqueue_dma source(%dma_start3A_40 : memref<10240xf32, #tpu.memory_space<hbm>>) target(%arg7 : memref<10240xf32, #tpu.memory_space<vmem>>) target_semaphore(%run_scoped3A : memref<!tpu.dma_semaphore, #tpu.memory_space<semaphore_mem>>)
      %dma_wait3A = arith.constant 0 : i32
      %dma_wait3A_41 = tpu.memref_slice %arg2[%add3A_4, %dma_wait3A] : memref<128x10240xf32, #tpu.memory_space<hbm>> -> memref<1x10240xf32, #tpu.memory_space<hbm>>
      %dma_wait3A_42 = tpu.memref_squeeze %dma_wait3A_41 : memref<1x10240xf32, #tpu.memory_space<hbm>> -> memref<10240xf32, #tpu.memory_space<hbm>>
      %dma_wait3A_43 = arith.constant 0 : i32
      %dma_wait3A_44 = tpu.memref_slice %arg2[%add3A_4, %dma_wait3A_43] : memref<128x10240xf32, #tpu.memory_space<hbm>> -> memref<1x10240xf32, #tpu.memory_space<hbm>>
      %dma_wait3A_45 = tpu.memref_squeeze %dma_wait3A_44 : memref<1x10240xf32, #tpu.memory_space<hbm>> -> memref<10240xf32, #tpu.memory_space<hbm>>
      tpu.wait_dma2 semaphore(%run_scoped3A : memref<!tpu.dma_semaphore, #tpu.memory_space<semaphore_mem>>) src(%dma_wait3A_45 : memref<10240xf32, #tpu.memory_space<hbm>>) dst(%arg7 : memref<10240xf32, #tpu.memory_space<vmem>>)
      tpu.yield
    }) : () -> ()
    "tpu.region"() ({
      %run_scoped3A = tpu.sem_alloc : memref<!tpu.dma_semaphore, #tpu.memory_space<semaphore_mem>>
      tpu.enqueue_dma source(%arg5 : memref<10240xf32, #tpu.memory_space<hbm>>) target(%arg11 : memref<10240xf32, #tpu.memory_space<vmem>>) target_semaphore(%run_scoped3A : memref<!tpu.dma_semaphore, #tpu.memory_space<semaphore_mem>>)
      tpu.wait_dma2 semaphore(%run_scoped3A : memref<!tpu.dma_semaphore, #tpu.memory_space<semaphore_mem>>) src(%arg5 : memref<10240xf32, #tpu.memory_space<hbm>>) dst(%arg11 : memref<10240xf32, #tpu.memory_space<vmem>>)
      tpu.yield
    }) : () -> ()
    %add3A_5 = arith.constant 1 : i32
    %add3A_6 = arith.addi %mul3A_2, %add3A_5 : i32
    "tpu.region"() ({
      %run_scoped3A = tpu.sem_alloc : memref<!tpu.dma_semaphore, #tpu.memory_space<semaphore_mem>>
      %dma_start3A_35 = arith.constant 0 : i32
      %dma_start3A_36 = tpu.memref_slice %arg2[%add3A_6, %dma_start3A_35] : memref<128x10240xf32, #tpu.memory_space<hbm>> -> memref<1x10240xf32, #tpu.memory_space<hbm>>
      %dma_start3A_37 = tpu.memref_squeeze %dma_start3A_36 : memref<1x10240xf32, #tpu.memory_space<hbm>> -> memref<10240xf32, #tpu.memory_space<hbm>>
      %dma_start3A_38 = arith.constant 0 : i32
      %dma_start3A_39 = tpu.memref_slice %arg2[%add3A_6, %dma_start3A_38] : memref<128x10240xf32, #tpu.memory_space<hbm>> -> memref<1x10240xf32, #tpu.memory_space<hbm>>
      %dma_start3A_40 = tpu.memref_squeeze %dma_start3A_39 : memref<1x10240xf32, #tpu.memory_space<hbm>> -> memref<10240xf32, #tpu.memory_space<hbm>>
      tpu.enqueue_dma source(%dma_start3A_40 : memref<10240xf32, #tpu.memory_space<hbm>>) target(%arg8 : memref<10240xf32, #tpu.memory_space<vmem>>) target_semaphore(%run_scoped3A : memref<!tpu.dma_semaphore, #tpu.memory_space<semaphore_mem>>)
      %dma_wait3A = arith.constant 0 : i32
      %dma_wait3A_41 = tpu.memref_slice %arg2[%add3A_6, %dma_wait3A] : memref<128x10240xf32, #tpu.memory_space<hbm>> -> memref<1x10240xf32, #tpu.memory_space<hbm>>
      %dma_wait3A_42 = tpu.memref_squeeze %dma_wait3A_41 : memref<1x10240xf32, #tpu.memory_space<hbm>> -> memref<10240xf32, #tpu.memory_space<hbm>>
      %dma_wait3A_43 = arith.constant 0 : i32
      %dma_wait3A_44 = tpu.memref_slice %arg2[%add3A_6, %dma_wait3A_43] : memref<128x10240xf32, #tpu.memory_space<hbm>> -> memref<1x10240xf32, #tpu.memory_space<hbm>>
      %dma_wait3A_45 = tpu.memref_squeeze %dma_wait3A_44 : memref<1x10240xf32, #tpu.memory_space<hbm>> -> memref<10240xf32, #tpu.memory_space<hbm>>
      tpu.wait_dma2 semaphore(%run_scoped3A : memref<!tpu.dma_semaphore, #tpu.memory_space<semaphore_mem>>) src(%dma_wait3A_45 : memref<10240xf32, #tpu.memory_space<hbm>>) dst(%arg8 : memref<10240xf32, #tpu.memory_space<vmem>>)
      tpu.yield
    }) : () -> ()
    "tpu.region"() ({
      %run_scoped3A = tpu.sem_alloc : memref<!tpu.dma_semaphore, #tpu.memory_space<semaphore_mem>>
      tpu.enqueue_dma source(%arg5 : memref<10240xf32, #tpu.memory_space<hbm>>) target(%arg12 : memref<10240xf32, #tpu.memory_space<vmem>>) target_semaphore(%run_scoped3A : memref<!tpu.dma_semaphore, #tpu.memory_space<semaphore_mem>>)
      tpu.wait_dma2 semaphore(%run_scoped3A : memref<!tpu.dma_semaphore, #tpu.memory_space<semaphore_mem>>) src(%arg5 : memref<10240xf32, #tpu.memory_space<hbm>>) dst(%arg12 : memref<10240xf32, #tpu.memory_space<vmem>>)
      tpu.yield
    }) : () -> ()
    %add3A_7 = arith.constant 2 : i32
    %add3A_8 = arith.addi %mul3A_2, %add3A_7 : i32
    "tpu.region"() ({
      %run_scoped3A = tpu.sem_alloc : memref<!tpu.dma_semaphore, #tpu.memory_space<semaphore_mem>>
      %dma_start3A_35 = arith.constant 0 : i32
      %dma_start3A_36 = tpu.memref_slice %arg2[%add3A_8, %dma_start3A_35] : memref<128x10240xf32, #tpu.memory_space<hbm>> -> memref<1x10240xf32, #tpu.memory_space<hbm>>
      %dma_start3A_37 = tpu.memref_squeeze %dma_start3A_36 : memref<1x10240xf32, #tpu.memory_space<hbm>> -> memref<10240xf32, #tpu.memory_space<hbm>>
      %dma_start3A_38 = arith.constant 0 : i32
      %dma_start3A_39 = tpu.memref_slice %arg2[%add3A_8, %dma_start3A_38] : memref<128x10240xf32, #tpu.memory_space<hbm>> -> memref<1x10240xf32, #tpu.memory_space<hbm>>
      %dma_start3A_40 = tpu.memref_squeeze %dma_start3A_39 : memref<1x10240xf32, #tpu.memory_space<hbm>> -> memref<10240xf32, #tpu.memory_space<hbm>>
      tpu.enqueue_dma source(%dma_start3A_40 : memref<10240xf32, #tpu.memory_space<hbm>>) target(%arg9 : memref<10240xf32, #tpu.memory_space<vmem>>) target_semaphore(%run_scoped3A : memref<!tpu.dma_semaphore, #tpu.memory_space<semaphore_mem>>)
      %dma_wait3A = arith.constant 0 : i32
      %dma_wait3A_41 = tpu.memref_slice %arg2[%add3A_8, %dma_wait3A] : memref<128x10240xf32, #tpu.memory_space<hbm>> -> memref<1x10240xf32, #tpu.memory_space<hbm>>
      %dma_wait3A_42 = tpu.memref_squeeze %dma_wait3A_41 : memref<1x10240xf32, #tpu.memory_space<hbm>> -> memref<10240xf32, #tpu.memory_space<hbm>>
      %dma_wait3A_43 = arith.constant 0 : i32
      %dma_wait3A_44 = tpu.memref_slice %arg2[%add3A_8, %dma_wait3A_43] : memref<128x10240xf32, #tpu.memory_space<hbm>> -> memref<1x10240xf32, #tpu.memory_space<hbm>>
      %dma_wait3A_45 = tpu.memref_squeeze %dma_wait3A_44 : memref<1x10240xf32, #tpu.memory_space<hbm>> -> memref<10240xf32, #tpu.memory_space<hbm>>
      tpu.wait_dma2 semaphore(%run_scoped3A : memref<!tpu.dma_semaphore, #tpu.memory_space<semaphore_mem>>) src(%dma_wait3A_45 : memref<10240xf32, #tpu.memory_space<hbm>>) dst(%arg9 : memref<10240xf32, #tpu.memory_space<vmem>>)
      tpu.yield
    }) : () -> ()
    "tpu.region"() ({
      %run_scoped3A = tpu.sem_alloc : memref<!tpu.dma_semaphore, #tpu.memory_space<semaphore_mem>>
      tpu.enqueue_dma source(%arg5 : memref<10240xf32, #tpu.memory_space<hbm>>) target(%arg13 : memref<10240xf32, #tpu.memory_space<vmem>>) target_semaphore(%run_scoped3A : memref<!tpu.dma_semaphore, #tpu.memory_space<semaphore_mem>>)
      tpu.wait_dma2 semaphore(%run_scoped3A : memref<!tpu.dma_semaphore, #tpu.memory_space<semaphore_mem>>) src(%arg5 : memref<10240xf32, #tpu.memory_space<hbm>>) dst(%arg13 : memref<10240xf32, #tpu.memory_space<vmem>>)
      tpu.yield
    }) : () -> ()
    %add3A_9 = arith.constant 3 : i32
    %add3A_10 = arith.addi %mul3A_2, %add3A_9 : i32
    "tpu.region"() ({
      %run_scoped3A = tpu.sem_alloc : memref<!tpu.dma_semaphore, #tpu.memory_space<semaphore_mem>>
      %dma_start3A_35 = arith.constant 0 : i32
      %dma_start3A_36 = tpu.memref_slice %arg2[%add3A_10, %dma_start3A_35] : memref<128x10240xf32, #tpu.memory_space<hbm>> -> memref<1x10240xf32, #tpu.memory_space<hbm>>
      %dma_start3A_37 = tpu.memref_squeeze %dma_start3A_36 : memref<1x10240xf32, #tpu.memory_space<hbm>> -> memref<10240xf32, #tpu.memory_space<hbm>>
      %dma_start3A_38 = arith.constant 0 : i32
      %dma_start3A_39 = tpu.memref_slice %arg2[%add3A_10, %dma_start3A_38] : memref<128x10240xf32, #tpu.memory_space<hbm>> -> memref<1x10240xf32, #tpu.memory_space<hbm>>
      %dma_start3A_40 = tpu.memref_squeeze %dma_start3A_39 : memref<1x10240xf32, #tpu.memory_space<hbm>> -> memref<10240xf32, #tpu.memory_space<hbm>>
      tpu.enqueue_dma source(%dma_start3A_40 : memref<10240xf32, #tpu.memory_space<hbm>>) target(%arg10 : memref<10240xf32, #tpu.memory_space<vmem>>) target_semaphore(%run_scoped3A : memref<!tpu.dma_semaphore, #tpu.memory_space<semaphore_mem>>)
      %dma_wait3A = arith.constant 0 : i32
      %dma_wait3A_41 = tpu.memref_slice %arg2[%add3A_10, %dma_wait3A] : memref<128x10240xf32, #tpu.memory_space<hbm>> -> memref<1x10240xf32, #tpu.memory_space<hbm>>
      %dma_wait3A_42 = tpu.memref_squeeze %dma_wait3A_41 : memref<1x10240xf32, #tpu.memory_space<hbm>> -> memref<10240xf32, #tpu.memory_space<hbm>>
      %dma_wait3A_43 = arith.constant 0 : i32
      %dma_wait3A_44 = tpu.memref_slice %arg2[%add3A_10, %dma_wait3A_43] : memref<128x10240xf32, #tpu.memory_space<hbm>> -> memref<1x10240xf32, #tpu.memory_space<hbm>>
      %dma_wait3A_45 = tpu.memref_squeeze %dma_wait3A_44 : memref<1x10240xf32, #tpu.memory_space<hbm>> -> memref<10240xf32, #tpu.memory_space<hbm>>
      tpu.wait_dma2 semaphore(%run_scoped3A : memref<!tpu.dma_semaphore, #tpu.memory_space<semaphore_mem>>) src(%dma_wait3A_45 : memref<10240xf32, #tpu.memory_space<hbm>>) dst(%arg10 : memref<10240xf32, #tpu.memory_space<vmem>>)
      tpu.yield
    }) : () -> ()
    "tpu.region"() ({
      %run_scoped3A = tpu.sem_alloc : memref<!tpu.dma_semaphore, #tpu.memory_space<semaphore_mem>>
      tpu.enqueue_dma source(%arg5 : memref<10240xf32, #tpu.memory_space<hbm>>) target(%arg14 : memref<10240xf32, #tpu.memory_space<vmem>>) target_semaphore(%run_scoped3A : memref<!tpu.dma_semaphore, #tpu.memory_space<semaphore_mem>>)
      tpu.wait_dma2 semaphore(%run_scoped3A : memref<!tpu.dma_semaphore, #tpu.memory_space<semaphore_mem>>) src(%arg5 : memref<10240xf32, #tpu.memory_space<hbm>>) dst(%arg14 : memref<10240xf32, #tpu.memory_space<vmem>>)
      tpu.yield
    }) : () -> ()
    %dma_start3A = arith.constant 0 : i32
    %dma_start3A_11 = arith.constant 0 : i32
    %dma_start3A_12 = tpu.memref_slice %arg3[%dma_start3A, %dma_start3A_11] : memref<2560x128xi32, #tpu.memory_space<hbm>> -> memref<64x128xi32, #tpu.memory_space<hbm>>
    %dma_start3A_13 = arith.constant 0 : i32
    %dma_start3A_14 = arith.constant 0 : i32
    %dma_start3A_15 = tpu.memref_slice %arg3[%dma_start3A_13, %dma_start3A_14] : memref<2560x128xi32, #tpu.memory_space<hbm>> -> memref<64x128xi32, #tpu.memory_space<hbm>>
    tpu.enqueue_dma source(%dma_start3A_15 : memref<64x128xi32, #tpu.memory_space<hbm>>) target(%arg15 : memref<64x128xi32, #tpu.memory_space<vmem>>) target_semaphore(%arg19 : memref<!tpu.dma_semaphore, #tpu.memory_space<semaphore_mem>>)
    %dma_start3A_16 = arith.constant 0 : i32
    %dma_start3A_17 = arith.constant 0 : i32
    %dma_start3A_18 = tpu.memref_slice %arg4[%dma_start3A_16, %dma_start3A_17] : memref<2560x128xi32, #tpu.memory_space<hbm>> -> memref<64x128xi32, #tpu.memory_space<hbm>>
    %dma_start3A_19 = arith.constant 0 : i32
    %dma_start3A_20 = arith.constant 0 : i32
    %dma_start3A_21 = tpu.memref_slice %arg4[%dma_start3A_19, %dma_start3A_20] : memref<2560x128xi32, #tpu.memory_space<hbm>> -> memref<64x128xi32, #tpu.memory_space<hbm>>
    tpu.enqueue_dma source(%dma_start3A_21 : memref<64x128xi32, #tpu.memory_space<hbm>>) target(%arg17 : memref<64x128xi32, #tpu.memory_space<vmem>>) target_semaphore(%arg19 : memref<!tpu.dma_semaphore, #tpu.memory_space<semaphore_mem>>)
    %scan3A = arith.constant 0 : i32
    %scan3A_22 = arith.constant 0 : i32
    %scan3A_23 = arith.constant 20 : i32
    %scan3A_24 = arith.addi %scan3A_22, %scan3A_23 : i32
    %scan3A_25 = arith.constant 1 : i32
    scf.for %scan3A_35 = %scan3A_22 to %scan3A_24 step %scan3A_25  : i32 {
      %mul3A_36 = arith.constant 2 : i32
      %mul3A_37 = arith.muli %mul3A_36, %scan3A_35 : i32
      %dma_wait3A = arith.constant 0 : i32
      %dma_wait3A_38 = arith.constant 0 : i32
      %dma_wait3A_39 = tpu.memref_slice %arg3[%dma_wait3A, %dma_wait3A_38] : memref<2560x128xi32, #tpu.memory_space<hbm>> -> memref<64x128xi32, #tpu.memory_space<hbm>>
      %dma_wait3A_40 = arith.constant 0 : i32
      %dma_wait3A_41 = arith.constant 0 : i32
      %dma_wait3A_42 = tpu.memref_slice %arg3[%dma_wait3A_40, %dma_wait3A_41] : memref<2560x128xi32, #tpu.memory_space<hbm>> -> memref<64x128xi32, #tpu.memory_space<hbm>>
      tpu.wait_dma2 semaphore(%arg19 : memref<!tpu.dma_semaphore, #tpu.memory_space<semaphore_mem>>) src(%dma_wait3A_42 : memref<64x128xi32, #tpu.memory_space<hbm>>) dst(%arg15 : memref<64x128xi32, #tpu.memory_space<vmem>>)
      %dma_wait3A_43 = arith.constant 0 : i32
      %dma_wait3A_44 = arith.constant 0 : i32
      %dma_wait3A_45 = tpu.memref_slice %arg4[%dma_wait3A_43, %dma_wait3A_44] : memref<2560x128xi32, #tpu.memory_space<hbm>> -> memref<64x128xi32, #tpu.memory_space<hbm>>
      %dma_wait3A_46 = arith.constant 0 : i32
      %dma_wait3A_47 = arith.constant 0 : i32
      %dma_wait3A_48 = tpu.memref_slice %arg4[%dma_wait3A_46, %dma_wait3A_47] : memref<2560x128xi32, #tpu.memory_space<hbm>> -> memref<64x128xi32, #tpu.memory_space<hbm>>
      tpu.wait_dma2 semaphore(%arg19 : memref<!tpu.dma_semaphore, #tpu.memory_space<semaphore_mem>>) src(%dma_wait3A_48 : memref<64x128xi32, #tpu.memory_space<hbm>>) dst(%arg17 : memref<64x128xi32, #tpu.memory_space<vmem>>)
      %add3A_49 = arith.constant 1 : i32
      %add3A_50 = arith.addi %mul3A_37, %add3A_49 : i32
      %mul3A_51 = arith.constant 64 : i32
      %mul3A_52 = arith.muli %add3A_50, %mul3A_51 : i32
      %dma_start3A_53 = arith.constant 0 : i32
      %dma_start3A_54 = tpu.memref_slice %arg3[%mul3A_52, %dma_start3A_53] : memref<2560x128xi32, #tpu.memory_space<hbm>> -> memref<64x128xi32, #tpu.memory_space<hbm>>
      %dma_start3A_55 = arith.constant 0 : i32
      %dma_start3A_56 = tpu.memref_slice %arg3[%mul3A_52, %dma_start3A_55] : memref<2560x128xi32, #tpu.memory_space<hbm>> -> memref<64x128xi32, #tpu.memory_space<hbm>>
      tpu.enqueue_dma source(%dma_start3A_56 : memref<64x128xi32, #tpu.memory_space<hbm>>) target(%arg16 : memref<64x128xi32, #tpu.memory_space<vmem>>) target_semaphore(%arg20 : memref<!tpu.dma_semaphore, #tpu.memory_space<semaphore_mem>>)
      %mul3A_57 = arith.constant 64 : i32
      %mul3A_58 = arith.muli %add3A_50, %mul3A_57 : i32
      %dma_start3A_59 = arith.constant 0 : i32
      %dma_start3A_60 = tpu.memref_slice %arg4[%mul3A_58, %dma_start3A_59] : memref<2560x128xi32, #tpu.memory_space<hbm>> -> memref<64x128xi32, #tpu.memory_space<hbm>>
      %dma_start3A_61 = arith.constant 0 : i32
      %dma_start3A_62 = tpu.memref_slice %arg4[%mul3A_58, %dma_start3A_61] : memref<2560x128xi32, #tpu.memory_space<hbm>> -> memref<64x128xi32, #tpu.memory_space<hbm>>
      tpu.enqueue_dma source(%dma_start3A_62 : memref<64x128xi32, #tpu.memory_space<hbm>>) target(%arg18 : memref<64x128xi32, #tpu.memory_space<vmem>>) target_semaphore(%arg20 : memref<!tpu.dma_semaphore, #tpu.memory_space<semaphore_mem>>)
      %scan3A_63 = arith.constant 0 : i32
      %scan3A_64 = arith.constant 0 : i32
      %scan3A_65 = arith.constant 64 : i32
      %scan3A_66 = arith.addi %scan3A_64, %scan3A_65 : i32
      %scan3A_67 = arith.constant 1 : i32
      scf.for %scan3A_91 = %scan3A_64 to %scan3A_66 step %scan3A_67  : i32 {
        %get3A = arith.index_cast %scan3A_91 : i32 to index
        %get3A_92 = arith.constant 0 : index
        %get3A_93 = tpu.vector_load %arg15[%get3A, %get3A_92] {strides = array<i32>} : memref<64x128xi32, #tpu.memory_space<vmem>>, vector<16xi32>,
        %get3A_94 = arith.index_cast %scan3A_91 : i32 to index
        %get3A_95 = arith.constant 16 : index
        %get3A_96 = tpu.vector_load %arg15[%get3A_94, %get3A_95] {strides = array<i32>} : memref<64x128xi32, #tpu.memory_space<vmem>>, vector<16xi32>,
        %get3A_97 = arith.index_cast %scan3A_91 : i32 to index
        %get3A_98 = arith.constant 32 : index
        %get3A_99 = tpu.vector_load %arg15[%get3A_97, %get3A_98] {strides = array<i32>} : memref<64x128xi32, #tpu.memory_space<vmem>>, vector<16xi32>,
        %get3A_100 = arith.index_cast %scan3A_91 : i32 to index
        %get3A_101 = arith.constant 48 : index
        %get3A_102 = tpu.vector_load %arg15[%get3A_100, %get3A_101] {strides = array<i32>} : memref<64x128xi32, #tpu.memory_space<vmem>>, vector<16xi32>,
        %get3A_103 = arith.index_cast %scan3A_91 : i32 to index
        %get3A_104 = arith.constant 0 : index
        %get3A_105 = tpu.vector_load %arg17[%get3A_103, %get3A_104] {strides = array<i32>} : memref<64x128xi32, #tpu.memory_space<vmem>>, vector<16xi32>,
        %get3A_106 = arith.index_cast %scan3A_91 : i32 to index
        %get3A_107 = arith.constant 16 : index
        %get3A_108 = tpu.vector_load %arg17[%get3A_106, %get3A_107] {strides = array<i32>} : memref<64x128xi32, #tpu.memory_space<vmem>>, vector<16xi32>,
        %get3A_109 = arith.index_cast %scan3A_91 : i32 to index
        %get3A_110 = arith.constant 32 : index
        %get3A_111 = tpu.vector_load %arg17[%get3A_109, %get3A_110] {strides = array<i32>} : memref<64x128xi32, #tpu.memory_space<vmem>>, vector<16xi32>,
        %get3A_112 = arith.index_cast %scan3A_91 : i32 to index
        %get3A_113 = arith.constant 48 : index
        %get3A_114 = tpu.vector_load %arg17[%get3A_112, %get3A_113] {strides = array<i32>} : memref<64x128xi32, #tpu.memory_space<vmem>>, vector<16xi32>,
        %gather3A = tpu.vector_load_idx %arg7[%get3A_93] : memref<10240xf32, #tpu.memory_space<vmem>>[vector<16xi32>], vector<16xf32>,
        %gather3A_115 = tpu.vector_load_idx %arg8[%get3A_93] : memref<10240xf32, #tpu.memory_space<vmem>>[vector<16xi32>], vector<16xf32>,
        %gather3A_116 = tpu.vector_load_idx %arg9[%get3A_93] : memref<10240xf32, #tpu.memory_space<vmem>>[vector<16xi32>], vector<16xf32>,
        %gather3A_117 = tpu.vector_load_idx %arg10[%get3A_93] : memref<10240xf32, #tpu.memory_space<vmem>>[vector<16xi32>], vector<16xf32>,
        %gather3A_118 = tpu.vector_load_idx %arg7[%get3A_96] : memref<10240xf32, #tpu.memory_space<vmem>>[vector<16xi32>], vector<16xf32>,
        %gather3A_119 = tpu.vector_load_idx %arg8[%get3A_96] : memref<10240xf32, #tpu.memory_space<vmem>>[vector<16xi32>], vector<16xf32>,
        %gather3A_120 = tpu.vector_load_idx %arg9[%get3A_96] : memref<10240xf32, #tpu.memory_space<vmem>>[vector<16xi32>], vector<16xf32>,
        %gather3A_121 = tpu.vector_load_idx %arg10[%get3A_96] : memref<10240xf32, #tpu.memory_space<vmem>>[vector<16xi32>], vector<16xf32>,
        %gather3A_122 = tpu.vector_load_idx %arg7[%get3A_99] : memref<10240xf32, #tpu.memory_space<vmem>>[vector<16xi32>], vector<16xf32>,
        %gather3A_123 = tpu.vector_load_idx %arg8[%get3A_99] : memref<10240xf32, #tpu.memory_space<vmem>>[vector<16xi32>], vector<16xf32>,
        %gather3A_124 = tpu.vector_load_idx %arg9[%get3A_99] : memref<10240xf32, #tpu.memory_space<vmem>>[vector<16xi32>], vector<16xf32>,
        %gather3A_125 = tpu.vector_load_idx %arg10[%get3A_99] : memref<10240xf32, #tpu.memory_space<vmem>>[vector<16xi32>], vector<16xf32>,
        %gather3A_126 = tpu.vector_load_idx %arg7[%get3A_102] : memref<10240xf32, #tpu.memory_space<vmem>>[vector<16xi32>], vector<16xf32>,
        %gather3A_127 = tpu.vector_load_idx %arg8[%get3A_102] : memref<10240xf32, #tpu.memory_space<vmem>>[vector<16xi32>], vector<16xf32>,
        %gather3A_128 = tpu.vector_load_idx %arg9[%get3A_102] : memref<10240xf32, #tpu.memory_space<vmem>>[vector<16xi32>], vector<16xf32>,
        %gather3A_129 = tpu.vector_load_idx %arg10[%get3A_102] : memref<10240xf32, #tpu.memory_space<vmem>>[vector<16xi32>], vector<16xf32>,
        tpu.vector_store_idx %arg11[%get3A_105], %gather3A {add = true} : memref<10240xf32, #tpu.memory_space<vmem>>[vector<16xi32>], vector<16xf32>,
        tpu.vector_store_idx %arg12[%get3A_105], %gather3A_115 {add = true} : memref<10240xf32, #tpu.memory_space<vmem>>[vector<16xi32>], vector<16xf32>,
        tpu.vector_store_idx %arg13[%get3A_105], %gather3A_116 {add = true} : memref<10240xf32, #tpu.memory_space<vmem>>[vector<16xi32>], vector<16xf32>,
        tpu.vector_store_idx %arg14[%get3A_105], %gather3A_117 {add = true} : memref<10240xf32, #tpu.memory_space<vmem>>[vector<16xi32>], vector<16xf32>,
        tpu.vector_store_idx %arg11[%get3A_108], %gather3A_118 {add = true} : memref<10240xf32, #tpu.memory_space<vmem>>[vector<16xi32>], vector<16xf32>,
        tpu.vector_store_idx %arg12[%get3A_108], %gather3A_119 {add = true} : memref<10240xf32, #tpu.memory_space<vmem>>[vector<16xi32>], vector<16xf32>,
        tpu.vector_store_idx %arg13[%get3A_108], %gather3A_120 {add = true} : memref<10240xf32, #tpu.memory_space<vmem>>[vector<16xi32>], vector<16xf32>,
        tpu.vector_store_idx %arg14[%get3A_108], %gather3A_121 {add = true} : memref<10240xf32, #tpu.memory_space<vmem>>[vector<16xi32>], vector<16xf32>,
        tpu.vector_store_idx %arg11[%get3A_111], %gather3A_122 {add = true} : memref<10240xf32, #tpu.memory_space<vmem>>[vector<16xi32>], vector<16xf32>,
        tpu.vector_store_idx %arg12[%get3A_111], %gather3A_123 {add = true} : memref<10240xf32, #tpu.memory_space<vmem>>[vector<16xi32>], vector<16xf32>,
        tpu.vector_store_idx %arg13[%get3A_111], %gather3A_124 {add = true} : memref<10240xf32, #tpu.memory_space<vmem>>[vector<16xi32>], vector<16xf32>,
        tpu.vector_store_idx %arg14[%get3A_111], %gather3A_125 {add = true} : memref<10240xf32, #tpu.memory_space<vmem>>[vector<16xi32>], vector<16xf32>,
        tpu.vector_store_idx %arg11[%get3A_114], %gather3A_126 {add = true} : memref<10240xf32, #tpu.memory_space<vmem>>[vector<16xi32>], vector<16xf32>,
        tpu.vector_store_idx %arg12[%get3A_114], %gather3A_127 {add = true} : memref<10240xf32, #tpu.memory_space<vmem>>[vector<16xi32>], vector<16xf32>,
        tpu.vector_store_idx %arg13[%get3A_114], %gather3A_128 {add = true} : memref<10240xf32, #tpu.memory_space<vmem>>[vector<16xi32>], vector<16xf32>,
        tpu.vector_store_idx %arg14[%get3A_114], %gather3A_129 {add = true} : memref<10240xf32, #tpu.memory_space<vmem>>[vector<16xi32>], vector<16xf32>,
        %get3A_130 = arith.index_cast %scan3A_91 : i32 to index
        %get3A_131 = arith.constant 64 : index
        %get3A_132 = tpu.vector_load %arg15[%get3A_130, %get3A_131] {strides = array<i32>} : memref<64x128xi32, #tpu.memory_space<vmem>>, vector<16xi32>,
        %get3A_133 = arith.index_cast %scan3A_91 : i32 to index
        %get3A_134 = arith.constant 80 : index
        %get3A_135 = tpu.vector_load %arg15[%get3A_133, %get3A_134] {strides = array<i32>} : memref<64x128xi32, #tpu.memory_space<vmem>>, vector<16xi32>,
        %get3A_136 = arith.index_cast %scan3A_91 : i32 to index
        %get3A_137 = arith.constant 96 : index
        %get3A_138 = tpu.vector_load %arg15[%get3A_136, %get3A_137] {strides = array<i32>} : memref<64x128xi32, #tpu.memory_space<vmem>>, vector<16xi32>,
        %get3A_139 = arith.index_cast %scan3A_91 : i32 to index
        %get3A_140 = arith.constant 112 : index
        %get3A_141 = tpu.vector_load %arg15[%get3A_139, %get3A_140] {strides = array<i32>} : memref<64x128xi32, #tpu.memory_space<vmem>>, vector<16xi32>,
        %get3A_142 = arith.index_cast %scan3A_91 : i32 to index
        %get3A_143 = arith.constant 64 : index
        %get3A_144 = tpu.vector_load %arg17[%get3A_142, %get3A_143] {strides = array<i32>} : memref<64x128xi32, #tpu.memory_space<vmem>>, vector<16xi32>,
        %get3A_145 = arith.index_cast %scan3A_91 : i32 to index
        %get3A_146 = arith.constant 80 : index
        %get3A_147 = tpu.vector_load %arg17[%get3A_145, %get3A_146] {strides = array<i32>} : memref<64x128xi32, #tpu.memory_space<vmem>>, vector<16xi32>,
        %get3A_148 = arith.index_cast %scan3A_91 : i32 to index
        %get3A_149 = arith.constant 96 : index
        %get3A_150 = tpu.vector_load %arg17[%get3A_148, %get3A_149] {strides = array<i32>} : memref<64x128xi32, #tpu.memory_space<vmem>>, vector<16xi32>,
        %get3A_151 = arith.index_cast %scan3A_91 : i32 to index
        %get3A_152 = arith.constant 112 : index
        %get3A_153 = tpu.vector_load %arg17[%get3A_151, %get3A_152] {strides = array<i32>} : memref<64x128xi32, #tpu.memory_space<vmem>>, vector<16xi32>,
        %gather3A_154 = tpu.vector_load_idx %arg7[%get3A_132] : memref<10240xf32, #tpu.memory_space<vmem>>[vector<16xi32>], vector<16xf32>,
        %gather3A_155 = tpu.vector_load_idx %arg8[%get3A_132] : memref<10240xf32, #tpu.memory_space<vmem>>[vector<16xi32>], vector<16xf32>,
        %gather3A_156 = tpu.vector_load_idx %arg9[%get3A_132] : memref<10240xf32, #tpu.memory_space<vmem>>[vector<16xi32>], vector<16xf32>,
        %gather3A_157 = tpu.vector_load_idx %arg10[%get3A_132] : memref<10240xf32, #tpu.memory_space<vmem>>[vector<16xi32>], vector<16xf32>,
        %gather3A_158 = tpu.vector_load_idx %arg7[%get3A_135] : memref<10240xf32, #tpu.memory_space<vmem>>[vector<16xi32>], vector<16xf32>,
        %gather3A_159 = tpu.vector_load_idx %arg8[%get3A_135] : memref<10240xf32, #tpu.memory_space<vmem>>[vector<16xi32>], vector<16xf32>,
        %gather3A_160 = tpu.vector_load_idx %arg9[%get3A_135] : memref<10240xf32, #tpu.memory_space<vmem>>[vector<16xi32>], vector<16xf32>,
        %gather3A_161 = tpu.vector_load_idx %arg10[%get3A_135] : memref<10240xf32, #tpu.memory_space<vmem>>[vector<16xi32>], vector<16xf32>,
        %gather3A_162 = tpu.vector_load_idx %arg7[%get3A_138] : memref<10240xf32, #tpu.memory_space<vmem>>[vector<16xi32>], vector<16xf32>,
        %gather3A_163 = tpu.vector_load_idx %arg8[%get3A_138] : memref<10240xf32, #tpu.memory_space<vmem>>[vector<16xi32>], vector<16xf32>,
        %gather3A_164 = tpu.vector_load_idx %arg9[%get3A_138] : memref<10240xf32, #tpu.memory_space<vmem>>[vector<16xi32>], vector<16xf32>,
        %gather3A_165 = tpu.vector_load_idx %arg10[%get3A_138] : memref<10240xf32, #tpu.memory_space<vmem>>[vector<16xi32>], vector<16xf32>,
        %gather3A_166 = tpu.vector_load_idx %arg7[%get3A_141] : memref<10240xf32, #tpu.memory_space<vmem>>[vector<16xi32>], vector<16xf32>,
        %gather3A_167 = tpu.vector_load_idx %arg8[%get3A_141] : memref<10240xf32, #tpu.memory_space<vmem>>[vector<16xi32>], vector<16xf32>,
        %gather3A_168 = tpu.vector_load_idx %arg9[%get3A_141] : memref<10240xf32, #tpu.memory_space<vmem>>[vector<16xi32>], vector<16xf32>,
        %gather3A_169 = tpu.vector_load_idx %arg10[%get3A_141] : memref<10240xf32, #tpu.memory_space<vmem>>[vector<16xi32>], vector<16xf32>,
        tpu.vector_store_idx %arg11[%get3A_144], %gather3A_154 {add = true} : memref<10240xf32, #tpu.memory_space<vmem>>[vector<16xi32>], vector<16xf32>,
        tpu.vector_store_idx %arg12[%get3A_144], %gather3A_155 {add = true} : memref<10240xf32, #tpu.memory_space<vmem>>[vector<16xi32>], vector<16xf32>,
        tpu.vector_store_idx %arg13[%get3A_144], %gather3A_156 {add = true} : memref<10240xf32, #tpu.memory_space<vmem>>[vector<16xi32>], vector<16xf32>,
        tpu.vector_store_idx %arg14[%get3A_144], %gather3A_157 {add = true} : memref<10240xf32, #tpu.memory_space<vmem>>[vector<16xi32>], vector<16xf32>,
        tpu.vector_store_idx %arg11[%get3A_147], %gather3A_158 {add = true} : memref<10240xf32, #tpu.memory_space<vmem>>[vector<16xi32>], vector<16xf32>,
        tpu.vector_store_idx %arg12[%get3A_147], %gather3A_159 {add = true} : memref<10240xf32, #tpu.memory_space<vmem>>[vector<16xi32>], vector<16xf32>,
        tpu.vector_store_idx %arg13[%get3A_147], %gather3A_160 {add = true} : memref<10240xf32, #tpu.memory_space<vmem>>[vector<16xi32>], vector<16xf32>,
        tpu.vector_store_idx %arg14[%get3A_147], %gather3A_161 {add = true} : memref<10240xf32, #tpu.memory_space<vmem>>[vector<16xi32>], vector<16xf32>,
        tpu.vector_store_idx %arg11[%get3A_150], %gather3A_162 {add = true} : memref<10240xf32, #tpu.memory_space<vmem>>[vector<16xi32>], vector<16xf32>,
        tpu.vector_store_idx %arg12[%get3A_150], %gather3A_163 {add = true} : memref<10240xf32, #tpu.memory_space<vmem>>[vector<16xi32>], vector<16xf32>,
        tpu.vector_store_idx %arg13[%get3A_150], %gather3A_164 {add = true} : memref<10240xf32, #tpu.memory_space<vmem>>[vector<16xi32>], vector<16xf32>,
        tpu.vector_store_idx %arg14[%get3A_150], %gather3A_165 {add = true} : memref<10240xf32, #tpu.memory_space<vmem>>[vector<16xi32>], vector<16xf32>,
        tpu.vector_store_idx %arg11[%get3A_153], %gather3A_166 {add = true} : memref<10240xf32, #tpu.memory_space<vmem>>[vector<16xi32>], vector<16xf32>,
        tpu.vector_store_idx %arg12[%get3A_153], %gather3A_167 {add = true} : memref<10240xf32, #tpu.memory_space<vmem>>[vector<16xi32>], vector<16xf32>,
        tpu.vector_store_idx %arg13[%get3A_153], %gather3A_168 {add = true} : memref<10240xf32, #tpu.memory_space<vmem>>[vector<16xi32>], vector<16xf32>,
        tpu.vector_store_idx %arg14[%get3A_153], %gather3A_169 {add = true} : memref<10240xf32, #tpu.memory_space<vmem>>[vector<16xi32>], vector<16xf32>,
      }
      %scan3A_68 = arith.constant 64 : i32
      %dma_wait3A_69 = arith.constant 0 : i32
      %dma_wait3A_70 = arith.constant 0 : i32
      %dma_wait3A_71 = tpu.memref_slice %arg3[%dma_wait3A_69, %dma_wait3A_70] : memref<2560x128xi32, #tpu.memory_space<hbm>> -> memref<64x128xi32, #tpu.memory_space<hbm>>
      %dma_wait3A_72 = arith.constant 0 : i32
      %dma_wait3A_73 = arith.constant 0 : i32
      %dma_wait3A_74 = tpu.memref_slice %arg3[%dma_wait3A_72, %dma_wait3A_73] : memref<2560x128xi32, #tpu.memory_space<hbm>> -> memref<64x128xi32, #tpu.memory_space<hbm>>
      tpu.wait_dma2 semaphore(%arg20 : memref<!tpu.dma_semaphore, #tpu.memory_space<semaphore_mem>>) src(%dma_wait3A_74 : memref<64x128xi32, #tpu.memory_space<hbm>>) dst(%arg16 : memref<64x128xi32, #tpu.memory_space<vmem>>)
      %dma_wait3A_75 = arith.constant 0 : i32
      %dma_wait3A_76 = arith.constant 0 : i32
      %dma_wait3A_77 = tpu.memref_slice %arg4[%dma_wait3A_75, %dma_wait3A_76] : memref<2560x128xi32, #tpu.memory_space<hbm>> -> memref<64x128xi32, #tpu.memory_space<hbm>>
      %dma_wait3A_78 = arith.constant 0 : i32
      %dma_wait3A_79 = arith.constant 0 : i32
      %dma_wait3A_80 = tpu.memref_slice %arg4[%dma_wait3A_78, %dma_wait3A_79] : memref<2560x128xi32, #tpu.memory_space<hbm>> -> memref<64x128xi32, #tpu.memory_space<hbm>>
      tpu.wait_dma2 semaphore(%arg20 : memref<!tpu.dma_semaphore, #tpu.memory_space<semaphore_mem>>) src(%dma_wait3A_80 : memref<64x128xi32, #tpu.memory_space<hbm>>) dst(%arg18 : memref<64x128xi32, #tpu.memory_space<vmem>>)
      %add3A_81 = arith.constant 2 : i32
      %add3A_82 = arith.addi %mul3A_37, %add3A_81 : i32
      %lt3A = arith.constant 40 : i32
      %lt3A_83 = arith.cmpi slt, %add3A_82, %lt3A : i32
      %convert_element_type3A = arith.extui %lt3A_83 : i1 to i32
      %cond3A = arith.constant 0 : i32
      %cond3A_84 = arith.cmpi ne, %convert_element_type3A, %cond3A : i32
      scf.if %cond3A_84 {
        %add3A_91 = arith.constant 2 : i32
        %add3A_92 = arith.addi %mul3A_37, %add3A_91 : i32
        %mul3A_93 = arith.constant 64 : i32
        %mul3A_94 = arith.muli %add3A_92, %mul3A_93 : i32
        %dma_start3A_95 = arith.constant 0 : i32
        %dma_start3A_96 = tpu.memref_slice %arg3[%mul3A_94, %dma_start3A_95] : memref<2560x128xi32, #tpu.memory_space<hbm>> -> memref<64x128xi32, #tpu.memory_space<hbm>>
        %dma_start3A_97 = arith.constant 0 : i32
        %dma_start3A_98 = tpu.memref_slice %arg3[%mul3A_94, %dma_start3A_97] : memref<2560x128xi32, #tpu.memory_space<hbm>> -> memref<64x128xi32, #tpu.memory_space<hbm>>
        tpu.enqueue_dma source(%dma_start3A_98 : memref<64x128xi32, #tpu.memory_space<hbm>>) target(%arg15 : memref<64x128xi32, #tpu.memory_space<vmem>>) target_semaphore(%arg19 : memref<!tpu.dma_semaphore, #tpu.memory_space<semaphore_mem>>)
        %mul3A_99 = arith.constant 64 : i32
        %mul3A_100 = arith.muli %add3A_92, %mul3A_99 : i32
        %dma_start3A_101 = arith.constant 0 : i32
        %dma_start3A_102 = tpu.memref_slice %arg4[%mul3A_100, %dma_start3A_101] : memref<2560x128xi32, #tpu.memory_space<hbm>> -> memref<64x128xi32, #tpu.memory_space<hbm>>
        %dma_start3A_103 = arith.constant 0 : i32
        %dma_start3A_104 = tpu.memref_slice %arg4[%mul3A_100, %dma_start3A_103] : memref<2560x128xi32, #tpu.memory_space<hbm>> -> memref<64x128xi32, #tpu.memory_space<hbm>>
        tpu.enqueue_dma source(%dma_start3A_104 : memref<64x128xi32, #tpu.memory_space<hbm>>) target(%arg17 : memref<64x128xi32, #tpu.memory_space<vmem>>) target_semaphore(%arg19 : memref<!tpu.dma_semaphore, #tpu.memory_space<semaphore_mem>>)
      } else {
      }
      %scan3A_85 = arith.constant 0 : i32
      %scan3A_86 = arith.constant 0 : i32
      %scan3A_87 = arith.constant 64 : i32
      %scan3A_88 = arith.addi %scan3A_86, %scan3A_87 : i32
      %scan3A_89 = arith.constant 1 : i32
      scf.for %scan3A_91 = %scan3A_86 to %scan3A_88 step %scan3A_89  : i32 {
        %get3A = arith.index_cast %scan3A_91 : i32 to index
        %get3A_92 = arith.constant 0 : index
        %get3A_93 = tpu.vector_load %arg16[%get3A, %get3A_92] {strides = array<i32>} : memref<64x128xi32, #tpu.memory_space<vmem>>, vector<16xi32>,
        %get3A_94 = arith.index_cast %scan3A_91 : i32 to index
        %get3A_95 = arith.constant 16 : index
        %get3A_96 = tpu.vector_load %arg16[%get3A_94, %get3A_95] {strides = array<i32>} : memref<64x128xi32, #tpu.memory_space<vmem>>, vector<16xi32>,
        %get3A_97 = arith.index_cast %scan3A_91 : i32 to index
        %get3A_98 = arith.constant 32 : index
        %get3A_99 = tpu.vector_load %arg16[%get3A_97, %get3A_98] {strides = array<i32>} : memref<64x128xi32, #tpu.memory_space<vmem>>, vector<16xi32>,
        %get3A_100 = arith.index_cast %scan3A_91 : i32 to index
        %get3A_101 = arith.constant 48 : index
        %get3A_102 = tpu.vector_load %arg16[%get3A_100, %get3A_101] {strides = array<i32>} : memref<64x128xi32, #tpu.memory_space<vmem>>, vector<16xi32>,
        %get3A_103 = arith.index_cast %scan3A_91 : i32 to index
        %get3A_104 = arith.constant 0 : index
        %get3A_105 = tpu.vector_load %arg18[%get3A_103, %get3A_104] {strides = array<i32>} : memref<64x128xi32, #tpu.memory_space<vmem>>, vector<16xi32>,
        %get3A_106 = arith.index_cast %scan3A_91 : i32 to index
        %get3A_107 = arith.constant 16 : index
        %get3A_108 = tpu.vector_load %arg18[%get3A_106, %get3A_107] {strides = array<i32>} : memref<64x128xi32, #tpu.memory_space<vmem>>, vector<16xi32>,
        %get3A_109 = arith.index_cast %scan3A_91 : i32 to index
        %get3A_110 = arith.constant 32 : index
        %get3A_111 = tpu.vector_load %arg18[%get3A_109, %get3A_110] {strides = array<i32>} : memref<64x128xi32, #tpu.memory_space<vmem>>, vector<16xi32>,
        %get3A_112 = arith.index_cast %scan3A_91 : i32 to index
        %get3A_113 = arith.constant 48 : index
        %get3A_114 = tpu.vector_load %arg18[%get3A_112, %get3A_113] {strides = array<i32>} : memref<64x128xi32, #tpu.memory_space<vmem>>, vector<16xi32>,
        %gather3A = tpu.vector_load_idx %arg7[%get3A_93] : memref<10240xf32, #tpu.memory_space<vmem>>[vector<16xi32>], vector<16xf32>,
        %gather3A_115 = tpu.vector_load_idx %arg8[%get3A_93] : memref<10240xf32, #tpu.memory_space<vmem>>[vector<16xi32>], vector<16xf32>,
        %gather3A_116 = tpu.vector_load_idx %arg9[%get3A_93] : memref<10240xf32, #tpu.memory_space<vmem>>[vector<16xi32>], vector<16xf32>,
        %gather3A_117 = tpu.vector_load_idx %arg10[%get3A_93] : memref<10240xf32, #tpu.memory_space<vmem>>[vector<16xi32>], vector<16xf32>,
        %gather3A_118 = tpu.vector_load_idx %arg7[%get3A_96] : memref<10240xf32, #tpu.memory_space<vmem>>[vector<16xi32>], vector<16xf32>,
        %gather3A_119 = tpu.vector_load_idx %arg8[%get3A_96] : memref<10240xf32, #tpu.memory_space<vmem>>[vector<16xi32>], vector<16xf32>,
        %gather3A_120 = tpu.vector_load_idx %arg9[%get3A_96] : memref<10240xf32, #tpu.memory_space<vmem>>[vector<16xi32>], vector<16xf32>,
        %gather3A_121 = tpu.vector_load_idx %arg10[%get3A_96] : memref<10240xf32, #tpu.memory_space<vmem>>[vector<16xi32>], vector<16xf32>,
        %gather3A_122 = tpu.vector_load_idx %arg7[%get3A_99] : memref<10240xf32, #tpu.memory_space<vmem>>[vector<16xi32>], vector<16xf32>,
        %gather3A_123 = tpu.vector_load_idx %arg8[%get3A_99] : memref<10240xf32, #tpu.memory_space<vmem>>[vector<16xi32>], vector<16xf32>,
        %gather3A_124 = tpu.vector_load_idx %arg9[%get3A_99] : memref<10240xf32, #tpu.memory_space<vmem>>[vector<16xi32>], vector<16xf32>,
        %gather3A_125 = tpu.vector_load_idx %arg10[%get3A_99] : memref<10240xf32, #tpu.memory_space<vmem>>[vector<16xi32>], vector<16xf32>,
        %gather3A_126 = tpu.vector_load_idx %arg7[%get3A_102] : memref<10240xf32, #tpu.memory_space<vmem>>[vector<16xi32>], vector<16xf32>,
        %gather3A_127 = tpu.vector_load_idx %arg8[%get3A_102] : memref<10240xf32, #tpu.memory_space<vmem>>[vector<16xi32>], vector<16xf32>,
        %gather3A_128 = tpu.vector_load_idx %arg9[%get3A_102] : memref<10240xf32, #tpu.memory_space<vmem>>[vector<16xi32>], vector<16xf32>,
        %gather3A_129 = tpu.vector_load_idx %arg10[%get3A_102] : memref<10240xf32, #tpu.memory_space<vmem>>[vector<16xi32>], vector<16xf32>,
        tpu.vector_store_idx %arg11[%get3A_105], %gather3A {add = true} : memref<10240xf32, #tpu.memory_space<vmem>>[vector<16xi32>], vector<16xf32>,
        tpu.vector_store_idx %arg12[%get3A_105], %gather3A_115 {add = true} : memref<10240xf32, #tpu.memory_space<vmem>>[vector<16xi32>], vector<16xf32>,
        tpu.vector_store_idx %arg13[%get3A_105], %gather3A_116 {add = true} : memref<10240xf32, #tpu.memory_space<vmem>>[vector<16xi32>], vector<16xf32>,
        tpu.vector_store_idx %arg14[%get3A_105], %gather3A_117 {add = true} : memref<10240xf32, #tpu.memory_space<vmem>>[vector<16xi32>], vector<16xf32>,
        tpu.vector_store_idx %arg11[%get3A_108], %gather3A_118 {add = true} : memref<10240xf32, #tpu.memory_space<vmem>>[vector<16xi32>], vector<16xf32>,
        tpu.vector_store_idx %arg12[%get3A_108], %gather3A_119 {add = true} : memref<10240xf32, #tpu.memory_space<vmem>>[vector<16xi32>], vector<16xf32>,
        tpu.vector_store_idx %arg13[%get3A_108], %gather3A_120 {add = true} : memref<10240xf32, #tpu.memory_space<vmem>>[vector<16xi32>], vector<16xf32>,
        tpu.vector_store_idx %arg14[%get3A_108], %gather3A_121 {add = true} : memref<10240xf32, #tpu.memory_space<vmem>>[vector<16xi32>], vector<16xf32>,
        tpu.vector_store_idx %arg11[%get3A_111], %gather3A_122 {add = true} : memref<10240xf32, #tpu.memory_space<vmem>>[vector<16xi32>], vector<16xf32>,
        tpu.vector_store_idx %arg12[%get3A_111], %gather3A_123 {add = true} : memref<10240xf32, #tpu.memory_space<vmem>>[vector<16xi32>], vector<16xf32>,
        tpu.vector_store_idx %arg13[%get3A_111], %gather3A_124 {add = true} : memref<10240xf32, #tpu.memory_space<vmem>>[vector<16xi32>], vector<16xf32>,
        tpu.vector_store_idx %arg14[%get3A_111], %gather3A_125 {add = true} : memref<10240xf32, #tpu.memory_space<vmem>>[vector<16xi32>], vector<16xf32>,
        tpu.vector_store_idx %arg11[%get3A_114], %gather3A_126 {add = true} : memref<10240xf32, #tpu.memory_space<vmem>>[vector<16xi32>], vector<16xf32>,
        tpu.vector_store_idx %arg12[%get3A_114], %gather3A_127 {add = true} : memref<10240xf32, #tpu.memory_space<vmem>>[vector<16xi32>], vector<16xf32>,
        tpu.vector_store_idx %arg13[%get3A_114], %gather3A_128 {add = true} : memref<10240xf32, #tpu.memory_space<vmem>>[vector<16xi32>], vector<16xf32>,
        tpu.vector_store_idx %arg14[%get3A_114], %gather3A_129 {add = true} : memref<10240xf32, #tpu.memory_space<vmem>>[vector<16xi32>], vector<16xf32>,
        %get3A_130 = arith.index_cast %scan3A_91 : i32 to index
        %get3A_131 = arith.constant 64 : index
        %get3A_132 = tpu.vector_load %arg16[%get3A_130, %get3A_131] {strides = array<i32>} : memref<64x128xi32, #tpu.memory_space<vmem>>, vector<16xi32>,
        %get3A_133 = arith.index_cast %scan3A_91 : i32 to index
        %get3A_134 = arith.constant 80 : index
        %get3A_135 = tpu.vector_load %arg16[%get3A_133, %get3A_134] {strides = array<i32>} : memref<64x128xi32, #tpu.memory_space<vmem>>, vector<16xi32>,
        %get3A_136 = arith.index_cast %scan3A_91 : i32 to index
        %get3A_137 = arith.constant 96 : index
        %get3A_138 = tpu.vector_load %arg16[%get3A_136, %get3A_137] {strides = array<i32>} : memref<64x128xi32, #tpu.memory_space<vmem>>, vector<16xi32>,
        %get3A_139 = arith.index_cast %scan3A_91 : i32 to index
        %get3A_140 = arith.constant 112 : index
        %get3A_141 = tpu.vector_load %arg16[%get3A_139, %get3A_140] {strides = array<i32>} : memref<64x128xi32, #tpu.memory_space<vmem>>, vector<16xi32>,
        %get3A_142 = arith.index_cast %scan3A_91 : i32 to index
        %get3A_143 = arith.constant 64 : index
        %get3A_144 = tpu.vector_load %arg18[%get3A_142, %get3A_143] {strides = array<i32>} : memref<64x128xi32, #tpu.memory_space<vmem>>, vector<16xi32>,
        %get3A_145 = arith.index_cast %scan3A_91 : i32 to index
        %get3A_146 = arith.constant 80 : index
        %get3A_147 = tpu.vector_load %arg18[%get3A_145, %get3A_146] {strides = array<i32>} : memref<64x128xi32, #tpu.memory_space<vmem>>, vector<16xi32>,
        %get3A_148 = arith.index_cast %scan3A_91 : i32 to index
        %get3A_149 = arith.constant 96 : index
        %get3A_150 = tpu.vector_load %arg18[%get3A_148, %get3A_149] {strides = array<i32>} : memref<64x128xi32, #tpu.memory_space<vmem>>, vector<16xi32>,
        %get3A_151 = arith.index_cast %scan3A_91 : i32 to index
        %get3A_152 = arith.constant 112 : index
        %get3A_153 = tpu.vector_load %arg18[%get3A_151, %get3A_152] {strides = array<i32>} : memref<64x128xi32, #tpu.memory_space<vmem>>, vector<16xi32>,
        %gather3A_154 = tpu.vector_load_idx %arg7[%get3A_132] : memref<10240xf32, #tpu.memory_space<vmem>>[vector<16xi32>], vector<16xf32>,
        %gather3A_155 = tpu.vector_load_idx %arg8[%get3A_132] : memref<10240xf32, #tpu.memory_space<vmem>>[vector<16xi32>], vector<16xf32>,
        %gather3A_156 = tpu.vector_load_idx %arg9[%get3A_132] : memref<10240xf32, #tpu.memory_space<vmem>>[vector<16xi32>], vector<16xf32>,
        %gather3A_157 = tpu.vector_load_idx %arg10[%get3A_132] : memref<10240xf32, #tpu.memory_space<vmem>>[vector<16xi32>], vector<16xf32>,
        %gather3A_158 = tpu.vector_load_idx %arg7[%get3A_135] : memref<10240xf32, #tpu.memory_space<vmem>>[vector<16xi32>], vector<16xf32>,
        %gather3A_159 = tpu.vector_load_idx %arg8[%get3A_135] : memref<10240xf32, #tpu.memory_space<vmem>>[vector<16xi32>], vector<16xf32>,
        %gather3A_160 = tpu.vector_load_idx %arg9[%get3A_135] : memref<10240xf32, #tpu.memory_space<vmem>>[vector<16xi32>], vector<16xf32>,
        %gather3A_161 = tpu.vector_load_idx %arg10[%get3A_135] : memref<10240xf32, #tpu.memory_space<vmem>>[vector<16xi32>], vector<16xf32>,
        %gather3A_162 = tpu.vector_load_idx %arg7[%get3A_138] : memref<10240xf32, #tpu.memory_space<vmem>>[vector<16xi32>], vector<16xf32>,
        %gather3A_163 = tpu.vector_load_idx %arg8[%get3A_138] : memref<10240xf32, #tpu.memory_space<vmem>>[vector<16xi32>], vector<16xf32>,
        %gather3A_164 = tpu.vector_load_idx %arg9[%get3A_138] : memref<10240xf32, #tpu.memory_space<vmem>>[vector<16xi32>], vector<16xf32>,
        %gather3A_165 = tpu.vector_load_idx %arg10[%get3A_138] : memref<10240xf32, #tpu.memory_space<vmem>>[vector<16xi32>], vector<16xf32>,
        %gather3A_166 = tpu.vector_load_idx %arg7[%get3A_141] : memref<10240xf32, #tpu.memory_space<vmem>>[vector<16xi32>], vector<16xf32>,
        %gather3A_167 = tpu.vector_load_idx %arg8[%get3A_141] : memref<10240xf32, #tpu.memory_space<vmem>>[vector<16xi32>], vector<16xf32>,
        %gather3A_168 = tpu.vector_load_idx %arg9[%get3A_141] : memref<10240xf32, #tpu.memory_space<vmem>>[vector<16xi32>], vector<16xf32>,
        %gather3A_169 = tpu.vector_load_idx %arg10[%get3A_141] : memref<10240xf32, #tpu.memory_space<vmem>>[vector<16xi32>], vector<16xf32>,
        tpu.vector_store_idx %arg11[%get3A_144], %gather3A_154 {add = true} : memref<10240xf32, #tpu.memory_space<vmem>>[vector<16xi32>], vector<16xf32>,
        tpu.vector_store_idx %arg12[%get3A_144], %gather3A_155 {add = true} : memref<10240xf32, #tpu.memory_space<vmem>>[vector<16xi32>], vector<16xf32>,
        tpu.vector_store_idx %arg13[%get3A_144], %gather3A_156 {add = true} : memref<10240xf32, #tpu.memory_space<vmem>>[vector<16xi32>], vector<16xf32>,
        tpu.vector_store_idx %arg14[%get3A_144], %gather3A_157 {add = true} : memref<10240xf32, #tpu.memory_space<vmem>>[vector<16xi32>], vector<16xf32>,
        tpu.vector_store_idx %arg11[%get3A_147], %gather3A_158 {add = true} : memref<10240xf32, #tpu.memory_space<vmem>>[vector<16xi32>], vector<16xf32>,
        tpu.vector_store_idx %arg12[%get3A_147], %gather3A_159 {add = true} : memref<10240xf32, #tpu.memory_space<vmem>>[vector<16xi32>], vector<16xf32>,
        tpu.vector_store_idx %arg13[%get3A_147], %gather3A_160 {add = true} : memref<10240xf32, #tpu.memory_space<vmem>>[vector<16xi32>], vector<16xf32>,
        tpu.vector_store_idx %arg14[%get3A_147], %gather3A_161 {add = true} : memref<10240xf32, #tpu.memory_space<vmem>>[vector<16xi32>], vector<16xf32>,
        tpu.vector_store_idx %arg11[%get3A_150], %gather3A_162 {add = true} : memref<10240xf32, #tpu.memory_space<vmem>>[vector<16xi32>], vector<16xf32>,
        tpu.vector_store_idx %arg12[%get3A_150], %gather3A_163 {add = true} : memref<10240xf32, #tpu.memory_space<vmem>>[vector<16xi32>], vector<16xf32>,
        tpu.vector_store_idx %arg13[%get3A_150], %gather3A_164 {add = true} : memref<10240xf32, #tpu.memory_space<vmem>>[vector<16xi32>], vector<16xf32>,
        tpu.vector_store_idx %arg14[%get3A_150], %gather3A_165 {add = true} : memref<10240xf32, #tpu.memory_space<vmem>>[vector<16xi32>], vector<16xf32>,
        tpu.vector_store_idx %arg11[%get3A_153], %gather3A_166 {add = true} : memref<10240xf32, #tpu.memory_space<vmem>>[vector<16xi32>], vector<16xf32>,
        tpu.vector_store_idx %arg12[%get3A_153], %gather3A_167 {add = true} : memref<10240xf32, #tpu.memory_space<vmem>>[vector<16xi32>], vector<16xf32>,
        tpu.vector_store_idx %arg13[%get3A_153], %gather3A_168 {add = true} : memref<10240xf32, #tpu.memory_space<vmem>>[vector<16xi32>], vector<16xf32>,
        tpu.vector_store_idx %arg14[%get3A_153], %gather3A_169 {add = true} : memref<10240xf32, #tpu.memory_space<vmem>>[vector<16xi32>], vector<16xf32>,
      }
      %scan3A_90 = arith.constant 64 : i32
    }
    %scan3A_26 = arith.constant 20 : i32
    %add3A_27 = arith.constant 0 : i32
    %add3A_28 = arith.addi %mul3A_2, %add3A_27 : i32
    "tpu.region"() ({
      %run_scoped3A = tpu.sem_alloc : memref<!tpu.dma_semaphore, #tpu.memory_space<semaphore_mem>>
      %dma_start3A_35 = arith.constant 0 : i32
      %dma_start3A_36 = tpu.memref_slice %arg6[%add3A_28, %dma_start3A_35] : memref<128x10240xf32, #tpu.memory_space<hbm>> -> memref<1x10240xf32, #tpu.memory_space<hbm>>
      %dma_start3A_37 = tpu.memref_squeeze %dma_start3A_36 : memref<1x10240xf32, #tpu.memory_space<hbm>> -> memref<10240xf32, #tpu.memory_space<hbm>>
      %dma_start3A_38 = arith.constant 0 : i32
      %dma_start3A_39 = tpu.memref_slice %arg6[%add3A_28, %dma_start3A_38] : memref<128x10240xf32, #tpu.memory_space<hbm>> -> memref<1x10240xf32, #tpu.memory_space<hbm>>
      %dma_start3A_40 = tpu.memref_squeeze %dma_start3A_39 : memref<1x10240xf32, #tpu.memory_space<hbm>> -> memref<10240xf32, #tpu.memory_space<hbm>>
      tpu.enqueue_dma source(%arg11 : memref<10240xf32, #tpu.memory_space<vmem>>) target(%dma_start3A_40 : memref<10240xf32, #tpu.memory_space<hbm>>) target_semaphore(%run_scoped3A : memref<!tpu.dma_semaphore, #tpu.memory_space<semaphore_mem>>)
      %dma_wait3A = arith.constant 0 : i32
      %dma_wait3A_41 = tpu.memref_slice %arg6[%add3A_28, %dma_wait3A] : memref<128x10240xf32, #tpu.memory_space<hbm>> -> memref<1x10240xf32, #tpu.memory_space<hbm>>
      %dma_wait3A_42 = tpu.memref_squeeze %dma_wait3A_41 : memref<1x10240xf32, #tpu.memory_space<hbm>> -> memref<10240xf32, #tpu.memory_space<hbm>>
      %dma_wait3A_43 = arith.constant 0 : i32
      %dma_wait3A_44 = tpu.memref_slice %arg6[%add3A_28, %dma_wait3A_43] : memref<128x10240xf32, #tpu.memory_space<hbm>> -> memref<1x10240xf32, #tpu.memory_space<hbm>>
      %dma_wait3A_45 = tpu.memref_squeeze %dma_wait3A_44 : memref<1x10240xf32, #tpu.memory_space<hbm>> -> memref<10240xf32, #tpu.memory_space<hbm>>
      tpu.wait_dma2 semaphore(%run_scoped3A : memref<!tpu.dma_semaphore, #tpu.memory_space<semaphore_mem>>) src(%arg11 : memref<10240xf32, #tpu.memory_space<vmem>>) dst(%dma_wait3A_45 : memref<10240xf32, #tpu.memory_space<hbm>>)
      tpu.yield
    }) : () -> ()
    %add3A_29 = arith.constant 1 : i32
    %add3A_30 = arith.addi %mul3A_2, %add3A_29 : i32
    "tpu.region"() ({
      %run_scoped3A = tpu.sem_alloc : memref<!tpu.dma_semaphore, #tpu.memory_space<semaphore_mem>>
      %dma_start3A_35 = arith.constant 0 : i32
      %dma_start3A_36 = tpu.memref_slice %arg6[%add3A_30, %dma_start3A_35] : memref<128x10240xf32, #tpu.memory_space<hbm>> -> memref<1x10240xf32, #tpu.memory_space<hbm>>
      %dma_start3A_37 = tpu.memref_squeeze %dma_start3A_36 : memref<1x10240xf32, #tpu.memory_space<hbm>> -> memref<10240xf32, #tpu.memory_space<hbm>>
      %dma_start3A_38 = arith.constant 0 : i32
      %dma_start3A_39 = tpu.memref_slice %arg6[%add3A_30, %dma_start3A_38] : memref<128x10240xf32, #tpu.memory_space<hbm>> -> memref<1x10240xf32, #tpu.memory_space<hbm>>
      %dma_start3A_40 = tpu.memref_squeeze %dma_start3A_39 : memref<1x10240xf32, #tpu.memory_space<hbm>> -> memref<10240xf32, #tpu.memory_space<hbm>>
      tpu.enqueue_dma source(%arg12 : memref<10240xf32, #tpu.memory_space<vmem>>) target(%dma_start3A_40 : memref<10240xf32, #tpu.memory_space<hbm>>) target_semaphore(%run_scoped3A : memref<!tpu.dma_semaphore, #tpu.memory_space<semaphore_mem>>)
      %dma_wait3A = arith.constant 0 : i32
      %dma_wait3A_41 = tpu.memref_slice %arg6[%add3A_30, %dma_wait3A] : memref<128x10240xf32, #tpu.memory_space<hbm>> -> memref<1x10240xf32, #tpu.memory_space<hbm>>
      %dma_wait3A_42 = tpu.memref_squeeze %dma_wait3A_41 : memref<1x10240xf32, #tpu.memory_space<hbm>> -> memref<10240xf32, #tpu.memory_space<hbm>>
      %dma_wait3A_43 = arith.constant 0 : i32
      %dma_wait3A_44 = tpu.memref_slice %arg6[%add3A_30, %dma_wait3A_43] : memref<128x10240xf32, #tpu.memory_space<hbm>> -> memref<1x10240xf32, #tpu.memory_space<hbm>>
      %dma_wait3A_45 = tpu.memref_squeeze %dma_wait3A_44 : memref<1x10240xf32, #tpu.memory_space<hbm>> -> memref<10240xf32, #tpu.memory_space<hbm>>
      tpu.wait_dma2 semaphore(%run_scoped3A : memref<!tpu.dma_semaphore, #tpu.memory_space<semaphore_mem>>) src(%arg12 : memref<10240xf32, #tpu.memory_space<vmem>>) dst(%dma_wait3A_45 : memref<10240xf32, #tpu.memory_space<hbm>>)
      tpu.yield
    }) : () -> ()
    %add3A_31 = arith.constant 2 : i32
    %add3A_32 = arith.addi %mul3A_2, %add3A_31 : i32
    "tpu.region"() ({
      %run_scoped3A = tpu.sem_alloc : memref<!tpu.dma_semaphore, #tpu.memory_space<semaphore_mem>>
      %dma_start3A_35 = arith.constant 0 : i32
      %dma_start3A_36 = tpu.memref_slice %arg6[%add3A_32, %dma_start3A_35] : memref<128x10240xf32, #tpu.memory_space<hbm>> -> memref<1x10240xf32, #tpu.memory_space<hbm>>
      %dma_start3A_37 = tpu.memref_squeeze %dma_start3A_36 : memref<1x10240xf32, #tpu.memory_space<hbm>> -> memref<10240xf32, #tpu.memory_space<hbm>>
      %dma_start3A_38 = arith.constant 0 : i32
      %dma_start3A_39 = tpu.memref_slice %arg6[%add3A_32, %dma_start3A_38] : memref<128x10240xf32, #tpu.memory_space<hbm>> -> memref<1x10240xf32, #tpu.memory_space<hbm>>
      %dma_start3A_40 = tpu.memref_squeeze %dma_start3A_39 : memref<1x10240xf32, #tpu.memory_space<hbm>> -> memref<10240xf32, #tpu.memory_space<hbm>>
      tpu.enqueue_dma source(%arg13 : memref<10240xf32, #tpu.memory_space<vmem>>) target(%dma_start3A_40 : memref<10240xf32, #tpu.memory_space<hbm>>) target_semaphore(%run_scoped3A : memref<!tpu.dma_semaphore, #tpu.memory_space<semaphore_mem>>)
      %dma_wait3A = arith.constant 0 : i32
      %dma_wait3A_41 = tpu.memref_slice %arg6[%add3A_32, %dma_wait3A] : memref<128x10240xf32, #tpu.memory_space<hbm>> -> memref<1x10240xf32, #tpu.memory_space<hbm>>
      %dma_wait3A_42 = tpu.memref_squeeze %dma_wait3A_41 : memref<1x10240xf32, #tpu.memory_space<hbm>> -> memref<10240xf32, #tpu.memory_space<hbm>>
      %dma_wait3A_43 = arith.constant 0 : i32
      %dma_wait3A_44 = tpu.memref_slice %arg6[%add3A_32, %dma_wait3A_43] : memref<128x10240xf32, #tpu.memory_space<hbm>> -> memref<1x10240xf32, #tpu.memory_space<hbm>>
      %dma_wait3A_45 = tpu.memref_squeeze %dma_wait3A_44 : memref<1x10240xf32, #tpu.memory_space<hbm>> -> memref<10240xf32, #tpu.memory_space<hbm>>
      tpu.wait_dma2 semaphore(%run_scoped3A : memref<!tpu.dma_semaphore, #tpu.memory_space<semaphore_mem>>) src(%arg13 : memref<10240xf32, #tpu.memory_space<vmem>>) dst(%dma_wait3A_45 : memref<10240xf32, #tpu.memory_space<hbm>>)
      tpu.yield
    }) : () -> ()
    %add3A_33 = arith.constant 3 : i32
    %add3A_34 = arith.addi %mul3A_2, %add3A_33 : i32
    "tpu.region"() ({
      %run_scoped3A = tpu.sem_alloc : memref<!tpu.dma_semaphore, #tpu.memory_space<semaphore_mem>>
      %dma_start3A_35 = arith.constant 0 : i32
      %dma_start3A_36 = tpu.memref_slice %arg6[%add3A_34, %dma_start3A_35] : memref<128x10240xf32, #tpu.memory_space<hbm>> -> memref<1x10240xf32, #tpu.memory_space<hbm>>
      %dma_start3A_37 = tpu.memref_squeeze %dma_start3A_36 : memref<1x10240xf32, #tpu.memory_space<hbm>> -> memref<10240xf32, #tpu.memory_space<hbm>>
      %dma_start3A_38 = arith.constant 0 : i32
      %dma_start3A_39 = tpu.memref_slice %arg6[%add3A_34, %dma_start3A_38] : memref<128x10240xf32, #tpu.memory_space<hbm>> -> memref<1x10240xf32, #tpu.memory_space<hbm>>
      %dma_start3A_40 = tpu.memref_squeeze %dma_start3A_39 : memref<1x10240xf32, #tpu.memory_space<hbm>> -> memref<10240xf32, #tpu.memory_space<hbm>>
      tpu.enqueue_dma source(%arg14 : memref<10240xf32, #tpu.memory_space<vmem>>) target(%dma_start3A_40 : memref<10240xf32, #tpu.memory_space<hbm>>) target_semaphore(%run_scoped3A : memref<!tpu.dma_semaphore, #tpu.memory_space<semaphore_mem>>)
      %dma_wait3A = arith.constant 0 : i32
      %dma_wait3A_41 = tpu.memref_slice %arg6[%add3A_34, %dma_wait3A] : memref<128x10240xf32, #tpu.memory_space<hbm>> -> memref<1x10240xf32, #tpu.memory_space<hbm>>
      %dma_wait3A_42 = tpu.memref_squeeze %dma_wait3A_41 : memref<1x10240xf32, #tpu.memory_space<hbm>> -> memref<10240xf32, #tpu.memory_space<hbm>>
      %dma_wait3A_43 = arith.constant 0 : i32
      %dma_wait3A_44 = tpu.memref_slice %arg6[%add3A_34, %dma_wait3A_43] : memref<128x10240xf32, #tpu.memory_space<hbm>> -> memref<1x10240xf32, #tpu.memory_space<hbm>>
      %dma_wait3A_45 = tpu.memref_squeeze %dma_wait3A_44 : memref<1x10240xf32, #tpu.memory_space<hbm>> -> memref<10240xf32, #tpu.memory_space<hbm>>
      tpu.wait_dma2 semaphore(%run_scoped3A : memref<!tpu.dma_semaphore, #tpu.memory_space<semaphore_mem>>) src(%arg14 : memref<10240xf32, #tpu.memory_space<vmem>>) dst(%dma_wait3A_45 : memref<10240xf32, #tpu.memory_space<hbm>>)
      tpu.yield
    }) : () -> ()
    return
  }
}

#map = affine_map<(d0, d1) -> (0, 0)>
#map1 = affine_map<(d0, d1) -> (0)>
module attributes {stable_mosaic.version = 14 : i64} {
  func.func @_sc_scatter(%arg0: i32, %arg1: i32, %arg2: memref<128x10240xf32, #tpu.memory_space<hbm>>, %arg3: memref<2560x128xi32, #tpu.memory_space<hbm>>, %arg4: memref<2560x128xi32, #tpu.memory_space<hbm>>, %arg5: memref<10240xf32, #tpu.memory_space<hbm>>, %arg6: memref<128x10240xf32, #tpu.memory_space<hbm>>, %arg7: memref<10240xf32, #tpu.memory_space<vmem>>, %arg8: memref<10240xf32, #tpu.memory_space<vmem>>, %arg9: memref<10240xf32, #tpu.memory_space<vmem>>, %arg10: memref<10240xf32, #tpu.memory_space<vmem>>, %arg11: memref<10240xf32, #tpu.memory_space<vmem>>, %arg12: memref<10240xf32, #tpu.memory_space<vmem>>, %arg13: memref<10240xf32, #tpu.memory_space<vmem>>, %arg14: memref<10240xf32, #tpu.memory_space<vmem>>, %arg15: memref<64x128xi32, #tpu.memory_space<vmem>>, %arg16: memref<64x128xi32, #tpu.memory_space<vmem>>, %arg17: memref<64x128xi32, #tpu.memory_space<vmem>>, %arg18: memref<64x128xi32, #tpu.memory_space<vmem>>, %arg19: memref<!tpu.dma_semaphore, #tpu.memory_space<semaphore_mem>>, %arg20: memref<!tpu.dma_semaphore, #tpu.memory_space<semaphore_mem>>) attributes {dimension_semantics = [#tpu.dimension_semantics<core_parallel>, #tpu.dimension_semantics<subcore_parallel>], iteration_bounds = array<i64: 2, 16>, scalar_prefetch = 0 : i64, scratch_operands = 14 : i64, tpu.core_type = #tpu.core_type<sc_vector_subcore>, window_params = [{transform_indices = #map}, {transform_indices = #map}, {transform_indices = #map}, {transform_indices = #map1}, {transform_indices = #map}]} {
    %mul3A = arith.constant 2 : i32
    %mul3A_0 = arith.muli %arg1, %mul3A : i32
    %add3A = arith.addi %mul3A_0, %arg0 : i32
    %mul3A_1 = arith.constant 4 : i32
    %mul3A_2 = arith.muli %add3A, %mul3A_1 : i32
    %add3A_3 = arith.constant 0 : i32
    %add3A_4 = arith.addi %mul3A_2, %add3A_3 : i32
    "tpu.region"() ({
      %run_scoped3A = tpu.sem_alloc : memref<!tpu.dma_semaphore, #tpu.memory_space<semaphore_mem>>
      %dma_start3A_35 = arith.constant 0 : i32
      %dma_start3A_36 = tpu.memref_slice %arg2[%add3A_4, %dma_start3A_35] : memref<128x10240xf32, #tpu.memory_space<hbm>> -> memref<1x10240xf32, #tpu.memory_space<hbm>>
      %dma_start3A_37 = tpu.memref_squeeze %dma_start3A_36 : memref<1x10240xf32, #tpu.memory_space<hbm>> -> memref<10240xf32, #tpu.memory_space<hbm>>
      %dma_start3A_38 = arith.constant 0 : i32
      %dma_start3A_39 = tpu.memref_slice %arg2[%add3A_4, %dma_start3A_38] : memref<128x10240xf32, #tpu.memory_space<hbm>> -> memref<1x10240xf32, #tpu.memory_space<hbm>>
      %dma_start3A_40 = tpu.memref_squeeze %dma_start3A_39 : memref<1x10240xf32, #tpu.memory_space<hbm>> -> memref<10240xf32, #tpu.memory_space<hbm>>
      tpu.enqueue_dma source(%dma_start3A_40 : memref<10240xf32, #tpu.memory_space<hbm>>) target(%arg7 : memref<10240xf32, #tpu.memory_space<vmem>>) target_semaphore(%run_scoped3A : memref<!tpu.dma_semaphore, #tpu.memory_space<semaphore_mem>>)
      %dma_wait3A = arith.constant 0 : i32
      %dma_wait3A_41 = tpu.memref_slice %arg2[%add3A_4, %dma_wait3A] : memref<128x10240xf32, #tpu.memory_space<hbm>> -> memref<1x10240xf32, #tpu.memory_space<hbm>>
      %dma_wait3A_42 = tpu.memref_squeeze %dma_wait3A_41 : memref<1x10240xf32, #tpu.memory_space<hbm>> -> memref<10240xf32, #tpu.memory_space<hbm>>
      %dma_wait3A_43 = arith.constant 0 : i32
      %dma_wait3A_44 = tpu.memref_slice %arg2[%add3A_4, %dma_wait3A_43] : memref<128x10240xf32, #tpu.memory_space<hbm>> -> memref<1x10240xf32, #tpu.memory_space<hbm>>
      %dma_wait3A_45 = tpu.memref_squeeze %dma_wait3A_44 : memref<1x10240xf32, #tpu.memory_space<hbm>> -> memref<10240xf32, #tpu.memory_space<hbm>>
      tpu.wait_dma2 semaphore(%run_scoped3A : memref<!tpu.dma_semaphore, #tpu.memory_space<semaphore_mem>>) src(%dma_wait3A_45 : memref<10240xf32, #tpu.memory_space<hbm>>) dst(%arg7 : memref<10240xf32, #tpu.memory_space<vmem>>)
      tpu.yield
    }) : () -> ()
    "tpu.region"() ({
      %run_scoped3A = tpu.sem_alloc : memref<!tpu.dma_semaphore, #tpu.memory_space<semaphore_mem>>
      tpu.enqueue_dma source(%arg5 : memref<10240xf32, #tpu.memory_space<hbm>>) target(%arg11 : memref<10240xf32, #tpu.memory_space<vmem>>) target_semaphore(%run_scoped3A : memref<!tpu.dma_semaphore, #tpu.memory_space<semaphore_mem>>)
      tpu.wait_dma2 semaphore(%run_scoped3A : memref<!tpu.dma_semaphore, #tpu.memory_space<semaphore_mem>>) src(%arg5 : memref<10240xf32, #tpu.memory_space<hbm>>) dst(%arg11 : memref<10240xf32, #tpu.memory_space<vmem>>)
      tpu.yield
    }) : () -> ()
    %add3A_5 = arith.constant 1 : i32
    %add3A_6 = arith.addi %mul3A_2, %add3A_5 : i32
    "tpu.region"() ({
      %run_scoped3A = tpu.sem_alloc : memref<!tpu.dma_semaphore, #tpu.memory_space<semaphore_mem>>
      %dma_start3A_35 = arith.constant 0 : i32
      %dma_start3A_36 = tpu.memref_slice %arg2[%add3A_6, %dma_start3A_35] : memref<128x10240xf32, #tpu.memory_space<hbm>> -> memref<1x10240xf32, #tpu.memory_space<hbm>>
      %dma_start3A_37 = tpu.memref_squeeze %dma_start3A_36 : memref<1x10240xf32, #tpu.memory_space<hbm>> -> memref<10240xf32, #tpu.memory_space<hbm>>
      %dma_start3A_38 = arith.constant 0 : i32
      %dma_start3A_39 = tpu.memref_slice %arg2[%add3A_6, %dma_start3A_38] : memref<128x10240xf32, #tpu.memory_space<hbm>> -> memref<1x10240xf32, #tpu.memory_space<hbm>>
      %dma_start3A_40 = tpu.memref_squeeze %dma_start3A_39 : memref<1x10240xf32, #tpu.memory_space<hbm>> -> memref<10240xf32, #tpu.memory_space<hbm>>
      tpu.enqueue_dma source(%dma_start3A_40 : memref<10240xf32, #tpu.memory_space<hbm>>) target(%arg8 : memref<10240xf32, #tpu.memory_space<vmem>>) target_semaphore(%run_scoped3A : memref<!tpu.dma_semaphore, #tpu.memory_space<semaphore_mem>>)
      %dma_wait3A = arith.constant 0 : i32
      %dma_wait3A_41 = tpu.memref_slice %arg2[%add3A_6, %dma_wait3A] : memref<128x10240xf32, #tpu.memory_space<hbm>> -> memref<1x10240xf32, #tpu.memory_space<hbm>>
      %dma_wait3A_42 = tpu.memref_squeeze %dma_wait3A_41 : memref<1x10240xf32, #tpu.memory_space<hbm>> -> memref<10240xf32, #tpu.memory_space<hbm>>
      %dma_wait3A_43 = arith.constant 0 : i32
      %dma_wait3A_44 = tpu.memref_slice %arg2[%add3A_6, %dma_wait3A_43] : memref<128x10240xf32, #tpu.memory_space<hbm>> -> memref<1x10240xf32, #tpu.memory_space<hbm>>
      %dma_wait3A_45 = tpu.memref_squeeze %dma_wait3A_44 : memref<1x10240xf32, #tpu.memory_space<hbm>> -> memref<10240xf32, #tpu.memory_space<hbm>>
      tpu.wait_dma2 semaphore(%run_scoped3A : memref<!tpu.dma_semaphore, #tpu.memory_space<semaphore_mem>>) src(%dma_wait3A_45 : memref<10240xf32, #tpu.memory_space<hbm>>) dst(%arg8 : memref<10240xf32, #tpu.memory_space<vmem>>)
      tpu.yield
    }) : () -> ()
    "tpu.region"() ({
      %run_scoped3A = tpu.sem_alloc : memref<!tpu.dma_semaphore, #tpu.memory_space<semaphore_mem>>
      tpu.enqueue_dma source(%arg5 : memref<10240xf32, #tpu.memory_space<hbm>>) target(%arg12 : memref<10240xf32, #tpu.memory_space<vmem>>) target_semaphore(%run_scoped3A : memref<!tpu.dma_semaphore, #tpu.memory_space<semaphore_mem>>)
      tpu.wait_dma2 semaphore(%run_scoped3A : memref<!tpu.dma_semaphore, #tpu.memory_space<semaphore_mem>>) src(%arg5 : memref<10240xf32, #tpu.memory_space<hbm>>) dst(%arg12 : memref<10240xf32, #tpu.memory_space<vmem>>)
      tpu.yield
    }) : () -> ()
    %add3A_7 = arith.constant 2 : i32
    %add3A_8 = arith.addi %mul3A_2, %add3A_7 : i32
    "tpu.region"() ({
      %run_scoped3A = tpu.sem_alloc : memref<!tpu.dma_semaphore, #tpu.memory_space<semaphore_mem>>
      %dma_start3A_35 = arith.constant 0 : i32
      %dma_start3A_36 = tpu.memref_slice %arg2[%add3A_8, %dma_start3A_35] : memref<128x10240xf32, #tpu.memory_space<hbm>> -> memref<1x10240xf32, #tpu.memory_space<hbm>>
      %dma_start3A_37 = tpu.memref_squeeze %dma_start3A_36 : memref<1x10240xf32, #tpu.memory_space<hbm>> -> memref<10240xf32, #tpu.memory_space<hbm>>
      %dma_start3A_38 = arith.constant 0 : i32
      %dma_start3A_39 = tpu.memref_slice %arg2[%add3A_8, %dma_start3A_38] : memref<128x10240xf32, #tpu.memory_space<hbm>> -> memref<1x10240xf32, #tpu.memory_space<hbm>>
      %dma_start3A_40 = tpu.memref_squeeze %dma_start3A_39 : memref<1x10240xf32, #tpu.memory_space<hbm>> -> memref<10240xf32, #tpu.memory_space<hbm>>
      tpu.enqueue_dma source(%dma_start3A_40 : memref<10240xf32, #tpu.memory_space<hbm>>) target(%arg9 : memref<10240xf32, #tpu.memory_space<vmem>>) target_semaphore(%run_scoped3A : memref<!tpu.dma_semaphore, #tpu.memory_space<semaphore_mem>>)
      %dma_wait3A = arith.constant 0 : i32
      %dma_wait3A_41 = tpu.memref_slice %arg2[%add3A_8, %dma_wait3A] : memref<128x10240xf32, #tpu.memory_space<hbm>> -> memref<1x10240xf32, #tpu.memory_space<hbm>>
      %dma_wait3A_42 = tpu.memref_squeeze %dma_wait3A_41 : memref<1x10240xf32, #tpu.memory_space<hbm>> -> memref<10240xf32, #tpu.memory_space<hbm>>
      %dma_wait3A_43 = arith.constant 0 : i32
      %dma_wait3A_44 = tpu.memref_slice %arg2[%add3A_8, %dma_wait3A_43] : memref<128x10240xf32, #tpu.memory_space<hbm>> -> memref<1x10240xf32, #tpu.memory_space<hbm>>
      %dma_wait3A_45 = tpu.memref_squeeze %dma_wait3A_44 : memref<1x10240xf32, #tpu.memory_space<hbm>> -> memref<10240xf32, #tpu.memory_space<hbm>>
      tpu.wait_dma2 semaphore(%run_scoped3A : memref<!tpu.dma_semaphore, #tpu.memory_space<semaphore_mem>>) src(%dma_wait3A_45 : memref<10240xf32, #tpu.memory_space<hbm>>) dst(%arg9 : memref<10240xf32, #tpu.memory_space<vmem>>)
      tpu.yield
    }) : () -> ()
    "tpu.region"() ({
      %run_scoped3A = tpu.sem_alloc : memref<!tpu.dma_semaphore, #tpu.memory_space<semaphore_mem>>
      tpu.enqueue_dma source(%arg5 : memref<10240xf32, #tpu.memory_space<hbm>>) target(%arg13 : memref<10240xf32, #tpu.memory_space<vmem>>) target_semaphore(%run_scoped3A : memref<!tpu.dma_semaphore, #tpu.memory_space<semaphore_mem>>)
      tpu.wait_dma2 semaphore(%run_scoped3A : memref<!tpu.dma_semaphore, #tpu.memory_space<semaphore_mem>>) src(%arg5 : memref<10240xf32, #tpu.memory_space<hbm>>) dst(%arg13 : memref<10240xf32, #tpu.memory_space<vmem>>)
      tpu.yield
    }) : () -> ()
    %add3A_9 = arith.constant 3 : i32
    %add3A_10 = arith.addi %mul3A_2, %add3A_9 : i32
    "tpu.region"() ({
      %run_scoped3A = tpu.sem_alloc : memref<!tpu.dma_semaphore, #tpu.memory_space<semaphore_mem>>
      %dma_start3A_35 = arith.constant 0 : i32
      %dma_start3A_36 = tpu.memref_slice %arg2[%add3A_10, %dma_start3A_35] : memref<128x10240xf32, #tpu.memory_space<hbm>> -> memref<1x10240xf32, #tpu.memory_space<hbm>>
      %dma_start3A_37 = tpu.memref_squeeze %dma_start3A_36 : memref<1x10240xf32, #tpu.memory_space<hbm>> -> memref<10240xf32, #tpu.memory_space<hbm>>
      %dma_start3A_38 = arith.constant 0 : i32
      %dma_start3A_39 = tpu.memref_slice %arg2[%add3A_10, %dma_start3A_38] : memref<128x10240xf32, #tpu.memory_space<hbm>> -> memref<1x10240xf32, #tpu.memory_space<hbm>>
      %dma_start3A_40 = tpu.memref_squeeze %dma_start3A_39 : memref<1x10240xf32, #tpu.memory_space<hbm>> -> memref<10240xf32, #tpu.memory_space<hbm>>
      tpu.enqueue_dma source(%dma_start3A_40 : memref<10240xf32, #tpu.memory_space<hbm>>) target(%arg10 : memref<10240xf32, #tpu.memory_space<vmem>>) target_semaphore(%run_scoped3A : memref<!tpu.dma_semaphore, #tpu.memory_space<semaphore_mem>>)
      %dma_wait3A = arith.constant 0 : i32
      %dma_wait3A_41 = tpu.memref_slice %arg2[%add3A_10, %dma_wait3A] : memref<128x10240xf32, #tpu.memory_space<hbm>> -> memref<1x10240xf32, #tpu.memory_space<hbm>>
      %dma_wait3A_42 = tpu.memref_squeeze %dma_wait3A_41 : memref<1x10240xf32, #tpu.memory_space<hbm>> -> memref<10240xf32, #tpu.memory_space<hbm>>
      %dma_wait3A_43 = arith.constant 0 : i32
      %dma_wait3A_44 = tpu.memref_slice %arg2[%add3A_10, %dma_wait3A_43] : memref<128x10240xf32, #tpu.memory_space<hbm>> -> memref<1x10240xf32, #tpu.memory_space<hbm>>
      %dma_wait3A_45 = tpu.memref_squeeze %dma_wait3A_44 : memref<1x10240xf32, #tpu.memory_space<hbm>> -> memref<10240xf32, #tpu.memory_space<hbm>>
      tpu.wait_dma2 semaphore(%run_scoped3A : memref<!tpu.dma_semaphore, #tpu.memory_space<semaphore_mem>>) src(%dma_wait3A_45 : memref<10240xf32, #tpu.memory_space<hbm>>) dst(%arg10 : memref<10240xf32, #tpu.memory_space<vmem>>)
      tpu.yield
    }) : () -> ()
    "tpu.region"() ({
      %run_scoped3A = tpu.sem_alloc : memref<!tpu.dma_semaphore, #tpu.memory_space<semaphore_mem>>
      tpu.enqueue_dma source(%arg5 : memref<10240xf32, #tpu.memory_space<hbm>>) target(%arg14 : memref<10240xf32, #tpu.memory_space<vmem>>) target_semaphore(%run_scoped3A : memref<!tpu.dma_semaphore, #tpu.memory_space<semaphore_mem>>)
      tpu.wait_dma2 semaphore(%run_scoped3A : memref<!tpu.dma_semaphore, #tpu.memory_space<semaphore_mem>>) src(%arg5 : memref<10240xf32, #tpu.memory_space<hbm>>) dst(%arg14 : memref<10240xf32, #tpu.memory_space<vmem>>)
      tpu.yield
    }) : () -> ()
    %dma_start3A = arith.constant 0 : i32
    %dma_start3A_11 = arith.constant 0 : i32
    %dma_start3A_12 = tpu.memref_slice %arg3[%dma_start3A, %dma_start3A_11] : memref<2560x128xi32, #tpu.memory_space<hbm>> -> memref<64x128xi32, #tpu.memory_space<hbm>>
    %dma_start3A_13 = arith.constant 0 : i32
    %dma_start3A_14 = arith.constant 0 : i32
    %dma_start3A_15 = tpu.memref_slice %arg3[%dma_start3A_13, %dma_start3A_14] : memref<2560x128xi32, #tpu.memory_space<hbm>> -> memref<64x128xi32, #tpu.memory_space<hbm>>
    tpu.enqueue_dma source(%dma_start3A_15 : memref<64x128xi32, #tpu.memory_space<hbm>>) target(%arg15 : memref<64x128xi32, #tpu.memory_space<vmem>>) target_semaphore(%arg19 : memref<!tpu.dma_semaphore, #tpu.memory_space<semaphore_mem>>)
    %dma_start3A_16 = arith.constant 0 : i32
    %dma_start3A_17 = arith.constant 0 : i32
    %dma_start3A_18 = tpu.memref_slice %arg4[%dma_start3A_16, %dma_start3A_17] : memref<2560x128xi32, #tpu.memory_space<hbm>> -> memref<64x128xi32, #tpu.memory_space<hbm>>
    %dma_start3A_19 = arith.constant 0 : i32
    %dma_start3A_20 = arith.constant 0 : i32
    %dma_start3A_21 = tpu.memref_slice %arg4[%dma_start3A_19, %dma_start3A_20] : memref<2560x128xi32, #tpu.memory_space<hbm>> -> memref<64x128xi32, #tpu.memory_space<hbm>>
    tpu.enqueue_dma source(%dma_start3A_21 : memref<64x128xi32, #tpu.memory_space<hbm>>) target(%arg17 : memref<64x128xi32, #tpu.memory_space<vmem>>) target_semaphore(%arg19 : memref<!tpu.dma_semaphore, #tpu.memory_space<semaphore_mem>>)
    %scan3A = arith.constant 0 : i32
    %scan3A_22 = arith.constant 0 : i32
    %scan3A_23 = arith.constant 20 : i32
    %scan3A_24 = arith.addi %scan3A_22, %scan3A_23 : i32
    %scan3A_25 = arith.constant 1 : i32
    scf.for %scan3A_35 = %scan3A_22 to %scan3A_24 step %scan3A_25  : i32 {
      %mul3A_36 = arith.constant 2 : i32
      %mul3A_37 = arith.muli %mul3A_36, %scan3A_35 : i32
      %dma_wait3A = arith.constant 0 : i32
      %dma_wait3A_38 = arith.constant 0 : i32
      %dma_wait3A_39 = tpu.memref_slice %arg3[%dma_wait3A, %dma_wait3A_38] : memref<2560x128xi32, #tpu.memory_space<hbm>> -> memref<64x128xi32, #tpu.memory_space<hbm>>
      %dma_wait3A_40 = arith.constant 0 : i32
      %dma_wait3A_41 = arith.constant 0 : i32
      %dma_wait3A_42 = tpu.memref_slice %arg3[%dma_wait3A_40, %dma_wait3A_41] : memref<2560x128xi32, #tpu.memory_space<hbm>> -> memref<64x128xi32, #tpu.memory_space<hbm>>
      tpu.wait_dma2 semaphore(%arg19 : memref<!tpu.dma_semaphore, #tpu.memory_space<semaphore_mem>>) src(%dma_wait3A_42 : memref<64x128xi32, #tpu.memory_space<hbm>>) dst(%arg15 : memref<64x128xi32, #tpu.memory_space<vmem>>)
      %dma_wait3A_43 = arith.constant 0 : i32
      %dma_wait3A_44 = arith.constant 0 : i32
      %dma_wait3A_45 = tpu.memref_slice %arg4[%dma_wait3A_43, %dma_wait3A_44] : memref<2560x128xi32, #tpu.memory_space<hbm>> -> memref<64x128xi32, #tpu.memory_space<hbm>>
      %dma_wait3A_46 = arith.constant 0 : i32
      %dma_wait3A_47 = arith.constant 0 : i32
      %dma_wait3A_48 = tpu.memref_slice %arg4[%dma_wait3A_46, %dma_wait3A_47] : memref<2560x128xi32, #tpu.memory_space<hbm>> -> memref<64x128xi32, #tpu.memory_space<hbm>>
      tpu.wait_dma2 semaphore(%arg19 : memref<!tpu.dma_semaphore, #tpu.memory_space<semaphore_mem>>) src(%dma_wait3A_48 : memref<64x128xi32, #tpu.memory_space<hbm>>) dst(%arg17 : memref<64x128xi32, #tpu.memory_space<vmem>>)
      %add3A_49 = arith.constant 1 : i32
      %add3A_50 = arith.addi %mul3A_37, %add3A_49 : i32
      %mul3A_51 = arith.constant 64 : i32
      %mul3A_52 = arith.muli %add3A_50, %mul3A_51 : i32
      %dma_start3A_53 = arith.constant 0 : i32
      %dma_start3A_54 = tpu.memref_slice %arg3[%mul3A_52, %dma_start3A_53] : memref<2560x128xi32, #tpu.memory_space<hbm>> -> memref<64x128xi32, #tpu.memory_space<hbm>>
      %dma_start3A_55 = arith.constant 0 : i32
      %dma_start3A_56 = tpu.memref_slice %arg3[%mul3A_52, %dma_start3A_55] : memref<2560x128xi32, #tpu.memory_space<hbm>> -> memref<64x128xi32, #tpu.memory_space<hbm>>
      tpu.enqueue_dma source(%dma_start3A_56 : memref<64x128xi32, #tpu.memory_space<hbm>>) target(%arg16 : memref<64x128xi32, #tpu.memory_space<vmem>>) target_semaphore(%arg20 : memref<!tpu.dma_semaphore, #tpu.memory_space<semaphore_mem>>)
      %mul3A_57 = arith.constant 64 : i32
      %mul3A_58 = arith.muli %add3A_50, %mul3A_57 : i32
      %dma_start3A_59 = arith.constant 0 : i32
      %dma_start3A_60 = tpu.memref_slice %arg4[%mul3A_58, %dma_start3A_59] : memref<2560x128xi32, #tpu.memory_space<hbm>> -> memref<64x128xi32, #tpu.memory_space<hbm>>
      %dma_start3A_61 = arith.constant 0 : i32
      %dma_start3A_62 = tpu.memref_slice %arg4[%mul3A_58, %dma_start3A_61] : memref<2560x128xi32, #tpu.memory_space<hbm>> -> memref<64x128xi32, #tpu.memory_space<hbm>>
      tpu.enqueue_dma source(%dma_start3A_62 : memref<64x128xi32, #tpu.memory_space<hbm>>) target(%arg18 : memref<64x128xi32, #tpu.memory_space<vmem>>) target_semaphore(%arg20 : memref<!tpu.dma_semaphore, #tpu.memory_space<semaphore_mem>>)
      %scan3A_63 = arith.constant 0 : i32
      %scan3A_64 = arith.constant 0 : i32
      %scan3A_65 = arith.constant 64 : i32
      %scan3A_66 = arith.addi %scan3A_64, %scan3A_65 : i32
      %scan3A_67 = arith.constant 1 : i32
      scf.for %scan3A_91 = %scan3A_64 to %scan3A_66 step %scan3A_67  : i32 {
        %get3A = arith.index_cast %scan3A_91 : i32 to index
        %get3A_92 = arith.constant 0 : index
        %get3A_93 = tpu.vector_load %arg15[%get3A, %get3A_92] {strides = array<i32>} : memref<64x128xi32, #tpu.memory_space<vmem>>, vector<16xi32>,
        %get3A_94 = arith.index_cast %scan3A_91 : i32 to index
        %get3A_95 = arith.constant 16 : index
        %get3A_96 = tpu.vector_load %arg15[%get3A_94, %get3A_95] {strides = array<i32>} : memref<64x128xi32, #tpu.memory_space<vmem>>, vector<16xi32>,
        %get3A_97 = arith.index_cast %scan3A_91 : i32 to index
        %get3A_98 = arith.constant 32 : index
        %get3A_99 = tpu.vector_load %arg15[%get3A_97, %get3A_98] {strides = array<i32>} : memref<64x128xi32, #tpu.memory_space<vmem>>, vector<16xi32>,
        %get3A_100 = arith.index_cast %scan3A_91 : i32 to index
        %get3A_101 = arith.constant 48 : index
        %get3A_102 = tpu.vector_load %arg15[%get3A_100, %get3A_101] {strides = array<i32>} : memref<64x128xi32, #tpu.memory_space<vmem>>, vector<16xi32>,
        %get3A_103 = arith.index_cast %scan3A_91 : i32 to index
        %get3A_104 = arith.constant 0 : index
        %get3A_105 = tpu.vector_load %arg17[%get3A_103, %get3A_104] {strides = array<i32>} : memref<64x128xi32, #tpu.memory_space<vmem>>, vector<16xi32>,
        %get3A_106 = arith.index_cast %scan3A_91 : i32 to index
        %get3A_107 = arith.constant 16 : index
        %get3A_108 = tpu.vector_load %arg17[%get3A_106, %get3A_107] {strides = array<i32>} : memref<64x128xi32, #tpu.memory_space<vmem>>, vector<16xi32>,
        %get3A_109 = arith.index_cast %scan3A_91 : i32 to index
        %get3A_110 = arith.constant 32 : index
        %get3A_111 = tpu.vector_load %arg17[%get3A_109, %get3A_110] {strides = array<i32>} : memref<64x128xi32, #tpu.memory_space<vmem>>, vector<16xi32>,
        %get3A_112 = arith.index_cast %scan3A_91 : i32 to index
        %get3A_113 = arith.constant 48 : index
        %get3A_114 = tpu.vector_load %arg17[%get3A_112, %get3A_113] {strides = array<i32>} : memref<64x128xi32, #tpu.memory_space<vmem>>, vector<16xi32>,
        %gather3A = tpu.vector_load_idx %arg7[%get3A_93] : memref<10240xf32, #tpu.memory_space<vmem>>[vector<16xi32>], vector<16xf32>,
        %gather3A_115 = tpu.vector_load_idx %arg8[%get3A_93] : memref<10240xf32, #tpu.memory_space<vmem>>[vector<16xi32>], vector<16xf32>,
        %gather3A_116 = tpu.vector_load_idx %arg9[%get3A_93] : memref<10240xf32, #tpu.memory_space<vmem>>[vector<16xi32>], vector<16xf32>,
        %gather3A_117 = tpu.vector_load_idx %arg10[%get3A_93] : memref<10240xf32, #tpu.memory_space<vmem>>[vector<16xi32>], vector<16xf32>,
        %gather3A_118 = tpu.vector_load_idx %arg7[%get3A_96] : memref<10240xf32, #tpu.memory_space<vmem>>[vector<16xi32>], vector<16xf32>,
        %gather3A_119 = tpu.vector_load_idx %arg8[%get3A_96] : memref<10240xf32, #tpu.memory_space<vmem>>[vector<16xi32>], vector<16xf32>,
        %gather3A_120 = tpu.vector_load_idx %arg9[%get3A_96] : memref<10240xf32, #tpu.memory_space<vmem>>[vector<16xi32>], vector<16xf32>,
        %gather3A_121 = tpu.vector_load_idx %arg10[%get3A_96] : memref<10240xf32, #tpu.memory_space<vmem>>[vector<16xi32>], vector<16xf32>,
        %gather3A_122 = tpu.vector_load_idx %arg7[%get3A_99] : memref<10240xf32, #tpu.memory_space<vmem>>[vector<16xi32>], vector<16xf32>,
        %gather3A_123 = tpu.vector_load_idx %arg8[%get3A_99] : memref<10240xf32, #tpu.memory_space<vmem>>[vector<16xi32>], vector<16xf32>,
        %gather3A_124 = tpu.vector_load_idx %arg9[%get3A_99] : memref<10240xf32, #tpu.memory_space<vmem>>[vector<16xi32>], vector<16xf32>,
        %gather3A_125 = tpu.vector_load_idx %arg10[%get3A_99] : memref<10240xf32, #tpu.memory_space<vmem>>[vector<16xi32>], vector<16xf32>,
        %gather3A_126 = tpu.vector_load_idx %arg7[%get3A_102] : memref<10240xf32, #tpu.memory_space<vmem>>[vector<16xi32>], vector<16xf32>,
        %gather3A_127 = tpu.vector_load_idx %arg8[%get3A_102] : memref<10240xf32, #tpu.memory_space<vmem>>[vector<16xi32>], vector<16xf32>,
        %gather3A_128 = tpu.vector_load_idx %arg9[%get3A_102] : memref<10240xf32, #tpu.memory_space<vmem>>[vector<16xi32>], vector<16xf32>,
        %gather3A_129 = tpu.vector_load_idx %arg10[%get3A_102] : memref<10240xf32, #tpu.memory_space<vmem>>[vector<16xi32>], vector<16xf32>,
        tpu.vector_store_idx %arg11[%get3A_105], %gather3A {add = true} : memref<10240xf32, #tpu.memory_space<vmem>>[vector<16xi32>], vector<16xf32>,
        tpu.vector_store_idx %arg12[%get3A_105], %gather3A_115 {add = true} : memref<10240xf32, #tpu.memory_space<vmem>>[vector<16xi32>], vector<16xf32>,
        tpu.vector_store_idx %arg13[%get3A_105], %gather3A_116 {add = true} : memref<10240xf32, #tpu.memory_space<vmem>>[vector<16xi32>], vector<16xf32>,
        tpu.vector_store_idx %arg14[%get3A_105], %gather3A_117 {add = true} : memref<10240xf32, #tpu.memory_space<vmem>>[vector<16xi32>], vector<16xf32>,
        tpu.vector_store_idx %arg11[%get3A_108], %gather3A_118 {add = true} : memref<10240xf32, #tpu.memory_space<vmem>>[vector<16xi32>], vector<16xf32>,
        tpu.vector_store_idx %arg12[%get3A_108], %gather3A_119 {add = true} : memref<10240xf32, #tpu.memory_space<vmem>>[vector<16xi32>], vector<16xf32>,
        tpu.vector_store_idx %arg13[%get3A_108], %gather3A_120 {add = true} : memref<10240xf32, #tpu.memory_space<vmem>>[vector<16xi32>], vector<16xf32>,
        tpu.vector_store_idx %arg14[%get3A_108], %gather3A_121 {add = true} : memref<10240xf32, #tpu.memory_space<vmem>>[vector<16xi32>], vector<16xf32>,
        tpu.vector_store_idx %arg11[%get3A_111], %gather3A_122 {add = true} : memref<10240xf32, #tpu.memory_space<vmem>>[vector<16xi32>], vector<16xf32>,
        tpu.vector_store_idx %arg12[%get3A_111], %gather3A_123 {add = true} : memref<10240xf32, #tpu.memory_space<vmem>>[vector<16xi32>], vector<16xf32>,
        tpu.vector_store_idx %arg13[%get3A_111], %gather3A_124 {add = true} : memref<10240xf32, #tpu.memory_space<vmem>>[vector<16xi32>], vector<16xf32>,
        tpu.vector_store_idx %arg14[%get3A_111], %gather3A_125 {add = true} : memref<10240xf32, #tpu.memory_space<vmem>>[vector<16xi32>], vector<16xf32>,
        tpu.vector_store_idx %arg11[%get3A_114], %gather3A_126 {add = true} : memref<10240xf32, #tpu.memory_space<vmem>>[vector<16xi32>], vector<16xf32>,
        tpu.vector_store_idx %arg12[%get3A_114], %gather3A_127 {add = true} : memref<10240xf32, #tpu.memory_space<vmem>>[vector<16xi32>], vector<16xf32>,
        tpu.vector_store_idx %arg13[%get3A_114], %gather3A_128 {add = true} : memref<10240xf32, #tpu.memory_space<vmem>>[vector<16xi32>], vector<16xf32>,
        tpu.vector_store_idx %arg14[%get3A_114], %gather3A_129 {add = true} : memref<10240xf32, #tpu.memory_space<vmem>>[vector<16xi32>], vector<16xf32>,
        %get3A_130 = arith.index_cast %scan3A_91 : i32 to index
        %get3A_131 = arith.constant 64 : index
        %get3A_132 = tpu.vector_load %arg15[%get3A_130, %get3A_131] {strides = array<i32>} : memref<64x128xi32, #tpu.memory_space<vmem>>, vector<16xi32>,
        %get3A_133 = arith.index_cast %scan3A_91 : i32 to index
        %get3A_134 = arith.constant 80 : index
        %get3A_135 = tpu.vector_load %arg15[%get3A_133, %get3A_134] {strides = array<i32>} : memref<64x128xi32, #tpu.memory_space<vmem>>, vector<16xi32>,
        %get3A_136 = arith.index_cast %scan3A_91 : i32 to index
        %get3A_137 = arith.constant 96 : index
        %get3A_138 = tpu.vector_load %arg15[%get3A_136, %get3A_137] {strides = array<i32>} : memref<64x128xi32, #tpu.memory_space<vmem>>, vector<16xi32>,
        %get3A_139 = arith.index_cast %scan3A_91 : i32 to index
        %get3A_140 = arith.constant 112 : index
        %get3A_141 = tpu.vector_load %arg15[%get3A_139, %get3A_140] {strides = array<i32>} : memref<64x128xi32, #tpu.memory_space<vmem>>, vector<16xi32>,
        %get3A_142 = arith.index_cast %scan3A_91 : i32 to index
        %get3A_143 = arith.constant 64 : index
        %get3A_144 = tpu.vector_load %arg17[%get3A_142, %get3A_143] {strides = array<i32>} : memref<64x128xi32, #tpu.memory_space<vmem>>, vector<16xi32>,
        %get3A_145 = arith.index_cast %scan3A_91 : i32 to index
        %get3A_146 = arith.constant 80 : index
        %get3A_147 = tpu.vector_load %arg17[%get3A_145, %get3A_146] {strides = array<i32>} : memref<64x128xi32, #tpu.memory_space<vmem>>, vector<16xi32>,
        %get3A_148 = arith.index_cast %scan3A_91 : i32 to index
        %get3A_149 = arith.constant 96 : index
        %get3A_150 = tpu.vector_load %arg17[%get3A_148, %get3A_149] {strides = array<i32>} : memref<64x128xi32, #tpu.memory_space<vmem>>, vector<16xi32>,
        %get3A_151 = arith.index_cast %scan3A_91 : i32 to index
        %get3A_152 = arith.constant 112 : index
        %get3A_153 = tpu.vector_load %arg17[%get3A_151, %get3A_152] {strides = array<i32>} : memref<64x128xi32, #tpu.memory_space<vmem>>, vector<16xi32>,
        %gather3A_154 = tpu.vector_load_idx %arg7[%get3A_132] : memref<10240xf32, #tpu.memory_space<vmem>>[vector<16xi32>], vector<16xf32>,
        %gather3A_155 = tpu.vector_load_idx %arg8[%get3A_132] : memref<10240xf32, #tpu.memory_space<vmem>>[vector<16xi32>], vector<16xf32>,
        %gather3A_156 = tpu.vector_load_idx %arg9[%get3A_132] : memref<10240xf32, #tpu.memory_space<vmem>>[vector<16xi32>], vector<16xf32>,
        %gather3A_157 = tpu.vector_load_idx %arg10[%get3A_132] : memref<10240xf32, #tpu.memory_space<vmem>>[vector<16xi32>], vector<16xf32>,
        %gather3A_158 = tpu.vector_load_idx %arg7[%get3A_135] : memref<10240xf32, #tpu.memory_space<vmem>>[vector<16xi32>], vector<16xf32>,
        %gather3A_159 = tpu.vector_load_idx %arg8[%get3A_135] : memref<10240xf32, #tpu.memory_space<vmem>>[vector<16xi32>], vector<16xf32>,
        %gather3A_160 = tpu.vector_load_idx %arg9[%get3A_135] : memref<10240xf32, #tpu.memory_space<vmem>>[vector<16xi32>], vector<16xf32>,
        %gather3A_161 = tpu.vector_load_idx %arg10[%get3A_135] : memref<10240xf32, #tpu.memory_space<vmem>>[vector<16xi32>], vector<16xf32>,
        %gather3A_162 = tpu.vector_load_idx %arg7[%get3A_138] : memref<10240xf32, #tpu.memory_space<vmem>>[vector<16xi32>], vector<16xf32>,
        %gather3A_163 = tpu.vector_load_idx %arg8[%get3A_138] : memref<10240xf32, #tpu.memory_space<vmem>>[vector<16xi32>], vector<16xf32>,
        %gather3A_164 = tpu.vector_load_idx %arg9[%get3A_138] : memref<10240xf32, #tpu.memory_space<vmem>>[vector<16xi32>], vector<16xf32>,
        %gather3A_165 = tpu.vector_load_idx %arg10[%get3A_138] : memref<10240xf32, #tpu.memory_space<vmem>>[vector<16xi32>], vector<16xf32>,
        %gather3A_166 = tpu.vector_load_idx %arg7[%get3A_141] : memref<10240xf32, #tpu.memory_space<vmem>>[vector<16xi32>], vector<16xf32>,
        %gather3A_167 = tpu.vector_load_idx %arg8[%get3A_141] : memref<10240xf32, #tpu.memory_space<vmem>>[vector<16xi32>], vector<16xf32>,
        %gather3A_168 = tpu.vector_load_idx %arg9[%get3A_141] : memref<10240xf32, #tpu.memory_space<vmem>>[vector<16xi32>], vector<16xf32>,
        %gather3A_169 = tpu.vector_load_idx %arg10[%get3A_141] : memref<10240xf32, #tpu.memory_space<vmem>>[vector<16xi32>], vector<16xf32>,
        tpu.vector_store_idx %arg11[%get3A_144], %gather3A_154 {add = true} : memref<10240xf32, #tpu.memory_space<vmem>>[vector<16xi32>], vector<16xf32>,
        tpu.vector_store_idx %arg12[%get3A_144], %gather3A_155 {add = true} : memref<10240xf32, #tpu.memory_space<vmem>>[vector<16xi32>], vector<16xf32>,
        tpu.vector_store_idx %arg13[%get3A_144], %gather3A_156 {add = true} : memref<10240xf32, #tpu.memory_space<vmem>>[vector<16xi32>], vector<16xf32>,
        tpu.vector_store_idx %arg14[%get3A_144], %gather3A_157 {add = true} : memref<10240xf32, #tpu.memory_space<vmem>>[vector<16xi32>], vector<16xf32>,
        tpu.vector_store_idx %arg11[%get3A_147], %gather3A_158 {add = true} : memref<10240xf32, #tpu.memory_space<vmem>>[vector<16xi32>], vector<16xf32>,
        tpu.vector_store_idx %arg12[%get3A_147], %gather3A_159 {add = true} : memref<10240xf32, #tpu.memory_space<vmem>>[vector<16xi32>], vector<16xf32>,
        tpu.vector_store_idx %arg13[%get3A_147], %gather3A_160 {add = true} : memref<10240xf32, #tpu.memory_space<vmem>>[vector<16xi32>], vector<16xf32>,
        tpu.vector_store_idx %arg14[%get3A_147], %gather3A_161 {add = true} : memref<10240xf32, #tpu.memory_space<vmem>>[vector<16xi32>], vector<16xf32>,
        tpu.vector_store_idx %arg11[%get3A_150], %gather3A_162 {add = true} : memref<10240xf32, #tpu.memory_space<vmem>>[vector<16xi32>], vector<16xf32>,
        tpu.vector_store_idx %arg12[%get3A_150], %gather3A_163 {add = true} : memref<10240xf32, #tpu.memory_space<vmem>>[vector<16xi32>], vector<16xf32>,
        tpu.vector_store_idx %arg13[%get3A_150], %gather3A_164 {add = true} : memref<10240xf32, #tpu.memory_space<vmem>>[vector<16xi32>], vector<16xf32>,
        tpu.vector_store_idx %arg14[%get3A_150], %gather3A_165 {add = true} : memref<10240xf32, #tpu.memory_space<vmem>>[vector<16xi32>], vector<16xf32>,
        tpu.vector_store_idx %arg11[%get3A_153], %gather3A_166 {add = true} : memref<10240xf32, #tpu.memory_space<vmem>>[vector<16xi32>], vector<16xf32>,
        tpu.vector_store_idx %arg12[%get3A_153], %gather3A_167 {add = true} : memref<10240xf32, #tpu.memory_space<vmem>>[vector<16xi32>], vector<16xf32>,
        tpu.vector_store_idx %arg13[%get3A_153], %gather3A_168 {add = true} : memref<10240xf32, #tpu.memory_space<vmem>>[vector<16xi32>], vector<16xf32>,
        tpu.vector_store_idx %arg14[%get3A_153], %gather3A_169 {add = true} : memref<10240xf32, #tpu.memory_space<vmem>>[vector<16xi32>], vector<16xf32>,
      }
      %scan3A_68 = arith.constant 64 : i32
      %dma_wait3A_69 = arith.constant 0 : i32
      %dma_wait3A_70 = arith.constant 0 : i32
      %dma_wait3A_71 = tpu.memref_slice %arg3[%dma_wait3A_69, %dma_wait3A_70] : memref<2560x128xi32, #tpu.memory_space<hbm>> -> memref<64x128xi32, #tpu.memory_space<hbm>>
      %dma_wait3A_72 = arith.constant 0 : i32
      %dma_wait3A_73 = arith.constant 0 : i32
      %dma_wait3A_74 = tpu.memref_slice %arg3[%dma_wait3A_72, %dma_wait3A_73] : memref<2560x128xi32, #tpu.memory_space<hbm>> -> memref<64x128xi32, #tpu.memory_space<hbm>>
      tpu.wait_dma2 semaphore(%arg20 : memref<!tpu.dma_semaphore, #tpu.memory_space<semaphore_mem>>) src(%dma_wait3A_74 : memref<64x128xi32, #tpu.memory_space<hbm>>) dst(%arg16 : memref<64x128xi32, #tpu.memory_space<vmem>>)
      %dma_wait3A_75 = arith.constant 0 : i32
      %dma_wait3A_76 = arith.constant 0 : i32
      %dma_wait3A_77 = tpu.memref_slice %arg4[%dma_wait3A_75, %dma_wait3A_76] : memref<2560x128xi32, #tpu.memory_space<hbm>> -> memref<64x128xi32, #tpu.memory_space<hbm>>
      %dma_wait3A_78 = arith.constant 0 : i32
      %dma_wait3A_79 = arith.constant 0 : i32
      %dma_wait3A_80 = tpu.memref_slice %arg4[%dma_wait3A_78, %dma_wait3A_79] : memref<2560x128xi32, #tpu.memory_space<hbm>> -> memref<64x128xi32, #tpu.memory_space<hbm>>
      tpu.wait_dma2 semaphore(%arg20 : memref<!tpu.dma_semaphore, #tpu.memory_space<semaphore_mem>>) src(%dma_wait3A_80 : memref<64x128xi32, #tpu.memory_space<hbm>>) dst(%arg18 : memref<64x128xi32, #tpu.memory_space<vmem>>)
      %add3A_81 = arith.constant 2 : i32
      %add3A_82 = arith.addi %mul3A_37, %add3A_81 : i32
      %lt3A = arith.constant 40 : i32
      %lt3A_83 = arith.cmpi slt, %add3A_82, %lt3A : i32
      %convert_element_type3A = arith.extui %lt3A_83 : i1 to i32
      %cond3A = arith.constant 0 : i32
      %cond3A_84 = arith.cmpi ne, %convert_element_type3A, %cond3A : i32
      scf.if %cond3A_84 {
        %add3A_91 = arith.constant 2 : i32
        %add3A_92 = arith.addi %mul3A_37, %add3A_91 : i32
        %mul3A_93 = arith.constant 64 : i32
        %mul3A_94 = arith.muli %add3A_92, %mul3A_93 : i32
        %dma_start3A_95 = arith.constant 0 : i32
        %dma_start3A_96 = tpu.memref_slice %arg3[%mul3A_94, %dma_start3A_95] : memref<2560x128xi32, #tpu.memory_space<hbm>> -> memref<64x128xi32, #tpu.memory_space<hbm>>
        %dma_start3A_97 = arith.constant 0 : i32
        %dma_start3A_98 = tpu.memref_slice %arg3[%mul3A_94, %dma_start3A_97] : memref<2560x128xi32, #tpu.memory_space<hbm>> -> memref<64x128xi32, #tpu.memory_space<hbm>>
        tpu.enqueue_dma source(%dma_start3A_98 : memref<64x128xi32, #tpu.memory_space<hbm>>) target(%arg15 : memref<64x128xi32, #tpu.memory_space<vmem>>) target_semaphore(%arg19 : memref<!tpu.dma_semaphore, #tpu.memory_space<semaphore_mem>>)
        %mul3A_99 = arith.constant 64 : i32
        %mul3A_100 = arith.muli %add3A_92, %mul3A_99 : i32
        %dma_start3A_101 = arith.constant 0 : i32
        %dma_start3A_102 = tpu.memref_slice %arg4[%mul3A_100, %dma_start3A_101] : memref<2560x128xi32, #tpu.memory_space<hbm>> -> memref<64x128xi32, #tpu.memory_space<hbm>>
        %dma_start3A_103 = arith.constant 0 : i32
        %dma_start3A_104 = tpu.memref_slice %arg4[%mul3A_100, %dma_start3A_103] : memref<2560x128xi32, #tpu.memory_space<hbm>> -> memref<64x128xi32, #tpu.memory_space<hbm>>
        tpu.enqueue_dma source(%dma_start3A_104 : memref<64x128xi32, #tpu.memory_space<hbm>>) target(%arg17 : memref<64x128xi32, #tpu.memory_space<vmem>>) target_semaphore(%arg19 : memref<!tpu.dma_semaphore, #tpu.memory_space<semaphore_mem>>)
      } else {
      }
      %scan3A_85 = arith.constant 0 : i32
      %scan3A_86 = arith.constant 0 : i32
      %scan3A_87 = arith.constant 64 : i32
      %scan3A_88 = arith.addi %scan3A_86, %scan3A_87 : i32
      %scan3A_89 = arith.constant 1 : i32
      scf.for %scan3A_91 = %scan3A_86 to %scan3A_88 step %scan3A_89  : i32 {
        %get3A = arith.index_cast %scan3A_91 : i32 to index
        %get3A_92 = arith.constant 0 : index
        %get3A_93 = tpu.vector_load %arg16[%get3A, %get3A_92] {strides = array<i32>} : memref<64x128xi32, #tpu.memory_space<vmem>>, vector<16xi32>,
        %get3A_94 = arith.index_cast %scan3A_91 : i32 to index
        %get3A_95 = arith.constant 16 : index
        %get3A_96 = tpu.vector_load %arg16[%get3A_94, %get3A_95] {strides = array<i32>} : memref<64x128xi32, #tpu.memory_space<vmem>>, vector<16xi32>,
        %get3A_97 = arith.index_cast %scan3A_91 : i32 to index
        %get3A_98 = arith.constant 32 : index
        %get3A_99 = tpu.vector_load %arg16[%get3A_97, %get3A_98] {strides = array<i32>} : memref<64x128xi32, #tpu.memory_space<vmem>>, vector<16xi32>,
        %get3A_100 = arith.index_cast %scan3A_91 : i32 to index
        %get3A_101 = arith.constant 48 : index
        %get3A_102 = tpu.vector_load %arg16[%get3A_100, %get3A_101] {strides = array<i32>} : memref<64x128xi32, #tpu.memory_space<vmem>>, vector<16xi32>,
        %get3A_103 = arith.index_cast %scan3A_91 : i32 to index
        %get3A_104 = arith.constant 0 : index
        %get3A_105 = tpu.vector_load %arg18[%get3A_103, %get3A_104] {strides = array<i32>} : memref<64x128xi32, #tpu.memory_space<vmem>>, vector<16xi32>,
        %get3A_106 = arith.index_cast %scan3A_91 : i32 to index
        %get3A_107 = arith.constant 16 : index
        %get3A_108 = tpu.vector_load %arg18[%get3A_106, %get3A_107] {strides = array<i32>} : memref<64x128xi32, #tpu.memory_space<vmem>>, vector<16xi32>,
        %get3A_109 = arith.index_cast %scan3A_91 : i32 to index
        %get3A_110 = arith.constant 32 : index
        %get3A_111 = tpu.vector_load %arg18[%get3A_109, %get3A_110] {strides = array<i32>} : memref<64x128xi32, #tpu.memory_space<vmem>>, vector<16xi32>,
        %get3A_112 = arith.index_cast %scan3A_91 : i32 to index
        %get3A_113 = arith.constant 48 : index
        %get3A_114 = tpu.vector_load %arg18[%get3A_112, %get3A_113] {strides = array<i32>} : memref<64x128xi32, #tpu.memory_space<vmem>>, vector<16xi32>,
        %gather3A = tpu.vector_load_idx %arg7[%get3A_93] : memref<10240xf32, #tpu.memory_space<vmem>>[vector<16xi32>], vector<16xf32>,
        %gather3A_115 = tpu.vector_load_idx %arg8[%get3A_93] : memref<10240xf32, #tpu.memory_space<vmem>>[vector<16xi32>], vector<16xf32>,
        %gather3A_116 = tpu.vector_load_idx %arg9[%get3A_93] : memref<10240xf32, #tpu.memory_space<vmem>>[vector<16xi32>], vector<16xf32>,
        %gather3A_117 = tpu.vector_load_idx %arg10[%get3A_93] : memref<10240xf32, #tpu.memory_space<vmem>>[vector<16xi32>], vector<16xf32>,
        %gather3A_118 = tpu.vector_load_idx %arg7[%get3A_96] : memref<10240xf32, #tpu.memory_space<vmem>>[vector<16xi32>], vector<16xf32>,
        %gather3A_119 = tpu.vector_load_idx %arg8[%get3A_96] : memref<10240xf32, #tpu.memory_space<vmem>>[vector<16xi32>], vector<16xf32>,
        %gather3A_120 = tpu.vector_load_idx %arg9[%get3A_96] : memref<10240xf32, #tpu.memory_space<vmem>>[vector<16xi32>], vector<16xf32>,
        %gather3A_121 = tpu.vector_load_idx %arg10[%get3A_96] : memref<10240xf32, #tpu.memory_space<vmem>>[vector<16xi32>], vector<16xf32>,
        %gather3A_122 = tpu.vector_load_idx %arg7[%get3A_99] : memref<10240xf32, #tpu.memory_space<vmem>>[vector<16xi32>], vector<16xf32>,
        %gather3A_123 = tpu.vector_load_idx %arg8[%get3A_99] : memref<10240xf32, #tpu.memory_space<vmem>>[vector<16xi32>], vector<16xf32>,
        %gather3A_124 = tpu.vector_load_idx %arg9[%get3A_99] : memref<10240xf32, #tpu.memory_space<vmem>>[vector<16xi32>], vector<16xf32>,
        %gather3A_125 = tpu.vector_load_idx %arg10[%get3A_99] : memref<10240xf32, #tpu.memory_space<vmem>>[vector<16xi32>], vector<16xf32>,
        %gather3A_126 = tpu.vector_load_idx %arg7[%get3A_102] : memref<10240xf32, #tpu.memory_space<vmem>>[vector<16xi32>], vector<16xf32>,
        %gather3A_127 = tpu.vector_load_idx %arg8[%get3A_102] : memref<10240xf32, #tpu.memory_space<vmem>>[vector<16xi32>], vector<16xf32>,
        %gather3A_128 = tpu.vector_load_idx %arg9[%get3A_102] : memref<10240xf32, #tpu.memory_space<vmem>>[vector<16xi32>], vector<16xf32>,
        %gather3A_129 = tpu.vector_load_idx %arg10[%get3A_102] : memref<10240xf32, #tpu.memory_space<vmem>>[vector<16xi32>], vector<16xf32>,
        tpu.vector_store_idx %arg11[%get3A_105], %gather3A {add = true} : memref<10240xf32, #tpu.memory_space<vmem>>[vector<16xi32>], vector<16xf32>,
        tpu.vector_store_idx %arg12[%get3A_105], %gather3A_115 {add = true} : memref<10240xf32, #tpu.memory_space<vmem>>[vector<16xi32>], vector<16xf32>,
        tpu.vector_store_idx %arg13[%get3A_105], %gather3A_116 {add = true} : memref<10240xf32, #tpu.memory_space<vmem>>[vector<16xi32>], vector<16xf32>,
        tpu.vector_store_idx %arg14[%get3A_105], %gather3A_117 {add = true} : memref<10240xf32, #tpu.memory_space<vmem>>[vector<16xi32>], vector<16xf32>,
        tpu.vector_store_idx %arg11[%get3A_108], %gather3A_118 {add = true} : memref<10240xf32, #tpu.memory_space<vmem>>[vector<16xi32>], vector<16xf32>,
        tpu.vector_store_idx %arg12[%get3A_108], %gather3A_119 {add = true} : memref<10240xf32, #tpu.memory_space<vmem>>[vector<16xi32>], vector<16xf32>,
        tpu.vector_store_idx %arg13[%get3A_108], %gather3A_120 {add = true} : memref<10240xf32, #tpu.memory_space<vmem>>[vector<16xi32>], vector<16xf32>,
        tpu.vector_store_idx %arg14[%get3A_108], %gather3A_121 {add = true} : memref<10240xf32, #tpu.memory_space<vmem>>[vector<16xi32>], vector<16xf32>,
        tpu.vector_store_idx %arg11[%get3A_111], %gather3A_122 {add = true} : memref<10240xf32, #tpu.memory_space<vmem>>[vector<16xi32>], vector<16xf32>,
        tpu.vector_store_idx %arg12[%get3A_111], %gather3A_123 {add = true} : memref<10240xf32, #tpu.memory_space<vmem>>[vector<16xi32>], vector<16xf32>,
        tpu.vector_store_idx %arg13[%get3A_111], %gather3A_124 {add = true} : memref<10240xf32, #tpu.memory_space<vmem>>[vector<16xi32>], vector<16xf32>,
        tpu.vector_store_idx %arg14[%get3A_111], %gather3A_125 {add = true} : memref<10240xf32, #tpu.memory_space<vmem>>[vector<16xi32>], vector<16xf32>,
        tpu.vector_store_idx %arg11[%get3A_114], %gather3A_126 {add = true} : memref<10240xf32, #tpu.memory_space<vmem>>[vector<16xi32>], vector<16xf32>,
        tpu.vector_store_idx %arg12[%get3A_114], %gather3A_127 {add = true} : memref<10240xf32, #tpu.memory_space<vmem>>[vector<16xi32>], vector<16xf32>,
        tpu.vector_store_idx %arg13[%get3A_114], %gather3A_128 {add = true} : memref<10240xf32, #tpu.memory_space<vmem>>[vector<16xi32>], vector<16xf32>,
        tpu.vector_store_idx %arg14[%get3A_114], %gather3A_129 {add = true} : memref<10240xf32, #tpu.memory_space<vmem>>[vector<16xi32>], vector<16xf32>,
        %get3A_130 = arith.index_cast %scan3A_91 : i32 to index
        %get3A_131 = arith.constant 64 : index
        %get3A_132 = tpu.vector_load %arg16[%get3A_130, %get3A_131] {strides = array<i32>} : memref<64x128xi32, #tpu.memory_space<vmem>>, vector<16xi32>,
        %get3A_133 = arith.index_cast %scan3A_91 : i32 to index
        %get3A_134 = arith.constant 80 : index
        %get3A_135 = tpu.vector_load %arg16[%get3A_133, %get3A_134] {strides = array<i32>} : memref<64x128xi32, #tpu.memory_space<vmem>>, vector<16xi32>,
        %get3A_136 = arith.index_cast %scan3A_91 : i32 to index
        %get3A_137 = arith.constant 96 : index
        %get3A_138 = tpu.vector_load %arg16[%get3A_136, %get3A_137] {strides = array<i32>} : memref<64x128xi32, #tpu.memory_space<vmem>>, vector<16xi32>,
        %get3A_139 = arith.index_cast %scan3A_91 : i32 to index
        %get3A_140 = arith.constant 112 : index
        %get3A_141 = tpu.vector_load %arg16[%get3A_139, %get3A_140] {strides = array<i32>} : memref<64x128xi32, #tpu.memory_space<vmem>>, vector<16xi32>,
        %get3A_142 = arith.index_cast %scan3A_91 : i32 to index
        %get3A_143 = arith.constant 64 : index
        %get3A_144 = tpu.vector_load %arg18[%get3A_142, %get3A_143] {strides = array<i32>} : memref<64x128xi32, #tpu.memory_space<vmem>>, vector<16xi32>,
        %get3A_145 = arith.index_cast %scan3A_91 : i32 to index
        %get3A_146 = arith.constant 80 : index
        %get3A_147 = tpu.vector_load %arg18[%get3A_145, %get3A_146] {strides = array<i32>} : memref<64x128xi32, #tpu.memory_space<vmem>>, vector<16xi32>,
        %get3A_148 = arith.index_cast %scan3A_91 : i32 to index
        %get3A_149 = arith.constant 96 : index
        %get3A_150 = tpu.vector_load %arg18[%get3A_148, %get3A_149] {strides = array<i32>} : memref<64x128xi32, #tpu.memory_space<vmem>>, vector<16xi32>,
        %get3A_151 = arith.index_cast %scan3A_91 : i32 to index
        %get3A_152 = arith.constant 112 : index
        %get3A_153 = tpu.vector_load %arg18[%get3A_151, %get3A_152] {strides = array<i32>} : memref<64x128xi32, #tpu.memory_space<vmem>>, vector<16xi32>,
        %gather3A_154 = tpu.vector_load_idx %arg7[%get3A_132] : memref<10240xf32, #tpu.memory_space<vmem>>[vector<16xi32>], vector<16xf32>,
        %gather3A_155 = tpu.vector_load_idx %arg8[%get3A_132] : memref<10240xf32, #tpu.memory_space<vmem>>[vector<16xi32>], vector<16xf32>,
        %gather3A_156 = tpu.vector_load_idx %arg9[%get3A_132] : memref<10240xf32, #tpu.memory_space<vmem>>[vector<16xi32>], vector<16xf32>,
        %gather3A_157 = tpu.vector_load_idx %arg10[%get3A_132] : memref<10240xf32, #tpu.memory_space<vmem>>[vector<16xi32>], vector<16xf32>,
        %gather3A_158 = tpu.vector_load_idx %arg7[%get3A_135] : memref<10240xf32, #tpu.memory_space<vmem>>[vector<16xi32>], vector<16xf32>,
        %gather3A_159 = tpu.vector_load_idx %arg8[%get3A_135] : memref<10240xf32, #tpu.memory_space<vmem>>[vector<16xi32>], vector<16xf32>,
        %gather3A_160 = tpu.vector_load_idx %arg9[%get3A_135] : memref<10240xf32, #tpu.memory_space<vmem>>[vector<16xi32>], vector<16xf32>,
        %gather3A_161 = tpu.vector_load_idx %arg10[%get3A_135] : memref<10240xf32, #tpu.memory_space<vmem>>[vector<16xi32>], vector<16xf32>,
        %gather3A_162 = tpu.vector_load_idx %arg7[%get3A_138] : memref<10240xf32, #tpu.memory_space<vmem>>[vector<16xi32>], vector<16xf32>,
        %gather3A_163 = tpu.vector_load_idx %arg8[%get3A_138] : memref<10240xf32, #tpu.memory_space<vmem>>[vector<16xi32>], vector<16xf32>,
        %gather3A_164 = tpu.vector_load_idx %arg9[%get3A_138] : memref<10240xf32, #tpu.memory_space<vmem>>[vector<16xi32>], vector<16xf32>,
        %gather3A_165 = tpu.vector_load_idx %arg10[%get3A_138] : memref<10240xf32, #tpu.memory_space<vmem>>[vector<16xi32>], vector<16xf32>,
        %gather3A_166 = tpu.vector_load_idx %arg7[%get3A_141] : memref<10240xf32, #tpu.memory_space<vmem>>[vector<16xi32>], vector<16xf32>,
        %gather3A_167 = tpu.vector_load_idx %arg8[%get3A_141] : memref<10240xf32, #tpu.memory_space<vmem>>[vector<16xi32>], vector<16xf32>,
        %gather3A_168 = tpu.vector_load_idx %arg9[%get3A_141] : memref<10240xf32, #tpu.memory_space<vmem>>[vector<16xi32>], vector<16xf32>,
        %gather3A_169 = tpu.vector_load_idx %arg10[%get3A_141] : memref<10240xf32, #tpu.memory_space<vmem>>[vector<16xi32>], vector<16xf32>,
        tpu.vector_store_idx %arg11[%get3A_144], %gather3A_154 {add = true} : memref<10240xf32, #tpu.memory_space<vmem>>[vector<16xi32>], vector<16xf32>,
        tpu.vector_store_idx %arg12[%get3A_144], %gather3A_155 {add = true} : memref<10240xf32, #tpu.memory_space<vmem>>[vector<16xi32>], vector<16xf32>,
        tpu.vector_store_idx %arg13[%get3A_144], %gather3A_156 {add = true} : memref<10240xf32, #tpu.memory_space<vmem>>[vector<16xi32>], vector<16xf32>,
        tpu.vector_store_idx %arg14[%get3A_144], %gather3A_157 {add = true} : memref<10240xf32, #tpu.memory_space<vmem>>[vector<16xi32>], vector<16xf32>,
        tpu.vector_store_idx %arg11[%get3A_147], %gather3A_158 {add = true} : memref<10240xf32, #tpu.memory_space<vmem>>[vector<16xi32>], vector<16xf32>,
        tpu.vector_store_idx %arg12[%get3A_147], %gather3A_159 {add = true} : memref<10240xf32, #tpu.memory_space<vmem>>[vector<16xi32>], vector<16xf32>,
        tpu.vector_store_idx %arg13[%get3A_147], %gather3A_160 {add = true} : memref<10240xf32, #tpu.memory_space<vmem>>[vector<16xi32>], vector<16xf32>,
        tpu.vector_store_idx %arg14[%get3A_147], %gather3A_161 {add = true} : memref<10240xf32, #tpu.memory_space<vmem>>[vector<16xi32>], vector<16xf32>,
        tpu.vector_store_idx %arg11[%get3A_150], %gather3A_162 {add = true} : memref<10240xf32, #tpu.memory_space<vmem>>[vector<16xi32>], vector<16xf32>,
        tpu.vector_store_idx %arg12[%get3A_150], %gather3A_163 {add = true} : memref<10240xf32, #tpu.memory_space<vmem>>[vector<16xi32>], vector<16xf32>,
        tpu.vector_store_idx %arg13[%get3A_150], %gather3A_164 {add = true} : memref<10240xf32, #tpu.memory_space<vmem>>[vector<16xi32>], vector<16xf32>,
        tpu.vector_store_idx %arg14[%get3A_150], %gather3A_165 {add = true} : memref<10240xf32, #tpu.memory_space<vmem>>[vector<16xi32>], vector<16xf32>,
        tpu.vector_store_idx %arg11[%get3A_153], %gather3A_166 {add = true} : memref<10240xf32, #tpu.memory_space<vmem>>[vector<16xi32>], vector<16xf32>,
        tpu.vector_store_idx %arg12[%get3A_153], %gather3A_167 {add = true} : memref<10240xf32, #tpu.memory_space<vmem>>[vector<16xi32>], vector<16xf32>,
        tpu.vector_store_idx %arg13[%get3A_153], %gather3A_168 {add = true} : memref<10240xf32, #tpu.memory_space<vmem>>[vector<16xi32>], vector<16xf32>,
        tpu.vector_store_idx %arg14[%get3A_153], %gather3A_169 {add = true} : memref<10240xf32, #tpu.memory_space<vmem>>[vector<16xi32>], vector<16xf32>,
      }
      %scan3A_90 = arith.constant 64 : i32
    }
    %scan3A_26 = arith.constant 20 : i32
    %add3A_27 = arith.constant 0 : i32
    %add3A_28 = arith.addi %mul3A_2, %add3A_27 : i32
    "tpu.region"() ({
      %run_scoped3A = tpu.sem_alloc : memref<!tpu.dma_semaphore, #tpu.memory_space<semaphore_mem>>
      %dma_start3A_35 = arith.constant 0 : i32
      %dma_start3A_36 = tpu.memref_slice %arg6[%add3A_28, %dma_start3A_35] : memref<128x10240xf32, #tpu.memory_space<hbm>> -> memref<1x10240xf32, #tpu.memory_space<hbm>>
      %dma_start3A_37 = tpu.memref_squeeze %dma_start3A_36 : memref<1x10240xf32, #tpu.memory_space<hbm>> -> memref<10240xf32, #tpu.memory_space<hbm>>
      %dma_start3A_38 = arith.constant 0 : i32
      %dma_start3A_39 = tpu.memref_slice %arg6[%add3A_28, %dma_start3A_38] : memref<128x10240xf32, #tpu.memory_space<hbm>> -> memref<1x10240xf32, #tpu.memory_space<hbm>>
      %dma_start3A_40 = tpu.memref_squeeze %dma_start3A_39 : memref<1x10240xf32, #tpu.memory_space<hbm>> -> memref<10240xf32, #tpu.memory_space<hbm>>
      tpu.enqueue_dma source(%arg11 : memref<10240xf32, #tpu.memory_space<vmem>>) target(%dma_start3A_40 : memref<10240xf32, #tpu.memory_space<hbm>>) target_semaphore(%run_scoped3A : memref<!tpu.dma_semaphore, #tpu.memory_space<semaphore_mem>>)
      %dma_wait3A = arith.constant 0 : i32
      %dma_wait3A_41 = tpu.memref_slice %arg6[%add3A_28, %dma_wait3A] : memref<128x10240xf32, #tpu.memory_space<hbm>> -> memref<1x10240xf32, #tpu.memory_space<hbm>>
      %dma_wait3A_42 = tpu.memref_squeeze %dma_wait3A_41 : memref<1x10240xf32, #tpu.memory_space<hbm>> -> memref<10240xf32, #tpu.memory_space<hbm>>
      %dma_wait3A_43 = arith.constant 0 : i32
      %dma_wait3A_44 = tpu.memref_slice %arg6[%add3A_28, %dma_wait3A_43] : memref<128x10240xf32, #tpu.memory_space<hbm>> -> memref<1x10240xf32, #tpu.memory_space<hbm>>
      %dma_wait3A_45 = tpu.memref_squeeze %dma_wait3A_44 : memref<1x10240xf32, #tpu.memory_space<hbm>> -> memref<10240xf32, #tpu.memory_space<hbm>>
      tpu.wait_dma2 semaphore(%run_scoped3A : memref<!tpu.dma_semaphore, #tpu.memory_space<semaphore_mem>>) src(%arg11 : memref<10240xf32, #tpu.memory_space<vmem>>) dst(%dma_wait3A_45 : memref<10240xf32, #tpu.memory_space<hbm>>)
      tpu.yield
    }) : () -> ()
    %add3A_29 = arith.constant 1 : i32
    %add3A_30 = arith.addi %mul3A_2, %add3A_29 : i32
    "tpu.region"() ({
      %run_scoped3A = tpu.sem_alloc : memref<!tpu.dma_semaphore, #tpu.memory_space<semaphore_mem>>
      %dma_start3A_35 = arith.constant 0 : i32
      %dma_start3A_36 = tpu.memref_slice %arg6[%add3A_30, %dma_start3A_35] : memref<128x10240xf32, #tpu.memory_space<hbm>> -> memref<1x10240xf32, #tpu.memory_space<hbm>>
      %dma_start3A_37 = tpu.memref_squeeze %dma_start3A_36 : memref<1x10240xf32, #tpu.memory_space<hbm>> -> memref<10240xf32, #tpu.memory_space<hbm>>
      %dma_start3A_38 = arith.constant 0 : i32
      %dma_start3A_39 = tpu.memref_slice %arg6[%add3A_30, %dma_start3A_38] : memref<128x10240xf32, #tpu.memory_space<hbm>> -> memref<1x10240xf32, #tpu.memory_space<hbm>>
      %dma_start3A_40 = tpu.memref_squeeze %dma_start3A_39 : memref<1x10240xf32, #tpu.memory_space<hbm>> -> memref<10240xf32, #tpu.memory_space<hbm>>
      tpu.enqueue_dma source(%arg12 : memref<10240xf32, #tpu.memory_space<vmem>>) target(%dma_start3A_40 : memref<10240xf32, #tpu.memory_space<hbm>>) target_semaphore(%run_scoped3A : memref<!tpu.dma_semaphore, #tpu.memory_space<semaphore_mem>>)
      %dma_wait3A = arith.constant 0 : i32
      %dma_wait3A_41 = tpu.memref_slice %arg6[%add3A_30, %dma_wait3A] : memref<128x10240xf32, #tpu.memory_space<hbm>> -> memref<1x10240xf32, #tpu.memory_space<hbm>>
      %dma_wait3A_42 = tpu.memref_squeeze %dma_wait3A_41 : memref<1x10240xf32, #tpu.memory_space<hbm>> -> memref<10240xf32, #tpu.memory_space<hbm>>
      %dma_wait3A_43 = arith.constant 0 : i32
      %dma_wait3A_44 = tpu.memref_slice %arg6[%add3A_30, %dma_wait3A_43] : memref<128x10240xf32, #tpu.memory_space<hbm>> -> memref<1x10240xf32, #tpu.memory_space<hbm>>
      %dma_wait3A_45 = tpu.memref_squeeze %dma_wait3A_44 : memref<1x10240xf32, #tpu.memory_space<hbm>> -> memref<10240xf32, #tpu.memory_space<hbm>>
      tpu.wait_dma2 semaphore(%run_scoped3A : memref<!tpu.dma_semaphore, #tpu.memory_space<semaphore_mem>>) src(%arg12 : memref<10240xf32, #tpu.memory_space<vmem>>) dst(%dma_wait3A_45 : memref<10240xf32, #tpu.memory_space<hbm>>)
      tpu.yield
    }) : () -> ()
    %add3A_31 = arith.constant 2 : i32
    %add3A_32 = arith.addi %mul3A_2, %add3A_31 : i32
    "tpu.region"() ({
      %run_scoped3A = tpu.sem_alloc : memref<!tpu.dma_semaphore, #tpu.memory_space<semaphore_mem>>
      %dma_start3A_35 = arith.constant 0 : i32
      %dma_start3A_36 = tpu.memref_slice %arg6[%add3A_32, %dma_start3A_35] : memref<128x10240xf32, #tpu.memory_space<hbm>> -> memref<1x10240xf32, #tpu.memory_space<hbm>>
      %dma_start3A_37 = tpu.memref_squeeze %dma_start3A_36 : memref<1x10240xf32, #tpu.memory_space<hbm>> -> memref<10240xf32, #tpu.memory_space<hbm>>
      %dma_start3A_38 = arith.constant 0 : i32
      %dma_start3A_39 = tpu.memref_slice %arg6[%add3A_32, %dma_start3A_38] : memref<128x10240xf32, #tpu.memory_space<hbm>> -> memref<1x10240xf32, #tpu.memory_space<hbm>>
      %dma_start3A_40 = tpu.memref_squeeze %dma_start3A_39 : memref<1x10240xf32, #tpu.memory_space<hbm>> -> memref<10240xf32, #tpu.memory_space<hbm>>
      tpu.enqueue_dma source(%arg13 : memref<10240xf32, #tpu.memory_space<vmem>>) target(%dma_start3A_40 : memref<10240xf32, #tpu.memory_space<hbm>>) target_semaphore(%run_scoped3A : memref<!tpu.dma_semaphore, #tpu.memory_space<semaphore_mem>>)
      %dma_wait3A = arith.constant 0 : i32
      %dma_wait3A_41 = tpu.memref_slice %arg6[%add3A_32, %dma_wait3A] : memref<128x10240xf32, #tpu.memory_space<hbm>> -> memref<1x10240xf32, #tpu.memory_space<hbm>>
      %dma_wait3A_42 = tpu.memref_squeeze %dma_wait3A_41 : memref<1x10240xf32, #tpu.memory_space<hbm>> -> memref<10240xf32, #tpu.memory_space<hbm>>
      %dma_wait3A_43 = arith.constant 0 : i32
      %dma_wait3A_44 = tpu.memref_slice %arg6[%add3A_32, %dma_wait3A_43] : memref<128x10240xf32, #tpu.memory_space<hbm>> -> memref<1x10240xf32, #tpu.memory_space<hbm>>
      %dma_wait3A_45 = tpu.memref_squeeze %dma_wait3A_44 : memref<1x10240xf32, #tpu.memory_space<hbm>> -> memref<10240xf32, #tpu.memory_space<hbm>>
      tpu.wait_dma2 semaphore(%run_scoped3A : memref<!tpu.dma_semaphore, #tpu.memory_space<semaphore_mem>>) src(%arg13 : memref<10240xf32, #tpu.memory_space<vmem>>) dst(%dma_wait3A_45 : memref<10240xf32, #tpu.memory_space<hbm>>)
      tpu.yield
    }) : () -> ()
    %add3A_33 = arith.constant 3 : i32
    %add3A_34 = arith.addi %mul3A_2, %add3A_33 : i32
    "tpu.region"() ({
      %run_scoped3A = tpu.sem_alloc : memref<!tpu.dma_semaphore, #tpu.memory_space<semaphore_mem>>
      %dma_start3A_35 = arith.constant 0 : i32
      %dma_start3A_36 = tpu.memref_slice %arg6[%add3A_34, %dma_start3A_35] : memref<128x10240xf32, #tpu.memory_space<hbm>> -> memref<1x10240xf32, #tpu.memory_space<hbm>>
      %dma_start3A_37 = tpu.memref_squeeze %dma_start3A_36 : memref<1x10240xf32, #tpu.memory_space<hbm>> -> memref<10240xf32, #tpu.memory_space<hbm>>
      %dma_start3A_38 = arith.constant 0 : i32
      %dma_start3A_39 = tpu.memref_slice %arg6[%add3A_34, %dma_start3A_38] : memref<128x10240xf32, #tpu.memory_space<hbm>> -> memref<1x10240xf32, #tpu.memory_space<hbm>>
      %dma_start3A_40 = tpu.memref_squeeze %dma_start3A_39 : memref<1x10240xf32, #tpu.memory_space<hbm>> -> memref<10240xf32, #tpu.memory_space<hbm>>
      tpu.enqueue_dma source(%arg14 : memref<10240xf32, #tpu.memory_space<vmem>>) target(%dma_start3A_40 : memref<10240xf32, #tpu.memory_space<hbm>>) target_semaphore(%run_scoped3A : memref<!tpu.dma_semaphore, #tpu.memory_space<semaphore_mem>>)
      %dma_wait3A = arith.constant 0 : i32
      %dma_wait3A_41 = tpu.memref_slice %arg6[%add3A_34, %dma_wait3A] : memref<128x10240xf32, #tpu.memory_space<hbm>> -> memref<1x10240xf32, #tpu.memory_space<hbm>>
      %dma_wait3A_42 = tpu.memref_squeeze %dma_wait3A_41 : memref<1x10240xf32, #tpu.memory_space<hbm>> -> memref<10240xf32, #tpu.memory_space<hbm>>
      %dma_wait3A_43 = arith.constant 0 : i32
      %dma_wait3A_44 = tpu.memref_slice %arg6[%add3A_34, %dma_wait3A_43] : memref<128x10240xf32, #tpu.memory_space<hbm>> -> memref<1x10240xf32, #tpu.memory_space<hbm>>
      %dma_wait3A_45 = tpu.memref_squeeze %dma_wait3A_44 : memref<1x10240xf32, #tpu.memory_space<hbm>> -> memref<10240xf32, #tpu.memory_space<hbm>>
      tpu.wait_dma2 semaphore(%run_scoped3A : memref<!tpu.dma_semaphore, #tpu.memory_space<semaphore_mem>>) src(%arg14 : memref<10240xf32, #tpu.memory_space<vmem>>) dst(%dma_wait3A_45 : memref<10240xf32, #tpu.memory_space<hbm>>)
      tpu.yield
    }) : () -> ()
    return
  }
}

#map = affine_map<(d0, d1) -> (0, 0)>
#map1 = affine_map<(d0, d1) -> (0)>
module attributes {stable_mosaic.version = 14 : i64} {
  func.func @_sc_scatter(%arg0: i32, %arg1: i32, %arg2: memref<128x10240xf32, #tpu.memory_space<hbm>>, %arg3: memref<2560x128xi32, #tpu.memory_space<hbm>>, %arg4: memref<2560x128xi32, #tpu.memory_space<hbm>>, %arg5: memref<10240xf32, #tpu.memory_space<hbm>>, %arg6: memref<128x10240xf32, #tpu.memory_space<hbm>>, %arg7: memref<10240xf32, #tpu.memory_space<vmem>>, %arg8: memref<10240xf32, #tpu.memory_space<vmem>>, %arg9: memref<10240xf32, #tpu.memory_space<vmem>>, %arg10: memref<10240xf32, #tpu.memory_space<vmem>>, %arg11: memref<10240xf32, #tpu.memory_space<vmem>>, %arg12: memref<10240xf32, #tpu.memory_space<vmem>>, %arg13: memref<10240xf32, #tpu.memory_space<vmem>>, %arg14: memref<10240xf32, #tpu.memory_space<vmem>>, %arg15: memref<64x128xi32, #tpu.memory_space<vmem>>, %arg16: memref<64x128xi32, #tpu.memory_space<vmem>>, %arg17: memref<64x128xi32, #tpu.memory_space<vmem>>, %arg18: memref<64x128xi32, #tpu.memory_space<vmem>>, %arg19: memref<!tpu.dma_semaphore, #tpu.memory_space<semaphore_mem>>, %arg20: memref<!tpu.dma_semaphore, #tpu.memory_space<semaphore_mem>>) attributes {dimension_semantics = [#tpu.dimension_semantics<core_parallel>, #tpu.dimension_semantics<subcore_parallel>], iteration_bounds = array<i64: 2, 16>, scalar_prefetch = 0 : i64, scratch_operands = 14 : i64, tpu.core_type = #tpu.core_type<sc_vector_subcore>, window_params = [{transform_indices = #map}, {transform_indices = #map}, {transform_indices = #map}, {transform_indices = #map1}, {transform_indices = #map}]} {
    %mul3A = arith.constant 2 : i32
    %mul3A_0 = arith.muli %arg1, %mul3A : i32
    %add3A = arith.addi %mul3A_0, %arg0 : i32
    %mul3A_1 = arith.constant 4 : i32
    %mul3A_2 = arith.muli %add3A, %mul3A_1 : i32
    %add3A_3 = arith.constant 0 : i32
    %add3A_4 = arith.addi %mul3A_2, %add3A_3 : i32
    "tpu.region"() ({
      %run_scoped3A = tpu.sem_alloc : memref<!tpu.dma_semaphore, #tpu.memory_space<semaphore_mem>>
      %dma_start3A_35 = arith.constant 0 : i32
      %dma_start3A_36 = tpu.memref_slice %arg2[%add3A_4, %dma_start3A_35] : memref<128x10240xf32, #tpu.memory_space<hbm>> -> memref<1x10240xf32, #tpu.memory_space<hbm>>
      %dma_start3A_37 = tpu.memref_squeeze %dma_start3A_36 : memref<1x10240xf32, #tpu.memory_space<hbm>> -> memref<10240xf32, #tpu.memory_space<hbm>>
      %dma_start3A_38 = arith.constant 0 : i32
      %dma_start3A_39 = tpu.memref_slice %arg2[%add3A_4, %dma_start3A_38] : memref<128x10240xf32, #tpu.memory_space<hbm>> -> memref<1x10240xf32, #tpu.memory_space<hbm>>
      %dma_start3A_40 = tpu.memref_squeeze %dma_start3A_39 : memref<1x10240xf32, #tpu.memory_space<hbm>> -> memref<10240xf32, #tpu.memory_space<hbm>>
      tpu.enqueue_dma source(%dma_start3A_40 : memref<10240xf32, #tpu.memory_space<hbm>>) target(%arg7 : memref<10240xf32, #tpu.memory_space<vmem>>) target_semaphore(%run_scoped3A : memref<!tpu.dma_semaphore, #tpu.memory_space<semaphore_mem>>)
      %dma_wait3A = arith.constant 0 : i32
      %dma_wait3A_41 = tpu.memref_slice %arg2[%add3A_4, %dma_wait3A] : memref<128x10240xf32, #tpu.memory_space<hbm>> -> memref<1x10240xf32, #tpu.memory_space<hbm>>
      %dma_wait3A_42 = tpu.memref_squeeze %dma_wait3A_41 : memref<1x10240xf32, #tpu.memory_space<hbm>> -> memref<10240xf32, #tpu.memory_space<hbm>>
      %dma_wait3A_43 = arith.constant 0 : i32
      %dma_wait3A_44 = tpu.memref_slice %arg2[%add3A_4, %dma_wait3A_43] : memref<128x10240xf32, #tpu.memory_space<hbm>> -> memref<1x10240xf32, #tpu.memory_space<hbm>>
      %dma_wait3A_45 = tpu.memref_squeeze %dma_wait3A_44 : memref<1x10240xf32, #tpu.memory_space<hbm>> -> memref<10240xf32, #tpu.memory_space<hbm>>
      tpu.wait_dma2 semaphore(%run_scoped3A : memref<!tpu.dma_semaphore, #tpu.memory_space<semaphore_mem>>) src(%dma_wait3A_45 : memref<10240xf32, #tpu.memory_space<hbm>>) dst(%arg7 : memref<10240xf32, #tpu.memory_space<vmem>>)
      tpu.yield
    }) : () -> ()
    "tpu.region"() ({
      %run_scoped3A = tpu.sem_alloc : memref<!tpu.dma_semaphore, #tpu.memory_space<semaphore_mem>>
      tpu.enqueue_dma source(%arg5 : memref<10240xf32, #tpu.memory_space<hbm>>) target(%arg11 : memref<10240xf32, #tpu.memory_space<vmem>>) target_semaphore(%run_scoped3A : memref<!tpu.dma_semaphore, #tpu.memory_space<semaphore_mem>>)
      tpu.wait_dma2 semaphore(%run_scoped3A : memref<!tpu.dma_semaphore, #tpu.memory_space<semaphore_mem>>) src(%arg5 : memref<10240xf32, #tpu.memory_space<hbm>>) dst(%arg11 : memref<10240xf32, #tpu.memory_space<vmem>>)
      tpu.yield
    }) : () -> ()
    %add3A_5 = arith.constant 1 : i32
    %add3A_6 = arith.addi %mul3A_2, %add3A_5 : i32
    "tpu.region"() ({
      %run_scoped3A = tpu.sem_alloc : memref<!tpu.dma_semaphore, #tpu.memory_space<semaphore_mem>>
      %dma_start3A_35 = arith.constant 0 : i32
      %dma_start3A_36 = tpu.memref_slice %arg2[%add3A_6, %dma_start3A_35] : memref<128x10240xf32, #tpu.memory_space<hbm>> -> memref<1x10240xf32, #tpu.memory_space<hbm>>
      %dma_start3A_37 = tpu.memref_squeeze %dma_start3A_36 : memref<1x10240xf32, #tpu.memory_space<hbm>> -> memref<10240xf32, #tpu.memory_space<hbm>>
      %dma_start3A_38 = arith.constant 0 : i32
      %dma_start3A_39 = tpu.memref_slice %arg2[%add3A_6, %dma_start3A_38] : memref<128x10240xf32, #tpu.memory_space<hbm>> -> memref<1x10240xf32, #tpu.memory_space<hbm>>
      %dma_start3A_40 = tpu.memref_squeeze %dma_start3A_39 : memref<1x10240xf32, #tpu.memory_space<hbm>> -> memref<10240xf32, #tpu.memory_space<hbm>>
      tpu.enqueue_dma source(%dma_start3A_40 : memref<10240xf32, #tpu.memory_space<hbm>>) target(%arg8 : memref<10240xf32, #tpu.memory_space<vmem>>) target_semaphore(%run_scoped3A : memref<!tpu.dma_semaphore, #tpu.memory_space<semaphore_mem>>)
      %dma_wait3A = arith.constant 0 : i32
      %dma_wait3A_41 = tpu.memref_slice %arg2[%add3A_6, %dma_wait3A] : memref<128x10240xf32, #tpu.memory_space<hbm>> -> memref<1x10240xf32, #tpu.memory_space<hbm>>
      %dma_wait3A_42 = tpu.memref_squeeze %dma_wait3A_41 : memref<1x10240xf32, #tpu.memory_space<hbm>> -> memref<10240xf32, #tpu.memory_space<hbm>>
      %dma_wait3A_43 = arith.constant 0 : i32
      %dma_wait3A_44 = tpu.memref_slice %arg2[%add3A_6, %dma_wait3A_43] : memref<128x10240xf32, #tpu.memory_space<hbm>> -> memref<1x10240xf32, #tpu.memory_space<hbm>>
      %dma_wait3A_45 = tpu.memref_squeeze %dma_wait3A_44 : memref<1x10240xf32, #tpu.memory_space<hbm>> -> memref<10240xf32, #tpu.memory_space<hbm>>
      tpu.wait_dma2 semaphore(%run_scoped3A : memref<!tpu.dma_semaphore, #tpu.memory_space<semaphore_mem>>) src(%dma_wait3A_45 : memref<10240xf32, #tpu.memory_space<hbm>>) dst(%arg8 : memref<10240xf32, #tpu.memory_space<vmem>>)
      tpu.yield
    }) : () -> ()
    "tpu.region"() ({
      %run_scoped3A = tpu.sem_alloc : memref<!tpu.dma_semaphore, #tpu.memory_space<semaphore_mem>>
      tpu.enqueue_dma source(%arg5 : memref<10240xf32, #tpu.memory_space<hbm>>) target(%arg12 : memref<10240xf32, #tpu.memory_space<vmem>>) target_semaphore(%run_scoped3A : memref<!tpu.dma_semaphore, #tpu.memory_space<semaphore_mem>>)
      tpu.wait_dma2 semaphore(%run_scoped3A : memref<!tpu.dma_semaphore, #tpu.memory_space<semaphore_mem>>) src(%arg5 : memref<10240xf32, #tpu.memory_space<hbm>>) dst(%arg12 : memref<10240xf32, #tpu.memory_space<vmem>>)
      tpu.yield
    }) : () -> ()
    %add3A_7 = arith.constant 2 : i32
    %add3A_8 = arith.addi %mul3A_2, %add3A_7 : i32
    "tpu.region"() ({
      %run_scoped3A = tpu.sem_alloc : memref<!tpu.dma_semaphore, #tpu.memory_space<semaphore_mem>>
      %dma_start3A_35 = arith.constant 0 : i32
      %dma_start3A_36 = tpu.memref_slice %arg2[%add3A_8, %dma_start3A_35] : memref<128x10240xf32, #tpu.memory_space<hbm>> -> memref<1x10240xf32, #tpu.memory_space<hbm>>
      %dma_start3A_37 = tpu.memref_squeeze %dma_start3A_36 : memref<1x10240xf32, #tpu.memory_space<hbm>> -> memref<10240xf32, #tpu.memory_space<hbm>>
      %dma_start3A_38 = arith.constant 0 : i32
      %dma_start3A_39 = tpu.memref_slice %arg2[%add3A_8, %dma_start3A_38] : memref<128x10240xf32, #tpu.memory_space<hbm>> -> memref<1x10240xf32, #tpu.memory_space<hbm>>
      %dma_start3A_40 = tpu.memref_squeeze %dma_start3A_39 : memref<1x10240xf32, #tpu.memory_space<hbm>> -> memref<10240xf32, #tpu.memory_space<hbm>>
      tpu.enqueue_dma source(%dma_start3A_40 : memref<10240xf32, #tpu.memory_space<hbm>>) target(%arg9 : memref<10240xf32, #tpu.memory_space<vmem>>) target_semaphore(%run_scoped3A : memref<!tpu.dma_semaphore, #tpu.memory_space<semaphore_mem>>)
      %dma_wait3A = arith.constant 0 : i32
      %dma_wait3A_41 = tpu.memref_slice %arg2[%add3A_8, %dma_wait3A] : memref<128x10240xf32, #tpu.memory_space<hbm>> -> memref<1x10240xf32, #tpu.memory_space<hbm>>
      %dma_wait3A_42 = tpu.memref_squeeze %dma_wait3A_41 : memref<1x10240xf32, #tpu.memory_space<hbm>> -> memref<10240xf32, #tpu.memory_space<hbm>>
      %dma_wait3A_43 = arith.constant 0 : i32
      %dma_wait3A_44 = tpu.memref_slice %arg2[%add3A_8, %dma_wait3A_43] : memref<128x10240xf32, #tpu.memory_space<hbm>> -> memref<1x10240xf32, #tpu.memory_space<hbm>>
      %dma_wait3A_45 = tpu.memref_squeeze %dma_wait3A_44 : memref<1x10240xf32, #tpu.memory_space<hbm>> -> memref<10240xf32, #tpu.memory_space<hbm>>
      tpu.wait_dma2 semaphore(%run_scoped3A : memref<!tpu.dma_semaphore, #tpu.memory_space<semaphore_mem>>) src(%dma_wait3A_45 : memref<10240xf32, #tpu.memory_space<hbm>>) dst(%arg9 : memref<10240xf32, #tpu.memory_space<vmem>>)
      tpu.yield
    }) : () -> ()
    "tpu.region"() ({
      %run_scoped3A = tpu.sem_alloc : memref<!tpu.dma_semaphore, #tpu.memory_space<semaphore_mem>>
      tpu.enqueue_dma source(%arg5 : memref<10240xf32, #tpu.memory_space<hbm>>) target(%arg13 : memref<10240xf32, #tpu.memory_space<vmem>>) target_semaphore(%run_scoped3A : memref<!tpu.dma_semaphore, #tpu.memory_space<semaphore_mem>>)
      tpu.wait_dma2 semaphore(%run_scoped3A : memref<!tpu.dma_semaphore, #tpu.memory_space<semaphore_mem>>) src(%arg5 : memref<10240xf32, #tpu.memory_space<hbm>>) dst(%arg13 : memref<10240xf32, #tpu.memory_space<vmem>>)
      tpu.yield
    }) : () -> ()
    %add3A_9 = arith.constant 3 : i32
    %add3A_10 = arith.addi %mul3A_2, %add3A_9 : i32
    "tpu.region"() ({
      %run_scoped3A = tpu.sem_alloc : memref<!tpu.dma_semaphore, #tpu.memory_space<semaphore_mem>>
      %dma_start3A_35 = arith.constant 0 : i32
      %dma_start3A_36 = tpu.memref_slice %arg2[%add3A_10, %dma_start3A_35] : memref<128x10240xf32, #tpu.memory_space<hbm>> -> memref<1x10240xf32, #tpu.memory_space<hbm>>
      %dma_start3A_37 = tpu.memref_squeeze %dma_start3A_36 : memref<1x10240xf32, #tpu.memory_space<hbm>> -> memref<10240xf32, #tpu.memory_space<hbm>>
      %dma_start3A_38 = arith.constant 0 : i32
      %dma_start3A_39 = tpu.memref_slice %arg2[%add3A_10, %dma_start3A_38] : memref<128x10240xf32, #tpu.memory_space<hbm>> -> memref<1x10240xf32, #tpu.memory_space<hbm>>
      %dma_start3A_40 = tpu.memref_squeeze %dma_start3A_39 : memref<1x10240xf32, #tpu.memory_space<hbm>> -> memref<10240xf32, #tpu.memory_space<hbm>>
      tpu.enqueue_dma source(%dma_start3A_40 : memref<10240xf32, #tpu.memory_space<hbm>>) target(%arg10 : memref<10240xf32, #tpu.memory_space<vmem>>) target_semaphore(%run_scoped3A : memref<!tpu.dma_semaphore, #tpu.memory_space<semaphore_mem>>)
      %dma_wait3A = arith.constant 0 : i32
      %dma_wait3A_41 = tpu.memref_slice %arg2[%add3A_10, %dma_wait3A] : memref<128x10240xf32, #tpu.memory_space<hbm>> -> memref<1x10240xf32, #tpu.memory_space<hbm>>
      %dma_wait3A_42 = tpu.memref_squeeze %dma_wait3A_41 : memref<1x10240xf32, #tpu.memory_space<hbm>> -> memref<10240xf32, #tpu.memory_space<hbm>>
      %dma_wait3A_43 = arith.constant 0 : i32
      %dma_wait3A_44 = tpu.memref_slice %arg2[%add3A_10, %dma_wait3A_43] : memref<128x10240xf32, #tpu.memory_space<hbm>> -> memref<1x10240xf32, #tpu.memory_space<hbm>>
      %dma_wait3A_45 = tpu.memref_squeeze %dma_wait3A_44 : memref<1x10240xf32, #tpu.memory_space<hbm>> -> memref<10240xf32, #tpu.memory_space<hbm>>
      tpu.wait_dma2 semaphore(%run_scoped3A : memref<!tpu.dma_semaphore, #tpu.memory_space<semaphore_mem>>) src(%dma_wait3A_45 : memref<10240xf32, #tpu.memory_space<hbm>>) dst(%arg10 : memref<10240xf32, #tpu.memory_space<vmem>>)
      tpu.yield
    }) : () -> ()
    "tpu.region"() ({
      %run_scoped3A = tpu.sem_alloc : memref<!tpu.dma_semaphore, #tpu.memory_space<semaphore_mem>>
      tpu.enqueue_dma source(%arg5 : memref<10240xf32, #tpu.memory_space<hbm>>) target(%arg14 : memref<10240xf32, #tpu.memory_space<vmem>>) target_semaphore(%run_scoped3A : memref<!tpu.dma_semaphore, #tpu.memory_space<semaphore_mem>>)
      tpu.wait_dma2 semaphore(%run_scoped3A : memref<!tpu.dma_semaphore, #tpu.memory_space<semaphore_mem>>) src(%arg5 : memref<10240xf32, #tpu.memory_space<hbm>>) dst(%arg14 : memref<10240xf32, #tpu.memory_space<vmem>>)
      tpu.yield
    }) : () -> ()
    %dma_start3A = arith.constant 0 : i32
    %dma_start3A_11 = arith.constant 0 : i32
    %dma_start3A_12 = tpu.memref_slice %arg3[%dma_start3A, %dma_start3A_11] : memref<2560x128xi32, #tpu.memory_space<hbm>> -> memref<64x128xi32, #tpu.memory_space<hbm>>
    %dma_start3A_13 = arith.constant 0 : i32
    %dma_start3A_14 = arith.constant 0 : i32
    %dma_start3A_15 = tpu.memref_slice %arg3[%dma_start3A_13, %dma_start3A_14] : memref<2560x128xi32, #tpu.memory_space<hbm>> -> memref<64x128xi32, #tpu.memory_space<hbm>>
    tpu.enqueue_dma source(%dma_start3A_15 : memref<64x128xi32, #tpu.memory_space<hbm>>) target(%arg15 : memref<64x128xi32, #tpu.memory_space<vmem>>) target_semaphore(%arg19 : memref<!tpu.dma_semaphore, #tpu.memory_space<semaphore_mem>>)
    %dma_start3A_16 = arith.constant 0 : i32
    %dma_start3A_17 = arith.constant 0 : i32
    %dma_start3A_18 = tpu.memref_slice %arg4[%dma_start3A_16, %dma_start3A_17] : memref<2560x128xi32, #tpu.memory_space<hbm>> -> memref<64x128xi32, #tpu.memory_space<hbm>>
    %dma_start3A_19 = arith.constant 0 : i32
    %dma_start3A_20 = arith.constant 0 : i32
    %dma_start3A_21 = tpu.memref_slice %arg4[%dma_start3A_19, %dma_start3A_20] : memref<2560x128xi32, #tpu.memory_space<hbm>> -> memref<64x128xi32, #tpu.memory_space<hbm>>
    tpu.enqueue_dma source(%dma_start3A_21 : memref<64x128xi32, #tpu.memory_space<hbm>>) target(%arg17 : memref<64x128xi32, #tpu.memory_space<vmem>>) target_semaphore(%arg19 : memref<!tpu.dma_semaphore, #tpu.memory_space<semaphore_mem>>)
    %scan3A = arith.constant 0 : i32
    %scan3A_22 = arith.constant 0 : i32
    %scan3A_23 = arith.constant 20 : i32
    %scan3A_24 = arith.addi %scan3A_22, %scan3A_23 : i32
    %scan3A_25 = arith.constant 1 : i32
    scf.for %scan3A_35 = %scan3A_22 to %scan3A_24 step %scan3A_25  : i32 {
      %mul3A_36 = arith.constant 2 : i32
      %mul3A_37 = arith.muli %mul3A_36, %scan3A_35 : i32
      %dma_wait3A = arith.constant 0 : i32
      %dma_wait3A_38 = arith.constant 0 : i32
      %dma_wait3A_39 = tpu.memref_slice %arg3[%dma_wait3A, %dma_wait3A_38] : memref<2560x128xi32, #tpu.memory_space<hbm>> -> memref<64x128xi32, #tpu.memory_space<hbm>>
      %dma_wait3A_40 = arith.constant 0 : i32
      %dma_wait3A_41 = arith.constant 0 : i32
      %dma_wait3A_42 = tpu.memref_slice %arg3[%dma_wait3A_40, %dma_wait3A_41] : memref<2560x128xi32, #tpu.memory_space<hbm>> -> memref<64x128xi32, #tpu.memory_space<hbm>>
      tpu.wait_dma2 semaphore(%arg19 : memref<!tpu.dma_semaphore, #tpu.memory_space<semaphore_mem>>) src(%dma_wait3A_42 : memref<64x128xi32, #tpu.memory_space<hbm>>) dst(%arg15 : memref<64x128xi32, #tpu.memory_space<vmem>>)
      %dma_wait3A_43 = arith.constant 0 : i32
      %dma_wait3A_44 = arith.constant 0 : i32
      %dma_wait3A_45 = tpu.memref_slice %arg4[%dma_wait3A_43, %dma_wait3A_44] : memref<2560x128xi32, #tpu.memory_space<hbm>> -> memref<64x128xi32, #tpu.memory_space<hbm>>
      %dma_wait3A_46 = arith.constant 0 : i32
      %dma_wait3A_47 = arith.constant 0 : i32
      %dma_wait3A_48 = tpu.memref_slice %arg4[%dma_wait3A_46, %dma_wait3A_47] : memref<2560x128xi32, #tpu.memory_space<hbm>> -> memref<64x128xi32, #tpu.memory_space<hbm>>
      tpu.wait_dma2 semaphore(%arg19 : memref<!tpu.dma_semaphore, #tpu.memory_space<semaphore_mem>>) src(%dma_wait3A_48 : memref<64x128xi32, #tpu.memory_space<hbm>>) dst(%arg17 : memref<64x128xi32, #tpu.memory_space<vmem>>)
      %add3A_49 = arith.constant 1 : i32
      %add3A_50 = arith.addi %mul3A_37, %add3A_49 : i32
      %mul3A_51 = arith.constant 64 : i32
      %mul3A_52 = arith.muli %add3A_50, %mul3A_51 : i32
      %dma_start3A_53 = arith.constant 0 : i32
      %dma_start3A_54 = tpu.memref_slice %arg3[%mul3A_52, %dma_start3A_53] : memref<2560x128xi32, #tpu.memory_space<hbm>> -> memref<64x128xi32, #tpu.memory_space<hbm>>
      %dma_start3A_55 = arith.constant 0 : i32
      %dma_start3A_56 = tpu.memref_slice %arg3[%mul3A_52, %dma_start3A_55] : memref<2560x128xi32, #tpu.memory_space<hbm>> -> memref<64x128xi32, #tpu.memory_space<hbm>>
      tpu.enqueue_dma source(%dma_start3A_56 : memref<64x128xi32, #tpu.memory_space<hbm>>) target(%arg16 : memref<64x128xi32, #tpu.memory_space<vmem>>) target_semaphore(%arg20 : memref<!tpu.dma_semaphore, #tpu.memory_space<semaphore_mem>>)
      %mul3A_57 = arith.constant 64 : i32
      %mul3A_58 = arith.muli %add3A_50, %mul3A_57 : i32
      %dma_start3A_59 = arith.constant 0 : i32
      %dma_start3A_60 = tpu.memref_slice %arg4[%mul3A_58, %dma_start3A_59] : memref<2560x128xi32, #tpu.memory_space<hbm>> -> memref<64x128xi32, #tpu.memory_space<hbm>>
      %dma_start3A_61 = arith.constant 0 : i32
      %dma_start3A_62 = tpu.memref_slice %arg4[%mul3A_58, %dma_start3A_61] : memref<2560x128xi32, #tpu.memory_space<hbm>> -> memref<64x128xi32, #tpu.memory_space<hbm>>
      tpu.enqueue_dma source(%dma_start3A_62 : memref<64x128xi32, #tpu.memory_space<hbm>>) target(%arg18 : memref<64x128xi32, #tpu.memory_space<vmem>>) target_semaphore(%arg20 : memref<!tpu.dma_semaphore, #tpu.memory_space<semaphore_mem>>)
      %scan3A_63 = arith.constant 0 : i32
      %scan3A_64 = arith.constant 0 : i32
      %scan3A_65 = arith.constant 64 : i32
      %scan3A_66 = arith.addi %scan3A_64, %scan3A_65 : i32
      %scan3A_67 = arith.constant 1 : i32
      scf.for %scan3A_91 = %scan3A_64 to %scan3A_66 step %scan3A_67  : i32 {
        %get3A = arith.index_cast %scan3A_91 : i32 to index
        %get3A_92 = arith.constant 0 : index
        %get3A_93 = tpu.vector_load %arg15[%get3A, %get3A_92] {strides = array<i32>} : memref<64x128xi32, #tpu.memory_space<vmem>>, vector<16xi32>,
        %get3A_94 = arith.index_cast %scan3A_91 : i32 to index
        %get3A_95 = arith.constant 16 : index
        %get3A_96 = tpu.vector_load %arg15[%get3A_94, %get3A_95] {strides = array<i32>} : memref<64x128xi32, #tpu.memory_space<vmem>>, vector<16xi32>,
        %get3A_97 = arith.index_cast %scan3A_91 : i32 to index
        %get3A_98 = arith.constant 32 : index
        %get3A_99 = tpu.vector_load %arg15[%get3A_97, %get3A_98] {strides = array<i32>} : memref<64x128xi32, #tpu.memory_space<vmem>>, vector<16xi32>,
        %get3A_100 = arith.index_cast %scan3A_91 : i32 to index
        %get3A_101 = arith.constant 48 : index
        %get3A_102 = tpu.vector_load %arg15[%get3A_100, %get3A_101] {strides = array<i32>} : memref<64x128xi32, #tpu.memory_space<vmem>>, vector<16xi32>,
        %get3A_103 = arith.index_cast %scan3A_91 : i32 to index
        %get3A_104 = arith.constant 0 : index
        %get3A_105 = tpu.vector_load %arg17[%get3A_103, %get3A_104] {strides = array<i32>} : memref<64x128xi32, #tpu.memory_space<vmem>>, vector<16xi32>,
        %get3A_106 = arith.index_cast %scan3A_91 : i32 to index
        %get3A_107 = arith.constant 16 : index
        %get3A_108 = tpu.vector_load %arg17[%get3A_106, %get3A_107] {strides = array<i32>} : memref<64x128xi32, #tpu.memory_space<vmem>>, vector<16xi32>,
        %get3A_109 = arith.index_cast %scan3A_91 : i32 to index
        %get3A_110 = arith.constant 32 : index
        %get3A_111 = tpu.vector_load %arg17[%get3A_109, %get3A_110] {strides = array<i32>} : memref<64x128xi32, #tpu.memory_space<vmem>>, vector<16xi32>,
        %get3A_112 = arith.index_cast %scan3A_91 : i32 to index
        %get3A_113 = arith.constant 48 : index
        %get3A_114 = tpu.vector_load %arg17[%get3A_112, %get3A_113] {strides = array<i32>} : memref<64x128xi32, #tpu.memory_space<vmem>>, vector<16xi32>,
        %gather3A = tpu.vector_load_idx %arg7[%get3A_93] : memref<10240xf32, #tpu.memory_space<vmem>>[vector<16xi32>], vector<16xf32>,
        %gather3A_115 = tpu.vector_load_idx %arg8[%get3A_93] : memref<10240xf32, #tpu.memory_space<vmem>>[vector<16xi32>], vector<16xf32>,
        %gather3A_116 = tpu.vector_load_idx %arg9[%get3A_93] : memref<10240xf32, #tpu.memory_space<vmem>>[vector<16xi32>], vector<16xf32>,
        %gather3A_117 = tpu.vector_load_idx %arg10[%get3A_93] : memref<10240xf32, #tpu.memory_space<vmem>>[vector<16xi32>], vector<16xf32>,
        %gather3A_118 = tpu.vector_load_idx %arg7[%get3A_96] : memref<10240xf32, #tpu.memory_space<vmem>>[vector<16xi32>], vector<16xf32>,
        %gather3A_119 = tpu.vector_load_idx %arg8[%get3A_96] : memref<10240xf32, #tpu.memory_space<vmem>>[vector<16xi32>], vector<16xf32>,
        %gather3A_120 = tpu.vector_load_idx %arg9[%get3A_96] : memref<10240xf32, #tpu.memory_space<vmem>>[vector<16xi32>], vector<16xf32>,
        %gather3A_121 = tpu.vector_load_idx %arg10[%get3A_96] : memref<10240xf32, #tpu.memory_space<vmem>>[vector<16xi32>], vector<16xf32>,
        %gather3A_122 = tpu.vector_load_idx %arg7[%get3A_99] : memref<10240xf32, #tpu.memory_space<vmem>>[vector<16xi32>], vector<16xf32>,
        %gather3A_123 = tpu.vector_load_idx %arg8[%get3A_99] : memref<10240xf32, #tpu.memory_space<vmem>>[vector<16xi32>], vector<16xf32>,
        %gather3A_124 = tpu.vector_load_idx %arg9[%get3A_99] : memref<10240xf32, #tpu.memory_space<vmem>>[vector<16xi32>], vector<16xf32>,
        %gather3A_125 = tpu.vector_load_idx %arg10[%get3A_99] : memref<10240xf32, #tpu.memory_space<vmem>>[vector<16xi32>], vector<16xf32>,
        %gather3A_126 = tpu.vector_load_idx %arg7[%get3A_102] : memref<10240xf32, #tpu.memory_space<vmem>>[vector<16xi32>], vector<16xf32>,
        %gather3A_127 = tpu.vector_load_idx %arg8[%get3A_102] : memref<10240xf32, #tpu.memory_space<vmem>>[vector<16xi32>], vector<16xf32>,
        %gather3A_128 = tpu.vector_load_idx %arg9[%get3A_102] : memref<10240xf32, #tpu.memory_space<vmem>>[vector<16xi32>], vector<16xf32>,
        %gather3A_129 = tpu.vector_load_idx %arg10[%get3A_102] : memref<10240xf32, #tpu.memory_space<vmem>>[vector<16xi32>], vector<16xf32>,
        tpu.vector_store_idx %arg11[%get3A_105], %gather3A {add = true} : memref<10240xf32, #tpu.memory_space<vmem>>[vector<16xi32>], vector<16xf32>,
        tpu.vector_store_idx %arg12[%get3A_105], %gather3A_115 {add = true} : memref<10240xf32, #tpu.memory_space<vmem>>[vector<16xi32>], vector<16xf32>,
        tpu.vector_store_idx %arg13[%get3A_105], %gather3A_116 {add = true} : memref<10240xf32, #tpu.memory_space<vmem>>[vector<16xi32>], vector<16xf32>,
        tpu.vector_store_idx %arg14[%get3A_105], %gather3A_117 {add = true} : memref<10240xf32, #tpu.memory_space<vmem>>[vector<16xi32>], vector<16xf32>,
        tpu.vector_store_idx %arg11[%get3A_108], %gather3A_118 {add = true} : memref<10240xf32, #tpu.memory_space<vmem>>[vector<16xi32>], vector<16xf32>,
        tpu.vector_store_idx %arg12[%get3A_108], %gather3A_119 {add = true} : memref<10240xf32, #tpu.memory_space<vmem>>[vector<16xi32>], vector<16xf32>,
        tpu.vector_store_idx %arg13[%get3A_108], %gather3A_120 {add = true} : memref<10240xf32, #tpu.memory_space<vmem>>[vector<16xi32>], vector<16xf32>,
        tpu.vector_store_idx %arg14[%get3A_108], %gather3A_121 {add = true} : memref<10240xf32, #tpu.memory_space<vmem>>[vector<16xi32>], vector<16xf32>,
        tpu.vector_store_idx %arg11[%get3A_111], %gather3A_122 {add = true} : memref<10240xf32, #tpu.memory_space<vmem>>[vector<16xi32>], vector<16xf32>,
        tpu.vector_store_idx %arg12[%get3A_111], %gather3A_123 {add = true} : memref<10240xf32, #tpu.memory_space<vmem>>[vector<16xi32>], vector<16xf32>,
        tpu.vector_store_idx %arg13[%get3A_111], %gather3A_124 {add = true} : memref<10240xf32, #tpu.memory_space<vmem>>[vector<16xi32>], vector<16xf32>,
        tpu.vector_store_idx %arg14[%get3A_111], %gather3A_125 {add = true} : memref<10240xf32, #tpu.memory_space<vmem>>[vector<16xi32>], vector<16xf32>,
        tpu.vector_store_idx %arg11[%get3A_114], %gather3A_126 {add = true} : memref<10240xf32, #tpu.memory_space<vmem>>[vector<16xi32>], vector<16xf32>,
        tpu.vector_store_idx %arg12[%get3A_114], %gather3A_127 {add = true} : memref<10240xf32, #tpu.memory_space<vmem>>[vector<16xi32>], vector<16xf32>,
        tpu.vector_store_idx %arg13[%get3A_114], %gather3A_128 {add = true} : memref<10240xf32, #tpu.memory_space<vmem>>[vector<16xi32>], vector<16xf32>,
        tpu.vector_store_idx %arg14[%get3A_114], %gather3A_129 {add = true} : memref<10240xf32, #tpu.memory_space<vmem>>[vector<16xi32>], vector<16xf32>,
        %get3A_130 = arith.index_cast %scan3A_91 : i32 to index
        %get3A_131 = arith.constant 64 : index
        %get3A_132 = tpu.vector_load %arg15[%get3A_130, %get3A_131] {strides = array<i32>} : memref<64x128xi32, #tpu.memory_space<vmem>>, vector<16xi32>,
        %get3A_133 = arith.index_cast %scan3A_91 : i32 to index
        %get3A_134 = arith.constant 80 : index
        %get3A_135 = tpu.vector_load %arg15[%get3A_133, %get3A_134] {strides = array<i32>} : memref<64x128xi32, #tpu.memory_space<vmem>>, vector<16xi32>,
        %get3A_136 = arith.index_cast %scan3A_91 : i32 to index
        %get3A_137 = arith.constant 96 : index
        %get3A_138 = tpu.vector_load %arg15[%get3A_136, %get3A_137] {strides = array<i32>} : memref<64x128xi32, #tpu.memory_space<vmem>>, vector<16xi32>,
        %get3A_139 = arith.index_cast %scan3A_91 : i32 to index
        %get3A_140 = arith.constant 112 : index
        %get3A_141 = tpu.vector_load %arg15[%get3A_139, %get3A_140] {strides = array<i32>} : memref<64x128xi32, #tpu.memory_space<vmem>>, vector<16xi32>,
        %get3A_142 = arith.index_cast %scan3A_91 : i32 to index
        %get3A_143 = arith.constant 64 : index
        %get3A_144 = tpu.vector_load %arg17[%get3A_142, %get3A_143] {strides = array<i32>} : memref<64x128xi32, #tpu.memory_space<vmem>>, vector<16xi32>,
        %get3A_145 = arith.index_cast %scan3A_91 : i32 to index
        %get3A_146 = arith.constant 80 : index
        %get3A_147 = tpu.vector_load %arg17[%get3A_145, %get3A_146] {strides = array<i32>} : memref<64x128xi32, #tpu.memory_space<vmem>>, vector<16xi32>,
        %get3A_148 = arith.index_cast %scan3A_91 : i32 to index
        %get3A_149 = arith.constant 96 : index
        %get3A_150 = tpu.vector_load %arg17[%get3A_148, %get3A_149] {strides = array<i32>} : memref<64x128xi32, #tpu.memory_space<vmem>>, vector<16xi32>,
        %get3A_151 = arith.index_cast %scan3A_91 : i32 to index
        %get3A_152 = arith.constant 112 : index
        %get3A_153 = tpu.vector_load %arg17[%get3A_151, %get3A_152] {strides = array<i32>} : memref<64x128xi32, #tpu.memory_space<vmem>>, vector<16xi32>,
        %gather3A_154 = tpu.vector_load_idx %arg7[%get3A_132] : memref<10240xf32, #tpu.memory_space<vmem>>[vector<16xi32>], vector<16xf32>,
        %gather3A_155 = tpu.vector_load_idx %arg8[%get3A_132] : memref<10240xf32, #tpu.memory_space<vmem>>[vector<16xi32>], vector<16xf32>,
        %gather3A_156 = tpu.vector_load_idx %arg9[%get3A_132] : memref<10240xf32, #tpu.memory_space<vmem>>[vector<16xi32>], vector<16xf32>,
        %gather3A_157 = tpu.vector_load_idx %arg10[%get3A_132] : memref<10240xf32, #tpu.memory_space<vmem>>[vector<16xi32>], vector<16xf32>,
        %gather3A_158 = tpu.vector_load_idx %arg7[%get3A_135] : memref<10240xf32, #tpu.memory_space<vmem>>[vector<16xi32>], vector<16xf32>,
        %gather3A_159 = tpu.vector_load_idx %arg8[%get3A_135] : memref<10240xf32, #tpu.memory_space<vmem>>[vector<16xi32>], vector<16xf32>,
        %gather3A_160 = tpu.vector_load_idx %arg9[%get3A_135] : memref<10240xf32, #tpu.memory_space<vmem>>[vector<16xi32>], vector<16xf32>,
        %gather3A_161 = tpu.vector_load_idx %arg10[%get3A_135] : memref<10240xf32, #tpu.memory_space<vmem>>[vector<16xi32>], vector<16xf32>,
        %gather3A_162 = tpu.vector_load_idx %arg7[%get3A_138] : memref<10240xf32, #tpu.memory_space<vmem>>[vector<16xi32>], vector<16xf32>,
        %gather3A_163 = tpu.vector_load_idx %arg8[%get3A_138] : memref<10240xf32, #tpu.memory_space<vmem>>[vector<16xi32>], vector<16xf32>,
        %gather3A_164 = tpu.vector_load_idx %arg9[%get3A_138] : memref<10240xf32, #tpu.memory_space<vmem>>[vector<16xi32>], vector<16xf32>,
        %gather3A_165 = tpu.vector_load_idx %arg10[%get3A_138] : memref<10240xf32, #tpu.memory_space<vmem>>[vector<16xi32>], vector<16xf32>,
        %gather3A_166 = tpu.vector_load_idx %arg7[%get3A_141] : memref<10240xf32, #tpu.memory_space<vmem>>[vector<16xi32>], vector<16xf32>,
        %gather3A_167 = tpu.vector_load_idx %arg8[%get3A_141] : memref<10240xf32, #tpu.memory_space<vmem>>[vector<16xi32>], vector<16xf32>,
        %gather3A_168 = tpu.vector_load_idx %arg9[%get3A_141] : memref<10240xf32, #tpu.memory_space<vmem>>[vector<16xi32>], vector<16xf32>,
        %gather3A_169 = tpu.vector_load_idx %arg10[%get3A_141] : memref<10240xf32, #tpu.memory_space<vmem>>[vector<16xi32>], vector<16xf32>,
        tpu.vector_store_idx %arg11[%get3A_144], %gather3A_154 {add = true} : memref<10240xf32, #tpu.memory_space<vmem>>[vector<16xi32>], vector<16xf32>,
        tpu.vector_store_idx %arg12[%get3A_144], %gather3A_155 {add = true} : memref<10240xf32, #tpu.memory_space<vmem>>[vector<16xi32>], vector<16xf32>,
        tpu.vector_store_idx %arg13[%get3A_144], %gather3A_156 {add = true} : memref<10240xf32, #tpu.memory_space<vmem>>[vector<16xi32>], vector<16xf32>,
        tpu.vector_store_idx %arg14[%get3A_144], %gather3A_157 {add = true} : memref<10240xf32, #tpu.memory_space<vmem>>[vector<16xi32>], vector<16xf32>,
        tpu.vector_store_idx %arg11[%get3A_147], %gather3A_158 {add = true} : memref<10240xf32, #tpu.memory_space<vmem>>[vector<16xi32>], vector<16xf32>,
        tpu.vector_store_idx %arg12[%get3A_147], %gather3A_159 {add = true} : memref<10240xf32, #tpu.memory_space<vmem>>[vector<16xi32>], vector<16xf32>,
        tpu.vector_store_idx %arg13[%get3A_147], %gather3A_160 {add = true} : memref<10240xf32, #tpu.memory_space<vmem>>[vector<16xi32>], vector<16xf32>,
        tpu.vector_store_idx %arg14[%get3A_147], %gather3A_161 {add = true} : memref<10240xf32, #tpu.memory_space<vmem>>[vector<16xi32>], vector<16xf32>,
        tpu.vector_store_idx %arg11[%get3A_150], %gather3A_162 {add = true} : memref<10240xf32, #tpu.memory_space<vmem>>[vector<16xi32>], vector<16xf32>,
        tpu.vector_store_idx %arg12[%get3A_150], %gather3A_163 {add = true} : memref<10240xf32, #tpu.memory_space<vmem>>[vector<16xi32>], vector<16xf32>,
        tpu.vector_store_idx %arg13[%get3A_150], %gather3A_164 {add = true} : memref<10240xf32, #tpu.memory_space<vmem>>[vector<16xi32>], vector<16xf32>,
        tpu.vector_store_idx %arg14[%get3A_150], %gather3A_165 {add = true} : memref<10240xf32, #tpu.memory_space<vmem>>[vector<16xi32>], vector<16xf32>,
        tpu.vector_store_idx %arg11[%get3A_153], %gather3A_166 {add = true} : memref<10240xf32, #tpu.memory_space<vmem>>[vector<16xi32>], vector<16xf32>,
        tpu.vector_store_idx %arg12[%get3A_153], %gather3A_167 {add = true} : memref<10240xf32, #tpu.memory_space<vmem>>[vector<16xi32>], vector<16xf32>,
        tpu.vector_store_idx %arg13[%get3A_153], %gather3A_168 {add = true} : memref<10240xf32, #tpu.memory_space<vmem>>[vector<16xi32>], vector<16xf32>,
        tpu.vector_store_idx %arg14[%get3A_153], %gather3A_169 {add = true} : memref<10240xf32, #tpu.memory_space<vmem>>[vector<16xi32>], vector<16xf32>,
      }
      %scan3A_68 = arith.constant 64 : i32
      %dma_wait3A_69 = arith.constant 0 : i32
      %dma_wait3A_70 = arith.constant 0 : i32
      %dma_wait3A_71 = tpu.memref_slice %arg3[%dma_wait3A_69, %dma_wait3A_70] : memref<2560x128xi32, #tpu.memory_space<hbm>> -> memref<64x128xi32, #tpu.memory_space<hbm>>
      %dma_wait3A_72 = arith.constant 0 : i32
      %dma_wait3A_73 = arith.constant 0 : i32
      %dma_wait3A_74 = tpu.memref_slice %arg3[%dma_wait3A_72, %dma_wait3A_73] : memref<2560x128xi32, #tpu.memory_space<hbm>> -> memref<64x128xi32, #tpu.memory_space<hbm>>
      tpu.wait_dma2 semaphore(%arg20 : memref<!tpu.dma_semaphore, #tpu.memory_space<semaphore_mem>>) src(%dma_wait3A_74 : memref<64x128xi32, #tpu.memory_space<hbm>>) dst(%arg16 : memref<64x128xi32, #tpu.memory_space<vmem>>)
      %dma_wait3A_75 = arith.constant 0 : i32
      %dma_wait3A_76 = arith.constant 0 : i32
      %dma_wait3A_77 = tpu.memref_slice %arg4[%dma_wait3A_75, %dma_wait3A_76] : memref<2560x128xi32, #tpu.memory_space<hbm>> -> memref<64x128xi32, #tpu.memory_space<hbm>>
      %dma_wait3A_78 = arith.constant 0 : i32
      %dma_wait3A_79 = arith.constant 0 : i32
      %dma_wait3A_80 = tpu.memref_slice %arg4[%dma_wait3A_78, %dma_wait3A_79] : memref<2560x128xi32, #tpu.memory_space<hbm>> -> memref<64x128xi32, #tpu.memory_space<hbm>>
      tpu.wait_dma2 semaphore(%arg20 : memref<!tpu.dma_semaphore, #tpu.memory_space<semaphore_mem>>) src(%dma_wait3A_80 : memref<64x128xi32, #tpu.memory_space<hbm>>) dst(%arg18 : memref<64x128xi32, #tpu.memory_space<vmem>>)
      %add3A_81 = arith.constant 2 : i32
      %add3A_82 = arith.addi %mul3A_37, %add3A_81 : i32
      %lt3A = arith.constant 40 : i32
      %lt3A_83 = arith.cmpi slt, %add3A_82, %lt3A : i32
      %convert_element_type3A = arith.extui %lt3A_83 : i1 to i32
      %cond3A = arith.constant 0 : i32
      %cond3A_84 = arith.cmpi ne, %convert_element_type3A, %cond3A : i32
      scf.if %cond3A_84 {
        %add3A_91 = arith.constant 2 : i32
        %add3A_92 = arith.addi %mul3A_37, %add3A_91 : i32
        %mul3A_93 = arith.constant 64 : i32
        %mul3A_94 = arith.muli %add3A_92, %mul3A_93 : i32
        %dma_start3A_95 = arith.constant 0 : i32
        %dma_start3A_96 = tpu.memref_slice %arg3[%mul3A_94, %dma_start3A_95] : memref<2560x128xi32, #tpu.memory_space<hbm>> -> memref<64x128xi32, #tpu.memory_space<hbm>>
        %dma_start3A_97 = arith.constant 0 : i32
        %dma_start3A_98 = tpu.memref_slice %arg3[%mul3A_94, %dma_start3A_97] : memref<2560x128xi32, #tpu.memory_space<hbm>> -> memref<64x128xi32, #tpu.memory_space<hbm>>
        tpu.enqueue_dma source(%dma_start3A_98 : memref<64x128xi32, #tpu.memory_space<hbm>>) target(%arg15 : memref<64x128xi32, #tpu.memory_space<vmem>>) target_semaphore(%arg19 : memref<!tpu.dma_semaphore, #tpu.memory_space<semaphore_mem>>)
        %mul3A_99 = arith.constant 64 : i32
        %mul3A_100 = arith.muli %add3A_92, %mul3A_99 : i32
        %dma_start3A_101 = arith.constant 0 : i32
        %dma_start3A_102 = tpu.memref_slice %arg4[%mul3A_100, %dma_start3A_101] : memref<2560x128xi32, #tpu.memory_space<hbm>> -> memref<64x128xi32, #tpu.memory_space<hbm>>
        %dma_start3A_103 = arith.constant 0 : i32
        %dma_start3A_104 = tpu.memref_slice %arg4[%mul3A_100, %dma_start3A_103] : memref<2560x128xi32, #tpu.memory_space<hbm>> -> memref<64x128xi32, #tpu.memory_space<hbm>>
        tpu.enqueue_dma source(%dma_start3A_104 : memref<64x128xi32, #tpu.memory_space<hbm>>) target(%arg17 : memref<64x128xi32, #tpu.memory_space<vmem>>) target_semaphore(%arg19 : memref<!tpu.dma_semaphore, #tpu.memory_space<semaphore_mem>>)
      } else {
      }
      %scan3A_85 = arith.constant 0 : i32
      %scan3A_86 = arith.constant 0 : i32
      %scan3A_87 = arith.constant 64 : i32
      %scan3A_88 = arith.addi %scan3A_86, %scan3A_87 : i32
      %scan3A_89 = arith.constant 1 : i32
      scf.for %scan3A_91 = %scan3A_86 to %scan3A_88 step %scan3A_89  : i32 {
        %get3A = arith.index_cast %scan3A_91 : i32 to index
        %get3A_92 = arith.constant 0 : index
        %get3A_93 = tpu.vector_load %arg16[%get3A, %get3A_92] {strides = array<i32>} : memref<64x128xi32, #tpu.memory_space<vmem>>, vector<16xi32>,
        %get3A_94 = arith.index_cast %scan3A_91 : i32 to index
        %get3A_95 = arith.constant 16 : index
        %get3A_96 = tpu.vector_load %arg16[%get3A_94, %get3A_95] {strides = array<i32>} : memref<64x128xi32, #tpu.memory_space<vmem>>, vector<16xi32>,
        %get3A_97 = arith.index_cast %scan3A_91 : i32 to index
        %get3A_98 = arith.constant 32 : index
        %get3A_99 = tpu.vector_load %arg16[%get3A_97, %get3A_98] {strides = array<i32>} : memref<64x128xi32, #tpu.memory_space<vmem>>, vector<16xi32>,
        %get3A_100 = arith.index_cast %scan3A_91 : i32 to index
        %get3A_101 = arith.constant 48 : index
        %get3A_102 = tpu.vector_load %arg16[%get3A_100, %get3A_101] {strides = array<i32>} : memref<64x128xi32, #tpu.memory_space<vmem>>, vector<16xi32>,
        %get3A_103 = arith.index_cast %scan3A_91 : i32 to index
        %get3A_104 = arith.constant 0 : index
        %get3A_105 = tpu.vector_load %arg18[%get3A_103, %get3A_104] {strides = array<i32>} : memref<64x128xi32, #tpu.memory_space<vmem>>, vector<16xi32>,
        %get3A_106 = arith.index_cast %scan3A_91 : i32 to index
        %get3A_107 = arith.constant 16 : index
        %get3A_108 = tpu.vector_load %arg18[%get3A_106, %get3A_107] {strides = array<i32>} : memref<64x128xi32, #tpu.memory_space<vmem>>, vector<16xi32>,
        %get3A_109 = arith.index_cast %scan3A_91 : i32 to index
        %get3A_110 = arith.constant 32 : index
        %get3A_111 = tpu.vector_load %arg18[%get3A_109, %get3A_110] {strides = array<i32>} : memref<64x128xi32, #tpu.memory_space<vmem>>, vector<16xi32>,
        %get3A_112 = arith.index_cast %scan3A_91 : i32 to index
        %get3A_113 = arith.constant 48 : index
        %get3A_114 = tpu.vector_load %arg18[%get3A_112, %get3A_113] {strides = array<i32>} : memref<64x128xi32, #tpu.memory_space<vmem>>, vector<16xi32>,
        %gather3A = tpu.vector_load_idx %arg7[%get3A_93] : memref<10240xf32, #tpu.memory_space<vmem>>[vector<16xi32>], vector<16xf32>,
        %gather3A_115 = tpu.vector_load_idx %arg8[%get3A_93] : memref<10240xf32, #tpu.memory_space<vmem>>[vector<16xi32>], vector<16xf32>,
        %gather3A_116 = tpu.vector_load_idx %arg9[%get3A_93] : memref<10240xf32, #tpu.memory_space<vmem>>[vector<16xi32>], vector<16xf32>,
        %gather3A_117 = tpu.vector_load_idx %arg10[%get3A_93] : memref<10240xf32, #tpu.memory_space<vmem>>[vector<16xi32>], vector<16xf32>,
        %gather3A_118 = tpu.vector_load_idx %arg7[%get3A_96] : memref<10240xf32, #tpu.memory_space<vmem>>[vector<16xi32>], vector<16xf32>,
        %gather3A_119 = tpu.vector_load_idx %arg8[%get3A_96] : memref<10240xf32, #tpu.memory_space<vmem>>[vector<16xi32>], vector<16xf32>,
        %gather3A_120 = tpu.vector_load_idx %arg9[%get3A_96] : memref<10240xf32, #tpu.memory_space<vmem>>[vector<16xi32>], vector<16xf32>,
        %gather3A_121 = tpu.vector_load_idx %arg10[%get3A_96] : memref<10240xf32, #tpu.memory_space<vmem>>[vector<16xi32>], vector<16xf32>,
        %gather3A_122 = tpu.vector_load_idx %arg7[%get3A_99] : memref<10240xf32, #tpu.memory_space<vmem>>[vector<16xi32>], vector<16xf32>,
        %gather3A_123 = tpu.vector_load_idx %arg8[%get3A_99] : memref<10240xf32, #tpu.memory_space<vmem>>[vector<16xi32>], vector<16xf32>,
        %gather3A_124 = tpu.vector_load_idx %arg9[%get3A_99] : memref<10240xf32, #tpu.memory_space<vmem>>[vector<16xi32>], vector<16xf32>,
        %gather3A_125 = tpu.vector_load_idx %arg10[%get3A_99] : memref<10240xf32, #tpu.memory_space<vmem>>[vector<16xi32>], vector<16xf32>,
        %gather3A_126 = tpu.vector_load_idx %arg7[%get3A_102] : memref<10240xf32, #tpu.memory_space<vmem>>[vector<16xi32>], vector<16xf32>,
        %gather3A_127 = tpu.vector_load_idx %arg8[%get3A_102] : memref<10240xf32, #tpu.memory_space<vmem>>[vector<16xi32>], vector<16xf32>,
        %gather3A_128 = tpu.vector_load_idx %arg9[%get3A_102] : memref<10240xf32, #tpu.memory_space<vmem>>[vector<16xi32>], vector<16xf32>,
        %gather3A_129 = tpu.vector_load_idx %arg10[%get3A_102] : memref<10240xf32, #tpu.memory_space<vmem>>[vector<16xi32>], vector<16xf32>,
        tpu.vector_store_idx %arg11[%get3A_105], %gather3A {add = true} : memref<10240xf32, #tpu.memory_space<vmem>>[vector<16xi32>], vector<16xf32>,
        tpu.vector_store_idx %arg12[%get3A_105], %gather3A_115 {add = true} : memref<10240xf32, #tpu.memory_space<vmem>>[vector<16xi32>], vector<16xf32>,
        tpu.vector_store_idx %arg13[%get3A_105], %gather3A_116 {add = true} : memref<10240xf32, #tpu.memory_space<vmem>>[vector<16xi32>], vector<16xf32>,
        tpu.vector_store_idx %arg14[%get3A_105], %gather3A_117 {add = true} : memref<10240xf32, #tpu.memory_space<vmem>>[vector<16xi32>], vector<16xf32>,
        tpu.vector_store_idx %arg11[%get3A_108], %gather3A_118 {add = true} : memref<10240xf32, #tpu.memory_space<vmem>>[vector<16xi32>], vector<16xf32>,
        tpu.vector_store_idx %arg12[%get3A_108], %gather3A_119 {add = true} : memref<10240xf32, #tpu.memory_space<vmem>>[vector<16xi32>], vector<16xf32>,
        tpu.vector_store_idx %arg13[%get3A_108], %gather3A_120 {add = true} : memref<10240xf32, #tpu.memory_space<vmem>>[vector<16xi32>], vector<16xf32>,
        tpu.vector_store_idx %arg14[%get3A_108], %gather3A_121 {add = true} : memref<10240xf32, #tpu.memory_space<vmem>>[vector<16xi32>], vector<16xf32>,
        tpu.vector_store_idx %arg11[%get3A_111], %gather3A_122 {add = true} : memref<10240xf32, #tpu.memory_space<vmem>>[vector<16xi32>], vector<16xf32>,
        tpu.vector_store_idx %arg12[%get3A_111], %gather3A_123 {add = true} : memref<10240xf32, #tpu.memory_space<vmem>>[vector<16xi32>], vector<16xf32>,
        tpu.vector_store_idx %arg13[%get3A_111], %gather3A_124 {add = true} : memref<10240xf32, #tpu.memory_space<vmem>>[vector<16xi32>], vector<16xf32>,
        tpu.vector_store_idx %arg14[%get3A_111], %gather3A_125 {add = true} : memref<10240xf32, #tpu.memory_space<vmem>>[vector<16xi32>], vector<16xf32>,
        tpu.vector_store_idx %arg11[%get3A_114], %gather3A_126 {add = true} : memref<10240xf32, #tpu.memory_space<vmem>>[vector<16xi32>], vector<16xf32>,
        tpu.vector_store_idx %arg12[%get3A_114], %gather3A_127 {add = true} : memref<10240xf32, #tpu.memory_space<vmem>>[vector<16xi32>], vector<16xf32>,
        tpu.vector_store_idx %arg13[%get3A_114], %gather3A_128 {add = true} : memref<10240xf32, #tpu.memory_space<vmem>>[vector<16xi32>], vector<16xf32>,
        tpu.vector_store_idx %arg14[%get3A_114], %gather3A_129 {add = true} : memref<10240xf32, #tpu.memory_space<vmem>>[vector<16xi32>], vector<16xf32>,
        %get3A_130 = arith.index_cast %scan3A_91 : i32 to index
        %get3A_131 = arith.constant 64 : index
        %get3A_132 = tpu.vector_load %arg16[%get3A_130, %get3A_131] {strides = array<i32>} : memref<64x128xi32, #tpu.memory_space<vmem>>, vector<16xi32>,
        %get3A_133 = arith.index_cast %scan3A_91 : i32 to index
        %get3A_134 = arith.constant 80 : index
        %get3A_135 = tpu.vector_load %arg16[%get3A_133, %get3A_134] {strides = array<i32>} : memref<64x128xi32, #tpu.memory_space<vmem>>, vector<16xi32>,
        %get3A_136 = arith.index_cast %scan3A_91 : i32 to index
        %get3A_137 = arith.constant 96 : index
        %get3A_138 = tpu.vector_load %arg16[%get3A_136, %get3A_137] {strides = array<i32>} : memref<64x128xi32, #tpu.memory_space<vmem>>, vector<16xi32>,
        %get3A_139 = arith.index_cast %scan3A_91 : i32 to index
        %get3A_140 = arith.constant 112 : index
        %get3A_141 = tpu.vector_load %arg16[%get3A_139, %get3A_140] {strides = array<i32>} : memref<64x128xi32, #tpu.memory_space<vmem>>, vector<16xi32>,
        %get3A_142 = arith.index_cast %scan3A_91 : i32 to index
        %get3A_143 = arith.constant 64 : index
        %get3A_144 = tpu.vector_load %arg18[%get3A_142, %get3A_143] {strides = array<i32>} : memref<64x128xi32, #tpu.memory_space<vmem>>, vector<16xi32>,
        %get3A_145 = arith.index_cast %scan3A_91 : i32 to index
        %get3A_146 = arith.constant 80 : index
        %get3A_147 = tpu.vector_load %arg18[%get3A_145, %get3A_146] {strides = array<i32>} : memref<64x128xi32, #tpu.memory_space<vmem>>, vector<16xi32>,
        %get3A_148 = arith.index_cast %scan3A_91 : i32 to index
        %get3A_149 = arith.constant 96 : index
        %get3A_150 = tpu.vector_load %arg18[%get3A_148, %get3A_149] {strides = array<i32>} : memref<64x128xi32, #tpu.memory_space<vmem>>, vector<16xi32>,
        %get3A_151 = arith.index_cast %scan3A_91 : i32 to index
        %get3A_152 = arith.constant 112 : index
        %get3A_153 = tpu.vector_load %arg18[%get3A_151, %get3A_152] {strides = array<i32>} : memref<64x128xi32, #tpu.memory_space<vmem>>, vector<16xi32>,
        %gather3A_154 = tpu.vector_load_idx %arg7[%get3A_132] : memref<10240xf32, #tpu.memory_space<vmem>>[vector<16xi32>], vector<16xf32>,
        %gather3A_155 = tpu.vector_load_idx %arg8[%get3A_132] : memref<10240xf32, #tpu.memory_space<vmem>>[vector<16xi32>], vector<16xf32>,
        %gather3A_156 = tpu.vector_load_idx %arg9[%get3A_132] : memref<10240xf32, #tpu.memory_space<vmem>>[vector<16xi32>], vector<16xf32>,
        %gather3A_157 = tpu.vector_load_idx %arg10[%get3A_132] : memref<10240xf32, #tpu.memory_space<vmem>>[vector<16xi32>], vector<16xf32>,
        %gather3A_158 = tpu.vector_load_idx %arg7[%get3A_135] : memref<10240xf32, #tpu.memory_space<vmem>>[vector<16xi32>], vector<16xf32>,
        %gather3A_159 = tpu.vector_load_idx %arg8[%get3A_135] : memref<10240xf32, #tpu.memory_space<vmem>>[vector<16xi32>], vector<16xf32>,
        %gather3A_160 = tpu.vector_load_idx %arg9[%get3A_135] : memref<10240xf32, #tpu.memory_space<vmem>>[vector<16xi32>], vector<16xf32>,
        %gather3A_161 = tpu.vector_load_idx %arg10[%get3A_135] : memref<10240xf32, #tpu.memory_space<vmem>>[vector<16xi32>], vector<16xf32>,
        %gather3A_162 = tpu.vector_load_idx %arg7[%get3A_138] : memref<10240xf32, #tpu.memory_space<vmem>>[vector<16xi32>], vector<16xf32>,
        %gather3A_163 = tpu.vector_load_idx %arg8[%get3A_138] : memref<10240xf32, #tpu.memory_space<vmem>>[vector<16xi32>], vector<16xf32>,
        %gather3A_164 = tpu.vector_load_idx %arg9[%get3A_138] : memref<10240xf32, #tpu.memory_space<vmem>>[vector<16xi32>], vector<16xf32>,
        %gather3A_165 = tpu.vector_load_idx %arg10[%get3A_138] : memref<10240xf32, #tpu.memory_space<vmem>>[vector<16xi32>], vector<16xf32>,
        %gather3A_166 = tpu.vector_load_idx %arg7[%get3A_141] : memref<10240xf32, #tpu.memory_space<vmem>>[vector<16xi32>], vector<16xf32>,
        %gather3A_167 = tpu.vector_load_idx %arg8[%get3A_141] : memref<10240xf32, #tpu.memory_space<vmem>>[vector<16xi32>], vector<16xf32>,
        %gather3A_168 = tpu.vector_load_idx %arg9[%get3A_141] : memref<10240xf32, #tpu.memory_space<vmem>>[vector<16xi32>], vector<16xf32>,
        %gather3A_169 = tpu.vector_load_idx %arg10[%get3A_141] : memref<10240xf32, #tpu.memory_space<vmem>>[vector<16xi32>], vector<16xf32>,
        tpu.vector_store_idx %arg11[%get3A_144], %gather3A_154 {add = true} : memref<10240xf32, #tpu.memory_space<vmem>>[vector<16xi32>], vector<16xf32>,
        tpu.vector_store_idx %arg12[%get3A_144], %gather3A_155 {add = true} : memref<10240xf32, #tpu.memory_space<vmem>>[vector<16xi32>], vector<16xf32>,
        tpu.vector_store_idx %arg13[%get3A_144], %gather3A_156 {add = true} : memref<10240xf32, #tpu.memory_space<vmem>>[vector<16xi32>], vector<16xf32>,
        tpu.vector_store_idx %arg14[%get3A_144], %gather3A_157 {add = true} : memref<10240xf32, #tpu.memory_space<vmem>>[vector<16xi32>], vector<16xf32>,
        tpu.vector_store_idx %arg11[%get3A_147], %gather3A_158 {add = true} : memref<10240xf32, #tpu.memory_space<vmem>>[vector<16xi32>], vector<16xf32>,
        tpu.vector_store_idx %arg12[%get3A_147], %gather3A_159 {add = true} : memref<10240xf32, #tpu.memory_space<vmem>>[vector<16xi32>], vector<16xf32>,
        tpu.vector_store_idx %arg13[%get3A_147], %gather3A_160 {add = true} : memref<10240xf32, #tpu.memory_space<vmem>>[vector<16xi32>], vector<16xf32>,
        tpu.vector_store_idx %arg14[%get3A_147], %gather3A_161 {add = true} : memref<10240xf32, #tpu.memory_space<vmem>>[vector<16xi32>], vector<16xf32>,
        tpu.vector_store_idx %arg11[%get3A_150], %gather3A_162 {add = true} : memref<10240xf32, #tpu.memory_space<vmem>>[vector<16xi32>], vector<16xf32>,
        tpu.vector_store_idx %arg12[%get3A_150], %gather3A_163 {add = true} : memref<10240xf32, #tpu.memory_space<vmem>>[vector<16xi32>], vector<16xf32>,
        tpu.vector_store_idx %arg13[%get3A_150], %gather3A_164 {add = true} : memref<10240xf32, #tpu.memory_space<vmem>>[vector<16xi32>], vector<16xf32>,
        tpu.vector_store_idx %arg14[%get3A_150], %gather3A_165 {add = true} : memref<10240xf32, #tpu.memory_space<vmem>>[vector<16xi32>], vector<16xf32>,
        tpu.vector_store_idx %arg11[%get3A_153], %gather3A_166 {add = true} : memref<10240xf32, #tpu.memory_space<vmem>>[vector<16xi32>], vector<16xf32>,
        tpu.vector_store_idx %arg12[%get3A_153], %gather3A_167 {add = true} : memref<10240xf32, #tpu.memory_space<vmem>>[vector<16xi32>], vector<16xf32>,
        tpu.vector_store_idx %arg13[%get3A_153], %gather3A_168 {add = true} : memref<10240xf32, #tpu.memory_space<vmem>>[vector<16xi32>], vector<16xf32>,
        tpu.vector_store_idx %arg14[%get3A_153], %gather3A_169 {add = true} : memref<10240xf32, #tpu.memory_space<vmem>>[vector<16xi32>], vector<16xf32>,
      }
      %scan3A_90 = arith.constant 64 : i32
    }
    %scan3A_26 = arith.constant 20 : i32
    %add3A_27 = arith.constant 0 : i32
    %add3A_28 = arith.addi %mul3A_2, %add3A_27 : i32
    "tpu.region"() ({
      %run_scoped3A = tpu.sem_alloc : memref<!tpu.dma_semaphore, #tpu.memory_space<semaphore_mem>>
      %dma_start3A_35 = arith.constant 0 : i32
      %dma_start3A_36 = tpu.memref_slice %arg6[%add3A_28, %dma_start3A_35] : memref<128x10240xf32, #tpu.memory_space<hbm>> -> memref<1x10240xf32, #tpu.memory_space<hbm>>
      %dma_start3A_37 = tpu.memref_squeeze %dma_start3A_36 : memref<1x10240xf32, #tpu.memory_space<hbm>> -> memref<10240xf32, #tpu.memory_space<hbm>>
      %dma_start3A_38 = arith.constant 0 : i32
      %dma_start3A_39 = tpu.memref_slice %arg6[%add3A_28, %dma_start3A_38] : memref<128x10240xf32, #tpu.memory_space<hbm>> -> memref<1x10240xf32, #tpu.memory_space<hbm>>
      %dma_start3A_40 = tpu.memref_squeeze %dma_start3A_39 : memref<1x10240xf32, #tpu.memory_space<hbm>> -> memref<10240xf32, #tpu.memory_space<hbm>>
      tpu.enqueue_dma source(%arg11 : memref<10240xf32, #tpu.memory_space<vmem>>) target(%dma_start3A_40 : memref<10240xf32, #tpu.memory_space<hbm>>) target_semaphore(%run_scoped3A : memref<!tpu.dma_semaphore, #tpu.memory_space<semaphore_mem>>)
      %dma_wait3A = arith.constant 0 : i32
      %dma_wait3A_41 = tpu.memref_slice %arg6[%add3A_28, %dma_wait3A] : memref<128x10240xf32, #tpu.memory_space<hbm>> -> memref<1x10240xf32, #tpu.memory_space<hbm>>
      %dma_wait3A_42 = tpu.memref_squeeze %dma_wait3A_41 : memref<1x10240xf32, #tpu.memory_space<hbm>> -> memref<10240xf32, #tpu.memory_space<hbm>>
      %dma_wait3A_43 = arith.constant 0 : i32
      %dma_wait3A_44 = tpu.memref_slice %arg6[%add3A_28, %dma_wait3A_43] : memref<128x10240xf32, #tpu.memory_space<hbm>> -> memref<1x10240xf32, #tpu.memory_space<hbm>>
      %dma_wait3A_45 = tpu.memref_squeeze %dma_wait3A_44 : memref<1x10240xf32, #tpu.memory_space<hbm>> -> memref<10240xf32, #tpu.memory_space<hbm>>
      tpu.wait_dma2 semaphore(%run_scoped3A : memref<!tpu.dma_semaphore, #tpu.memory_space<semaphore_mem>>) src(%arg11 : memref<10240xf32, #tpu.memory_space<vmem>>) dst(%dma_wait3A_45 : memref<10240xf32, #tpu.memory_space<hbm>>)
      tpu.yield
    }) : () -> ()
    %add3A_29 = arith.constant 1 : i32
    %add3A_30 = arith.addi %mul3A_2, %add3A_29 : i32
    "tpu.region"() ({
      %run_scoped3A = tpu.sem_alloc : memref<!tpu.dma_semaphore, #tpu.memory_space<semaphore_mem>>
      %dma_start3A_35 = arith.constant 0 : i32
      %dma_start3A_36 = tpu.memref_slice %arg6[%add3A_30, %dma_start3A_35] : memref<128x10240xf32, #tpu.memory_space<hbm>> -> memref<1x10240xf32, #tpu.memory_space<hbm>>
      %dma_start3A_37 = tpu.memref_squeeze %dma_start3A_36 : memref<1x10240xf32, #tpu.memory_space<hbm>> -> memref<10240xf32, #tpu.memory_space<hbm>>
      %dma_start3A_38 = arith.constant 0 : i32
      %dma_start3A_39 = tpu.memref_slice %arg6[%add3A_30, %dma_start3A_38] : memref<128x10240xf32, #tpu.memory_space<hbm>> -> memref<1x10240xf32, #tpu.memory_space<hbm>>
      %dma_start3A_40 = tpu.memref_squeeze %dma_start3A_39 : memref<1x10240xf32, #tpu.memory_space<hbm>> -> memref<10240xf32, #tpu.memory_space<hbm>>
      tpu.enqueue_dma source(%arg12 : memref<10240xf32, #tpu.memory_space<vmem>>) target(%dma_start3A_40 : memref<10240xf32, #tpu.memory_space<hbm>>) target_semaphore(%run_scoped3A : memref<!tpu.dma_semaphore, #tpu.memory_space<semaphore_mem>>)
      %dma_wait3A = arith.constant 0 : i32
      %dma_wait3A_41 = tpu.memref_slice %arg6[%add3A_30, %dma_wait3A] : memref<128x10240xf32, #tpu.memory_space<hbm>> -> memref<1x10240xf32, #tpu.memory_space<hbm>>
      %dma_wait3A_42 = tpu.memref_squeeze %dma_wait3A_41 : memref<1x10240xf32, #tpu.memory_space<hbm>> -> memref<10240xf32, #tpu.memory_space<hbm>>
      %dma_wait3A_43 = arith.constant 0 : i32
      %dma_wait3A_44 = tpu.memref_slice %arg6[%add3A_30, %dma_wait3A_43] : memref<128x10240xf32, #tpu.memory_space<hbm>> -> memref<1x10240xf32, #tpu.memory_space<hbm>>
      %dma_wait3A_45 = tpu.memref_squeeze %dma_wait3A_44 : memref<1x10240xf32, #tpu.memory_space<hbm>> -> memref<10240xf32, #tpu.memory_space<hbm>>
      tpu.wait_dma2 semaphore(%run_scoped3A : memref<!tpu.dma_semaphore, #tpu.memory_space<semaphore_mem>>) src(%arg12 : memref<10240xf32, #tpu.memory_space<vmem>>) dst(%dma_wait3A_45 : memref<10240xf32, #tpu.memory_space<hbm>>)
      tpu.yield
    }) : () -> ()
    %add3A_31 = arith.constant 2 : i32
    %add3A_32 = arith.addi %mul3A_2, %add3A_31 : i32
    "tpu.region"() ({
      %run_scoped3A = tpu.sem_alloc : memref<!tpu.dma_semaphore, #tpu.memory_space<semaphore_mem>>
      %dma_start3A_35 = arith.constant 0 : i32
      %dma_start3A_36 = tpu.memref_slice %arg6[%add3A_32, %dma_start3A_35] : memref<128x10240xf32, #tpu.memory_space<hbm>> -> memref<1x10240xf32, #tpu.memory_space<hbm>>
      %dma_start3A_37 = tpu.memref_squeeze %dma_start3A_36 : memref<1x10240xf32, #tpu.memory_space<hbm>> -> memref<10240xf32, #tpu.memory_space<hbm>>
      %dma_start3A_38 = arith.constant 0 : i32
      %dma_start3A_39 = tpu.memref_slice %arg6[%add3A_32, %dma_start3A_38] : memref<128x10240xf32, #tpu.memory_space<hbm>> -> memref<1x10240xf32, #tpu.memory_space<hbm>>
      %dma_start3A_40 = tpu.memref_squeeze %dma_start3A_39 : memref<1x10240xf32, #tpu.memory_space<hbm>> -> memref<10240xf32, #tpu.memory_space<hbm>>
      tpu.enqueue_dma source(%arg13 : memref<10240xf32, #tpu.memory_space<vmem>>) target(%dma_start3A_40 : memref<10240xf32, #tpu.memory_space<hbm>>) target_semaphore(%run_scoped3A : memref<!tpu.dma_semaphore, #tpu.memory_space<semaphore_mem>>)
      %dma_wait3A = arith.constant 0 : i32
      %dma_wait3A_41 = tpu.memref_slice %arg6[%add3A_32, %dma_wait3A] : memref<128x10240xf32, #tpu.memory_space<hbm>> -> memref<1x10240xf32, #tpu.memory_space<hbm>>
      %dma_wait3A_42 = tpu.memref_squeeze %dma_wait3A_41 : memref<1x10240xf32, #tpu.memory_space<hbm>> -> memref<10240xf32, #tpu.memory_space<hbm>>
      %dma_wait3A_43 = arith.constant 0 : i32
      %dma_wait3A_44 = tpu.memref_slice %arg6[%add3A_32, %dma_wait3A_43] : memref<128x10240xf32, #tpu.memory_space<hbm>> -> memref<1x10240xf32, #tpu.memory_space<hbm>>
      %dma_wait3A_45 = tpu.memref_squeeze %dma_wait3A_44 : memref<1x10240xf32, #tpu.memory_space<hbm>> -> memref<10240xf32, #tpu.memory_space<hbm>>
      tpu.wait_dma2 semaphore(%run_scoped3A : memref<!tpu.dma_semaphore, #tpu.memory_space<semaphore_mem>>) src(%arg13 : memref<10240xf32, #tpu.memory_space<vmem>>) dst(%dma_wait3A_45 : memref<10240xf32, #tpu.memory_space<hbm>>)
      tpu.yield
    }) : () -> ()
    %add3A_33 = arith.constant 3 : i32
    %add3A_34 = arith.addi %mul3A_2, %add3A_33 : i32
    "tpu.region"() ({
      %run_scoped3A = tpu.sem_alloc : memref<!tpu.dma_semaphore, #tpu.memory_space<semaphore_mem>>
      %dma_start3A_35 = arith.constant 0 : i32
      %dma_start3A_36 = tpu.memref_slice %arg6[%add3A_34, %dma_start3A_35] : memref<128x10240xf32, #tpu.memory_space<hbm>> -> memref<1x10240xf32, #tpu.memory_space<hbm>>
      %dma_start3A_37 = tpu.memref_squeeze %dma_start3A_36 : memref<1x10240xf32, #tpu.memory_space<hbm>> -> memref<10240xf32, #tpu.memory_space<hbm>>
      %dma_start3A_38 = arith.constant 0 : i32
      %dma_start3A_39 = tpu.memref_slice %arg6[%add3A_34, %dma_start3A_38] : memref<128x10240xf32, #tpu.memory_space<hbm>> -> memref<1x10240xf32, #tpu.memory_space<hbm>>
      %dma_start3A_40 = tpu.memref_squeeze %dma_start3A_39 : memref<1x10240xf32, #tpu.memory_space<hbm>> -> memref<10240xf32, #tpu.memory_space<hbm>>
      tpu.enqueue_dma source(%arg14 : memref<10240xf32, #tpu.memory_space<vmem>>) target(%dma_start3A_40 : memref<10240xf32, #tpu.memory_space<hbm>>) target_semaphore(%run_scoped3A : memref<!tpu.dma_semaphore, #tpu.memory_space<semaphore_mem>>)
      %dma_wait3A = arith.constant 0 : i32
      %dma_wait3A_41 = tpu.memref_slice %arg6[%add3A_34, %dma_wait3A] : memref<128x10240xf32, #tpu.memory_space<hbm>> -> memref<1x10240xf32, #tpu.memory_space<hbm>>
      %dma_wait3A_42 = tpu.memref_squeeze %dma_wait3A_41 : memref<1x10240xf32, #tpu.memory_space<hbm>> -> memref<10240xf32, #tpu.memory_space<hbm>>
      %dma_wait3A_43 = arith.constant 0 : i32
      %dma_wait3A_44 = tpu.memref_slice %arg6[%add3A_34, %dma_wait3A_43] : memref<128x10240xf32, #tpu.memory_space<hbm>> -> memref<1x10240xf32, #tpu.memory_space<hbm>>
      %dma_wait3A_45 = tpu.memref_squeeze %dma_wait3A_44 : memref<1x10240xf32, #tpu.memory_space<hbm>> -> memref<10240xf32, #tpu.memory_space<hbm>>
      tpu.wait_dma2 semaphore(%run_scoped3A : memref<!tpu.dma_semaphore, #tpu.memory_space<semaphore_mem>>) src(%arg14 : memref<10240xf32, #tpu.memory_space<vmem>>) dst(%dma_wait3A_45 : memref<10240xf32, #tpu.memory_space<hbm>>)
      tpu.yield
    }) : () -> ()
    return
  }
}

module attributes {stable_mosaic.version = 14 : i64} {
  func.func @_prep_body(%arg0: i32, %arg1: memref<512x128xf32, #tpu.memory_space<vmem>>, %arg2: memref<128x128xf32, #tpu.memory_space<vmem>>, %arg3: memref<32x512xf32, #tpu.memory_space<vmem>>, %arg4: memref<128x512xf32, #tpu.memory_space<vmem>>, %arg5: memref<8x512xf32, #tpu.memory_space<vmem>>) attributes {dimension_semantics = [#tpu.dimension_semantics<arbitrary>], iteration_bounds = array<i64: 20>, scalar_prefetch = 0 : i64, scratch_operands = 0 : i64, tpu.core_type = #tpu.core_type<tc>, window_params = [{transform_indices = @transform_0, window_bounds = array<i64: 512, 128>}, {pipeline_mode = #tpu.pipeline_mode<synchronous>, transform_indices = @transform_1, window_bounds = array<i64: 128, 128>}, {transform_indices = @transform_2, window_bounds = array<i64: 32, 512>}, {transform_indices = @transform_3, window_bounds = array<i64: 128, 512>}, {transform_indices = @transform_4, window_bounds = array<i64: 8, 512>}]} {
    %get3A = arith.constant 0 : index
    %get3A_0 = arith.constant 0 : index
    %get3A_1 = vector.load %arg3[%get3A, %get3A_0] : memref<32x512xf32, #tpu.memory_space<vmem>>, vector<32x512xf32>
    %reduce_sum3A = arith.constant dense<0.000000e+00> : vector<512xf32>
    %reduce_sum3A_2 = vector.multi_reduction <add>, %get3A_1, %reduce_sum3A [0] : vector<32x512xf32> to vector<512xf32>
    %broadcast_in_dim3A = vector.shape_cast %reduce_sum3A_2 : vector<512xf32> to vector<1x512xf32>
    %add3A = arith.constant 1.000000e+00 : f32
    %add3A_3 = vector.broadcast %add3A : f32 to vector<1x512xf32>
    %add3A_4 = arith.addf %broadcast_in_dim3A, %add3A_3 : vector<1x512xf32>
    %rsqrt3A = math.rsqrt %add3A_4 : vector<1x512xf32>
    %get3A_5 = arith.constant 0 : index
    %get3A_6 = arith.constant 0 : index
    %get3A_7 = vector.load %arg1[%get3A_5, %get3A_6] : memref<512x128xf32, #tpu.memory_space<vmem>>, vector<512x128xf32>
    %get3A_8 = arith.constant 0 : index
    %get3A_9 = arith.constant 0 : index
    %get3A_10 = vector.load %arg2[%get3A_8, %get3A_9] : memref<128x128xf32, #tpu.memory_space<vmem>>, vector<128x128xf32>
    %dot_general3A = arith.constant dense<0.000000e+00> : vector<512x128xf32>
    %dot_general3A_11 = tpu.matmul %get3A_7, %get3A_10, %dot_general3A {dimension_numbers = #tpu.dot_dimension_numbers<[1], [0], [0], [1], [0, 0, 1, 1], [], []>, transpose_lhs_hint = false} : vector<512x128xf32>, vector<128x128xf32>, vector<512x128xf32> -> vector<512x128xf32>
    %transpose3A = tpu.transpose %dot_general3A_11, [1, 0] : vector<512x128xf32> -> vector<128x512xf32>
    %mul3A = vector.broadcast %rsqrt3A : vector<1x512xf32> to vector<128x512xf32>
    %mul3A_12 = arith.mulf %transpose3A, %mul3A : vector<128x512xf32>
    %swap3A = arith.constant 0 : index
    %swap3A_13 = arith.constant 0 : index
    %swap3A_14 = vector.load %arg4[%swap3A, %swap3A_13] : memref<128x512xf32, #tpu.memory_space<vmem>>, vector<128x512xf32>
    tpu.vector_store %arg4[%swap3A, %swap3A_13], %mul3A_12 {strides = array<i32>} : memref<128x512xf32, #tpu.memory_space<vmem>>, vector<128x512xf32>,
    %broadcast_in_dim3A_15 = vector.shape_cast %rsqrt3A : vector<1x512xf32> to vector<1x512xf32>
    %broadcast_in_dim3A_16 = vector.broadcast %broadcast_in_dim3A_15 : vector<1x512xf32> to vector<8x512xf32>
    %swap3A_17 = arith.constant 0 : index
    %swap3A_18 = arith.constant 0 : index
    %swap3A_19 = vector.load %arg5[%swap3A_17, %swap3A_18] : memref<8x512xf32, #tpu.memory_space<vmem>>, vector<8x512xf32>
    tpu.vector_store %arg5[%swap3A_17, %swap3A_18], %broadcast_in_dim3A_16 {strides = array<i32>} : memref<8x512xf32, #tpu.memory_space<vmem>>, vector<8x512xf32>,
    return
  }
  func.func @transform_0(%arg0: i32) -> (i32, i32) {
    %c0_i32 = arith.constant 0 : i32
    %c0_i32_0 = arith.constant 0 : i32
    return %arg0, %c0_i32 : i32, i32
  }
  func.func @transform_1(%arg0: i32) -> (i32, i32) {
    %c0_i32 = arith.constant 0 : i32
    %c0_i32_0 = arith.constant 0 : i32
    %c0_i32_1 = arith.constant 0 : i32
    return %c0_i32, %c0_i32_0 : i32, i32
  }
  func.func @transform_2(%arg0: i32) -> (i32, i32) {
    %c0_i32 = arith.constant 0 : i32
    %c0_i32_0 = arith.constant 0 : i32
    return %c0_i32, %arg0 : i32, i32
  }
  func.func @transform_3(%arg0: i32) -> (i32, i32) {
    %c0_i32 = arith.constant 0 : i32
    %c0_i32_0 = arith.constant 0 : i32
    return %c0_i32, %arg0 : i32, i32
  }
  func.func @transform_4(%arg0: i32) -> (i32, i32) {
    %c0_i32 = arith.constant 0 : i32
    %c0_i32_0 = arith.constant 0 : i32
    return %c0_i32, %arg0 : i32, i32
  }
}

module attributes {stable_mosaic.version = 14 : i64} {
  func.func @_mid_body(%arg0: i32, %arg1: memref<128x512xf32, #tpu.memory_space<vmem>>, %arg2: memref<128x512xf32, #tpu.memory_space<vmem>>, %arg3: memref<8x512xf32, #tpu.memory_space<vmem>>, %arg4: memref<128x1xf32, #tpu.memory_space<vmem>>, %arg5: memref<128x128xf32, #tpu.memory_space<vmem>>, %arg6: memref<128x512xf32, #tpu.memory_space<vmem>>) attributes {dimension_semantics = [#tpu.dimension_semantics<arbitrary>], iteration_bounds = array<i64: 20>, scalar_prefetch = 0 : i64, scratch_operands = 0 : i64, tpu.core_type = #tpu.core_type<tc>, window_params = [{transform_indices = @transform_0, window_bounds = array<i64: 128, 512>}, {transform_indices = @transform_1, window_bounds = array<i64: 128, 512>}, {transform_indices = @transform_2, window_bounds = array<i64: 8, 512>}, {pipeline_mode = #tpu.pipeline_mode<synchronous>, transform_indices = @transform_3, window_bounds = array<i64: 128, 1>}, {pipeline_mode = #tpu.pipeline_mode<synchronous>, transform_indices = @transform_4, window_bounds = array<i64: 128, 128>}, {transform_indices = @transform_5, window_bounds = array<i64: 128, 512>}]} {
    %get3A = arith.constant 0 : index
    %get3A_0 = arith.constant 0 : index
    %get3A_1 = vector.load %arg3[%get3A, %get3A_0] : memref<8x512xf32, #tpu.memory_space<vmem>>, vector<1x512xf32>
    %get3A_2 = arith.constant 0 : index
    %get3A_3 = arith.constant 0 : index
    %get3A_4 = vector.load %arg1[%get3A_2, %get3A_3] : memref<128x512xf32, #tpu.memory_space<vmem>>, vector<128x512xf32>
    %get3A_5 = arith.constant 0 : index
    %get3A_6 = arith.constant 0 : index
    %get3A_7 = vector.load %arg2[%get3A_5, %get3A_6] : memref<128x512xf32, #tpu.memory_space<vmem>>, vector<128x512xf32>
    %add3A = arith.addf %get3A_4, %get3A_7 : vector<128x512xf32>
    %mul3A = vector.broadcast %get3A_1 : vector<1x512xf32> to vector<128x512xf32>
    %mul3A_8 = arith.mulf %add3A, %mul3A : vector<128x512xf32>
    %get3A_9 = arith.constant 0 : index
    %get3A_10 = arith.constant 0 : index
    %get3A_11 = vector.load %arg4[%get3A_9, %get3A_10] : memref<128x1xf32, #tpu.memory_space<vmem>>, vector<128x1xf32>
    %add3A_12 = vector.broadcast %get3A_11 : vector<128x1xf32> to vector<128x512xf32>
    %add3A_13 = arith.addf %mul3A_8, %add3A_12 : vector<128x512xf32>
    %max3A = arith.constant 0.000000e+00 : f32
    %max3A_14 = vector.broadcast %max3A : f32 to vector<128x512xf32>
    %max3A_15 = arith.maximumf %add3A_13, %max3A_14 : vector<128x512xf32>
    %get3A_16 = arith.constant 0 : index
    %get3A_17 = arith.constant 0 : index
    %get3A_18 = vector.load %arg5[%get3A_16, %get3A_17] : memref<128x128xf32, #tpu.memory_space<vmem>>, vector<128x128xf32>
    %dot_general3A = arith.constant dense<0.000000e+00> : vector<128x512xf32>
    %dot_general3A_19 = tpu.matmul %get3A_18, %max3A_15, %dot_general3A {dimension_numbers = #tpu.dot_dimension_numbers<[0], [0], [1], [1], [0, 1, 1, 1], [], []>, transpose_lhs_hint = false} : vector<128x128xf32>, vector<128x512xf32>, vector<128x512xf32> -> vector<128x512xf32>
    %mul3A_20 = vector.broadcast %get3A_1 : vector<1x512xf32> to vector<128x512xf32>
    %mul3A_21 = arith.mulf %dot_general3A_19, %mul3A_20 : vector<128x512xf32>
    %swap3A = arith.constant 0 : index
    %swap3A_22 = arith.constant 0 : index
    %swap3A_23 = vector.load %arg6[%swap3A, %swap3A_22] : memref<128x512xf32, #tpu.memory_space<vmem>>, vector<128x512xf32>
    tpu.vector_store %arg6[%swap3A, %swap3A_22], %mul3A_21 {strides = array<i32>} : memref<128x512xf32, #tpu.memory_space<vmem>>, vector<128x512xf32>,
    return
  }
  func.func @transform_0(%arg0: i32) -> (i32, i32) {
    %c0_i32 = arith.constant 0 : i32
    %c0_i32_0 = arith.constant 0 : i32
    return %c0_i32, %arg0 : i32, i32
  }
  func.func @transform_1(%arg0: i32) -> (i32, i32) {
    %c0_i32 = arith.constant 0 : i32
    %c0_i32_0 = arith.constant 0 : i32
    return %c0_i32, %arg0 : i32, i32
  }
  func.func @transform_2(%arg0: i32) -> (i32, i32) {
    %c0_i32 = arith.constant 0 : i32
    %c0_i32_0 = arith.constant 0 : i32
    return %c0_i32, %arg0 : i32, i32
  }
  func.func @transform_3(%arg0: i32) -> (i32, i32) {
    %c0_i32 = arith.constant 0 : i32
    %c0_i32_0 = arith.constant 0 : i32
    %c0_i32_1 = arith.constant 0 : i32
    return %c0_i32, %c0_i32_0 : i32, i32
  }
  func.func @transform_4(%arg0: i32) -> (i32, i32) {
    %c0_i32 = arith.constant 0 : i32
    %c0_i32_0 = arith.constant 0 : i32
    %c0_i32_1 = arith.constant 0 : i32
    return %c0_i32, %c0_i32_0 : i32, i32
  }
  func.func @transform_5(%arg0: i32) -> (i32, i32) {
    %c0_i32 = arith.constant 0 : i32
    %c0_i32_0 = arith.constant 0 : i32
    return %c0_i32, %arg0 : i32, i32
  }
}

module attributes {stable_mosaic.version = 14 : i64} {
  func.func @_fin_body(%arg0: i32, %arg1: memref<128x512xf32, #tpu.memory_space<vmem>>, %arg2: memref<128x512xf32, #tpu.memory_space<vmem>>, %arg3: memref<8x512xf32, #tpu.memory_space<vmem>>, %arg4: memref<128x1xf32, #tpu.memory_space<vmem>>, %arg5: memref<512x128xf32, #tpu.memory_space<vmem>>) attributes {dimension_semantics = [#tpu.dimension_semantics<arbitrary>], iteration_bounds = array<i64: 20>, scalar_prefetch = 0 : i64, scratch_operands = 0 : i64, tpu.core_type = #tpu.core_type<tc>, window_params = [{transform_indices = @transform_0, window_bounds = array<i64: 128, 512>}, {transform_indices = @transform_1, window_bounds = array<i64: 128, 512>}, {transform_indices = @transform_2, window_bounds = array<i64: 8, 512>}, {pipeline_mode = #tpu.pipeline_mode<synchronous>, transform_indices = @transform_3, window_bounds = array<i64: 128, 1>}, {transform_indices = @transform_4, window_bounds = array<i64: 512, 128>}]} {
    %get3A = arith.constant 0 : index
    %get3A_0 = arith.constant 0 : index
    %get3A_1 = vector.load %arg3[%get3A, %get3A_0] : memref<8x512xf32, #tpu.memory_space<vmem>>, vector<1x512xf32>
    %get3A_2 = arith.constant 0 : index
    %get3A_3 = arith.constant 0 : index
    %get3A_4 = vector.load %arg1[%get3A_2, %get3A_3] : memref<128x512xf32, #tpu.memory_space<vmem>>, vector<128x512xf32>
    %get3A_5 = arith.constant 0 : index
    %get3A_6 = arith.constant 0 : index
    %get3A_7 = vector.load %arg2[%get3A_5, %get3A_6] : memref<128x512xf32, #tpu.memory_space<vmem>>, vector<128x512xf32>
    %add3A = arith.addf %get3A_4, %get3A_7 : vector<128x512xf32>
    %mul3A = vector.broadcast %get3A_1 : vector<1x512xf32> to vector<128x512xf32>
    %mul3A_8 = arith.mulf %add3A, %mul3A : vector<128x512xf32>
    %get3A_9 = arith.constant 0 : index
    %get3A_10 = arith.constant 0 : index
    %get3A_11 = vector.load %arg4[%get3A_9, %get3A_10] : memref<128x1xf32, #tpu.memory_space<vmem>>, vector<128x1xf32>
    %add3A_12 = vector.broadcast %get3A_11 : vector<128x1xf32> to vector<128x512xf32>
    %add3A_13 = arith.addf %mul3A_8, %add3A_12 : vector<128x512xf32>
    %transpose3A = tpu.transpose %add3A_13, [1, 0] : vector<128x512xf32> -> vector<512x128xf32>
    %swap3A = arith.constant 0 : index
    %swap3A_14 = arith.constant 0 : index
    %swap3A_15 = vector.load %arg5[%swap3A, %swap3A_14] : memref<512x128xf32, #tpu.memory_space<vmem>>, vector<512x128xf32>
    tpu.vector_store %arg5[%swap3A, %swap3A_14], %transpose3A {strides = array<i32>} : memref<512x128xf32, #tpu.memory_space<vmem>>, vector<512x128xf32>,
    return
  }
  func.func @transform_0(%arg0: i32) -> (i32, i32) {
    %c0_i32 = arith.constant 0 : i32
    %c0_i32_0 = arith.constant 0 : i32
    return %c0_i32, %arg0 : i32, i32
  }
  func.func @transform_1(%arg0: i32) -> (i32, i32) {
    %c0_i32 = arith.constant 0 : i32
    %c0_i32_0 = arith.constant 0 : i32
    return %c0_i32, %arg0 : i32, i32
  }
  func.func @transform_2(%arg0: i32) -> (i32, i32) {
    %c0_i32 = arith.constant 0 : i32
    %c0_i32_0 = arith.constant 0 : i32
    return %c0_i32, %arg0 : i32, i32
  }
  func.func @transform_3(%arg0: i32) -> (i32, i32) {
    %c0_i32 = arith.constant 0 : i32
    %c0_i32_0 = arith.constant 0 : i32
    %c0_i32_1 = arith.constant 0 : i32
    return %c0_i32, %c0_i32_0 : i32, i32
  }
  func.func @transform_4(%arg0: i32) -> (i32, i32) {
    %c0_i32 = arith.constant 0 : i32
    %c0_i32_0 = arith.constant 0 : i32
    return %arg0, %c0_i32 : i32, i32
  }
}

</mosaic_0001>

<sc_bundles>
// kernel: kernel.14.cloned.1.call-start
scs
__scs_entry_jumppad:
0x0: {  	(pc) =	sbr.rel $0x88, $3  }
0x1: {  	(tag) =	ssettag $0x0;
	lr =	simm.s32 $0x1  }
0x2: {  	[smem:$0x3F99] =	sst lr;
	_ =	strace $0xD0000000  }
0x3: {  	_ = 	snop  }
0x4: {  	_ = 	snop  }
0x5: {  	_ = 	snop  }
0x6: {  	_ = 	snop  }
0x7: {  	_ = 	snop  }
__scs_overlays_trampoline_lowered:
0x8: {  	[smem:$0x3FA8] =	sst s0  }
0x9: {  	[smem:$0x3FA9] =	sst s1  }
0xa: {  	[smem:$0x3FAA] =	sst s2  }
0xb: {  	[smem:$0x3FAB] =	sst s3  }
0xc: {  	[smem:$0x3FAC] =	sst s4  }
0xd: {  	[smem:$0x3FAD] =	sst s5  }
0xe: {  	[smem:$0x3FAE] =	sst s6  }
0xf: {  	[smem:$0x3FAF] =	sst s7  }
0x10: {  	[smem:$0x3FB0] =	sst s8  }
0x11: {  	[smem:$0x3FB1] =	sst s9;
	s0 =	simm.s32 @!p0 $0x0  }
0x12: {  	s1 =	sld [smem:$0x3F97];
	s0 =	simm.s32 @p0 $0x1  }
0x13: {  	[smem:$0x3FB2] =	sst s0;
	s0 =	simm.s32 @!p1 $0x0  }
0x14: {  	s2 =	sld [smem:$0x3F96];
	s0 =	simm.s32 @p1 $0x1  }
0x15: {  	[smem:$0x3FB3] =	sst s0;
	s0 =	simm.s32 @!p2 $0x0  }
0x16: {  	s3 =	sld [smem:$0x3FDB];
	s0 =	simm.s32 @p2 $0x1  }
0x17: {  	s4 =	simm.s32 $0x1BF5;
	[smem:$0x3FB5] =	sst s0  }
0x18: {  	s0 =	sld [smem:$0x3F98];
	_ =	swait.ge [sflag:s4], $0x0  }
0x19: {  	s7 =	sld [smem:$0x3F99]  }
0x1a: {  	s8 =	sadd.s32 $0xFFFFE003, lr  }
0x1b: {  	s9 =	sadd.s32 $0xFFFFFEF7, lr;
	s5 =	simm.s32 $0xFFFFFFFF;
	p2 =	slt.u32 s8, $0xFFFFF086  }
0x1c: {  	p1 =	slt.u32 s9, $0xF7A;
	s5 =	simm.s32 @!p2 $0x0  }
0x1d: {  	s5 =	simm.s32 @p1 $0x1;
	p0 =	seq.s32 s7, s2  }
0x1e: {  	s7 =	smul.u32 @!p0 $0xF7A, s2;
	p2 =	seq.s32 @!p0 s5, $0x0  }
0x1f: {  	s9 =	smul.u32 $0xF7A, s1;
	s8 =	simm.s32 @!p0 $0x1BF5;
	p2 =	por !p2, p0  }
0x20: {  	[sflag:s8] =	ssyncset.s32 @!p0 $0xFFFFF086;
	s6 =	sadd.s32 @!p0 s3, s7;
	s7 =	simm.s32 @!p0 $0x108  }
0x21: {  	s3 =	sadd.s32 s3, s9;
	s6 =	sadd.s32 @!p0 $0x88, s6;
	s7 =	simm.s32 @p2 $0x1082  }
0x22: {  	[simem:s7], [sflag:s8] =	dma.local @!p0 [hbm:s6], $0xF7A  }
0x23: {  	s9 =	sor.u32 $0xD0000000, s2;
	s6 =	simm.s32 $0x108;
	_ =	swait.ge @!p0 [sflag:s8], $0x0  }
0x24: {  	s3 =	sadd.s32 $0x88, s3;
	s6 =	simm.s32 @!p1 $0x1082;
	[sflag:s4] =	ssyncset.s32 $0xFFFFF086  }
0x25: {  	[simem:s6], [sflag:s4] =	dma.local [hbm:s3], $0xF7A  }
0x26: {  	[smem:$0x3F99] =	sst s1;
	(tag) =	ssettag s2;
	_ =	strace s9  }
0x27: {  	s1 =	sld [smem:$0x3FA9]  }
0x28: {  	s2 =	sld [smem:$0x3FAA]  }
0x29: {  	s4 =	sld [smem:$0x3FAC]  }
0x2a: {  	p0 =	seq.s32 s5, $0x0;
	s5 =	sld [smem:$0x3FAD]  }
0x2b: {  	s6 =	sld [smem:$0x3FAE]  }
0x2c: {  	s7 =	sld [smem:$0x3FAF]  }
0x2d: {  	s3 =	simm.s32 $0x108;
	s8 =	sld [smem:$0x3FB0]  }
0x2e: {  	s3 =	simm.s32 @!p0 $0x1082;
	s9 =	sld [smem:$0x3FB1]  }
0x2f: {  	lr =	sadd.s32 s0, s3;
	s0 =	sld [smem:$0x3FA8]  }
0x30: {  	s3 =	sld [smem:$0x3FAB]  }
0x31: {  	[smem:$0x3FB4] =	sst s10  }
0x32: {  	s10 =	sld [smem:$0x3FB2];
	_ =	sdelay $0x3  }
0x33: {  	p0 =	seq.s32 s10, $0x1;
	s10 =	sld [smem:$0x3FB4];
	_ =	sdelay $0x3  }
0x34: {  	[smem:$0x3FB4] =	sst s10  }
0x35: {  	s10 =	sld [smem:$0x3FB3];
	_ =	sdelay $0x3  }
0x36: {  	p1 =	seq.s32 s10, $0x1;
	s10 =	sld [smem:$0x3FB4];
	_ =	sdelay $0x3  }
0x37: {  	[smem:$0x3FB4] =	sst s10  }
0x38: {  	s10 =	sld [smem:$0x3FB5]  }
0x39: {  	_ = 	snop;
	(pc) =	sbr.ind lr, $3  }
0x3a: {  	_ = 	snop  }
0x3b: {  	_ = 	snop  }
0x3c: {  	p2 =	seq.s32 s10, $0x1;
	s10 =	sld [smem:$0x3FB4]  }
0x3d: {  	_ =	shalt  }
0x3e: {  	_ =	shalt  }
0x3f: {  	_ =	shalt  }
0x40: {  	_ =	shalt  }
0x41: {  	_ =	shalt  }
0x42: {  	_ =	shalt  }
0x43: {  	_ =	shalt  }
0x44: {  	_ =	shalt  }
0x45: {  	_ =	shalt  }
0x46: {  	_ =	shalt  }
0x47: {  	_ =	shalt  }
0x48: {  	_ =	shalt  }
0x49: {  	_ =	shalt  }
0x4a: {  	_ =	shalt  }
0x4b: {  	_ =	shalt  }
0x4c: {  	_ =	shalt  }
0x4d: {  	_ =	shalt  }
0x4e: {  	_ =	shalt  }
0x4f: {  	_ =	shalt  }
0x50: {  	_ =	shalt  }
0x51: {  	_ =	shalt  }
0x52: {  	_ =	shalt  }
0x53: {  	_ =	shalt  }
0x54: {  	_ =	shalt  }
0x55: {  	_ =	shalt  }
0x56: {  	_ =	shalt  }
0x57: {  	_ =	shalt  }
0x58: {  	_ =	shalt  }
0x59: {  	_ =	shalt  }
0x5a: {  	_ =	shalt  }
0x5b: {  	_ =	shalt  }
0x5c: {  	_ =	shalt  }
0x5d: {  	_ =	shalt  }
0x5e: {  	_ =	shalt  }
0x5f: {  	_ =	shalt  }
0x60: {  	_ =	shalt  }
0x61: {  	_ =	shalt  }
0x62: {  	_ =	shalt  }
0x63: {  	_ =	shalt  }
0x64: {  	_ =	shalt  }
0x65: {  	_ =	shalt  }
0x66: {  	_ =	shalt  }
0x67: {  	_ =	shalt  }
0x68: {  	_ =	shalt  }
0x69: {  	_ =	shalt  }
0x6a: {  	_ =	shalt  }
0x6b: {  	_ =	shalt  }
0x6c: {  	_ =	shalt  }
0x6d: {  	_ =	shalt  }
0x6e: {  	_ =	shalt  }
0x6f: {  	_ =	shalt  }
0x70: {  	_ =	shalt  }
0x71: {  	_ =	shalt  }
0x72: {  	_ =	shalt  }
0x73: {  	_ =	shalt  }
0x74: {  	_ =	shalt  }
0x75: {  	_ =	shalt  }
0x76: {  	_ =	shalt  }
0x77: {  	_ =	shalt  }
0x78: {  	_ =	shalt  }
0x79: {  	_ =	shalt  }
0x7a: {  	_ =	shalt  }
0x7b: {  	_ =	shalt  }
0x7c: {  	_ =	shalt  }
0x7d: {  	_ =	shalt  }
0x7e: {  	_ =	shalt  }
0x7f: {  	_ =	shalt  }
0x80: {  	_ =	shalt  }
0x81: {  	_ =	shalt  }
0x82: {  	_ =	shalt  }
0x83: {  	_ =	shalt  }
0x84: {  	_ =	shalt  }
0x85: {  	_ =	shalt  }
0x86: {  	_ =	shalt  }
0x87: {  	_ =	shalt  }
.Lfunc_end0:
.L_simem_size_0:
called_computation_lowered:
.L_overlay_start_0:
0x88: {  	s2 =	sld [smem:$0x3FD9]  }
0x89: {  	s3 =	sld [smem:$0x3FFE];
	_ =	sdelay $0x1  }
0x8a: {  	s1 =	srdreg.scid  }
0x8b: {  	s0 =	sand.u32 $0x1, s1  }
0x8c: {  	s15 =	sshll.u32 s0, $0xA;
	s2 =	sadd.s32 s3, s2  }
0x8d: {  	s2 =	sadd.s32 s2, s15  }
0x8e: {  	[smem:$0x3FC0] =	sst s2  }
0x8f: {  	_ = 	snop  }
0x90: {  	s2 =	sld [smem:$0x3FD0];
	_ =	sdelay $0x2  }
0x91: {  	s16 =	simm.s32 $0xB;
	s4 =	simm.s32 $0x10  }
0x92: {  	[smem:s4], [sflag:s16] =	dma.local [hbm:s2], $0x1  }
0x93: {  	_ =	swait.eq [sflag:s16], $0x1  }
0x94: {  	[sflag:s16] =	ssyncset.done $0x0  }
0x95: {  	[sflag:s16] =	ssyncadd.s32 $0xFFFFFFFF  }
0x96: {  	s17 =	sld [smem:$0x10];
	(tm) =	ssettm $0x1  }
0x97: {  	s18 =	sld [smem:$0x3FFB];
	_ =	sdelay $0x3  }
0x98: {  	_ =	strace s18  }
0x99: {  	s2 =	sld [smem:$0x3FFC];
	_ =	sdelay $0x3  }
0x9a: {  	_ =	strace s2  }
0x9b: {  	s2 =	sld [smem:$0x3FFD];
	_ =	sdelay $0x3  }
0x9c: {  	_ =	strace s2  }
0x9d: {  	_ =	strace $0x8FFFFFFF  }
0x9e: {  	s19 =	sld [smem:$0x3FDB];
	_ =	sdelay $0x1  }
0x9f: {  	s20 =	simm.s32 $_scs_section_size  }
0xa0: {  	s5 =	simm.s32 $_size__tile_overlayer_lowered;
	s6 =	simm.s32 $_tile_overlayer_lowered  }
0xa1: {  	s7 =	simm.s32 $0x1BFF;
	s21 =	sshll.u32 s6, $0x1;
	s4 =	sadd.s32 s20, s19  }
0xa2: {  	s22 =	simm.s32 $0x0;
	s5 =	sshll.u32 s5, $0x1;
	s6 =	sadd.s32 s21, s4  }
0xa3: {  	[timem:s22], [sflag:s7] =	dma.local [hbm:s6], s5  }
0xa4: {  	_ =	swait.ge [sflag:s7], s5  }
0xa5: {  	s5 =	ssub.s32 $0x0, s5;
	[sflag:s7] =	ssyncset.done $0x0  }
0xa6: {  	[sflag:s7] =	ssyncadd.s32 s5;
	_ =	sdelay $0x1  }
0xa7: {  	s23 =	simm.s32 $0x1B8B  }
0xa8: {  	_ =	swait.ge [sflag:s23], $0x1  }
0xa9: {  	[sflag:s23] =	ssyncset.done $0x0  }
0xaa: {  	[sflag:s23] =	ssyncadd.s32 $0xFFFFFFFF  }
0xab: {  	s5 =	sld [smem:$0x0]  }
0xac: {  	s6 =	sand.u32 $0xFFFFFFFE, s1  }
0xad: {  	p0 =	sne.s32 s1, s6  }
0xae: {  	s6 =	sshll.u32 @p0 s6, $0xE  }
0xaf: {  	s6 =	sadd.s32 @p0 $0x11B8D, s6;
	s7 =	sshll.u32 @p0 s5, $0x11  }
0xb0: {  	s6 =	sor.u32 @p0 s7, s6  }
0xb1: {  	[sflag:s6] =	ssyncadd.remote.s32 @p0 $0x1;
	_ =	sdelay $0x1  }
0xb2: {  	s6 =	simm.s32 @p0 $0x1B8D  }
0xb3: {  	_ =	swait.eq @p0 [sflag:s6], $0x1  }
0xb4: {  	[sflag:s6] =	ssyncadd.s32 @p0 $0xFFFFFFFF  }
0xb5: {  	s7 =	sshll.u32 @!p0 s1, $0xE  }
0xb6: {  	s7 =	sor.u32 @!p0 $0x4000, s7;
	s6 =	simm.s32 @!p0 $0x1B8D  }
0xb7: {  	s5 =	sshll.u32 @!p0 s5, $0x11;
	s7 =	sadd.s32 @!p0 $0x11B8D, s7;
	_ =	swait.eq @!p0 [sflag:s6], $0x1  }
0xb8: {  	s5 =	sor.u32 @!p0 s5, s7;
	[sflag:s6] =	ssyncadd.s32 @!p0 $0xFFFFFFFF  }
0xb9: {  	s25 =	simm.s32 $0x1B8E;
	s24 =	sld [smem:$0x3FFE];
	[sflag:s5] =	ssyncadd.remote.s32 @!p0 $0x1  }
0xba: {  	s26 =	simm.s32 $execute0_lowered;
	[smem:$0x3FD2] =	sst s25  }
0xbb: {  	s6 =	sshll.u32 s26, $0x1;
	_ =	strace $0x80000049;
	[dreg:$0x1] =	wrdreg $0xFFFFFFFF  }
0xbc: {  	s28 =	simm.s32 $_size_execute0_lowered;
	s4 =	sadd.s32 s4, s6;
	[dreg:$0x0] =	wrdreg $0x0  }
0xbd: {  	s6 =	sshll.u32 s28, $0x1;
	[dreg:$0x2] =	wrdreg s4  }
0xbe: {  	[dreg:$0x3] =	wrdreg s6  }
0xbf: {  	[dreg:$0x4] =	wrdreg $0xC0  }
0xc0: {  	_ =	task [dreg:s22], $0x5FFFF  }
0xc1: {  	[dreg:$0x1] =	wrdreg $0xFFFFFFFF  }
0xc2: {  	[dreg:$0x0] =	wrdreg $0x60  }
0xc3: {  	[dreg:$0x2] =	wrdreg s17  }
0xc4: {  	[dreg:$0x3] =	wrdreg s24  }
0xc5: {  	[dreg:$0x4] =	wrdreg $0x9  }
0xc6: {  	_ =	task.clear_ibuf [dreg:s22], $0x5FFFF;
	_ =	strace $0x90000049  }
0xc7: {  	s29 =	simm.s32 $0x9;
	_ =	strace $0x8000004B  }
0xc8: {  	_ =	swait.ge [sflag:s29], $0x1  }
0xc9: {  	[sflag:s29] =	ssyncadd.s32 $0xFFFFFFFF  }
0xca: {  	_ =	strace $0x9000004B  }
0xcb: {  	_ =	sfence  }
0xcc: {  	s30 =	sld [smem:$0x0];
	_ =	sdelay $0x2  }
0xcd: {  	s31 =	sshll.u32 s1, $0xD;
	s1 =	sshrl.u32 s1, $0x2  }
0xce: {  	s4 =	sand.u32 $0x4000, s31;
	s1 =	sadd.s32 s1, s30  }
0xcf: {  	s0 =	sor.u32 s4, s0;
	s1 =	sshll.u32 s1, $0x11  }
0xd0: {  	s0 =	sor.u32 s1, s0  }
0xd1: {  	s0 =	sadd.s32 $0x8F2B, s0  }
0xd2: {  	[sflag:s0] =	ssyncadd.remote.s32 $0x1  }
0xd3: {  	_ =	sfence.sel $0xFFFF  }
0xd4: {  	[dreg:$0x0] =	wrdreg $0xFFFFFFFF;
	(pc) =	sbr.abs _section_cstart, $3  }
0xd5: {  	[dreg:$0x1] =	wrdreg $0xFFFFFFFF  }
0xd6: {  	_ =	task.clear_ibuf [dreg:s22], $0x2FFFF;
	_ =	strace $0x9FFFFFFF  }
0xd7: {  	(tm) =	ssettm $0x7FFFFFFF  }
tec
execute0_lowered:
.L_overlay_start_1:
0x0: {  	(tag) =	ssettag $0x1  }
0x1: {  	s4 =	rddreg [dreg:$0x0];
	s1 =	srdreg.scid  }
0x2: {  	s0 =	stileid.u32;
	s5 =	rddreg [dreg:$0x1];
	s2 =	simm.s32 $0x0  }
0x3: {  	s9 =	simm.s32 $0x0;
	s3 =	sand.u32 $0x1, s1;
	s6 =	sshll.u32 s0, $0x1  }
0x4: {  	s1 =	rddreg [dreg:$0x2];
	s6 =	sor.u32 s3, s6;
	s7 =	ssub.s32 $0x2, s3  }
0x5: {  	[smem:$0x7FF] =	sst s2;
	s6 =	smul.u32 $0x500, s6;
	s8 =	sshrl.u32 s7, $0x1  }
0x6: {  	_ =	strace $0x8000004A;
	s3 =	sadd.s32 $0x2400, s5;
	s7 =	ssub.s32 s7, s8  }
0x7: {  	s8 =	simm.s32 $0x1;
	s5 =	sadd.s32 s6, s5;
	s4 =	sadd.s32 s4, s6  }
0x8: {  	v0 =	vimm.f32 $1.000000000e+00;
	s6 =	smax.u32 s7, $0x1;
	s7 =	simm.s32 $0x2800;
	s5 =	sadd.s32 $0xCA00, s5  }
.LBB2_1:
0x9: {  	[tilespmem:s7], [sflag:$0x1] =	stream.linear.gather [hbm4b:s3+s2], $0x2800, $0x38;
	[tilespmem:$0x5000] =	vst v63  }
0xa: {  	_ =	swait.ge [sflag:s8], $0x2800  }
0xb: {  	[sflag:s8] =	ssyncset.done $0x0  }
0xc: {  	[sflag:s8] =	ssyncadd.s32 $0xFFFFD800  }
0xd: {  	[tilespmem:s2], [sflag:$0x1] =	stream.linear.gather [hbm4b:s4+s2], $0x2800, $0x38;
	[tilespmem:$0x5000] =	vst v63  }
0xe: {  	_ =	swait.ge [sflag:s8], $0x2800  }
0xf: {  	[sflag:s8] =	ssyncset.done $0x0  }
0x10: {  	s10 =	simm.s32 $0x0;
	[sflag:s8] =	ssyncadd.s32 $0xFFFFD800  }
.LBB2_2:
0x11: {  	s11 =	sshra.s32 s10, $0x2  }
0x12: {  	v1 =	vld [tilespmem:s11+$0x0];
	_ =	sdelay $0x7  }
0x13: {  	[tilespmem:v1+s7+$0x0] =	vst.idx.add.f32.msk $0xffff, v0  }
0x14: {  	v1 =	vld [tilespmem:s11+$0x10];
	_ =	sdelay $0x7  }
0x15: {  	[tilespmem:v1+s7+$0x0] =	vst.idx.add.f32.msk $0xffff, v0  }
0x16: {  	v1 =	vld [tilespmem:s11+$0x20];
	_ =	sdelay $0x7  }
0x17: {  	[tilespmem:v1+s7+$0x0] =	vst.idx.add.f32.msk $0xffff, v0  }
0x18: {  	v1 =	vld [tilespmem:s11+$0x30];
	_ =	sdelay $0x7  }
0x19: {  	[tilespmem:v1+s7+$0x0] =	vst.idx.add.f32.msk $0xffff, v0  }
0x1a: {  	v1 =	vld [tilespmem:s11+$0x40];
	_ =	sdelay $0x7  }
0x1b: {  	[tilespmem:v1+s7+$0x0] =	vst.idx.add.f32.msk $0xffff, v0  }
0x1c: {  	v1 =	vld [tilespmem:s11+$0x50];
	_ =	sdelay $0x7  }
0x1d: {  	[tilespmem:v1+s7+$0x0] =	vst.idx.add.f32.msk $0xffff, v0  }
0x1e: {  	v1 =	vld [tilespmem:s11+$0x60];
	_ =	sdelay $0x7  }
0x1f: {  	[tilespmem:v1+s7+$0x0] =	vst.idx.add.f32.msk $0xffff, v0  }
0x20: {  	v1 =	vld [tilespmem:s11+$0x70];
	_ =	sdelay $0x2  }
0x21: {  	p0 =	sne.s32 s10, $0x9E00  }
.Ltmp0:
0x22: {  	_ = 	snop;
	(pc) =	sbr.rel @p0 .LBB2_2-.Ltmp0, $2  }
0x23: {  	_ =	sdelay $0x2  }
0x24: {  	s10 =	sadd.s32 $0x200, s10;
	[tilespmem:v1+s7+$0x0] =	vst.idx.add.f32.msk $0xffff, v0  }
0x25: {  	s9 =	sadd.s32 $0x1, s9  }
0x26: {  	p0 =	sne.s32 s9, s6  }
.Ltmp1:
0x27: {  	_ = 	snop;
	(pc) =	sbr.rel @p0 .LBB2_1-.Ltmp1, $4  }
0x28: {  	[hbm4b:s5+s2] =	stream.linear.scatter [tilespmem:s7], [sflag:$0x1], $0x2800, $0x38;
	[tilespmem:$0x5000] =	vst v63  }
0x29: {  	_ =	swait.ge [sflag:s8], $0x2800  }
0x2a: {  	[sflag:s8] =	ssyncset.done $0x0  }
0x2b: {  	[sflag:s8] =	ssyncadd.s32 $0xFFFFD800  }
0x2c: {  	_ =	sfence.sel $0x180000  }
0x2d: {  	[bflag:$0x0] =	sbarrier.arrive $0xFFFF  }
0x2e: {  	p0 =	sne.s32 s0, $0x0;
	_ =	strace $0x9000004A  }
0x2f: {  	s0 =	sadd.s32 @!p0 $0x100000, s1;
	[bflag:$0x2] =	sbarrier.arrive $0xFFFF  }
0x30: {  	[sflag:s0] =	ssyncadd.tile.s32 @!p0 $0x1;
	_ =	shalt  }
.Lfunc_end2:
_tile_overlayer_lowered:
.L_overlay_start_2:
0x31: {  	(tag) =	ssettag $0x2  }
0x32: {  	s0 =	rddreg [dreg:$0x0];
	s2 =	stileid.u32  }
0x33: {  	s1 =	rddreg [dreg:$0x1];
	p0 =	sne.s32 s2, $0x0  }
0x34: {  	s3 =	rddreg [dreg:$0x2];
	[bflag:$0x3] =	sbarrier.arrive $0xFFFF;
	s2 =	simm.s32 @!p0 $0x1C01  }
0x35: {  	[timem:s3], [sflag:s2] =	dma.local @!p0 [hbm:s0], s1  }
0x36: {  	s0 =	simm.s32 @!p0 $0x1  }
0x37: {  	_ =	swait.ge @!p0 [sflag:s0], s1  }
0x38: {  	s1 =	ssub.s32 @!p0 $0x0, s1;
	[sflag:s0] =	ssyncset.done @!p0 $0x0  }
0x39: {  	[sflag:s0] =	ssyncadd.s32 @!p0 s1  }
0x3a: {  	[bflag:$0x3] =	sbarrier.arrive $0xFFFF  }
0x3b: {  	_ =	shalt  }

// kernel: kernel.17.cloned.1.call-start
scs
__scs_entry_jumppad:
0x0: {  	(pc) =	sbr.rel $0x88, $3  }
0x1: {  	(tag) =	ssettag $0x0;
	lr =	simm.s32 $0x1  }
0x2: {  	[smem:$0x3F99] =	sst lr;
	_ =	strace $0xD0000000  }
0x3: {  	_ = 	snop  }
0x4: {  	_ = 	snop  }
0x5: {  	_ = 	snop  }
0x6: {  	_ = 	snop  }
0x7: {  	_ = 	snop  }
__scs_overlays_trampoline_lowered:
0x8: {  	[smem:$0x3FA8] =	sst s0  }
0x9: {  	[smem:$0x3FA9] =	sst s1  }
0xa: {  	[smem:$0x3FAA] =	sst s2  }
0xb: {  	[smem:$0x3FAB] =	sst s3  }
0xc: {  	[smem:$0x3FAC] =	sst s4  }
0xd: {  	[smem:$0x3FAD] =	sst s5  }
0xe: {  	[smem:$0x3FAE] =	sst s6  }
0xf: {  	[smem:$0x3FAF] =	sst s7  }
0x10: {  	[smem:$0x3FB0] =	sst s8  }
0x11: {  	[smem:$0x3FB1] =	sst s9;
	s0 =	simm.s32 @!p0 $0x0  }
0x12: {  	s1 =	sld [smem:$0x3F97];
	s0 =	simm.s32 @p0 $0x1  }
0x13: {  	[smem:$0x3FB2] =	sst s0;
	s0 =	simm.s32 @!p1 $0x0  }
0x14: {  	s2 =	sld [smem:$0x3F96];
	s0 =	simm.s32 @p1 $0x1  }
0x15: {  	[smem:$0x3FB3] =	sst s0;
	s0 =	simm.s32 @!p2 $0x0  }
0x16: {  	s3 =	sld [smem:$0x3FDB];
	s0 =	simm.s32 @p2 $0x1  }
0x17: {  	s4 =	simm.s32 $0x1BF5;
	[smem:$0x3FB5] =	sst s0  }
0x18: {  	s0 =	sld [smem:$0x3F98];
	_ =	swait.ge [sflag:s4], $0x0  }
0x19: {  	s7 =	sld [smem:$0x3F99]  }
0x1a: {  	s8 =	sadd.s32 $0xFFFFE003, lr  }
0x1b: {  	s9 =	sadd.s32 $0xFFFFFEF7, lr;
	s5 =	simm.s32 $0xFFFFFFFF;
	p2 =	slt.u32 s8, $0xFFFFF086  }
0x1c: {  	p1 =	slt.u32 s9, $0xF7A;
	s5 =	simm.s32 @!p2 $0x0  }
0x1d: {  	s5 =	simm.s32 @p1 $0x1;
	p0 =	seq.s32 s7, s2  }
0x1e: {  	s7 =	smul.u32 @!p0 $0xF7A, s2;
	p2 =	seq.s32 @!p0 s5, $0x0  }
0x1f: {  	s9 =	smul.u32 $0xF7A, s1;
	s8 =	simm.s32 @!p0 $0x1BF5;
	p2 =	por !p2, p0  }
0x20: {  	[sflag:s8] =	ssyncset.s32 @!p0 $0xFFFFF086;
	s6 =	sadd.s32 @!p0 s3, s7;
	s7 =	simm.s32 @!p0 $0x108  }
0x21: {  	s3 =	sadd.s32 s3, s9;
	s6 =	sadd.s32 @!p0 $0x88, s6;
	s7 =	simm.s32 @p2 $0x1082  }
0x22: {  	[simem:s7], [sflag:s8] =	dma.local @!p0 [hbm:s6], $0xF7A  }
0x23: {  	s9 =	sor.u32 $0xD0000000, s2;
	s6 =	simm.s32 $0x108;
	_ =	swait.ge @!p0 [sflag:s8], $0x0  }
0x24: {  	s3 =	sadd.s32 $0x88, s3;
	s6 =	simm.s32 @!p1 $0x1082;
	[sflag:s4] =	ssyncset.s32 $0xFFFFF086  }
0x25: {  	[simem:s6], [sflag:s4] =	dma.local [hbm:s3], $0xF7A  }
0x26: {  	[smem:$0x3F99] =	sst s1;
	(tag) =	ssettag s2;
	_ =	strace s9  }
0x27: {  	s1 =	sld [smem:$0x3FA9]  }
0x28: {  	s2 =	sld [smem:$0x3FAA]  }
0x29: {  	s4 =	sld [smem:$0x3FAC]  }
0x2a: {  	p0 =	seq.s32 s5, $0x0;
	s5 =	sld [smem:$0x3FAD]  }
0x2b: {  	s6 =	sld [smem:$0x3FAE]  }
0x2c: {  	s7 =	sld [smem:$0x3FAF]  }
0x2d: {  	s3 =	simm.s32 $0x108;
	s8 =	sld [smem:$0x3FB0]  }
0x2e: {  	s3 =	simm.s32 @!p0 $0x1082;
	s9 =	sld [smem:$0x3FB1]  }
0x2f: {  	lr =	sadd.s32 s0, s3;
	s0 =	sld [smem:$0x3FA8]  }
0x30: {  	s3 =	sld [smem:$0x3FAB]  }
0x31: {  	[smem:$0x3FB4] =	sst s10  }
0x32: {  	s10 =	sld [smem:$0x3FB2];
	_ =	sdelay $0x3  }
0x33: {  	p0 =	seq.s32 s10, $0x1;
	s10 =	sld [smem:$0x3FB4];
	_ =	sdelay $0x3  }
0x34: {  	[smem:$0x3FB4] =	sst s10  }
0x35: {  	s10 =	sld [smem:$0x3FB3];
	_ =	sdelay $0x3  }
0x36: {  	p1 =	seq.s32 s10, $0x1;
	s10 =	sld [smem:$0x3FB4];
	_ =	sdelay $0x3  }
0x37: {  	[smem:$0x3FB4] =	sst s10  }
0x38: {  	s10 =	sld [smem:$0x3FB5]  }
0x39: {  	_ = 	snop;
	(pc) =	sbr.ind lr, $3  }
0x3a: {  	_ = 	snop  }
0x3b: {  	_ = 	snop  }
0x3c: {  	p2 =	seq.s32 s10, $0x1;
	s10 =	sld [smem:$0x3FB4]  }
0x3d: {  	_ =	shalt  }
0x3e: {  	_ =	shalt  }
0x3f: {  	_ =	shalt  }
0x40: {  	_ =	shalt  }
0x41: {  	_ =	shalt  }
0x42: {  	_ =	shalt  }
0x43: {  	_ =	shalt  }
0x44: {  	_ =	shalt  }
0x45: {  	_ =	shalt  }
0x46: {  	_ =	shalt  }
0x47: {  	_ =	shalt  }
0x48: {  	_ =	shalt  }
0x49: {  	_ =	shalt  }
0x4a: {  	_ =	shalt  }
0x4b: {  	_ =	shalt  }
0x4c: {  	_ =	shalt  }
0x4d: {  	_ =	shalt  }
0x4e: {  	_ =	shalt  }
0x4f: {  	_ =	shalt  }
0x50: {  	_ =	shalt  }
0x51: {  	_ =	shalt  }
0x52: {  	_ =	shalt  }
0x53: {  	_ =	shalt  }
0x54: {  	_ =	shalt  }
0x55: {  	_ =	shalt  }
0x56: {  	_ =	shalt  }
0x57: {  	_ =	shalt  }
0x58: {  	_ =	shalt  }
0x59: {  	_ =	shalt  }
0x5a: {  	_ =	shalt  }
0x5b: {  	_ =	shalt  }
0x5c: {  	_ =	shalt  }
0x5d: {  	_ =	shalt  }
0x5e: {  	_ =	shalt  }
0x5f: {  	_ =	shalt  }
0x60: {  	_ =	shalt  }
0x61: {  	_ =	shalt  }
0x62: {  	_ =	shalt  }
0x63: {  	_ =	shalt  }
0x64: {  	_ =	shalt  }
0x65: {  	_ =	shalt  }
0x66: {  	_ =	shalt  }
0x67: {  	_ =	shalt  }
0x68: {  	_ =	shalt  }
0x69: {  	_ =	shalt  }
0x6a: {  	_ =	shalt  }
0x6b: {  	_ =	shalt  }
0x6c: {  	_ =	shalt  }
0x6d: {  	_ =	shalt  }
0x6e: {  	_ =	shalt  }
0x6f: {  	_ =	shalt  }
0x70: {  	_ =	shalt  }
0x71: {  	_ =	shalt  }
0x72: {  	_ =	shalt  }
0x73: {  	_ =	shalt  }
0x74: {  	_ =	shalt  }
0x75: {  	_ =	shalt  }
0x76: {  	_ =	shalt  }
0x77: {  	_ =	shalt  }
0x78: {  	_ =	shalt  }
0x79: {  	_ =	shalt  }
0x7a: {  	_ =	shalt  }
0x7b: {  	_ =	shalt  }
0x7c: {  	_ =	shalt  }
0x7d: {  	_ =	shalt  }
0x7e: {  	_ =	shalt  }
0x7f: {  	_ =	shalt  }
0x80: {  	_ =	shalt  }
0x81: {  	_ =	shalt  }
0x82: {  	_ =	shalt  }
0x83: {  	_ =	shalt  }
0x84: {  	_ =	shalt  }
0x85: {  	_ =	shalt  }
0x86: {  	_ =	shalt  }
0x87: {  	_ =	shalt  }
.Lfunc_end0:
.L_simem_size_0:
called_computation.1_lowered:
.L_overlay_start_0:
0x88: {  	s2 =	sld [smem:$0x3FD9]  }
0x89: {  	s3 =	sld [smem:$0x3FFE];
	_ =	sdelay $0x1  }
0x8a: {  	s1 =	srdreg.scid  }
0x8b: {  	s0 =	sand.u32 $0x1, s1  }
0x8c: {  	s14 =	sshll.u32 s0, $0xA;
	s2 =	sadd.s32 s3, s2  }
0x8d: {  	s2 =	sadd.s32 s2, s14  }
0x8e: {  	[smem:$0x3FC0] =	sst s2  }
0x8f: {  	_ = 	snop  }
0x90: {  	s2 =	sld [smem:$0x3FD0];
	_ =	sdelay $0x2  }
0x91: {  	s15 =	simm.s32 $0xB;
	s4 =	simm.s32 $0x10  }
0x92: {  	[smem:s4], [sflag:s15] =	dma.local [hbm:s2], $0x1  }
0x93: {  	_ =	swait.eq [sflag:s15], $0x1  }
0x94: {  	[sflag:s15] =	ssyncset.done $0x0  }
0x95: {  	[sflag:s15] =	ssyncadd.s32 $0xFFFFFFFF  }
0x96: {  	s16 =	sld [smem:$0x11];
	(tm) =	ssettm $0x1  }
0x97: {  	s17 =	sld [smem:$0x3FFB];
	_ =	sdelay $0x3  }
0x98: {  	_ =	strace s17  }
0x99: {  	s3 =	sld [smem:$0x3FFC];
	_ =	sdelay $0x3  }
0x9a: {  	_ =	strace s3  }
0x9b: {  	s3 =	sld [smem:$0x3FFD];
	_ =	sdelay $0x3  }
0x9c: {  	_ =	strace s3  }
0x9d: {  	_ =	strace $0x8FFFFFFF  }
0x9e: {  	s18 =	sld [smem:$0x3FDB];
	_ =	sdelay $0x1  }
0x9f: {  	s19 =	simm.s32 $_scs_section_size  }
0xa0: {  	s5 =	simm.s32 $_size__tile_overlayer_lowered;
	s6 =	simm.s32 $_tile_overlayer_lowered  }
0xa1: {  	s22 =	simm.s32 $0x1BFF;
	s21 =	sshll.u32 s6, $0x1;
	s3 =	sadd.s32 s19, s18  }
0xa2: {  	s7 =	simm.s32 $0x0;
	s20 =	sshll.u32 s5, $0x1;
	s5 =	sadd.s32 s21, s3  }
0xa3: {  	[timem:s7], [sflag:s22] =	dma.local [hbm:s5], s20  }
0xa4: {  	_ =	swait.ge [sflag:s22], s20  }
0xa5: {  	s4 =	ssub.s32 $0x0, s20;
	[sflag:s22] =	ssyncset.done $0x0  }
0xa6: {  	[sflag:s22] =	ssyncadd.s32 s4;
	_ =	sdelay $0x1  }
0xa7: {  	s23 =	simm.s32 $0x1B8B  }
0xa8: {  	_ =	swait.ge [sflag:s23], $0x1  }
0xa9: {  	[sflag:s23] =	ssyncset.done $0x0  }
0xaa: {  	s25 =	simm.s32 $0x1B8E;
	s24 =	sld [smem:$0x3FFE];
	[sflag:s23] =	ssyncadd.s32 $0xFFFFFFFF  }
0xab: {  	s26 =	simm.s32 $execute0_lowered;
	[smem:$0x3FD2] =	sst s25  }
0xac: {  	s5 =	sshll.u32 s26, $0x1;
	_ =	strace $0x80000046;
	[dreg:$0x1] =	wrdreg $0xFFFFFFFF  }
0xad: {  	s28 =	simm.s32 $_size_execute0_lowered;
	s3 =	sadd.s32 s3, s5;
	[dreg:$0x0] =	wrdreg $0x0  }
0xae: {  	s5 =	sshll.u32 s28, $0x1;
	[dreg:$0x2] =	wrdreg s3  }
0xaf: {  	[dreg:$0x3] =	wrdreg s5  }
0xb0: {  	[dreg:$0x4] =	wrdreg $0xC0  }
0xb1: {  	_ =	task [dreg:s7], $0x5FFFF  }
0xb2: {  	[dreg:$0x1] =	wrdreg $0xFFFFFFFF  }
0xb3: {  	[dreg:$0x0] =	wrdreg $0x60  }
0xb4: {  	[dreg:$0x2] =	wrdreg s16  }
0xb5: {  	[dreg:$0x3] =	wrdreg s24  }
0xb6: {  	[dreg:$0x4] =	wrdreg $0xA  }
0xb7: {  	_ =	task.clear_ibuf [dreg:s7], $0x5FFFF;
	_ =	strace $0x90000046  }
0xb8: {  	s29 =	simm.s32 $0xA;
	_ =	strace $0x80000048  }
0xb9: {  	_ =	swait.ge [sflag:s29], $0x1  }
0xba: {  	[sflag:s29] =	ssyncadd.s32 $0xFFFFFFFF  }
0xbb: {  	_ =	strace $0x90000048  }
0xbc: {  	_ =	sfence  }
0xbd: {  	s30 =	sld [smem:$0x0];
	_ =	sdelay $0x2  }
0xbe: {  	s31 =	sshll.u32 s1, $0xD;
	s1 =	sshrl.u32 s1, $0x2  }
0xbf: {  	s3 =	sand.u32 $0x4000, s31;
	s1 =	sadd.s32 s1, s30  }
0xc0: {  	s0 =	sor.u32 s3, s0;
	s1 =	sshll.u32 s1, $0x11  }
0xc1: {  	s0 =	sor.u32 s1, s0  }
0xc2: {  	s0 =	sadd.s32 $0x8F2B, s0  }
0xc3: {  	[sflag:s0] =	ssyncadd.remote.s32 $0x1  }
0xc4: {  	_ =	sfence.sel $0xFFFF  }
0xc5: {  	[dreg:$0x0] =	wrdreg $0xFFFFFFFF;
	(pc) =	sbr.abs _section_cstart, $3  }
0xc6: {  	[dreg:$0x1] =	wrdreg $0xFFFFFFFF  }
0xc7: {  	_ =	task.clear_ibuf [dreg:s7], $0x2FFFF;
	_ =	strace $0x9FFFFFFF  }
0xc8: {  	(tm) =	ssettm $0x7FFFFFFF  }
0xc9: {  	_ =	shalt  }
tec
execute0_lowered:
.L_overlay_start_1:
0x0: {  	(tag) =	ssettag $0x1  }
0x1: {  	s4 =	rddreg [dreg:$0x0];
	s1 =	srdreg.scid  }
0x2: {  	s0 =	stileid.u32;
	s5 =	rddreg [dreg:$0x1];
	s2 =	simm.s32 $0x0  }
0x3: {  	s9 =	simm.s32 $0x0;
	s3 =	sand.u32 $0x1, s1;
	s6 =	sshll.u32 s0, $0x1  }
0x4: {  	s1 =	rddreg [dreg:$0x2];
	s6 =	sor.u32 s3, s6;
	s7 =	ssub.s32 $0x2, s3  }
0x5: {  	[smem:$0x7FF] =	sst s2;
	s6 =	smul.u32 $0x500, s6;
	s8 =	sshrl.u32 s7, $0x1  }
0x6: {  	_ =	strace $0x80000047;
	s3 =	sadd.s32 $0x2400, s5;
	s7 =	ssub.s32 s7, s8  }
0x7: {  	s8 =	simm.s32 $0x1;
	s5 =	sadd.s32 s6, s5;
	s4 =	sadd.s32 s4, s6  }
0x8: {  	v0 =	vimm.f32 $1.000000000e+00;
	s6 =	smax.u32 s7, $0x1;
	s7 =	simm.s32 $0x2800;
	s5 =	sadd.s32 $0x2A00, s5  }
.LBB2_1:
0x9: {  	[tilespmem:s7], [sflag:$0x1] =	stream.linear.gather [hbm4b:s3+s2], $0x2800, $0x38;
	[tilespmem:$0x5000] =	vst v63  }
0xa: {  	_ =	swait.ge [sflag:s8], $0x2800  }
0xb: {  	[sflag:s8] =	ssyncset.done $0x0  }
0xc: {  	[sflag:s8] =	ssyncadd.s32 $0xFFFFD800  }
0xd: {  	[tilespmem:s2], [sflag:$0x1] =	stream.linear.gather [hbm4b:s4+s2], $0x2800, $0x38;
	[tilespmem:$0x5000] =	vst v63  }
0xe: {  	_ =	swait.ge [sflag:s8], $0x2800  }
0xf: {  	[sflag:s8] =	ssyncset.done $0x0  }
0x10: {  	s10 =	simm.s32 $0x0;
	[sflag:s8] =	ssyncadd.s32 $0xFFFFD800  }
.LBB2_2:
0x11: {  	s11 =	sshra.s32 s10, $0x2  }
0x12: {  	v1 =	vld [tilespmem:s11+$0x0];
	_ =	sdelay $0x7  }
0x13: {  	[tilespmem:v1+s7+$0x0] =	vst.idx.add.f32.msk $0xffff, v0  }
0x14: {  	v1 =	vld [tilespmem:s11+$0x10];
	_ =	sdelay $0x7  }
0x15: {  	[tilespmem:v1+s7+$0x0] =	vst.idx.add.f32.msk $0xffff, v0  }
0x16: {  	v1 =	vld [tilespmem:s11+$0x20];
	_ =	sdelay $0x7  }
0x17: {  	[tilespmem:v1+s7+$0x0] =	vst.idx.add.f32.msk $0xffff, v0  }
0x18: {  	v1 =	vld [tilespmem:s11+$0x30];
	_ =	sdelay $0x7  }
0x19: {  	[tilespmem:v1+s7+$0x0] =	vst.idx.add.f32.msk $0xffff, v0  }
0x1a: {  	v1 =	vld [tilespmem:s11+$0x40];
	_ =	sdelay $0x7  }
0x1b: {  	[tilespmem:v1+s7+$0x0] =	vst.idx.add.f32.msk $0xffff, v0  }
0x1c: {  	v1 =	vld [tilespmem:s11+$0x50];
	_ =	sdelay $0x7  }
0x1d: {  	[tilespmem:v1+s7+$0x0] =	vst.idx.add.f32.msk $0xffff, v0  }
0x1e: {  	v1 =	vld [tilespmem:s11+$0x60];
	_ =	sdelay $0x7  }
0x1f: {  	[tilespmem:v1+s7+$0x0] =	vst.idx.add.f32.msk $0xffff, v0  }
0x20: {  	v1 =	vld [tilespmem:s11+$0x70];
	_ =	sdelay $0x2  }
0x21: {  	p0 =	sne.s32 s10, $0x9E00  }
.Ltmp0:
0x22: {  	_ = 	snop;
	(pc) =	sbr.rel @p0 .LBB2_2-.Ltmp0, $2  }
0x23: {  	_ =	sdelay $0x2  }
0x24: {  	s10 =	sadd.s32 $0x200, s10;
	[tilespmem:v1+s7+$0x0] =	vst.idx.add.f32.msk $0xffff, v0  }
0x25: {  	s9 =	sadd.s32 $0x1, s9  }
0x26: {  	p0 =	sne.s32 s9, s6  }
.Ltmp1:
0x27: {  	_ = 	snop;
	(pc) =	sbr.rel @p0 .LBB2_1-.Ltmp1, $4  }
0x28: {  	[hbm4b:s5+s2] =	stream.linear.scatter [tilespmem:s7], [sflag:$0x1], $0x2800, $0x38;
	[tilespmem:$0x5000] =	vst v63  }
0x29: {  	_ =	swait.ge [sflag:s8], $0x2800  }
0x2a: {  	[sflag:s8] =	ssyncset.done $0x0  }
0x2b: {  	[sflag:s8] =	ssyncadd.s32 $0xFFFFD800  }
0x2c: {  	_ =	sfence.sel $0x180000  }
0x2d: {  	[bflag:$0x0] =	sbarrier.arrive $0xFFFF  }
0x2e: {  	p0 =	sne.s32 s0, $0x0;
	_ =	strace $0x90000047  }
0x2f: {  	s0 =	sadd.s32 @!p0 $0x100000, s1;
	[bflag:$0x2] =	sbarrier.arrive $0xFFFF  }
0x30: {  	[sflag:s0] =	ssyncadd.tile.s32 @!p0 $0x1;
	_ =	shalt  }
.Lfunc_end2:
_tile_overlayer_lowered:
.L_overlay_start_2:
0x31: {  	(tag) =	ssettag $0x2  }
0x32: {  	s0 =	rddreg [dreg:$0x0];
	s2 =	stileid.u32  }
0x33: {  	s1 =	rddreg [dreg:$0x1];
	p0 =	sne.s32 s2, $0x0  }
0x34: {  	s3 =	rddreg [dreg:$0x2];
	[bflag:$0x3] =	sbarrier.arrive $0xFFFF;
	s2 =	simm.s32 @!p0 $0x1C01  }
0x35: {  	[timem:s3], [sflag:s2] =	dma.local @!p0 [hbm:s0], s1  }
0x36: {  	s0 =	simm.s32 @!p0 $0x1  }
0x37: {  	_ =	swait.ge @!p0 [sflag:s0], s1  }
0x38: {  	s1 =	ssub.s32 @!p0 $0x0, s1;
	[sflag:s0] =	ssyncset.done @!p0 $0x0  }
0x39: {  	[sflag:s0] =	ssyncadd.s32 @!p0 s1  }
0x3a: {  	[bflag:$0x3] =	sbarrier.arrive $0xFFFF  }
0x3b: {  	_ =	shalt  }

// kernel: kernel.20.cloned.1.call-start
scs
__scs_entry_jumppad:
0x0: {  	(pc) =	sbr.rel $0x88, $3  }
0x1: {  	(tag) =	ssettag $0x0;
	lr =	simm.s32 $0x1  }
0x2: {  	[smem:$0x3F99] =	sst lr;
	_ =	strace $0xD0000000  }
0x3: {  	_ = 	snop  }
0x4: {  	_ = 	snop  }
0x5: {  	_ = 	snop  }
0x6: {  	_ = 	snop  }
0x7: {  	_ = 	snop  }
__scs_overlays_trampoline_lowered:
0x8: {  	[smem:$0x3FA8] =	sst s0  }
0x9: {  	[smem:$0x3FA9] =	sst s1  }
0xa: {  	[smem:$0x3FAA] =	sst s2  }
0xb: {  	[smem:$0x3FAB] =	sst s3  }
0xc: {  	[smem:$0x3FAC] =	sst s4  }
0xd: {  	[smem:$0x3FAD] =	sst s5  }
0xe: {  	[smem:$0x3FAE] =	sst s6  }
0xf: {  	[smem:$0x3FAF] =	sst s7  }
0x10: {  	[smem:$0x3FB0] =	sst s8  }
0x11: {  	[smem:$0x3FB1] =	sst s9;
	s0 =	simm.s32 @!p0 $0x0  }
0x12: {  	s1 =	sld [smem:$0x3F97];
	s0 =	simm.s32 @p0 $0x1  }
0x13: {  	[smem:$0x3FB2] =	sst s0;
	s0 =	simm.s32 @!p1 $0x0  }
0x14: {  	s2 =	sld [smem:$0x3F96];
	s0 =	simm.s32 @p1 $0x1  }
0x15: {  	[smem:$0x3FB3] =	sst s0;
	s0 =	simm.s32 @!p2 $0x0  }
0x16: {  	s3 =	sld [smem:$0x3FDB];
	s0 =	simm.s32 @p2 $0x1  }
0x17: {  	s4 =	simm.s32 $0x1BF5;
	[smem:$0x3FB5] =	sst s0  }
0x18: {  	s0 =	sld [smem:$0x3F98];
	_ =	swait.ge [sflag:s4], $0x0  }
0x19: {  	s7 =	sld [smem:$0x3F99]  }
0x1a: {  	s8 =	sadd.s32 $0xFFFFE003, lr  }
0x1b: {  	s9 =	sadd.s32 $0xFFFFFEF7, lr;
	s5 =	simm.s32 $0xFFFFFFFF;
	p2 =	slt.u32 s8, $0xFFFFF086  }
0x1c: {  	p1 =	slt.u32 s9, $0xF7A;
	s5 =	simm.s32 @!p2 $0x0  }
0x1d: {  	s5 =	simm.s32 @p1 $0x1;
	p0 =	seq.s32 s7, s2  }
0x1e: {  	s7 =	smul.u32 @!p0 $0xF7A, s2;
	p2 =	seq.s32 @!p0 s5, $0x0  }
0x1f: {  	s9 =	smul.u32 $0xF7A, s1;
	s8 =	simm.s32 @!p0 $0x1BF5;
	p2 =	por !p2, p0  }
0x20: {  	[sflag:s8] =	ssyncset.s32 @!p0 $0xFFFFF086;
	s6 =	sadd.s32 @!p0 s3, s7;
	s7 =	simm.s32 @!p0 $0x108  }
0x21: {  	s3 =	sadd.s32 s3, s9;
	s6 =	sadd.s32 @!p0 $0x88, s6;
	s7 =	simm.s32 @p2 $0x1082  }
0x22: {  	[simem:s7], [sflag:s8] =	dma.local @!p0 [hbm:s6], $0xF7A  }
0x23: {  	s9 =	sor.u32 $0xD0000000, s2;
	s6 =	simm.s32 $0x108;
	_ =	swait.ge @!p0 [sflag:s8], $0x0  }
0x24: {  	s3 =	sadd.s32 $0x88, s3;
	s6 =	simm.s32 @!p1 $0x1082;
	[sflag:s4] =	ssyncset.s32 $0xFFFFF086  }
0x25: {  	[simem:s6], [sflag:s4] =	dma.local [hbm:s3], $0xF7A  }
0x26: {  	[smem:$0x3F99] =	sst s1;
	(tag) =	ssettag s2;
	_ =	strace s9  }
0x27: {  	s1 =	sld [smem:$0x3FA9]  }
0x28: {  	s2 =	sld [smem:$0x3FAA]  }
0x29: {  	s4 =	sld [smem:$0x3FAC]  }
0x2a: {  	p0 =	seq.s32 s5, $0x0;
	s5 =	sld [smem:$0x3FAD]  }
0x2b: {  	s6 =	sld [smem:$0x3FAE]  }
0x2c: {  	s7 =	sld [smem:$0x3FAF]  }
0x2d: {  	s3 =	simm.s32 $0x108;
	s8 =	sld [smem:$0x3FB0]  }
0x2e: {  	s3 =	simm.s32 @!p0 $0x1082;
	s9 =	sld [smem:$0x3FB1]  }
0x2f: {  	lr =	sadd.s32 s0, s3;
	s0 =	sld [smem:$0x3FA8]  }
0x30: {  	s3 =	sld [smem:$0x3FAB]  }
0x31: {  	[smem:$0x3FB4] =	sst s10  }
0x32: {  	s10 =	sld [smem:$0x3FB2];
	_ =	sdelay $0x3  }
0x33: {  	p0 =	seq.s32 s10, $0x1;
	s10 =	sld [smem:$0x3FB4];
	_ =	sdelay $0x3  }
0x34: {  	[smem:$0x3FB4] =	sst s10  }
0x35: {  	s10 =	sld [smem:$0x3FB3];
	_ =	sdelay $0x3  }
0x36: {  	p1 =	seq.s32 s10, $0x1;
	s10 =	sld [smem:$0x3FB4];
	_ =	sdelay $0x3  }
0x37: {  	[smem:$0x3FB4] =	sst s10  }
0x38: {  	s10 =	sld [smem:$0x3FB5]  }
0x39: {  	_ = 	snop;
	(pc) =	sbr.ind lr, $3  }
0x3a: {  	_ = 	snop  }
0x3b: {  	_ = 	snop  }
0x3c: {  	p2 =	seq.s32 s10, $0x1;
	s10 =	sld [smem:$0x3FB4]  }
0x3d: {  	_ =	shalt  }
0x3e: {  	_ =	shalt  }
0x3f: {  	_ =	shalt  }
0x40: {  	_ =	shalt  }
0x41: {  	_ =	shalt  }
0x42: {  	_ =	shalt  }
0x43: {  	_ =	shalt  }
0x44: {  	_ =	shalt  }
0x45: {  	_ =	shalt  }
0x46: {  	_ =	shalt  }
0x47: {  	_ =	shalt  }
0x48: {  	_ =	shalt  }
0x49: {  	_ =	shalt  }
0x4a: {  	_ =	shalt  }
0x4b: {  	_ =	shalt  }
0x4c: {  	_ =	shalt  }
0x4d: {  	_ =	shalt  }
0x4e: {  	_ =	shalt  }
0x4f: {  	_ =	shalt  }
0x50: {  	_ =	shalt  }
0x51: {  	_ =	shalt  }
0x52: {  	_ =	shalt  }
0x53: {  	_ =	shalt  }
0x54: {  	_ =	shalt  }
0x55: {  	_ =	shalt  }
0x56: {  	_ =	shalt  }
0x57: {  	_ =	shalt  }
0x58: {  	_ =	shalt  }
0x59: {  	_ =	shalt  }
0x5a: {  	_ =	shalt  }
0x5b: {  	_ =	shalt  }
0x5c: {  	_ =	shalt  }
0x5d: {  	_ =	shalt  }
0x5e: {  	_ =	shalt  }
0x5f: {  	_ =	shalt  }
0x60: {  	_ =	shalt  }
0x61: {  	_ =	shalt  }
0x62: {  	_ =	shalt  }
0x63: {  	_ =	shalt  }
0x64: {  	_ =	shalt  }
0x65: {  	_ =	shalt  }
0x66: {  	_ =	shalt  }
0x67: {  	_ =	shalt  }
0x68: {  	_ =	shalt  }
0x69: {  	_ =	shalt  }
0x6a: {  	_ =	shalt  }
0x6b: {  	_ =	shalt  }
0x6c: {  	_ =	shalt  }
0x6d: {  	_ =	shalt  }
0x6e: {  	_ =	shalt  }
0x6f: {  	_ =	shalt  }
0x70: {  	_ =	shalt  }
0x71: {  	_ =	shalt  }
0x72: {  	_ =	shalt  }
0x73: {  	_ =	shalt  }
0x74: {  	_ =	shalt  }
0x75: {  	_ =	shalt  }
0x76: {  	_ =	shalt  }
0x77: {  	_ =	shalt  }
0x78: {  	_ =	shalt  }
0x79: {  	_ =	shalt  }
0x7a: {  	_ =	shalt  }
0x7b: {  	_ =	shalt  }
0x7c: {  	_ =	shalt  }
0x7d: {  	_ =	shalt  }
0x7e: {  	_ =	shalt  }
0x7f: {  	_ =	shalt  }
0x80: {  	_ =	shalt  }
0x81: {  	_ =	shalt  }
0x82: {  	_ =	shalt  }
0x83: {  	_ =	shalt  }
0x84: {  	_ =	shalt  }
0x85: {  	_ =	shalt  }
0x86: {  	_ =	shalt  }
0x87: {  	_ =	shalt  }
.Lfunc_end0:
.L_simem_size_0:
called_computation.2_lowered:
.L_overlay_start_0:
0x88: {  	s2 =	sld [smem:$0x3FD9]  }
0x89: {  	s3 =	sld [smem:$0x3FFE];
	_ =	sdelay $0x1  }
0x8a: {  	s1 =	srdreg.scid  }
0x8b: {  	s0 =	sand.u32 $0x1, s1  }
0x8c: {  	s15 =	sshll.u32 s0, $0xA;
	s2 =	sadd.s32 s3, s2  }
0x8d: {  	s2 =	sadd.s32 s2, s15  }
0x8e: {  	[smem:$0x3FC0] =	sst s2  }
0x8f: {  	_ = 	snop  }
0x90: {  	s2 =	sld [smem:$0x3FD0];
	_ =	sdelay $0x2  }
0x91: {  	s16 =	simm.s32 $0xB;
	s4 =	simm.s32 $0x10  }
0x92: {  	[smem:s4], [sflag:s16] =	dma.local [hbm:s2], $0x1  }
0x93: {  	_ =	swait.eq [sflag:s16], $0x1  }
0x94: {  	[sflag:s16] =	ssyncset.done $0x0  }
0x95: {  	[sflag:s16] =	ssyncadd.s32 $0xFFFFFFFF  }
0x96: {  	s17 =	sld [smem:$0x10];
	(tm) =	ssettm $0x1  }
0x97: {  	s18 =	sld [smem:$0x3FFB];
	_ =	sdelay $0x3  }
0x98: {  	_ =	strace s18  }
0x99: {  	s2 =	sld [smem:$0x3FFC];
	_ =	sdelay $0x3  }
0x9a: {  	_ =	strace s2  }
0x9b: {  	s2 =	sld [smem:$0x3FFD];
	_ =	sdelay $0x3  }
0x9c: {  	_ =	strace s2  }
0x9d: {  	_ =	strace $0x8FFFFFFF  }
0x9e: {  	s19 =	sld [smem:$0x3FDB];
	_ =	sdelay $0x1  }
0x9f: {  	s20 =	simm.s32 $_scs_section_size  }
0xa0: {  	s5 =	simm.s32 $_size__tile_overlayer_lowered;
	s6 =	simm.s32 $_tile_overlayer_lowered  }
0xa1: {  	s7 =	simm.s32 $0x1BFF;
	s21 =	sshll.u32 s6, $0x1;
	s4 =	sadd.s32 s20, s19  }
0xa2: {  	s22 =	simm.s32 $0x0;
	s5 =	sshll.u32 s5, $0x1;
	s6 =	sadd.s32 s21, s4  }
0xa3: {  	[timem:s22], [sflag:s7] =	dma.local [hbm:s6], s5  }
0xa4: {  	_ =	swait.ge [sflag:s7], s5  }
0xa5: {  	s5 =	ssub.s32 $0x0, s5;
	[sflag:s7] =	ssyncset.done $0x0  }
0xa6: {  	[sflag:s7] =	ssyncadd.s32 s5;
	_ =	sdelay $0x1  }
0xa7: {  	s23 =	simm.s32 $0x1B8B  }
0xa8: {  	_ =	swait.ge [sflag:s23], $0x1  }
0xa9: {  	[sflag:s23] =	ssyncset.done $0x0  }
0xaa: {  	[sflag:s23] =	ssyncadd.s32 $0xFFFFFFFF  }
0xab: {  	s5 =	sld [smem:$0x0]  }
0xac: {  	s6 =	sand.u32 $0xFFFFFFFE, s1  }
0xad: {  	p0 =	sne.s32 s1, s6  }
0xae: {  	s6 =	sshll.u32 @p0 s6, $0xE  }
0xaf: {  	s6 =	sadd.s32 @p0 $0x11B8D, s6;
	s7 =	sshll.u32 @p0 s5, $0x11  }
0xb0: {  	s6 =	sor.u32 @p0 s7, s6  }
0xb1: {  	[sflag:s6] =	ssyncadd.remote.s32 @p0 $0x1;
	_ =	sdelay $0x1  }
0xb2: {  	s6 =	simm.s32 @p0 $0x1B8D  }
0xb3: {  	_ =	swait.eq @p0 [sflag:s6], $0x1  }
0xb4: {  	[sflag:s6] =	ssyncadd.s32 @p0 $0xFFFFFFFF  }
0xb5: {  	s7 =	sshll.u32 @!p0 s1, $0xE  }
0xb6: {  	s7 =	sor.u32 @!p0 $0x4000, s7;
	s6 =	simm.s32 @!p0 $0x1B8D  }
0xb7: {  	s5 =	sshll.u32 @!p0 s5, $0x11;
	s7 =	sadd.s32 @!p0 $0x11B8D, s7;
	_ =	swait.eq @!p0 [sflag:s6], $0x1  }
0xb8: {  	s5 =	sor.u32 @!p0 s5, s7;
	[sflag:s6] =	ssyncadd.s32 @!p0 $0xFFFFFFFF  }
0xb9: {  	s25 =	simm.s32 $0x1B8E;
	s24 =	sld [smem:$0x3FFE];
	[sflag:s5] =	ssyncadd.remote.s32 @!p0 $0x1  }
0xba: {  	s26 =	simm.s32 $execute0_lowered;
	[smem:$0x3FD2] =	sst s25  }
0xbb: {  	s6 =	sshll.u32 s26, $0x1;
	_ =	strace $0x8000004F;
	[dreg:$0x1] =	wrdreg $0xFFFFFFFF  }
0xbc: {  	s28 =	simm.s32 $_size_execute0_lowered;
	s4 =	sadd.s32 s4, s6;
	[dreg:$0x0] =	wrdreg $0x0  }
0xbd: {  	s6 =	sshll.u32 s28, $0x1;
	[dreg:$0x2] =	wrdreg s4  }
0xbe: {  	[dreg:$0x3] =	wrdreg s6  }
0xbf: {  	[dreg:$0x4] =	wrdreg $0xC0  }
0xc0: {  	_ =	task [dreg:s22], $0x5FFFF  }
0xc1: {  	[dreg:$0x1] =	wrdreg $0xFFFFFFFF  }
0xc2: {  	[dreg:$0x0] =	wrdreg $0x60  }
0xc3: {  	[dreg:$0x2] =	wrdreg s24  }
0xc4: {  	[dreg:$0x3] =	wrdreg s17  }
0xc5: {  	[dreg:$0x4] =	wrdreg $0x9  }
0xc6: {  	_ =	task.clear_ibuf [dreg:s22], $0x5FFFF;
	_ =	strace $0x9000004F  }
0xc7: {  	s29 =	simm.s32 $0x9;
	_ =	strace $0x80000051  }
0xc8: {  	_ =	swait.ge [sflag:s29], $0x1  }
0xc9: {  	[sflag:s29] =	ssyncadd.s32 $0xFFFFFFFF  }
0xca: {  	_ =	strace $0x90000051  }
0xcb: {  	_ =	sfence  }
0xcc: {  	s30 =	sld [smem:$0x0];
	_ =	sdelay $0x2  }
0xcd: {  	s31 =	sshll.u32 s1, $0xD;
	s1 =	sshrl.u32 s1, $0x2  }
0xce: {  	s4 =	sand.u32 $0x4000, s31;
	s1 =	sadd.s32 s1, s30  }
0xcf: {  	s0 =	sor.u32 s4, s0;
	s1 =	sshll.u32 s1, $0x11  }
0xd0: {  	s0 =	sor.u32 s1, s0  }
0xd1: {  	s0 =	sadd.s32 $0x8F2B, s0  }
0xd2: {  	[sflag:s0] =	ssyncadd.remote.s32 $0x1  }
0xd3: {  	_ =	sfence.sel $0xFFFF  }
0xd4: {  	[dreg:$0x0] =	wrdreg $0xFFFFFFFF;
	(pc) =	sbr.abs _section_cstart, $3  }
0xd5: {  	[dreg:$0x1] =	wrdreg $0xFFFFFFFF  }
0xd6: {  	_ =	task.clear_ibuf [dreg:s22], $0x2FFFF;
	_ =	strace $0x9FFFFFFF  }
0xd7: {  	(tm) =	ssettm $0x7FFFFFFF  }
tec
execute0_lowered:
.L_overlay_start_1:
0x0: {  	(tag) =	ssettag $0x1  }
0x1: {  	s0 =	rddreg [dreg:$0x0]  }
0x2: {  	s2 =	rddreg [dreg:$0x1];
	s1 =	srdreg.scid;
	s3 =	simm.s32 $0x0  }
0x3: {  	s4 =	stileid.u32;
	s15 =	simm.s32 $0x3;
	s16 =	simm.s32 $0xA000  }
0x4: {  	s17 =	simm.s32 $0x2800;
	s18 =	simm.s32 $0xC800;
	s19 =	simm.s32 $0x5000  }
0x5: {  	s20 =	simm.s32 $0xF000;
	s21 =	simm.s32 $0x7800;
	s22 =	simm.s32 $0x11800  }
0x6: {  	s25 =	simm.s32 $0x1;
	s26 =	simm.s32 $0x16000;
	s28 =	simm.s32 $0x1A000  }
0x7: {  	s29 =	simm.s32 $0x2;
	s30 =	simm.s32 $0x0;
	s1 =	sand.u32 $0x1, s1  }
0x8: {  	[smem:$0x7FF] =	sst s3;
	s4 =	sshll.u32 s4, $0x3;
	s5 =	sshll.u32 s1, $0x2  }
0x9: {  	s9 =	sadd.s32 $0x70A00, s0;
	_ =	strace $0x80000050;
	s6 =	sor.u32 s5, s4  }
0xa: {  	s1 =	ssub.s32 $0x2, s1;
	s4 =	sadd.s32 $0x2A00, s0;
	s7 =	smul.u32 $0x2800, s6  }
0xb: {  	s5 =	sadd.s32 $0x2400, s0;
	s8 =	sshrl.u32 s1, $0x1;
	s10 =	smul.u32 $0x500, s6  }
0xc: {  	s0 =	sadd.s32 $0x98A00, s0;
	s1 =	ssub.s32 s1, s8;
	s11 =	sshrl.u32 s7, $0x3  }
0xd: {  	s6 =	sadd.s32 s9, s10;
	s10 =	sadd.s32 s0, s10;
	s12 =	sadd.s32 $0x500, s11  }
0xe: {  	s13 =	sadd.s32 $0xA00, s11;
	s14 =	sadd.s32 $0xF00, s11;
	s7 =	sadd.s32 s9, s12  }
0xf: {  	s8 =	sadd.s32 s9, s13;
	s9 =	sadd.s32 s9, s14;
	s11 =	sadd.s32 s0, s12  }
0x10: {  	s12 =	sadd.s32 s0, s13;
	s13 =	sadd.s32 s0, s14;
	s14 =	smax.u32 s1, $0x1  }
.LBB2_1:
0x11: {  	[tilespmem:s3], [sflag:$0x3] =	stream.linear.gather [hbm4b:s6+s3], $0x2800, $0x38;
	[tilespmem:$0x1C000] =	vst v63  }
0x12: {  	_ =	swait.ge [sflag:s15], $0x2800  }
0x13: {  	[sflag:s15] =	ssyncset.done $0x0  }
0x14: {  	[sflag:s15] =	ssyncadd.s32 $0xFFFFD800  }
0x15: {  	[tilespmem:s16], [sflag:$0x3] =	stream.linear.gather [hbm4b:s5+s3], $0x2800, $0x38;
	[tilespmem:$0x1C000] =	vst v63  }
0x16: {  	_ =	swait.ge [sflag:s15], $0x2800  }
0x17: {  	[sflag:s15] =	ssyncset.done $0x0  }
0x18: {  	[sflag:s15] =	ssyncadd.s32 $0xFFFFD800  }
0x19: {  	[tilespmem:s17], [sflag:$0x3] =	stream.linear.gather [hbm4b:s7+s3], $0x2800, $0x38;
	[tilespmem:$0x1C000] =	vst v63  }
0x1a: {  	_ =	swait.ge [sflag:s15], $0x2800  }
0x1b: {  	[sflag:s15] =	ssyncset.done $0x0  }
0x1c: {  	[sflag:s15] =	ssyncadd.s32 $0xFFFFD800  }
0x1d: {  	[tilespmem:s18], [sflag:$0x3] =	stream.linear.gather [hbm4b:s5+s3], $0x2800, $0x38;
	[tilespmem:$0x1C000] =	vst v63  }
0x1e: {  	_ =	swait.ge [sflag:s15], $0x2800  }
0x1f: {  	[sflag:s15] =	ssyncset.done $0x0  }
0x20: {  	[sflag:s15] =	ssyncadd.s32 $0xFFFFD800  }
0x21: {  	[tilespmem:s19], [sflag:$0x3] =	stream.linear.gather [hbm4b:s8+s3], $0x2800, $0x38;
	[tilespmem:$0x1C000] =	vst v63  }
0x22: {  	_ =	swait.ge [sflag:s15], $0x2800  }
0x23: {  	[sflag:s15] =	ssyncset.done $0x0  }
0x24: {  	[sflag:s15] =	ssyncadd.s32 $0xFFFFD800  }
0x25: {  	[tilespmem:s20], [sflag:$0x3] =	stream.linear.gather [hbm4b:s5+s3], $0x2800, $0x38;
	[tilespmem:$0x1C000] =	vst v63  }
0x26: {  	_ =	swait.ge [sflag:s15], $0x2800  }
0x27: {  	[sflag:s15] =	ssyncset.done $0x0  }
0x28: {  	[sflag:s15] =	ssyncadd.s32 $0xFFFFD800  }
0x29: {  	[tilespmem:s21], [sflag:$0x3] =	stream.linear.gather [hbm4b:s9+s3], $0x2800, $0x38;
	[tilespmem:$0x1C000] =	vst v63  }
0x2a: {  	_ =	swait.ge [sflag:s15], $0x2800  }
0x2b: {  	[sflag:s15] =	ssyncset.done $0x0  }
0x2c: {  	[sflag:s15] =	ssyncadd.s32 $0xFFFFD800  }
0x2d: {  	[tilespmem:s22], [sflag:$0x3] =	stream.linear.gather [hbm4b:s5+s3], $0x2800, $0x38;
	[tilespmem:$0x1C000] =	vst v63  }
0x2e: {  	_ =	swait.ge [sflag:s15], $0x2800  }
0x2f: {  	[sflag:s15] =	ssyncset.done $0x0  }
0x30: {  	s0 =	simm.s32 $0x14000;
	[sflag:s15] =	ssyncadd.s32 $0xFFFFD800  }
0x31: {  	[tilespmem:s0], [sflag:$0x1] =	stream.linear.gather [hbm4b:s4+s3], $0x2000, $0x38;
	[tilespmem:$0x1C000] =	vst v63  }
0x32: {  	s24 =	simm.s32 $0x18000;
	s31 =	simm.s32 $0x0  }
0x33: {  	[tilespmem:s24], [sflag:$0x1] =	stream.linear.gather [hbm4b:s2+s3], $0x2000, $0x38;
	[tilespmem:$0x1C000] =	vst v63  }
.LBB2_2:
0x34: {  	_ =	swait.ge [sflag:s25], $0x2000  }
0x35: {  	[sflag:s25] =	ssyncset.done $0x0  }
0x36: {  	[sflag:s25] =	ssyncadd.s32 $0xFFFFE000  }
0x37: {  	s0 =	sshll.u32 s31, $0xB;
	_ =	swait.ge [sflag:s25], $0x2000  }
0x38: {  	s1 =	sor.u32 $0x400, s0;
	[sflag:s25] =	ssyncset.done $0x0  }
0x39: {  	s24 =	simm.s32 $0x0;
	s23 =	sadd.s32 s4, s1;
	[sflag:s25] =	ssyncadd.s32 $0xFFFFE000  }
0x3a: {  	[tilespmem:s26], [sflag:$0x2] =	stream.linear.gather [hbm4b:s23+s24], $0x2000, $0x38;
	[tilespmem:$0x1C000] =	vst v63  }
0x3b: {  	s1 =	sadd.s32 s2, s1  }
0x3c: {  	[tilespmem:s28], [sflag:$0x2] =	stream.linear.gather [hbm4b:s1+s24], $0x2000, $0x38;
	[tilespmem:$0x1C000] =	vst v63  }
0x3d: {  	s24 =	simm.s32 $0x0  }
0x3e: {  	v0 =	vld [tilespmem:s24+$0x14000]  }
0x3f: {  	v1 =	vld [tilespmem:s24+$0x14030]  }
0x40: {  	v2 =	vld [tilespmem:s24+$0x18030]  }
0x41: {  	v3 =	vld [tilespmem:s24+$0x18020]  }
0x42: {  	v4 =	vld [tilespmem:s24+$0x14010]  }
0x43: {  	v5 =	vld [tilespmem:s24+$0x18010]  }
0x44: {  	v6 =	vld [tilespmem:s24+$0x18000]  }
0x45: {  	v7 =	vld [tilespmem:s24+$0x14020]  }
0x46: {  	v8 =	vld.idx.msk [tilespmem:v0+s21+$0x0], $0xffff  }
0x47: {  	v9 =	vld.idx.msk [tilespmem:v0+s17+$0x0], $0xffff  }
0x48: {  	v10 =	vld.idx.msk [tilespmem:v0+s19+$0x0], $0xffff  }
0x49: {  	v0 =	vld.idx.msk [tilespmem:v0+s3+$0x0], $0xffff  }
0x4a: {  	v11 =	vld.idx.msk [tilespmem:v4+s21+$0x0], $0xffff  }
0x4b: {  	v12 =	vld.idx.msk [tilespmem:v4+s19+$0x0], $0xffff  }
0x4c: {  	v13 =	vld.idx.msk [tilespmem:v1+s19+$0x0], $0xffff  }
0x4d: {  	v14 =	vld.idx.msk [tilespmem:v4+s3+$0x0], $0xffff  }
0x4e: {  	v4 =	vld.idx.msk [tilespmem:v4+s17+$0x0], $0xffff  }
0x4f: {  	v15 =	vld.idx.msk [tilespmem:v1+s21+$0x0], $0xffff  }
0x50: {  	v16 =	vld.idx.msk [tilespmem:v7+s21+$0x0], $0xffff  }
0x51: {  	v17 =	vld.idx.msk [tilespmem:v7+s19+$0x0], $0xffff  }
0x52: {  	v18 =	vld.idx.msk [tilespmem:v7+s3+$0x0], $0xffff  }
0x53: {  	v19 =	vld.idx.msk [tilespmem:v1+s3+$0x0], $0xffff  }
0x54: {  	v1 =	vld.idx.msk [tilespmem:v1+s17+$0x0], $0xffff  }
0x55: {  	v7 =	vld.idx.msk [tilespmem:v7+s17+$0x0], $0xffff  }
0x56: {  	[tilespmem:v6+s16+$0x0] =	vst.idx.add.f32.msk $0xffff, v0  }
0x57: {  	[tilespmem:v6+s18+$0x0] =	vst.idx.add.f32.msk $0xffff, v9  }
0x58: {  	[tilespmem:v6+s20+$0x0] =	vst.idx.add.f32.msk $0xffff, v10  }
0x59: {  	[tilespmem:v6+s22+$0x0] =	vst.idx.add.f32.msk $0xffff, v8  }
0x5a: {  	[tilespmem:v5+s16+$0x0] =	vst.idx.add.f32.msk $0xffff, v14  }
0x5b: {  	[tilespmem:v5+s18+$0x0] =	vst.idx.add.f32.msk $0xffff, v4  }
0x5c: {  	[tilespmem:v5+s20+$0x0] =	vst.idx.add.f32.msk $0xffff, v12  }
0x5d: {  	[tilespmem:v5+s22+$0x0] =	vst.idx.add.f32.msk $0xffff, v11  }
0x5e: {  	[tilespmem:v3+s16+$0x0] =	vst.idx.add.f32.msk $0xffff, v18  }
0x5f: {  	[tilespmem:v3+s18+$0x0] =	vst.idx.add.f32.msk $0xffff, v7  }
0x60: {  	[tilespmem:v3+s20+$0x0] =	vst.idx.add.f32.msk $0xffff, v17  }
0x61: {  	[tilespmem:v3+s22+$0x0] =	vst.idx.add.f32.msk $0xffff, v16  }
0x62: {  	[tilespmem:v2+s16+$0x0] =	vst.idx.add.f32.msk $0xffff, v19  }
0x63: {  	[tilespmem:v2+s18+$0x0] =	vst.idx.add.f32.msk $0xffff, v1  }
0x64: {  	[tilespmem:v2+s20+$0x0] =	vst.idx.add.f32.msk $0xffff, v13  }
0x65: {  	[tilespmem:v2+s22+$0x0] =	vst.idx.add.f32.msk $0xffff, v15  }
0x66: {  	v7 =	vld [tilespmem:s24+$0x14040]  }
0x67: {  	v5 =	vld [tilespmem:s24+$0x14050]  }
0x68: {  	v6 =	vld [tilespmem:s24+$0x14060]  }
0x69: {  	v13 =	vld [tilespmem:s24+$0x14070]  }
0x6a: {  	v0 =	vld [tilespmem:s24+$0x18070]  }
0x6b: {  	v1 =	vld [tilespmem:s24+$0x18060]  }
0x6c: {  	v2 =	vld [tilespmem:s24+$0x18050]  }
0x6d: {  	v8 =	vld [tilespmem:s24+$0x18040]  }
0x6e: {  	v11 =	vld.idx.msk [tilespmem:v7+s3+$0x0], $0xffff  }
0x6f: {  	v12 =	vld.idx.msk [tilespmem:v7+s17+$0x0], $0xffff  }
0x70: {  	v4 =	vld.idx.msk [tilespmem:v6+s3+$0x0], $0xffff  }
0x71: {  	v9 =	vld.idx.msk [tilespmem:v5+s21+$0x0], $0xffff  }
0x72: {  	v10 =	vld.idx.msk [tilespmem:v5+s19+$0x0], $0xffff  }
0x73: {  	s1 =	simm.s32 $0x200;
	v3 =	vld.idx.msk [tilespmem:v13+s19+$0x0], $0xffff  }
.LBB2_3:
0x74: {  	s23 =	sshra.s32 s1, $0x2;
	p0 =	sne.s32 s1, $0x7E00;
	s1 =	sadd.s32 $0x200, s1;
	v14 =	vld.idx.msk [tilespmem:v13+s17+$0x0], $0xffff  }
0x75: {  	v15 =	vld.idx.msk [tilespmem:v13+s3+$0x0], $0xffff  }
0x76: {  	v16 =	vld.idx.msk [tilespmem:v5+s17+$0x0], $0xffff  }
0x77: {  	v17 =	vld.idx.msk [tilespmem:v6+s17+$0x0], $0xffff  }
0x78: {  	v13 =	vld.idx.msk [tilespmem:v13+s21+$0x0], $0xffff  }
0x79: {  	v18 =	vld.idx.msk [tilespmem:v6+s19+$0x0], $0xffff  }
0x7a: {  	v19 =	vld.idx.msk [tilespmem:v7+s19+$0x0], $0xffff  }
0x7b: {  	v7 =	vld.idx.msk [tilespmem:v7+s21+$0x0], $0xffff  }
0x7c: {  	v5 =	vld.idx.msk [tilespmem:v5+s3+$0x0], $0xffff  }
0x7d: {  	v6 =	vld.idx.msk [tilespmem:v6+s21+$0x0], $0xffff  }
0x7e: {  	[tilespmem:v8+s16+$0x0] =	vst.idx.add.f32.msk $0xffff, v11  }
0x7f: {  	[tilespmem:v8+s18+$0x0] =	vst.idx.add.f32.msk $0xffff, v12  }
0x80: {  	[tilespmem:v8+s20+$0x0] =	vst.idx.add.f32.msk $0xffff, v19  }
0x81: {  	[tilespmem:v8+s22+$0x0] =	vst.idx.add.f32.msk $0xffff, v7  }
0x82: {  	[tilespmem:v2+s16+$0x0] =	vst.idx.add.f32.msk $0xffff, v5  }
0x83: {  	[tilespmem:v2+s18+$0x0] =	vst.idx.add.f32.msk $0xffff, v16  }
0x84: {  	[tilespmem:v2+s20+$0x0] =	vst.idx.add.f32.msk $0xffff, v10  }
0x85: {  	[tilespmem:v2+s22+$0x0] =	vst.idx.add.f32.msk $0xffff, v9  }
0x86: {  	[tilespmem:v1+s16+$0x0] =	vst.idx.add.f32.msk $0xffff, v4  }
0x87: {  	[tilespmem:v1+s18+$0x0] =	vst.idx.add.f32.msk $0xffff, v17  }
0x88: {  	[tilespmem:v1+s20+$0x0] =	vst.idx.add.f32.msk $0xffff, v18  }
0x89: {  	[tilespmem:v1+s22+$0x0] =	vst.idx.add.f32.msk $0xffff, v6  }
0x8a: {  	[tilespmem:v0+s16+$0x0] =	vst.idx.add.f32.msk $0xffff, v15  }
0x8b: {  	[tilespmem:v0+s18+$0x0] =	vst.idx.add.f32.msk $0xffff, v14  }
0x8c: {  	[tilespmem:v0+s20+$0x0] =	vst.idx.add.f32.msk $0xffff, v3  }
0x8d: {  	[tilespmem:v0+s22+$0x0] =	vst.idx.add.f32.msk $0xffff, v13  }
0x8e: {  	v0 =	vld [tilespmem:s23+$0x14000]  }
0x8f: {  	v1 =	vld [tilespmem:s23+$0x14030]  }
0x90: {  	v2 =	vld [tilespmem:s23+$0x18030]  }
0x91: {  	v3 =	vld [tilespmem:s23+$0x18020]  }
0x92: {  	v4 =	vld [tilespmem:s23+$0x14010]  }
0x93: {  	v5 =	vld [tilespmem:s23+$0x18010]  }
0x94: {  	v6 =	vld [tilespmem:s23+$0x18000]  }
0x95: {  	v7 =	vld [tilespmem:s23+$0x14020]  }
0x96: {  	v8 =	vld.idx.msk [tilespmem:v0+s21+$0x0], $0xffff  }
0x97: {  	v9 =	vld.idx.msk [tilespmem:v0+s17+$0x0], $0xffff  }
0x98: {  	v10 =	vld.idx.msk [tilespmem:v0+s19+$0x0], $0xffff  }
0x99: {  	v0 =	vld.idx.msk [tilespmem:v0+s3+$0x0], $0xffff  }
0x9a: {  	v11 =	vld.idx.msk [tilespmem:v4+s21+$0x0], $0xffff  }
0x9b: {  	v12 =	vld.idx.msk [tilespmem:v4+s19+$0x0], $0xffff  }
0x9c: {  	v13 =	vld.idx.msk [tilespmem:v1+s19+$0x0], $0xffff  }
0x9d: {  	v14 =	vld.idx.msk [tilespmem:v4+s3+$0x0], $0xffff  }
0x9e: {  	v4 =	vld.idx.msk [tilespmem:v4+s17+$0x0], $0xffff  }
0x9f: {  	v15 =	vld.idx.msk [tilespmem:v1+s21+$0x0], $0xffff  }
0xa0: {  	v16 =	vld.idx.msk [tilespmem:v7+s21+$0x0], $0xffff  }
0xa1: {  	v17 =	vld.idx.msk [tilespmem:v7+s19+$0x0], $0xffff  }
0xa2: {  	v18 =	vld.idx.msk [tilespmem:v7+s3+$0x0], $0xffff  }
0xa3: {  	v19 =	vld.idx.msk [tilespmem:v1+s3+$0x0], $0xffff  }
0xa4: {  	v1 =	vld.idx.msk [tilespmem:v1+s17+$0x0], $0xffff  }
0xa5: {  	v7 =	vld.idx.msk [tilespmem:v7+s17+$0x0], $0xffff  }
0xa6: {  	[tilespmem:v6+s16+$0x0] =	vst.idx.add.f32.msk $0xffff, v0  }
0xa7: {  	[tilespmem:v6+s18+$0x0] =	vst.idx.add.f32.msk $0xffff, v9  }
0xa8: {  	[tilespmem:v6+s20+$0x0] =	vst.idx.add.f32.msk $0xffff, v10  }
0xa9: {  	[tilespmem:v6+s22+$0x0] =	vst.idx.add.f32.msk $0xffff, v8  }
0xaa: {  	[tilespmem:v5+s16+$0x0] =	vst.idx.add.f32.msk $0xffff, v14  }
0xab: {  	[tilespmem:v5+s18+$0x0] =	vst.idx.add.f32.msk $0xffff, v4  }
0xac: {  	[tilespmem:v5+s20+$0x0] =	vst.idx.add.f32.msk $0xffff, v12  }
0xad: {  	[tilespmem:v5+s22+$0x0] =	vst.idx.add.f32.msk $0xffff, v11  }
0xae: {  	[tilespmem:v3+s16+$0x0] =	vst.idx.add.f32.msk $0xffff, v18  }
0xaf: {  	[tilespmem:v3+s18+$0x0] =	vst.idx.add.f32.msk $0xffff, v7  }
0xb0: {  	[tilespmem:v3+s20+$0x0] =	vst.idx.add.f32.msk $0xffff, v17  }
0xb1: {  	[tilespmem:v3+s22+$0x0] =	vst.idx.add.f32.msk $0xffff, v16  }
0xb2: {  	[tilespmem:v2+s16+$0x0] =	vst.idx.add.f32.msk $0xffff, v19  }
0xb3: {  	[tilespmem:v2+s18+$0x0] =	vst.idx.add.f32.msk $0xffff, v1  }
0xb4: {  	[tilespmem:v2+s20+$0x0] =	vst.idx.add.f32.msk $0xffff, v13  }
0xb5: {  	[tilespmem:v2+s22+$0x0] =	vst.idx.add.f32.msk $0xffff, v15  }
0xb6: {  	v7 =	vld [tilespmem:s23+$0x14040]  }
0xb7: {  	v5 =	vld [tilespmem:s23+$0x14050]  }
0xb8: {  	v6 =	vld [tilespmem:s23+$0x14060]  }
0xb9: {  	v13 =	vld [tilespmem:s23+$0x14070]  }
0xba: {  	v0 =	vld [tilespmem:s23+$0x18070]  }
0xbb: {  	v1 =	vld [tilespmem:s23+$0x18060]  }
0xbc: {  	v2 =	vld [tilespmem:s23+$0x18050]  }
0xbd: {  	v8 =	vld [tilespmem:s23+$0x18040]  }
0xbe: {  	v11 =	vld.idx.msk [tilespmem:v7+s3+$0x0], $0xffff  }
.Ltmp0:
0xbf: {  	v12 =	vld.idx.msk [tilespmem:v7+s17+$0x0], $0xffff;
	(pc) =	sbr.rel @p0 .LBB2_3-.Ltmp0, $4  }
0xc0: {  	v4 =	vld.idx.msk [tilespmem:v6+s3+$0x0], $0xffff  }
0xc1: {  	v9 =	vld.idx.msk [tilespmem:v5+s21+$0x0], $0xffff  }
0xc2: {  	v10 =	vld.idx.msk [tilespmem:v5+s19+$0x0], $0xffff  }
0xc3: {  	v3 =	vld.idx.msk [tilespmem:v13+s19+$0x0], $0xffff  }
0xc4: {  	_ =	sdelay $0x3  }
0xc5: {  	v14 =	vld.idx.msk [tilespmem:v13+s17+$0x0], $0xffff  }
0xc6: {  	v15 =	vld.idx.msk [tilespmem:v13+s3+$0x0], $0xffff  }
0xc7: {  	v16 =	vld.idx.msk [tilespmem:v5+s17+$0x0], $0xffff  }
0xc8: {  	v17 =	vld.idx.msk [tilespmem:v6+s17+$0x0], $0xffff  }
0xc9: {  	v13 =	vld.idx.msk [tilespmem:v13+s21+$0x0], $0xffff  }
0xca: {  	v18 =	vld.idx.msk [tilespmem:v6+s19+$0x0], $0xffff  }
0xcb: {  	v19 =	vld.idx.msk [tilespmem:v7+s19+$0x0], $0xffff  }
0xcc: {  	v7 =	vld.idx.msk [tilespmem:v7+s21+$0x0], $0xffff  }
0xcd: {  	v5 =	vld.idx.msk [tilespmem:v5+s3+$0x0], $0xffff  }
0xce: {  	v6 =	vld.idx.msk [tilespmem:v6+s21+$0x0], $0xffff  }
0xcf: {  	[tilespmem:v8+s16+$0x0] =	vst.idx.add.f32.msk $0xffff, v11  }
0xd0: {  	[tilespmem:v8+s18+$0x0] =	vst.idx.add.f32.msk $0xffff, v12  }
0xd1: {  	[tilespmem:v8+s20+$0x0] =	vst.idx.add.f32.msk $0xffff, v19  }
0xd2: {  	[tilespmem:v8+s22+$0x0] =	vst.idx.add.f32.msk $0xffff, v7  }
0xd3: {  	[tilespmem:v2+s16+$0x0] =	vst.idx.add.f32.msk $0xffff, v5  }
0xd4: {  	[tilespmem:v2+s18+$0x0] =	vst.idx.add.f32.msk $0xffff, v16  }
0xd5: {  	[tilespmem:v2+s20+$0x0] =	vst.idx.add.f32.msk $0xffff, v10  }
0xd6: {  	[tilespmem:v2+s22+$0x0] =	vst.idx.add.f32.msk $0xffff, v9  }
0xd7: {  	[tilespmem:v1+s16+$0x0] =	vst.idx.add.f32.msk $0xffff, v4  }
0xd8: {  	[tilespmem:v1+s18+$0x0] =	vst.idx.add.f32.msk $0xffff, v17  }
0xd9: {  	[tilespmem:v1+s20+$0x0] =	vst.idx.add.f32.msk $0xffff, v18  }
0xda: {  	[tilespmem:v1+s22+$0x0] =	vst.idx.add.f32.msk $0xffff, v6  }
0xdb: {  	[tilespmem:v0+s16+$0x0] =	vst.idx.add.f32.msk $0xffff, v15  }
0xdc: {  	[tilespmem:v0+s18+$0x0] =	vst.idx.add.f32.msk $0xffff, v14  }
0xdd: {  	[tilespmem:v0+s20+$0x0] =	vst.idx.add.f32.msk $0xffff, v3  }
0xde: {  	[tilespmem:v0+s22+$0x0] =	vst.idx.add.f32.msk $0xffff, v13  }
0xdf: {  	_ =	swait.ge [sflag:s29], $0x2000  }
0xe0: {  	[sflag:s29] =	ssyncset.done $0x0  }
0xe1: {  	[sflag:s29] =	ssyncadd.s32 $0xFFFFE000  }
0xe2: {  	p0 =	seq.s32 s31, $0x13;
	_ =	swait.ge [sflag:s29], $0x2000  }
0xe3: {  	s0 =	sadd.s32 @!p0 $0x800, s0;
	s23 =	simm.s32 @!p0 $0x0;
	[sflag:s29] =	ssyncset.done $0x0  }
0xe4: {  	s24 =	simm.s32 @!p0 $0x14000;
	s1 =	sadd.s32 @!p0 s4, s0;
	[sflag:s29] =	ssyncadd.s32 $0xFFFFE000  }
0xe5: {  	[tilespmem:s24], [sflag:$0x1] =	stream.linear.gather @!p0 [hbm4b:s1+s23], $0x2000, $0x38;
	[tilespmem:$0x1C000] =	vst v63  }
0xe6: {  	s0 =	sadd.s32 @!p0 s2, s0;
	s1 =	simm.s32 @!p0 $0x18000;
	s24 =	simm.s32 $0x0  }
0xe7: {  	[tilespmem:s1], [sflag:$0x1] =	stream.linear.gather @!p0 [hbm4b:s0+s23], $0x2000, $0x38;
	[tilespmem:$0x1C000] =	vst v63  }
0xe8: {  	v0 =	vld [tilespmem:s24+$0x16000]  }
0xe9: {  	v1 =	vld [tilespmem:s24+$0x16030]  }
0xea: {  	v2 =	vld [tilespmem:s24+$0x1A030]  }
0xeb: {  	v3 =	vld [tilespmem:s24+$0x1A020]  }
0xec: {  	v4 =	vld [tilespmem:s24+$0x16010]  }
0xed: {  	v5 =	vld [tilespmem:s24+$0x1A010]  }
0xee: {  	v6 =	vld [tilespmem:s24+$0x1A000]  }
0xef: {  	v7 =	vld [tilespmem:s24+$0x16020]  }
0xf0: {  	v8 =	vld.idx.msk [tilespmem:v0+s21+$0x0], $0xffff  }
0xf1: {  	v9 =	vld.idx.msk [tilespmem:v0+s17+$0x0], $0xffff  }
0xf2: {  	v10 =	vld.idx.msk [tilespmem:v0+s19+$0x0], $0xffff  }
0xf3: {  	v0 =	vld.idx.msk [tilespmem:v0+s3+$0x0], $0xffff  }
0xf4: {  	v11 =	vld.idx.msk [tilespmem:v4+s21+$0x0], $0xffff  }
0xf5: {  	v12 =	vld.idx.msk [tilespmem:v4+s19+$0x0], $0xffff  }
0xf6: {  	v13 =	vld.idx.msk [tilespmem:v1+s19+$0x0], $0xffff  }
0xf7: {  	v14 =	vld.idx.msk [tilespmem:v4+s3+$0x0], $0xffff  }
0xf8: {  	v4 =	vld.idx.msk [tilespmem:v4+s17+$0x0], $0xffff  }
0xf9: {  	v15 =	vld.idx.msk [tilespmem:v1+s21+$0x0], $0xffff  }
0xfa: {  	v60 =	vld.idx.msk [tilespmem:v7+s21+$0x0], $0xffff  }
0xfb: {  	v61 =	vld.idx.msk [tilespmem:v7+s19+$0x0], $0xffff  }
0xfc: {  	v62 =	vld.idx.msk [tilespmem:v7+s3+$0x0], $0xffff  }
0xfd: {  	v63 =	vld.idx.msk [tilespmem:v1+s3+$0x0], $0xffff  }
0xfe: {  	v1 =	vld.idx.msk [tilespmem:v1+s17+$0x0], $0xffff  }
0xff: {  	v7 =	vld.idx.msk [tilespmem:v7+s17+$0x0], $0xffff  }
0x100: {  	[tilespmem:v6+s16+$0x0] =	vst.idx.add.f32.msk $0xffff, v0  }
0x101: {  	[tilespmem:v6+s18+$0x0] =	vst.idx.add.f32.msk $0xffff, v9  }
0x102: {  	[tilespmem:v6+s20+$0x0] =	vst.idx.add.f32.msk $0xffff, v10  }
0x103: {  	[tilespmem:v6+s22+$0x0] =	vst.idx.add.f32.msk $0xffff, v8  }
0x104: {  	[tilespmem:v5+s16+$0x0] =	vst.idx.add.f32.msk $0xffff, v14  }
0x105: {  	[tilespmem:v5+s18+$0x0] =	vst.idx.add.f32.msk $0xffff, v4  }
0x106: {  	[tilespmem:v5+s20+$0x0] =	vst.idx.add.f32.msk $0xffff, v12  }
0x107: {  	[tilespmem:v5+s22+$0x0] =	vst.idx.add.f32.msk $0xffff, v11  }
0x108: {  	[tilespmem:v3+s16+$0x0] =	vst.idx.add.f32.msk $0xffff, v62  }
0x109: {  	[tilespmem:v3+s18+$0x0] =	vst.idx.add.f32.msk $0xffff, v7  }
0x10a: {  	[tilespmem:v3+s20+$0x0] =	vst.idx.add.f32.msk $0xffff, v61  }
0x10b: {  	[tilespmem:v3+s22+$0x0] =	vst.idx.add.f32.msk $0xffff, v60  }
0x10c: {  	[tilespmem:v2+s16+$0x0] =	vst.idx.add.f32.msk $0xffff, v63  }
0x10d: {  	[tilespmem:v2+s18+$0x0] =	vst.idx.add.f32.msk $0xffff, v1  }
0x10e: {  	[tilespmem:v2+s20+$0x0] =	vst.idx.add.f32.msk $0xffff, v13  }
0x10f: {  	[tilespmem:v2+s22+$0x0] =	vst.idx.add.f32.msk $0xffff, v15  }
0x110: {  	v7 =	vld [tilespmem:s24+$0x16040]  }
0x111: {  	v5 =	vld [tilespmem:s24+$0x16050]  }
0x112: {  	v6 =	vld [tilespmem:s24+$0x16060]  }
0x113: {  	v13 =	vld [tilespmem:s24+$0x16070]  }
0x114: {  	v0 =	vld [tilespmem:s24+$0x1A070]  }
0x115: {  	v1 =	vld [tilespmem:s24+$0x1A060]  }
0x116: {  	v2 =	vld [tilespmem:s24+$0x1A050]  }
0x117: {  	v8 =	vld [tilespmem:s24+$0x1A040]  }
0x118: {  	v11 =	vld.idx.msk [tilespmem:v7+s3+$0x0], $0xffff  }
0x119: {  	v12 =	vld.idx.msk [tilespmem:v7+s17+$0x0], $0xffff  }
0x11a: {  	v4 =	vld.idx.msk [tilespmem:v6+s3+$0x0], $0xffff  }
0x11b: {  	v9 =	vld.idx.msk [tilespmem:v5+s21+$0x0], $0xffff  }
0x11c: {  	v10 =	vld.idx.msk [tilespmem:v5+s19+$0x0], $0xffff  }
0x11d: {  	s0 =	simm.s32 $0x200;
	v3 =	vld.idx.msk [tilespmem:v13+s19+$0x0], $0xffff  }
.LBB2_5:
0x11e: {  	s1 =	sshra.s32 s0, $0x2;
	p0 =	sne.s32 s0, $0x7E00;
	s0 =	sadd.s32 $0x200, s0;
	v14 =	vld.idx.msk [tilespmem:v13+s17+$0x0], $0xffff  }
0x11f: {  	v15 =	vld.idx.msk [tilespmem:v13+s3+$0x0], $0xffff  }
0x120: {  	v16 =	vld.idx.msk [tilespmem:v5+s17+$0x0], $0xffff  }
0x121: {  	v17 =	vld.idx.msk [tilespmem:v6+s17+$0x0], $0xffff  }
0x122: {  	v13 =	vld.idx.msk [tilespmem:v13+s21+$0x0], $0xffff  }
0x123: {  	v18 =	vld.idx.msk [tilespmem:v6+s19+$0x0], $0xffff  }
0x124: {  	v19 =	vld.idx.msk [tilespmem:v7+s19+$0x0], $0xffff  }
0x125: {  	v7 =	vld.idx.msk [tilespmem:v7+s21+$0x0], $0xffff  }
0x126: {  	v5 =	vld.idx.msk [tilespmem:v5+s3+$0x0], $0xffff  }
0x127: {  	v6 =	vld.idx.msk [tilespmem:v6+s21+$0x0], $0xffff  }
0x128: {  	[tilespmem:v8+s16+$0x0] =	vst.idx.add.f32.msk $0xffff, v11  }
0x129: {  	[tilespmem:v8+s18+$0x0] =	vst.idx.add.f32.msk $0xffff, v12  }
0x12a: {  	[tilespmem:v8+s20+$0x0] =	vst.idx.add.f32.msk $0xffff, v19  }
0x12b: {  	[tilespmem:v8+s22+$0x0] =	vst.idx.add.f32.msk $0xffff, v7  }
0x12c: {  	[tilespmem:v2+s16+$0x0] =	vst.idx.add.f32.msk $0xffff, v5  }
0x12d: {  	[tilespmem:v2+s18+$0x0] =	vst.idx.add.f32.msk $0xffff, v16  }
0x12e: {  	[tilespmem:v2+s20+$0x0] =	vst.idx.add.f32.msk $0xffff, v10  }
0x12f: {  	[tilespmem:v2+s22+$0x0] =	vst.idx.add.f32.msk $0xffff, v9  }
0x130: {  	[tilespmem:v1+s16+$0x0] =	vst.idx.add.f32.msk $0xffff, v4  }
0x131: {  	[tilespmem:v1+s18+$0x0] =	vst.idx.add.f32.msk $0xffff, v17  }
0x132: {  	[tilespmem:v1+s20+$0x0] =	vst.idx.add.f32.msk $0xffff, v18  }
0x133: {  	[tilespmem:v1+s22+$0x0] =	vst.idx.add.f32.msk $0xffff, v6  }
0x134: {  	[tilespmem:v0+s16+$0x0] =	vst.idx.add.f32.msk $0xffff, v15  }
0x135: {  	[tilespmem:v0+s18+$0x0] =	vst.idx.add.f32.msk $0xffff, v14  }
0x136: {  	[tilespmem:v0+s20+$0x0] =	vst.idx.add.f32.msk $0xffff, v3  }
0x137: {  	[tilespmem:v0+s22+$0x0] =	vst.idx.add.f32.msk $0xffff, v13  }
0x138: {  	v0 =	vld [tilespmem:s1+$0x16000]  }
0x139: {  	v1 =	vld [tilespmem:s1+$0x16030]  }
0x13a: {  	v2 =	vld [tilespmem:s1+$0x1A030]  }
0x13b: {  	v3 =	vld [tilespmem:s1+$0x1A020]  }
0x13c: {  	v4 =	vld [tilespmem:s1+$0x16010]  }
0x13d: {  	v5 =	vld [tilespmem:s1+$0x1A010]  }
0x13e: {  	v6 =	vld [tilespmem:s1+$0x1A000]  }
0x13f: {  	v7 =	vld [tilespmem:s1+$0x16020]  }
0x140: {  	v8 =	vld.idx.msk [tilespmem:v0+s21+$0x0], $0xffff  }
0x141: {  	v9 =	vld.idx.msk [tilespmem:v0+s17+$0x0], $0xffff  }
0x142: {  	v10 =	vld.idx.msk [tilespmem:v0+s19+$0x0], $0xffff  }
0x143: {  	v0 =	vld.idx.msk [tilespmem:v0+s3+$0x0], $0xffff  }
0x144: {  	v11 =	vld.idx.msk [tilespmem:v4+s21+$0x0], $0xffff  }
0x145: {  	v12 =	vld.idx.msk [tilespmem:v4+s19+$0x0], $0xffff  }
0x146: {  	v13 =	vld.idx.msk [tilespmem:v1+s19+$0x0], $0xffff  }
0x147: {  	v14 =	vld.idx.msk [tilespmem:v4+s3+$0x0], $0xffff  }
0x148: {  	v4 =	vld.idx.msk [tilespmem:v4+s17+$0x0], $0xffff  }
0x149: {  	v15 =	vld.idx.msk [tilespmem:v1+s21+$0x0], $0xffff  }
0x14a: {  	v16 =	vld.idx.msk [tilespmem:v7+s21+$0x0], $0xffff  }
0x14b: {  	v17 =	vld.idx.msk [tilespmem:v7+s19+$0x0], $0xffff  }
0x14c: {  	v18 =	vld.idx.msk [tilespmem:v7+s3+$0x0], $0xffff  }
0x14d: {  	v19 =	vld.idx.msk [tilespmem:v1+s3+$0x0], $0xffff  }
0x14e: {  	v1 =	vld.idx.msk [tilespmem:v1+s17+$0x0], $0xffff  }
0x14f: {  	v7 =	vld.idx.msk [tilespmem:v7+s17+$0x0], $0xffff  }
0x150: {  	[tilespmem:v6+s16+$0x0] =	vst.idx.add.f32.msk $0xffff, v0  }
0x151: {  	[tilespmem:v6+s18+$0x0] =	vst.idx.add.f32.msk $0xffff, v9  }
0x152: {  	[tilespmem:v6+s20+$0x0] =	vst.idx.add.f32.msk $0xffff, v10  }
0x153: {  	[tilespmem:v6+s22+$0x0] =	vst.idx.add.f32.msk $0xffff, v8  }
0x154: {  	[tilespmem:v5+s16+$0x0] =	vst.idx.add.f32.msk $0xffff, v14  }
0x155: {  	[tilespmem:v5+s18+$0x0] =	vst.idx.add.f32.msk $0xffff, v4  }
0x156: {  	[tilespmem:v5+s20+$0x0] =	vst.idx.add.f32.msk $0xffff, v12  }
0x157: {  	[tilespmem:v5+s22+$0x0] =	vst.idx.add.f32.msk $0xffff, v11  }
0x158: {  	[tilespmem:v3+s16+$0x0] =	vst.idx.add.f32.msk $0xffff, v18  }
0x159: {  	[tilespmem:v3+s18+$0x0] =	vst.idx.add.f32.msk $0xffff, v7  }
0x15a: {  	[tilespmem:v3+s20+$0x0] =	vst.idx.add.f32.msk $0xffff, v17  }
0x15b: {  	[tilespmem:v3+s22+$0x0] =	vst.idx.add.f32.msk $0xffff, v16  }
0x15c: {  	[tilespmem:v2+s16+$0x0] =	vst.idx.add.f32.msk $0xffff, v19  }
0x15d: {  	[tilespmem:v2+s18+$0x0] =	vst.idx.add.f32.msk $0xffff, v1  }
0x15e: {  	[tilespmem:v2+s20+$0x0] =	vst.idx.add.f32.msk $0xffff, v13  }
0x15f: {  	[tilespmem:v2+s22+$0x0] =	vst.idx.add.f32.msk $0xffff, v15  }
0x160: {  	v7 =	vld [tilespmem:s1+$0x16040]  }
0x161: {  	v5 =	vld [tilespmem:s1+$0x16050]  }
0x162: {  	v6 =	vld [tilespmem:s1+$0x16060]  }
0x163: {  	v13 =	vld [tilespmem:s1+$0x16070]  }
0x164: {  	v0 =	vld [tilespmem:s1+$0x1A070]  }
0x165: {  	v1 =	vld [tilespmem:s1+$0x1A060]  }
0x166: {  	v2 =	vld [tilespmem:s1+$0x1A050]  }
0x167: {  	v8 =	vld [tilespmem:s1+$0x1A040]  }
0x168: {  	v11 =	vld.idx.msk [tilespmem:v7+s3+$0x0], $0xffff  }
.Ltmp1:
0x169: {  	v12 =	vld.idx.msk [tilespmem:v7+s17+$0x0], $0xffff;
	(pc) =	sbr.rel @p0 .LBB2_5-.Ltmp1, $4  }
0x16a: {  	v4 =	vld.idx.msk [tilespmem:v6+s3+$0x0], $0xffff  }
0x16b: {  	v9 =	vld.idx.msk [tilespmem:v5+s21+$0x0], $0xffff  }
0x16c: {  	v10 =	vld.idx.msk [tilespmem:v5+s19+$0x0], $0xffff  }
0x16d: {  	v3 =	vld.idx.msk [tilespmem:v13+s19+$0x0], $0xffff  }
0x16e: {  	_ =	sdelay $0x3  }
0x16f: {  	v14 =	vld.idx.msk [tilespmem:v13+s17+$0x0], $0xffff  }
0x170: {  	v15 =	vld.idx.msk [tilespmem:v13+s3+$0x0], $0xffff  }
0x171: {  	v16 =	vld.idx.msk [tilespmem:v5+s17+$0x0], $0xffff  }
0x172: {  	v17 =	vld.idx.msk [tilespmem:v6+s17+$0x0], $0xffff  }
0x173: {  	v60 =	vld.idx.msk [tilespmem:v13+s21+$0x0], $0xffff  }
0x174: {  	v18 =	vld.idx.msk [tilespmem:v6+s19+$0x0], $0xffff  }
0x175: {  	v19 =	vld.idx.msk [tilespmem:v7+s19+$0x0], $0xffff  }
0x176: {  	v61 =	vld.idx.msk [tilespmem:v7+s21+$0x0], $0xffff  }
0x177: {  	v62 =	vld.idx.msk [tilespmem:v5+s3+$0x0], $0xffff  }
0x178: {  	v63 =	vld.idx.msk [tilespmem:v6+s21+$0x0], $0xffff  }
0x179: {  	[tilespmem:v8+s16+$0x0] =	vst.idx.add.f32.msk $0xffff, v11  }
0x17a: {  	[tilespmem:v8+s18+$0x0] =	vst.idx.add.f32.msk $0xffff, v12  }
0x17b: {  	[tilespmem:v8+s20+$0x0] =	vst.idx.add.f32.msk $0xffff, v19  }
0x17c: {  	[tilespmem:v8+s22+$0x0] =	vst.idx.add.f32.msk $0xffff, v61  }
0x17d: {  	[tilespmem:v2+s16+$0x0] =	vst.idx.add.f32.msk $0xffff, v62  }
0x17e: {  	[tilespmem:v2+s18+$0x0] =	vst.idx.add.f32.msk $0xffff, v16  }
0x17f: {  	[tilespmem:v2+s20+$0x0] =	vst.idx.add.f32.msk $0xffff, v10  }
0x180: {  	[tilespmem:v2+s22+$0x0] =	vst.idx.add.f32.msk $0xffff, v9  }
0x181: {  	[tilespmem:v1+s16+$0x0] =	vst.idx.add.f32.msk $0xffff, v4  }
0x182: {  	s31 =	sadd.s32 $0x1, s31;
	[tilespmem:v1+s18+$0x0] =	vst.idx.add.f32.msk $0xffff, v17  }
0x183: {  	p0 =	sne.s32 s31, $0x14;
	[tilespmem:v1+s20+$0x0] =	vst.idx.add.f32.msk $0xffff, v18  }
.Ltmp2:
0x184: {  	[tilespmem:v1+s22+$0x0] =	vst.idx.add.f32.msk $0xffff, v63;
	(pc) =	sbr.rel @p0 .LBB2_2-.Ltmp2, $4  }
0x185: {  	[tilespmem:v0+s16+$0x0] =	vst.idx.add.f32.msk $0xffff, v15  }
0x186: {  	[tilespmem:v0+s18+$0x0] =	vst.idx.add.f32.msk $0xffff, v14  }
0x187: {  	[tilespmem:v0+s20+$0x0] =	vst.idx.add.f32.msk $0xffff, v3  }
0x188: {  	[tilespmem:v0+s22+$0x0] =	vst.idx.add.f32.msk $0xffff, v60  }
0x189: {  	[hbm4b:s10+s3] =	stream.linear.scatter [tilespmem:s16], [sflag:$0x3], $0x2800, $0x38;
	[tilespmem:$0x1C000] =	vst v63  }
0x18a: {  	_ =	swait.ge [sflag:s15], $0x2800  }
0x18b: {  	[sflag:s15] =	ssyncset.done $0x0  }
0x18c: {  	[sflag:s15] =	ssyncadd.s32 $0xFFFFD800  }
0x18d: {  	[hbm4b:s11+s3] =	stream.linear.scatter [tilespmem:s18], [sflag:$0x3], $0x2800, $0x38;
	[tilespmem:$0x1C000] =	vst v63  }
0x18e: {  	_ =	swait.ge [sflag:s15], $0x2800  }
0x18f: {  	[sflag:s15] =	ssyncset.done $0x0  }
0x190: {  	[sflag:s15] =	ssyncadd.s32 $0xFFFFD800  }
0x191: {  	[hbm4b:s12+s3] =	stream.linear.scatter [tilespmem:s20], [sflag:$0x3], $0x2800, $0x38;
	[tilespmem:$0x1C000] =	vst v63  }
0x192: {  	s30 =	sadd.s32 $0x1, s30;
	_ =	swait.ge [sflag:s15], $0x2800  }
0x193: {  	p0 =	sne.s32 s30, s14;
	[sflag:s15] =	ssyncset.done $0x0  }
.Ltmp3:
0x194: {  	[sflag:s15] =	ssyncadd.s32 $0xFFFFD800;
	(pc) =	sbr.rel @p0 .LBB2_1-.Ltmp3, $4  }
0x195: {  	[hbm4b:s13+s3] =	stream.linear.scatter [tilespmem:s22], [sflag:$0x3], $0x2800, $0x38;
	[tilespmem:$0x1C000] =	vst v63  }
0x196: {  	_ =	swait.ge [sflag:s15], $0x2800  }
0x197: {  	[sflag:s15] =	ssyncset.done $0x0  }
0x198: {  	[sflag:s15] =	ssyncadd.s32 $0xFFFFD800  }
0x199: {  	_ =	sfence.sel $0x180000  }
0x19a: {  	[bflag:$0x0] =	sbarrier.arrive $0xFFFF  }
0x19b: {  	_ =	strace $0x90000050  }
0x19c: {  	s0 =	stileid.u32;
	[bflag:$0x2] =	sbarrier.arrive $0xFFFF  }
0x19d: {  	p0 =	sne.s32 s0, $0x0;
	s0 =	rddreg [dreg:$0x2]  }
0x19e: {  	s0 =	sadd.s32 @!p0 $0x100000, s0  }
0x19f: {  	[sflag:s0] =	ssyncadd.tile.s32 @!p0 $0x1;
	_ =	shalt  }
.Lfunc_end2:
_tile_overlayer_lowered:
.L_overlay_start_2:
0x1a0: {  	(tag) =	ssettag $0x2  }
0x1a1: {  	s0 =	rddreg [dreg:$0x0];
	s2 =	stileid.u32  }
0x1a2: {  	s1 =	rddreg [dreg:$0x1];
	p0 =	sne.s32 s2, $0x0  }
0x1a3: {  	s3 =	rddreg [dreg:$0x2];
	[bflag:$0x3] =	sbarrier.arrive $0xFFFF;
	s2 =	simm.s32 @!p0 $0x1C03  }
0x1a4: {  	[timem:s3], [sflag:s2] =	dma.local @!p0 [hbm:s0], s1  }
0x1a5: {  	s0 =	simm.s32 @!p0 $0x3  }
0x1a6: {  	_ =	swait.ge @!p0 [sflag:s0], s1  }
0x1a7: {  	s1 =	ssub.s32 @!p0 $0x0, s1;
	[sflag:s0] =	ssyncset.done @!p0 $0x0  }
0x1a8: {  	[sflag:s0] =	ssyncadd.s32 @!p0 s1  }
0x1a9: {  	[bflag:$0x3] =	sbarrier.arrive $0xFFFF  }
0x1aa: {  	_ =	shalt  }

// kernel: kernel.23.cloned.1.call-start
scs
__scs_entry_jumppad:
0x0: {  	(pc) =	sbr.rel $0x88, $3  }
0x1: {  	(tag) =	ssettag $0x0;
	lr =	simm.s32 $0x1  }
0x2: {  	[smem:$0x3F99] =	sst lr;
	_ =	strace $0xD0000000  }
0x3: {  	_ = 	snop  }
0x4: {  	_ = 	snop  }
0x5: {  	_ = 	snop  }
0x6: {  	_ = 	snop  }
0x7: {  	_ = 	snop  }
__scs_overlays_trampoline_lowered:
0x8: {  	[smem:$0x3FA8] =	sst s0  }
0x9: {  	[smem:$0x3FA9] =	sst s1  }
0xa: {  	[smem:$0x3FAA] =	sst s2  }
0xb: {  	[smem:$0x3FAB] =	sst s3  }
0xc: {  	[smem:$0x3FAC] =	sst s4  }
0xd: {  	[smem:$0x3FAD] =	sst s5  }
0xe: {  	[smem:$0x3FAE] =	sst s6  }
0xf: {  	[smem:$0x3FAF] =	sst s7  }
0x10: {  	[smem:$0x3FB0] =	sst s8  }
0x11: {  	[smem:$0x3FB1] =	sst s9;
	s0 =	simm.s32 @!p0 $0x0  }
0x12: {  	s1 =	sld [smem:$0x3F97];
	s0 =	simm.s32 @p0 $0x1  }
0x13: {  	[smem:$0x3FB2] =	sst s0;
	s0 =	simm.s32 @!p1 $0x0  }
0x14: {  	s2 =	sld [smem:$0x3F96];
	s0 =	simm.s32 @p1 $0x1  }
0x15: {  	[smem:$0x3FB3] =	sst s0;
	s0 =	simm.s32 @!p2 $0x0  }
0x16: {  	s3 =	sld [smem:$0x3FDB];
	s0 =	simm.s32 @p2 $0x1  }
0x17: {  	s4 =	simm.s32 $0x1BF5;
	[smem:$0x3FB5] =	sst s0  }
0x18: {  	s0 =	sld [smem:$0x3F98];
	_ =	swait.ge [sflag:s4], $0x0  }
0x19: {  	s7 =	sld [smem:$0x3F99]  }
0x1a: {  	s8 =	sadd.s32 $0xFFFFE003, lr  }
0x1b: {  	s9 =	sadd.s32 $0xFFFFFEF7, lr;
	s5 =	simm.s32 $0xFFFFFFFF;
	p2 =	slt.u32 s8, $0xFFFFF086  }
0x1c: {  	p1 =	slt.u32 s9, $0xF7A;
	s5 =	simm.s32 @!p2 $0x0  }
0x1d: {  	s5 =	simm.s32 @p1 $0x1;
	p0 =	seq.s32 s7, s2  }
0x1e: {  	s7 =	smul.u32 @!p0 $0xF7A, s2;
	p2 =	seq.s32 @!p0 s5, $0x0  }
0x1f: {  	s9 =	smul.u32 $0xF7A, s1;
	s8 =	simm.s32 @!p0 $0x1BF5;
	p2 =	por !p2, p0  }
0x20: {  	[sflag:s8] =	ssyncset.s32 @!p0 $0xFFFFF086;
	s6 =	sadd.s32 @!p0 s3, s7;
	s7 =	simm.s32 @!p0 $0x108  }
0x21: {  	s3 =	sadd.s32 s3, s9;
	s6 =	sadd.s32 @!p0 $0x88, s6;
	s7 =	simm.s32 @p2 $0x1082  }
0x22: {  	[simem:s7], [sflag:s8] =	dma.local @!p0 [hbm:s6], $0xF7A  }
0x23: {  	s9 =	sor.u32 $0xD0000000, s2;
	s6 =	simm.s32 $0x108;
	_ =	swait.ge @!p0 [sflag:s8], $0x0  }
0x24: {  	s3 =	sadd.s32 $0x88, s3;
	s6 =	simm.s32 @!p1 $0x1082;
	[sflag:s4] =	ssyncset.s32 $0xFFFFF086  }
0x25: {  	[simem:s6], [sflag:s4] =	dma.local [hbm:s3], $0xF7A  }
0x26: {  	[smem:$0x3F99] =	sst s1;
	(tag) =	ssettag s2;
	_ =	strace s9  }
0x27: {  	s1 =	sld [smem:$0x3FA9]  }
0x28: {  	s2 =	sld [smem:$0x3FAA]  }
0x29: {  	s4 =	sld [smem:$0x3FAC]  }
0x2a: {  	p0 =	seq.s32 s5, $0x0;
	s5 =	sld [smem:$0x3FAD]  }
0x2b: {  	s6 =	sld [smem:$0x3FAE]  }
0x2c: {  	s7 =	sld [smem:$0x3FAF]  }
0x2d: {  	s3 =	simm.s32 $0x108;
	s8 =	sld [smem:$0x3FB0]  }
0x2e: {  	s3 =	simm.s32 @!p0 $0x1082;
	s9 =	sld [smem:$0x3FB1]  }
0x2f: {  	lr =	sadd.s32 s0, s3;
	s0 =	sld [smem:$0x3FA8]  }
0x30: {  	s3 =	sld [smem:$0x3FAB]  }
0x31: {  	[smem:$0x3FB4] =	sst s10  }
0x32: {  	s10 =	sld [smem:$0x3FB2];
	_ =	sdelay $0x3  }
0x33: {  	p0 =	seq.s32 s10, $0x1;
	s10 =	sld [smem:$0x3FB4];
	_ =	sdelay $0x3  }
0x34: {  	[smem:$0x3FB4] =	sst s10  }
0x35: {  	s10 =	sld [smem:$0x3FB3];
	_ =	sdelay $0x3  }
0x36: {  	p1 =	seq.s32 s10, $0x1;
	s10 =	sld [smem:$0x3FB4];
	_ =	sdelay $0x3  }
0x37: {  	[smem:$0x3FB4] =	sst s10  }
0x38: {  	s10 =	sld [smem:$0x3FB5]  }
0x39: {  	_ = 	snop;
	(pc) =	sbr.ind lr, $3  }
0x3a: {  	_ = 	snop  }
0x3b: {  	_ = 	snop  }
0x3c: {  	p2 =	seq.s32 s10, $0x1;
	s10 =	sld [smem:$0x3FB4]  }
0x3d: {  	_ =	shalt  }
0x3e: {  	_ =	shalt  }
0x3f: {  	_ =	shalt  }
0x40: {  	_ =	shalt  }
0x41: {  	_ =	shalt  }
0x42: {  	_ =	shalt  }
0x43: {  	_ =	shalt  }
0x44: {  	_ =	shalt  }
0x45: {  	_ =	shalt  }
0x46: {  	_ =	shalt  }
0x47: {  	_ =	shalt  }
0x48: {  	_ =	shalt  }
0x49: {  	_ =	shalt  }
0x4a: {  	_ =	shalt  }
0x4b: {  	_ =	shalt  }
0x4c: {  	_ =	shalt  }
0x4d: {  	_ =	shalt  }
0x4e: {  	_ =	shalt  }
0x4f: {  	_ =	shalt  }
0x50: {  	_ =	shalt  }
0x51: {  	_ =	shalt  }
0x52: {  	_ =	shalt  }
0x53: {  	_ =	shalt  }
0x54: {  	_ =	shalt  }
0x55: {  	_ =	shalt  }
0x56: {  	_ =	shalt  }
0x57: {  	_ =	shalt  }
0x58: {  	_ =	shalt  }
0x59: {  	_ =	shalt  }
0x5a: {  	_ =	shalt  }
0x5b: {  	_ =	shalt  }
0x5c: {  	_ =	shalt  }
0x5d: {  	_ =	shalt  }
0x5e: {  	_ =	shalt  }
0x5f: {  	_ =	shalt  }
0x60: {  	_ =	shalt  }
0x61: {  	_ =	shalt  }
0x62: {  	_ =	shalt  }
0x63: {  	_ =	shalt  }
0x64: {  	_ =	shalt  }
0x65: {  	_ =	shalt  }
0x66: {  	_ =	shalt  }
0x67: {  	_ =	shalt  }
0x68: {  	_ =	shalt  }
0x69: {  	_ =	shalt  }
0x6a: {  	_ =	shalt  }
0x6b: {  	_ =	shalt  }
0x6c: {  	_ =	shalt  }
0x6d: {  	_ =	shalt  }
0x6e: {  	_ =	shalt  }
0x6f: {  	_ =	shalt  }
0x70: {  	_ =	shalt  }
0x71: {  	_ =	shalt  }
0x72: {  	_ =	shalt  }
0x73: {  	_ =	shalt  }
0x74: {  	_ =	shalt  }
0x75: {  	_ =	shalt  }
0x76: {  	_ =	shalt  }
0x77: {  	_ =	shalt  }
0x78: {  	_ =	shalt  }
0x79: {  	_ =	shalt  }
0x7a: {  	_ =	shalt  }
0x7b: {  	_ =	shalt  }
0x7c: {  	_ =	shalt  }
0x7d: {  	_ =	shalt  }
0x7e: {  	_ =	shalt  }
0x7f: {  	_ =	shalt  }
0x80: {  	_ =	shalt  }
0x81: {  	_ =	shalt  }
0x82: {  	_ =	shalt  }
0x83: {  	_ =	shalt  }
0x84: {  	_ =	shalt  }
0x85: {  	_ =	shalt  }
0x86: {  	_ =	shalt  }
0x87: {  	_ =	shalt  }
.Lfunc_end0:
.L_simem_size_0:
called_computation.3_lowered:
.L_overlay_start_0:
0x88: {  	s2 =	sld [smem:$0x3FD9]  }
0x89: {  	s3 =	sld [smem:$0x3FFE];
	_ =	sdelay $0x1  }
0x8a: {  	s1 =	srdreg.scid  }
0x8b: {  	s0 =	sand.u32 $0x1, s1  }
0x8c: {  	s15 =	sshll.u32 s0, $0xA;
	s2 =	sadd.s32 s3, s2  }
0x8d: {  	s2 =	sadd.s32 s2, s15  }
0x8e: {  	[smem:$0x3FC0] =	sst s2  }
0x8f: {  	_ = 	snop  }
0x90: {  	s2 =	sld [smem:$0x3FD0];
	_ =	sdelay $0x2  }
0x91: {  	s16 =	simm.s32 $0xB;
	s4 =	simm.s32 $0x10  }
0x92: {  	[smem:s4], [sflag:s16] =	dma.local [hbm:s2], $0x1  }
0x93: {  	_ =	swait.eq [sflag:s16], $0x1  }
0x94: {  	[sflag:s16] =	ssyncset.done $0x0  }
0x95: {  	[sflag:s16] =	ssyncadd.s32 $0xFFFFFFFF  }
0x96: {  	s17 =	sld [smem:$0x10];
	(tm) =	ssettm $0x1  }
0x97: {  	s18 =	sld [smem:$0x3FFB];
	_ =	sdelay $0x3  }
0x98: {  	_ =	strace s18  }
0x99: {  	s2 =	sld [smem:$0x3FFC];
	_ =	sdelay $0x3  }
0x9a: {  	_ =	strace s2  }
0x9b: {  	s2 =	sld [smem:$0x3FFD];
	_ =	sdelay $0x3  }
0x9c: {  	_ =	strace s2  }
0x9d: {  	_ =	strace $0x8FFFFFFF  }
0x9e: {  	s19 =	sld [smem:$0x3FDB];
	_ =	sdelay $0x1  }
0x9f: {  	s20 =	simm.s32 $_scs_section_size  }
0xa0: {  	s5 =	simm.s32 $_size__tile_overlayer_lowered;
	s6 =	simm.s32 $_tile_overlayer_lowered  }
0xa1: {  	s7 =	simm.s32 $0x1BFF;
	s21 =	sshll.u32 s6, $0x1;
	s4 =	sadd.s32 s20, s19  }
0xa2: {  	s22 =	simm.s32 $0x0;
	s5 =	sshll.u32 s5, $0x1;
	s6 =	sadd.s32 s21, s4  }
0xa3: {  	[timem:s22], [sflag:s7] =	dma.local [hbm:s6], s5  }
0xa4: {  	_ =	swait.ge [sflag:s7], s5  }
0xa5: {  	s5 =	ssub.s32 $0x0, s5;
	[sflag:s7] =	ssyncset.done $0x0  }
0xa6: {  	[sflag:s7] =	ssyncadd.s32 s5;
	_ =	sdelay $0x1  }
0xa7: {  	s23 =	simm.s32 $0x1B8B  }
0xa8: {  	_ =	swait.ge [sflag:s23], $0x1  }
0xa9: {  	[sflag:s23] =	ssyncset.done $0x0  }
0xaa: {  	[sflag:s23] =	ssyncadd.s32 $0xFFFFFFFF  }
0xab: {  	s5 =	sld [smem:$0x0]  }
0xac: {  	s6 =	sand.u32 $0xFFFFFFFE, s1  }
0xad: {  	p0 =	sne.s32 s1, s6  }
0xae: {  	s6 =	sshll.u32 @p0 s6, $0xE  }
0xaf: {  	s6 =	sadd.s32 @p0 $0x11B8D, s6;
	s7 =	sshll.u32 @p0 s5, $0x11  }
0xb0: {  	s6 =	sor.u32 @p0 s7, s6  }
0xb1: {  	[sflag:s6] =	ssyncadd.remote.s32 @p0 $0x1;
	_ =	sdelay $0x1  }
0xb2: {  	s6 =	simm.s32 @p0 $0x1B8D  }
0xb3: {  	_ =	swait.eq @p0 [sflag:s6], $0x1  }
0xb4: {  	[sflag:s6] =	ssyncadd.s32 @p0 $0xFFFFFFFF  }
0xb5: {  	s7 =	sshll.u32 @!p0 s1, $0xE  }
0xb6: {  	s7 =	sor.u32 @!p0 $0x4000, s7;
	s6 =	simm.s32 @!p0 $0x1B8D  }
0xb7: {  	s5 =	sshll.u32 @!p0 s5, $0x11;
	s7 =	sadd.s32 @!p0 $0x11B8D, s7;
	_ =	swait.eq @!p0 [sflag:s6], $0x1  }
0xb8: {  	s5 =	sor.u32 @!p0 s5, s7;
	[sflag:s6] =	ssyncadd.s32 @!p0 $0xFFFFFFFF  }
0xb9: {  	s25 =	simm.s32 $0x1B8E;
	s24 =	sld [smem:$0x3FFE];
	[sflag:s5] =	ssyncadd.remote.s32 @!p0 $0x1  }
0xba: {  	s26 =	simm.s32 $execute0_lowered;
	[smem:$0x3FD2] =	sst s25  }
0xbb: {  	s6 =	sshll.u32 s26, $0x1;
	_ =	strace $0x80000055;
	[dreg:$0x1] =	wrdreg $0xFFFFFFFF  }
0xbc: {  	s28 =	simm.s32 $_size_execute0_lowered;
	s4 =	sadd.s32 s4, s6;
	[dreg:$0x0] =	wrdreg $0x0  }
0xbd: {  	s6 =	sshll.u32 s28, $0x1;
	[dreg:$0x2] =	wrdreg s4  }
0xbe: {  	[dreg:$0x3] =	wrdreg s6  }
0xbf: {  	[dreg:$0x4] =	wrdreg $0xC0  }
0xc0: {  	_ =	task [dreg:s22], $0x5FFFF  }
0xc1: {  	[dreg:$0x1] =	wrdreg $0xFFFFFFFF  }
0xc2: {  	[dreg:$0x0] =	wrdreg $0x60  }
0xc3: {  	[dreg:$0x2] =	wrdreg s24  }
0xc4: {  	[dreg:$0x3] =	wrdreg s17  }
0xc5: {  	[dreg:$0x4] =	wrdreg $0x9  }
0xc6: {  	_ =	task.clear_ibuf [dreg:s22], $0x5FFFF;
	_ =	strace $0x90000055  }
0xc7: {  	s29 =	simm.s32 $0x9;
	_ =	strace $0x80000057  }
0xc8: {  	_ =	swait.ge [sflag:s29], $0x1  }
0xc9: {  	[sflag:s29] =	ssyncadd.s32 $0xFFFFFFFF  }
0xca: {  	_ =	strace $0x90000057  }
0xcb: {  	_ =	sfence  }
0xcc: {  	s30 =	sld [smem:$0x0];
	_ =	sdelay $0x2  }
0xcd: {  	s31 =	sshll.u32 s1, $0xD;
	s1 =	sshrl.u32 s1, $0x2  }
0xce: {  	s4 =	sand.u32 $0x4000, s31;
	s1 =	sadd.s32 s1, s30  }
0xcf: {  	s0 =	sor.u32 s4, s0;
	s1 =	sshll.u32 s1, $0x11  }
0xd0: {  	s0 =	sor.u32 s1, s0  }
0xd1: {  	s0 =	sadd.s32 $0x8F2B, s0  }
0xd2: {  	[sflag:s0] =	ssyncadd.remote.s32 $0x1  }
0xd3: {  	_ =	sfence.sel $0xFFFF  }
0xd4: {  	[dreg:$0x0] =	wrdreg $0xFFFFFFFF;
	(pc) =	sbr.abs _section_cstart, $3  }
0xd5: {  	[dreg:$0x1] =	wrdreg $0xFFFFFFFF  }
0xd6: {  	_ =	task.clear_ibuf [dreg:s22], $0x2FFFF;
	_ =	strace $0x9FFFFFFF  }
0xd7: {  	(tm) =	ssettm $0x7FFFFFFF  }
tec
execute0_lowered:
.L_overlay_start_1:
0x0: {  	(tag) =	ssettag $0x1  }
0x1: {  	s0 =	rddreg [dreg:$0x0]  }
0x2: {  	s2 =	rddreg [dreg:$0x1];
	s1 =	srdreg.scid;
	s3 =	simm.s32 $0x0  }
0x3: {  	s4 =	stileid.u32;
	s15 =	simm.s32 $0x3;
	s16 =	simm.s32 $0xA000  }
0x4: {  	s17 =	simm.s32 $0x2800;
	s18 =	simm.s32 $0xC800;
	s19 =	simm.s32 $0x5000  }
0x5: {  	s20 =	simm.s32 $0xF000;
	s21 =	simm.s32 $0x7800;
	s22 =	simm.s32 $0x11800  }
0x6: {  	s25 =	simm.s32 $0x1;
	s26 =	simm.s32 $0x16000;
	s28 =	simm.s32 $0x1A000  }
0x7: {  	s29 =	simm.s32 $0x2;
	s30 =	simm.s32 $0x0;
	s1 =	sand.u32 $0x1, s1  }
0x8: {  	[smem:$0x7FF] =	sst s3;
	s4 =	sshll.u32 s4, $0x3;
	s5 =	sshll.u32 s1, $0x2  }
0x9: {  	s9 =	sadd.s32 $0x70A00, s0;
	_ =	strace $0x80000056;
	s6 =	sor.u32 s5, s4  }
0xa: {  	s1 =	ssub.s32 $0x2, s1;
	s4 =	sadd.s32 $0x2A00, s0;
	s7 =	smul.u32 $0x2800, s6  }
0xb: {  	s5 =	sadd.s32 $0x2400, s0;
	s8 =	sshrl.u32 s1, $0x1;
	s10 =	smul.u32 $0x500, s6  }
0xc: {  	s0 =	sadd.s32 $0x98A00, s0;
	s1 =	ssub.s32 s1, s8;
	s11 =	sshrl.u32 s7, $0x3  }
0xd: {  	s6 =	sadd.s32 s9, s10;
	s10 =	sadd.s32 s0, s10;
	s12 =	sadd.s32 $0x500, s11  }
0xe: {  	s13 =	sadd.s32 $0xA00, s11;
	s14 =	sadd.s32 $0xF00, s11;
	s7 =	sadd.s32 s9, s12  }
0xf: {  	s8 =	sadd.s32 s9, s13;
	s9 =	sadd.s32 s9, s14;
	s11 =	sadd.s32 s0, s12  }
0x10: {  	s12 =	sadd.s32 s0, s13;
	s13 =	sadd.s32 s0, s14;
	s14 =	smax.u32 s1, $0x1  }
.LBB2_1:
0x11: {  	[tilespmem:s3], [sflag:$0x3] =	stream.linear.gather [hbm4b:s6+s3], $0x2800, $0x38;
	[tilespmem:$0x1C000] =	vst v63  }
0x12: {  	_ =	swait.ge [sflag:s15], $0x2800  }
0x13: {  	[sflag:s15] =	ssyncset.done $0x0  }
0x14: {  	[sflag:s15] =	ssyncadd.s32 $0xFFFFD800  }
0x15: {  	[tilespmem:s16], [sflag:$0x3] =	stream.linear.gather [hbm4b:s5+s3], $0x2800, $0x38;
	[tilespmem:$0x1C000] =	vst v63  }
0x16: {  	_ =	swait.ge [sflag:s15], $0x2800  }
0x17: {  	[sflag:s15] =	ssyncset.done $0x0  }
0x18: {  	[sflag:s15] =	ssyncadd.s32 $0xFFFFD800  }
0x19: {  	[tilespmem:s17], [sflag:$0x3] =	stream.linear.gather [hbm4b:s7+s3], $0x2800, $0x38;
	[tilespmem:$0x1C000] =	vst v63  }
0x1a: {  	_ =	swait.ge [sflag:s15], $0x2800  }
0x1b: {  	[sflag:s15] =	ssyncset.done $0x0  }
0x1c: {  	[sflag:s15] =	ssyncadd.s32 $0xFFFFD800  }
0x1d: {  	[tilespmem:s18], [sflag:$0x3] =	stream.linear.gather [hbm4b:s5+s3], $0x2800, $0x38;
	[tilespmem:$0x1C000] =	vst v63  }
0x1e: {  	_ =	swait.ge [sflag:s15], $0x2800  }
0x1f: {  	[sflag:s15] =	ssyncset.done $0x0  }
0x20: {  	[sflag:s15] =	ssyncadd.s32 $0xFFFFD800  }
0x21: {  	[tilespmem:s19], [sflag:$0x3] =	stream.linear.gather [hbm4b:s8+s3], $0x2800, $0x38;
	[tilespmem:$0x1C000] =	vst v63  }
0x22: {  	_ =	swait.ge [sflag:s15], $0x2800  }
0x23: {  	[sflag:s15] =	ssyncset.done $0x0  }
0x24: {  	[sflag:s15] =	ssyncadd.s32 $0xFFFFD800  }
0x25: {  	[tilespmem:s20], [sflag:$0x3] =	stream.linear.gather [hbm4b:s5+s3], $0x2800, $0x38;
	[tilespmem:$0x1C000] =	vst v63  }
0x26: {  	_ =	swait.ge [sflag:s15], $0x2800  }
0x27: {  	[sflag:s15] =	ssyncset.done $0x0  }
0x28: {  	[sflag:s15] =	ssyncadd.s32 $0xFFFFD800  }
0x29: {  	[tilespmem:s21], [sflag:$0x3] =	stream.linear.gather [hbm4b:s9+s3], $0x2800, $0x38;
	[tilespmem:$0x1C000] =	vst v63  }
0x2a: {  	_ =	swait.ge [sflag:s15], $0x2800  }
0x2b: {  	[sflag:s15] =	ssyncset.done $0x0  }
0x2c: {  	[sflag:s15] =	ssyncadd.s32 $0xFFFFD800  }
0x2d: {  	[tilespmem:s22], [sflag:$0x3] =	stream.linear.gather [hbm4b:s5+s3], $0x2800, $0x38;
	[tilespmem:$0x1C000] =	vst v63  }
0x2e: {  	_ =	swait.ge [sflag:s15], $0x2800  }
0x2f: {  	[sflag:s15] =	ssyncset.done $0x0  }
0x30: {  	s0 =	simm.s32 $0x14000;
	[sflag:s15] =	ssyncadd.s32 $0xFFFFD800  }
0x31: {  	[tilespmem:s0], [sflag:$0x1] =	stream.linear.gather [hbm4b:s4+s3], $0x2000, $0x38;
	[tilespmem:$0x1C000] =	vst v63  }
0x32: {  	s24 =	simm.s32 $0x18000;
	s31 =	simm.s32 $0x0  }
0x33: {  	[tilespmem:s24], [sflag:$0x1] =	stream.linear.gather [hbm4b:s2+s3], $0x2000, $0x38;
	[tilespmem:$0x1C000] =	vst v63  }
.LBB2_2:
0x34: {  	_ =	swait.ge [sflag:s25], $0x2000  }
0x35: {  	[sflag:s25] =	ssyncset.done $0x0  }
0x36: {  	[sflag:s25] =	ssyncadd.s32 $0xFFFFE000  }
0x37: {  	s0 =	sshll.u32 s31, $0xB;
	_ =	swait.ge [sflag:s25], $0x2000  }
0x38: {  	s1 =	sor.u32 $0x400, s0;
	[sflag:s25] =	ssyncset.done $0x0  }
0x39: {  	s24 =	simm.s32 $0x0;
	s23 =	sadd.s32 s4, s1;
	[sflag:s25] =	ssyncadd.s32 $0xFFFFE000  }
0x3a: {  	[tilespmem:s26], [sflag:$0x2] =	stream.linear.gather [hbm4b:s23+s24], $0x2000, $0x38;
	[tilespmem:$0x1C000] =	vst v63  }
0x3b: {  	s1 =	sadd.s32 s2, s1  }
0x3c: {  	[tilespmem:s28], [sflag:$0x2] =	stream.linear.gather [hbm4b:s1+s24], $0x2000, $0x38;
	[tilespmem:$0x1C000] =	vst v63  }
0x3d: {  	s24 =	simm.s32 $0x0  }
0x3e: {  	v0 =	vld [tilespmem:s24+$0x14000]  }
0x3f: {  	v1 =	vld [tilespmem:s24+$0x14030]  }
0x40: {  	v2 =	vld [tilespmem:s24+$0x18030]  }
0x41: {  	v3 =	vld [tilespmem:s24+$0x18020]  }
0x42: {  	v4 =	vld [tilespmem:s24+$0x14010]  }
0x43: {  	v5 =	vld [tilespmem:s24+$0x18010]  }
0x44: {  	v6 =	vld [tilespmem:s24+$0x18000]  }
0x45: {  	v7 =	vld [tilespmem:s24+$0x14020]  }
0x46: {  	v8 =	vld.idx.msk [tilespmem:v0+s21+$0x0], $0xffff  }
0x47: {  	v9 =	vld.idx.msk [tilespmem:v0+s17+$0x0], $0xffff  }
0x48: {  	v10 =	vld.idx.msk [tilespmem:v0+s19+$0x0], $0xffff  }
0x49: {  	v0 =	vld.idx.msk [tilespmem:v0+s3+$0x0], $0xffff  }
0x4a: {  	v11 =	vld.idx.msk [tilespmem:v4+s21+$0x0], $0xffff  }
0x4b: {  	v12 =	vld.idx.msk [tilespmem:v4+s19+$0x0], $0xffff  }
0x4c: {  	v13 =	vld.idx.msk [tilespmem:v1+s19+$0x0], $0xffff  }
0x4d: {  	v14 =	vld.idx.msk [tilespmem:v4+s3+$0x0], $0xffff  }
0x4e: {  	v4 =	vld.idx.msk [tilespmem:v4+s17+$0x0], $0xffff  }
0x4f: {  	v15 =	vld.idx.msk [tilespmem:v1+s21+$0x0], $0xffff  }
0x50: {  	v16 =	vld.idx.msk [tilespmem:v7+s21+$0x0], $0xffff  }
0x51: {  	v17 =	vld.idx.msk [tilespmem:v7+s19+$0x0], $0xffff  }
0x52: {  	v18 =	vld.idx.msk [tilespmem:v7+s3+$0x0], $0xffff  }
0x53: {  	v19 =	vld.idx.msk [tilespmem:v1+s3+$0x0], $0xffff  }
0x54: {  	v1 =	vld.idx.msk [tilespmem:v1+s17+$0x0], $0xffff  }
0x55: {  	v7 =	vld.idx.msk [tilespmem:v7+s17+$0x0], $0xffff  }
0x56: {  	[tilespmem:v6+s16+$0x0] =	vst.idx.add.f32.msk $0xffff, v0  }
0x57: {  	[tilespmem:v6+s18+$0x0] =	vst.idx.add.f32.msk $0xffff, v9  }
0x58: {  	[tilespmem:v6+s20+$0x0] =	vst.idx.add.f32.msk $0xffff, v10  }
0x59: {  	[tilespmem:v6+s22+$0x0] =	vst.idx.add.f32.msk $0xffff, v8  }
0x5a: {  	[tilespmem:v5+s16+$0x0] =	vst.idx.add.f32.msk $0xffff, v14  }
0x5b: {  	[tilespmem:v5+s18+$0x0] =	vst.idx.add.f32.msk $0xffff, v4  }
0x5c: {  	[tilespmem:v5+s20+$0x0] =	vst.idx.add.f32.msk $0xffff, v12  }
0x5d: {  	[tilespmem:v5+s22+$0x0] =	vst.idx.add.f32.msk $0xffff, v11  }
0x5e: {  	[tilespmem:v3+s16+$0x0] =	vst.idx.add.f32.msk $0xffff, v18  }
0x5f: {  	[tilespmem:v3+s18+$0x0] =	vst.idx.add.f32.msk $0xffff, v7  }
0x60: {  	[tilespmem:v3+s20+$0x0] =	vst.idx.add.f32.msk $0xffff, v17  }
0x61: {  	[tilespmem:v3+s22+$0x0] =	vst.idx.add.f32.msk $0xffff, v16  }
0x62: {  	[tilespmem:v2+s16+$0x0] =	vst.idx.add.f32.msk $0xffff, v19  }
0x63: {  	[tilespmem:v2+s18+$0x0] =	vst.idx.add.f32.msk $0xffff, v1  }
0x64: {  	[tilespmem:v2+s20+$0x0] =	vst.idx.add.f32.msk $0xffff, v13  }
0x65: {  	[tilespmem:v2+s22+$0x0] =	vst.idx.add.f32.msk $0xffff, v15  }
0x66: {  	v7 =	vld [tilespmem:s24+$0x14040]  }
0x67: {  	v5 =	vld [tilespmem:s24+$0x14050]  }
0x68: {  	v6 =	vld [tilespmem:s24+$0x14060]  }
0x69: {  	v13 =	vld [tilespmem:s24+$0x14070]  }
0x6a: {  	v0 =	vld [tilespmem:s24+$0x18070]  }
0x6b: {  	v1 =	vld [tilespmem:s24+$0x18060]  }
0x6c: {  	v2 =	vld [tilespmem:s24+$0x18050]  }
0x6d: {  	v8 =	vld [tilespmem:s24+$0x18040]  }
0x6e: {  	v11 =	vld.idx.msk [tilespmem:v7+s3+$0x0], $0xffff  }
0x6f: {  	v12 =	vld.idx.msk [tilespmem:v7+s17+$0x0], $0xffff  }
0x70: {  	v4 =	vld.idx.msk [tilespmem:v6+s3+$0x0], $0xffff  }
0x71: {  	v9 =	vld.idx.msk [tilespmem:v5+s21+$0x0], $0xffff  }
0x72: {  	v10 =	vld.idx.msk [tilespmem:v5+s19+$0x0], $0xffff  }
0x73: {  	s1 =	simm.s32 $0x200;
	v3 =	vld.idx.msk [tilespmem:v13+s19+$0x0], $0xffff  }
.LBB2_3:
0x74: {  	s23 =	sshra.s32 s1, $0x2;
	p0 =	sne.s32 s1, $0x7E00;
	s1 =	sadd.s32 $0x200, s1;
	v14 =	vld.idx.msk [tilespmem:v13+s17+$0x0], $0xffff  }
0x75: {  	v15 =	vld.idx.msk [tilespmem:v13+s3+$0x0], $0xffff  }
0x76: {  	v16 =	vld.idx.msk [tilespmem:v5+s17+$0x0], $0xffff  }
0x77: {  	v17 =	vld.idx.msk [tilespmem:v6+s17+$0x0], $0xffff  }
0x78: {  	v13 =	vld.idx.msk [tilespmem:v13+s21+$0x0], $0xffff  }
0x79: {  	v18 =	vld.idx.msk [tilespmem:v6+s19+$0x0], $0xffff  }
0x7a: {  	v19 =	vld.idx.msk [tilespmem:v7+s19+$0x0], $0xffff  }
0x7b: {  	v7 =	vld.idx.msk [tilespmem:v7+s21+$0x0], $0xffff  }
0x7c: {  	v5 =	vld.idx.msk [tilespmem:v5+s3+$0x0], $0xffff  }
0x7d: {  	v6 =	vld.idx.msk [tilespmem:v6+s21+$0x0], $0xffff  }
0x7e: {  	[tilespmem:v8+s16+$0x0] =	vst.idx.add.f32.msk $0xffff, v11  }
0x7f: {  	[tilespmem:v8+s18+$0x0] =	vst.idx.add.f32.msk $0xffff, v12  }
0x80: {  	[tilespmem:v8+s20+$0x0] =	vst.idx.add.f32.msk $0xffff, v19  }
0x81: {  	[tilespmem:v8+s22+$0x0] =	vst.idx.add.f32.msk $0xffff, v7  }
0x82: {  	[tilespmem:v2+s16+$0x0] =	vst.idx.add.f32.msk $0xffff, v5  }
0x83: {  	[tilespmem:v2+s18+$0x0] =	vst.idx.add.f32.msk $0xffff, v16  }
0x84: {  	[tilespmem:v2+s20+$0x0] =	vst.idx.add.f32.msk $0xffff, v10  }
0x85: {  	[tilespmem:v2+s22+$0x0] =	vst.idx.add.f32.msk $0xffff, v9  }
0x86: {  	[tilespmem:v1+s16+$0x0] =	vst.idx.add.f32.msk $0xffff, v4  }
0x87: {  	[tilespmem:v1+s18+$0x0] =	vst.idx.add.f32.msk $0xffff, v17  }
0x88: {  	[tilespmem:v1+s20+$0x0] =	vst.idx.add.f32.msk $0xffff, v18  }
0x89: {  	[tilespmem:v1+s22+$0x0] =	vst.idx.add.f32.msk $0xffff, v6  }
0x8a: {  	[tilespmem:v0+s16+$0x0] =	vst.idx.add.f32.msk $0xffff, v15  }
0x8b: {  	[tilespmem:v0+s18+$0x0] =	vst.idx.add.f32.msk $0xffff, v14  }
0x8c: {  	[tilespmem:v0+s20+$0x0] =	vst.idx.add.f32.msk $0xffff, v3  }
0x8d: {  	[tilespmem:v0+s22+$0x0] =	vst.idx.add.f32.msk $0xffff, v13  }
0x8e: {  	v0 =	vld [tilespmem:s23+$0x14000]  }
0x8f: {  	v1 =	vld [tilespmem:s23+$0x14030]  }
0x90: {  	v2 =	vld [tilespmem:s23+$0x18030]  }
0x91: {  	v3 =	vld [tilespmem:s23+$0x18020]  }
0x92: {  	v4 =	vld [tilespmem:s23+$0x14010]  }
0x93: {  	v5 =	vld [tilespmem:s23+$0x18010]  }
0x94: {  	v6 =	vld [tilespmem:s23+$0x18000]  }
0x95: {  	v7 =	vld [tilespmem:s23+$0x14020]  }
0x96: {  	v8 =	vld.idx.msk [tilespmem:v0+s21+$0x0], $0xffff  }
0x97: {  	v9 =	vld.idx.msk [tilespmem:v0+s17+$0x0], $0xffff  }
0x98: {  	v10 =	vld.idx.msk [tilespmem:v0+s19+$0x0], $0xffff  }
0x99: {  	v0 =	vld.idx.msk [tilespmem:v0+s3+$0x0], $0xffff  }
0x9a: {  	v11 =	vld.idx.msk [tilespmem:v4+s21+$0x0], $0xffff  }
0x9b: {  	v12 =	vld.idx.msk [tilespmem:v4+s19+$0x0], $0xffff  }
0x9c: {  	v13 =	vld.idx.msk [tilespmem:v1+s19+$0x0], $0xffff  }
0x9d: {  	v14 =	vld.idx.msk [tilespmem:v4+s3+$0x0], $0xffff  }
0x9e: {  	v4 =	vld.idx.msk [tilespmem:v4+s17+$0x0], $0xffff  }
0x9f: {  	v15 =	vld.idx.msk [tilespmem:v1+s21+$0x0], $0xffff  }
0xa0: {  	v16 =	vld.idx.msk [tilespmem:v7+s21+$0x0], $0xffff  }
0xa1: {  	v17 =	vld.idx.msk [tilespmem:v7+s19+$0x0], $0xffff  }
0xa2: {  	v18 =	vld.idx.msk [tilespmem:v7+s3+$0x0], $0xffff  }
0xa3: {  	v19 =	vld.idx.msk [tilespmem:v1+s3+$0x0], $0xffff  }
0xa4: {  	v1 =	vld.idx.msk [tilespmem:v1+s17+$0x0], $0xffff  }
0xa5: {  	v7 =	vld.idx.msk [tilespmem:v7+s17+$0x0], $0xffff  }
0xa6: {  	[tilespmem:v6+s16+$0x0] =	vst.idx.add.f32.msk $0xffff, v0  }
0xa7: {  	[tilespmem:v6+s18+$0x0] =	vst.idx.add.f32.msk $0xffff, v9  }
0xa8: {  	[tilespmem:v6+s20+$0x0] =	vst.idx.add.f32.msk $0xffff, v10  }
0xa9: {  	[tilespmem:v6+s22+$0x0] =	vst.idx.add.f32.msk $0xffff, v8  }
0xaa: {  	[tilespmem:v5+s16+$0x0] =	vst.idx.add.f32.msk $0xffff, v14  }
0xab: {  	[tilespmem:v5+s18+$0x0] =	vst.idx.add.f32.msk $0xffff, v4  }
0xac: {  	[tilespmem:v5+s20+$0x0] =	vst.idx.add.f32.msk $0xffff, v12  }
0xad: {  	[tilespmem:v5+s22+$0x0] =	vst.idx.add.f32.msk $0xffff, v11  }
0xae: {  	[tilespmem:v3+s16+$0x0] =	vst.idx.add.f32.msk $0xffff, v18  }
0xaf: {  	[tilespmem:v3+s18+$0x0] =	vst.idx.add.f32.msk $0xffff, v7  }
0xb0: {  	[tilespmem:v3+s20+$0x0] =	vst.idx.add.f32.msk $0xffff, v17  }
0xb1: {  	[tilespmem:v3+s22+$0x0] =	vst.idx.add.f32.msk $0xffff, v16  }
0xb2: {  	[tilespmem:v2+s16+$0x0] =	vst.idx.add.f32.msk $0xffff, v19  }
0xb3: {  	[tilespmem:v2+s18+$0x0] =	vst.idx.add.f32.msk $0xffff, v1  }
0xb4: {  	[tilespmem:v2+s20+$0x0] =	vst.idx.add.f32.msk $0xffff, v13  }
0xb5: {  	[tilespmem:v2+s22+$0x0] =	vst.idx.add.f32.msk $0xffff, v15  }
0xb6: {  	v7 =	vld [tilespmem:s23+$0x14040]  }
0xb7: {  	v5 =	vld [tilespmem:s23+$0x14050]  }
0xb8: {  	v6 =	vld [tilespmem:s23+$0x14060]  }
0xb9: {  	v13 =	vld [tilespmem:s23+$0x14070]  }
0xba: {  	v0 =	vld [tilespmem:s23+$0x18070]  }
0xbb: {  	v1 =	vld [tilespmem:s23+$0x18060]  }
0xbc: {  	v2 =	vld [tilespmem:s23+$0x18050]  }
0xbd: {  	v8 =	vld [tilespmem:s23+$0x18040]  }
0xbe: {  	v11 =	vld.idx.msk [tilespmem:v7+s3+$0x0], $0xffff  }
.Ltmp0:
0xbf: {  	v12 =	vld.idx.msk [tilespmem:v7+s17+$0x0], $0xffff;
	(pc) =	sbr.rel @p0 .LBB2_3-.Ltmp0, $4  }
0xc0: {  	v4 =	vld.idx.msk [tilespmem:v6+s3+$0x0], $0xffff  }
0xc1: {  	v9 =	vld.idx.msk [tilespmem:v5+s21+$0x0], $0xffff  }
0xc2: {  	v10 =	vld.idx.msk [tilespmem:v5+s19+$0x0], $0xffff  }
0xc3: {  	v3 =	vld.idx.msk [tilespmem:v13+s19+$0x0], $0xffff  }
0xc4: {  	_ =	sdelay $0x3  }
0xc5: {  	v14 =	vld.idx.msk [tilespmem:v13+s17+$0x0], $0xffff  }
0xc6: {  	v15 =	vld.idx.msk [tilespmem:v13+s3+$0x0], $0xffff  }
0xc7: {  	v16 =	vld.idx.msk [tilespmem:v5+s17+$0x0], $0xffff  }
0xc8: {  	v17 =	vld.idx.msk [tilespmem:v6+s17+$0x0], $0xffff  }
0xc9: {  	v13 =	vld.idx.msk [tilespmem:v13+s21+$0x0], $0xffff  }
0xca: {  	v18 =	vld.idx.msk [tilespmem:v6+s19+$0x0], $0xffff  }
0xcb: {  	v19 =	vld.idx.msk [tilespmem:v7+s19+$0x0], $0xffff  }
0xcc: {  	v7 =	vld.idx.msk [tilespmem:v7+s21+$0x0], $0xffff  }
0xcd: {  	v5 =	vld.idx.msk [tilespmem:v5+s3+$0x0], $0xffff  }
0xce: {  	v6 =	vld.idx.msk [tilespmem:v6+s21+$0x0], $0xffff  }
0xcf: {  	[tilespmem:v8+s16+$0x0] =	vst.idx.add.f32.msk $0xffff, v11  }
0xd0: {  	[tilespmem:v8+s18+$0x0] =	vst.idx.add.f32.msk $0xffff, v12  }
0xd1: {  	[tilespmem:v8+s20+$0x0] =	vst.idx.add.f32.msk $0xffff, v19  }
0xd2: {  	[tilespmem:v8+s22+$0x0] =	vst.idx.add.f32.msk $0xffff, v7  }
0xd3: {  	[tilespmem:v2+s16+$0x0] =	vst.idx.add.f32.msk $0xffff, v5  }
0xd4: {  	[tilespmem:v2+s18+$0x0] =	vst.idx.add.f32.msk $0xffff, v16  }
0xd5: {  	[tilespmem:v2+s20+$0x0] =	vst.idx.add.f32.msk $0xffff, v10  }
0xd6: {  	[tilespmem:v2+s22+$0x0] =	vst.idx.add.f32.msk $0xffff, v9  }
0xd7: {  	[tilespmem:v1+s16+$0x0] =	vst.idx.add.f32.msk $0xffff, v4  }
0xd8: {  	[tilespmem:v1+s18+$0x0] =	vst.idx.add.f32.msk $0xffff, v17  }
0xd9: {  	[tilespmem:v1+s20+$0x0] =	vst.idx.add.f32.msk $0xffff, v18  }
0xda: {  	[tilespmem:v1+s22+$0x0] =	vst.idx.add.f32.msk $0xffff, v6  }
0xdb: {  	[tilespmem:v0+s16+$0x0] =	vst.idx.add.f32.msk $0xffff, v15  }
0xdc: {  	[tilespmem:v0+s18+$0x0] =	vst.idx.add.f32.msk $0xffff, v14  }
0xdd: {  	[tilespmem:v0+s20+$0x0] =	vst.idx.add.f32.msk $0xffff, v3  }
0xde: {  	[tilespmem:v0+s22+$0x0] =	vst.idx.add.f32.msk $0xffff, v13  }
0xdf: {  	_ =	swait.ge [sflag:s29], $0x2000  }
0xe0: {  	[sflag:s29] =	ssyncset.done $0x0  }
0xe1: {  	[sflag:s29] =	ssyncadd.s32 $0xFFFFE000  }
0xe2: {  	p0 =	seq.s32 s31, $0x13;
	_ =	swait.ge [sflag:s29], $0x2000  }
0xe3: {  	s0 =	sadd.s32 @!p0 $0x800, s0;
	s23 =	simm.s32 @!p0 $0x0;
	[sflag:s29] =	ssyncset.done $0x0  }
0xe4: {  	s24 =	simm.s32 @!p0 $0x14000;
	s1 =	sadd.s32 @!p0 s4, s0;
	[sflag:s29] =	ssyncadd.s32 $0xFFFFE000  }
0xe5: {  	[tilespmem:s24], [sflag:$0x1] =	stream.linear.gather @!p0 [hbm4b:s1+s23], $0x2000, $0x38;
	[tilespmem:$0x1C000] =	vst v63  }
0xe6: {  	s0 =	sadd.s32 @!p0 s2, s0;
	s1 =	simm.s32 @!p0 $0x18000;
	s24 =	simm.s32 $0x0  }
0xe7: {  	[tilespmem:s1], [sflag:$0x1] =	stream.linear.gather @!p0 [hbm4b:s0+s23], $0x2000, $0x38;
	[tilespmem:$0x1C000] =	vst v63  }
0xe8: {  	v0 =	vld [tilespmem:s24+$0x16000]  }
0xe9: {  	v1 =	vld [tilespmem:s24+$0x16030]  }
0xea: {  	v2 =	vld [tilespmem:s24+$0x1A030]  }
0xeb: {  	v3 =	vld [tilespmem:s24+$0x1A020]  }
0xec: {  	v4 =	vld [tilespmem:s24+$0x16010]  }
0xed: {  	v5 =	vld [tilespmem:s24+$0x1A010]  }
0xee: {  	v6 =	vld [tilespmem:s24+$0x1A000]  }
0xef: {  	v7 =	vld [tilespmem:s24+$0x16020]  }
0xf0: {  	v8 =	vld.idx.msk [tilespmem:v0+s21+$0x0], $0xffff  }
0xf1: {  	v9 =	vld.idx.msk [tilespmem:v0+s17+$0x0], $0xffff  }
0xf2: {  	v10 =	vld.idx.msk [tilespmem:v0+s19+$0x0], $0xffff  }
0xf3: {  	v0 =	vld.idx.msk [tilespmem:v0+s3+$0x0], $0xffff  }
0xf4: {  	v11 =	vld.idx.msk [tilespmem:v4+s21+$0x0], $0xffff  }
0xf5: {  	v12 =	vld.idx.msk [tilespmem:v4+s19+$0x0], $0xffff  }
0xf6: {  	v13 =	vld.idx.msk [tilespmem:v1+s19+$0x0], $0xffff  }
0xf7: {  	v14 =	vld.idx.msk [tilespmem:v4+s3+$0x0], $0xffff  }
0xf8: {  	v4 =	vld.idx.msk [tilespmem:v4+s17+$0x0], $0xffff  }
0xf9: {  	v15 =	vld.idx.msk [tilespmem:v1+s21+$0x0], $0xffff  }
0xfa: {  	v60 =	vld.idx.msk [tilespmem:v7+s21+$0x0], $0xffff  }
0xfb: {  	v61 =	vld.idx.msk [tilespmem:v7+s19+$0x0], $0xffff  }
0xfc: {  	v62 =	vld.idx.msk [tilespmem:v7+s3+$0x0], $0xffff  }
0xfd: {  	v63 =	vld.idx.msk [tilespmem:v1+s3+$0x0], $0xffff  }
0xfe: {  	v1 =	vld.idx.msk [tilespmem:v1+s17+$0x0], $0xffff  }
0xff: {  	v7 =	vld.idx.msk [tilespmem:v7+s17+$0x0], $0xffff  }
0x100: {  	[tilespmem:v6+s16+$0x0] =	vst.idx.add.f32.msk $0xffff, v0  }
0x101: {  	[tilespmem:v6+s18+$0x0] =	vst.idx.add.f32.msk $0xffff, v9  }
0x102: {  	[tilespmem:v6+s20+$0x0] =	vst.idx.add.f32.msk $0xffff, v10  }
0x103: {  	[tilespmem:v6+s22+$0x0] =	vst.idx.add.f32.msk $0xffff, v8  }
0x104: {  	[tilespmem:v5+s16+$0x0] =	vst.idx.add.f32.msk $0xffff, v14  }
0x105: {  	[tilespmem:v5+s18+$0x0] =	vst.idx.add.f32.msk $0xffff, v4  }
0x106: {  	[tilespmem:v5+s20+$0x0] =	vst.idx.add.f32.msk $0xffff, v12  }
0x107: {  	[tilespmem:v5+s22+$0x0] =	vst.idx.add.f32.msk $0xffff, v11  }
0x108: {  	[tilespmem:v3+s16+$0x0] =	vst.idx.add.f32.msk $0xffff, v62  }
0x109: {  	[tilespmem:v3+s18+$0x0] =	vst.idx.add.f32.msk $0xffff, v7  }
0x10a: {  	[tilespmem:v3+s20+$0x0] =	vst.idx.add.f32.msk $0xffff, v61  }
0x10b: {  	[tilespmem:v3+s22+$0x0] =	vst.idx.add.f32.msk $0xffff, v60  }
0x10c: {  	[tilespmem:v2+s16+$0x0] =	vst.idx.add.f32.msk $0xffff, v63  }
0x10d: {  	[tilespmem:v2+s18+$0x0] =	vst.idx.add.f32.msk $0xffff, v1  }
0x10e: {  	[tilespmem:v2+s20+$0x0] =	vst.idx.add.f32.msk $0xffff, v13  }
0x10f: {  	[tilespmem:v2+s22+$0x0] =	vst.idx.add.f32.msk $0xffff, v15  }
0x110: {  	v7 =	vld [tilespmem:s24+$0x16040]  }
0x111: {  	v5 =	vld [tilespmem:s24+$0x16050]  }
0x112: {  	v6 =	vld [tilespmem:s24+$0x16060]  }
0x113: {  	v13 =	vld [tilespmem:s24+$0x16070]  }
0x114: {  	v0 =	vld [tilespmem:s24+$0x1A070]  }
0x115: {  	v1 =	vld [tilespmem:s24+$0x1A060]  }
0x116: {  	v2 =	vld [tilespmem:s24+$0x1A050]  }
0x117: {  	v8 =	vld [tilespmem:s24+$0x1A040]  }
0x118: {  	v11 =	vld.idx.msk [tilespmem:v7+s3+$0x0], $0xffff  }
0x119: {  	v12 =	vld.idx.msk [tilespmem:v7+s17+$0x0], $0xffff  }
0x11a: {  	v4 =	vld.idx.msk [tilespmem:v6+s3+$0x0], $0xffff  }
0x11b: {  	v9 =	vld.idx.msk [tilespmem:v5+s21+$0x0], $0xffff  }
0x11c: {  	v10 =	vld.idx.msk [tilespmem:v5+s19+$0x0], $0xffff  }
0x11d: {  	s0 =	simm.s32 $0x200;
	v3 =	vld.idx.msk [tilespmem:v13+s19+$0x0], $0xffff  }
.LBB2_5:
0x11e: {  	s1 =	sshra.s32 s0, $0x2;
	p0 =	sne.s32 s0, $0x7E00;
	s0 =	sadd.s32 $0x200, s0;
	v14 =	vld.idx.msk [tilespmem:v13+s17+$0x0], $0xffff  }
0x11f: {  	v15 =	vld.idx.msk [tilespmem:v13+s3+$0x0], $0xffff  }
0x120: {  	v16 =	vld.idx.msk [tilespmem:v5+s17+$0x0], $0xffff  }
0x121: {  	v17 =	vld.idx.msk [tilespmem:v6+s17+$0x0], $0xffff  }
0x122: {  	v13 =	vld.idx.msk [tilespmem:v13+s21+$0x0], $0xffff  }
0x123: {  	v18 =	vld.idx.msk [tilespmem:v6+s19+$0x0], $0xffff  }
0x124: {  	v19 =	vld.idx.msk [tilespmem:v7+s19+$0x0], $0xffff  }
0x125: {  	v7 =	vld.idx.msk [tilespmem:v7+s21+$0x0], $0xffff  }
0x126: {  	v5 =	vld.idx.msk [tilespmem:v5+s3+$0x0], $0xffff  }
0x127: {  	v6 =	vld.idx.msk [tilespmem:v6+s21+$0x0], $0xffff  }
0x128: {  	[tilespmem:v8+s16+$0x0] =	vst.idx.add.f32.msk $0xffff, v11  }
0x129: {  	[tilespmem:v8+s18+$0x0] =	vst.idx.add.f32.msk $0xffff, v12  }
0x12a: {  	[tilespmem:v8+s20+$0x0] =	vst.idx.add.f32.msk $0xffff, v19  }
0x12b: {  	[tilespmem:v8+s22+$0x0] =	vst.idx.add.f32.msk $0xffff, v7  }
0x12c: {  	[tilespmem:v2+s16+$0x0] =	vst.idx.add.f32.msk $0xffff, v5  }
0x12d: {  	[tilespmem:v2+s18+$0x0] =	vst.idx.add.f32.msk $0xffff, v16  }
0x12e: {  	[tilespmem:v2+s20+$0x0] =	vst.idx.add.f32.msk $0xffff, v10  }
0x12f: {  	[tilespmem:v2+s22+$0x0] =	vst.idx.add.f32.msk $0xffff, v9  }
0x130: {  	[tilespmem:v1+s16+$0x0] =	vst.idx.add.f32.msk $0xffff, v4  }
0x131: {  	[tilespmem:v1+s18+$0x0] =	vst.idx.add.f32.msk $0xffff, v17  }
0x132: {  	[tilespmem:v1+s20+$0x0] =	vst.idx.add.f32.msk $0xffff, v18  }
0x133: {  	[tilespmem:v1+s22+$0x0] =	vst.idx.add.f32.msk $0xffff, v6  }
0x134: {  	[tilespmem:v0+s16+$0x0] =	vst.idx.add.f32.msk $0xffff, v15  }
0x135: {  	[tilespmem:v0+s18+$0x0] =	vst.idx.add.f32.msk $0xffff, v14  }
0x136: {  	[tilespmem:v0+s20+$0x0] =	vst.idx.add.f32.msk $0xffff, v3  }
0x137: {  	[tilespmem:v0+s22+$0x0] =	vst.idx.add.f32.msk $0xffff, v13  }
0x138: {  	v0 =	vld [tilespmem:s1+$0x16000]  }
0x139: {  	v1 =	vld [tilespmem:s1+$0x16030]  }
0x13a: {  	v2 =	vld [tilespmem:s1+$0x1A030]  }
0x13b: {  	v3 =	vld [tilespmem:s1+$0x1A020]  }
0x13c: {  	v4 =	vld [tilespmem:s1+$0x16010]  }
0x13d: {  	v5 =	vld [tilespmem:s1+$0x1A010]  }
0x13e: {  	v6 =	vld [tilespmem:s1+$0x1A000]  }
0x13f: {  	v7 =	vld [tilespmem:s1+$0x16020]  }
0x140: {  	v8 =	vld.idx.msk [tilespmem:v0+s21+$0x0], $0xffff  }
0x141: {  	v9 =	vld.idx.msk [tilespmem:v0+s17+$0x0], $0xffff  }
0x142: {  	v10 =	vld.idx.msk [tilespmem:v0+s19+$0x0], $0xffff  }
0x143: {  	v0 =	vld.idx.msk [tilespmem:v0+s3+$0x0], $0xffff  }
0x144: {  	v11 =	vld.idx.msk [tilespmem:v4+s21+$0x0], $0xffff  }
0x145: {  	v12 =	vld.idx.msk [tilespmem:v4+s19+$0x0], $0xffff  }
0x146: {  	v13 =	vld.idx.msk [tilespmem:v1+s19+$0x0], $0xffff  }
0x147: {  	v14 =	vld.idx.msk [tilespmem:v4+s3+$0x0], $0xffff  }
0x148: {  	v4 =	vld.idx.msk [tilespmem:v4+s17+$0x0], $0xffff  }
0x149: {  	v15 =	vld.idx.msk [tilespmem:v1+s21+$0x0], $0xffff  }
0x14a: {  	v16 =	vld.idx.msk [tilespmem:v7+s21+$0x0], $0xffff  }
0x14b: {  	v17 =	vld.idx.msk [tilespmem:v7+s19+$0x0], $0xffff  }
0x14c: {  	v18 =	vld.idx.msk [tilespmem:v7+s3+$0x0], $0xffff  }
0x14d: {  	v19 =	vld.idx.msk [tilespmem:v1+s3+$0x0], $0xffff  }
0x14e: {  	v1 =	vld.idx.msk [tilespmem:v1+s17+$0x0], $0xffff  }
0x14f: {  	v7 =	vld.idx.msk [tilespmem:v7+s17+$0x0], $0xffff  }
0x150: {  	[tilespmem:v6+s16+$0x0] =	vst.idx.add.f32.msk $0xffff, v0  }
0x151: {  	[tilespmem:v6+s18+$0x0] =	vst.idx.add.f32.msk $0xffff, v9  }
0x152: {  	[tilespmem:v6+s20+$0x0] =	vst.idx.add.f32.msk $0xffff, v10  }
0x153: {  	[tilespmem:v6+s22+$0x0] =	vst.idx.add.f32.msk $0xffff, v8  }
0x154: {  	[tilespmem:v5+s16+$0x0] =	vst.idx.add.f32.msk $0xffff, v14  }
0x155: {  	[tilespmem:v5+s18+$0x0] =	vst.idx.add.f32.msk $0xffff, v4  }
0x156: {  	[tilespmem:v5+s20+$0x0] =	vst.idx.add.f32.msk $0xffff, v12  }
0x157: {  	[tilespmem:v5+s22+$0x0] =	vst.idx.add.f32.msk $0xffff, v11  }
0x158: {  	[tilespmem:v3+s16+$0x0] =	vst.idx.add.f32.msk $0xffff, v18  }
0x159: {  	[tilespmem:v3+s18+$0x0] =	vst.idx.add.f32.msk $0xffff, v7  }
0x15a: {  	[tilespmem:v3+s20+$0x0] =	vst.idx.add.f32.msk $0xffff, v17  }
0x15b: {  	[tilespmem:v3+s22+$0x0] =	vst.idx.add.f32.msk $0xffff, v16  }
0x15c: {  	[tilespmem:v2+s16+$0x0] =	vst.idx.add.f32.msk $0xffff, v19  }
0x15d: {  	[tilespmem:v2+s18+$0x0] =	vst.idx.add.f32.msk $0xffff, v1  }
0x15e: {  	[tilespmem:v2+s20+$0x0] =	vst.idx.add.f32.msk $0xffff, v13  }
0x15f: {  	[tilespmem:v2+s22+$0x0] =	vst.idx.add.f32.msk $0xffff, v15  }
0x160: {  	v7 =	vld [tilespmem:s1+$0x16040]  }
0x161: {  	v5 =	vld [tilespmem:s1+$0x16050]  }
0x162: {  	v6 =	vld [tilespmem:s1+$0x16060]  }
0x163: {  	v13 =	vld [tilespmem:s1+$0x16070]  }
0x164: {  	v0 =	vld [tilespmem:s1+$0x1A070]  }
0x165: {  	v1 =	vld [tilespmem:s1+$0x1A060]  }
0x166: {  	v2 =	vld [tilespmem:s1+$0x1A050]  }
0x167: {  	v8 =	vld [tilespmem:s1+$0x1A040]  }
0x168: {  	v11 =	vld.idx.msk [tilespmem:v7+s3+$0x0], $0xffff  }
.Ltmp1:
0x169: {  	v12 =	vld.idx.msk [tilespmem:v7+s17+$0x0], $0xffff;
	(pc) =	sbr.rel @p0 .LBB2_5-.Ltmp1, $4  }
0x16a: {  	v4 =	vld.idx.msk [tilespmem:v6+s3+$0x0], $0xffff  }
0x16b: {  	v9 =	vld.idx.msk [tilespmem:v5+s21+$0x0], $0xffff  }
0x16c: {  	v10 =	vld.idx.msk [tilespmem:v5+s19+$0x0], $0xffff  }
0x16d: {  	v3 =	vld.idx.msk [tilespmem:v13+s19+$0x0], $0xffff  }
0x16e: {  	_ =	sdelay $0x3  }
0x16f: {  	v14 =	vld.idx.msk [tilespmem:v13+s17+$0x0], $0xffff  }
0x170: {  	v15 =	vld.idx.msk [tilespmem:v13+s3+$0x0], $0xffff  }
0x171: {  	v16 =	vld.idx.msk [tilespmem:v5+s17+$0x0], $0xffff  }
0x172: {  	v17 =	vld.idx.msk [tilespmem:v6+s17+$0x0], $0xffff  }
0x173: {  	v60 =	vld.idx.msk [tilespmem:v13+s21+$0x0], $0xffff  }
0x174: {  	v18 =	vld.idx.msk [tilespmem:v6+s19+$0x0], $0xffff  }
0x175: {  	v19 =	vld.idx.msk [tilespmem:v7+s19+$0x0], $0xffff  }
0x176: {  	v61 =	vld.idx.msk [tilespmem:v7+s21+$0x0], $0xffff  }
0x177: {  	v62 =	vld.idx.msk [tilespmem:v5+s3+$0x0], $0xffff  }
0x178: {  	v63 =	vld.idx.msk [tilespmem:v6+s21+$0x0], $0xffff  }
0x179: {  	[tilespmem:v8+s16+$0x0] =	vst.idx.add.f32.msk $0xffff, v11  }
0x17a: {  	[tilespmem:v8+s18+$0x0] =	vst.idx.add.f32.msk $0xffff, v12  }
0x17b: {  	[tilespmem:v8+s20+$0x0] =	vst.idx.add.f32.msk $0xffff, v19  }
0x17c: {  	[tilespmem:v8+s22+$0x0] =	vst.idx.add.f32.msk $0xffff, v61  }
0x17d: {  	[tilespmem:v2+s16+$0x0] =	vst.idx.add.f32.msk $0xffff, v62  }
0x17e: {  	[tilespmem:v2+s18+$0x0] =	vst.idx.add.f32.msk $0xffff, v16  }
0x17f: {  	[tilespmem:v2+s20+$0x0] =	vst.idx.add.f32.msk $0xffff, v10  }
0x180: {  	[tilespmem:v2+s22+$0x0] =	vst.idx.add.f32.msk $0xffff, v9  }
0x181: {  	[tilespmem:v1+s16+$0x0] =	vst.idx.add.f32.msk $0xffff, v4  }
0x182: {  	s31 =	sadd.s32 $0x1, s31;
	[tilespmem:v1+s18+$0x0] =	vst.idx.add.f32.msk $0xffff, v17  }
0x183: {  	p0 =	sne.s32 s31, $0x14;
	[tilespmem:v1+s20+$0x0] =	vst.idx.add.f32.msk $0xffff, v18  }
.Ltmp2:
0x184: {  	[tilespmem:v1+s22+$0x0] =	vst.idx.add.f32.msk $0xffff, v63;
	(pc) =	sbr.rel @p0 .LBB2_2-.Ltmp2, $4  }
0x185: {  	[tilespmem:v0+s16+$0x0] =	vst.idx.add.f32.msk $0xffff, v15  }
0x186: {  	[tilespmem:v0+s18+$0x0] =	vst.idx.add.f32.msk $0xffff, v14  }
0x187: {  	[tilespmem:v0+s20+$0x0] =	vst.idx.add.f32.msk $0xffff, v3  }
0x188: {  	[tilespmem:v0+s22+$0x0] =	vst.idx.add.f32.msk $0xffff, v60  }
0x189: {  	[hbm4b:s10+s3] =	stream.linear.scatter [tilespmem:s16], [sflag:$0x3], $0x2800, $0x38;
	[tilespmem:$0x1C000] =	vst v63  }
0x18a: {  	_ =	swait.ge [sflag:s15], $0x2800  }
0x18b: {  	[sflag:s15] =	ssyncset.done $0x0  }
0x18c: {  	[sflag:s15] =	ssyncadd.s32 $0xFFFFD800  }
0x18d: {  	[hbm4b:s11+s3] =	stream.linear.scatter [tilespmem:s18], [sflag:$0x3], $0x2800, $0x38;
	[tilespmem:$0x1C000] =	vst v63  }
0x18e: {  	_ =	swait.ge [sflag:s15], $0x2800  }
0x18f: {  	[sflag:s15] =	ssyncset.done $0x0  }
0x190: {  	[sflag:s15] =	ssyncadd.s32 $0xFFFFD800  }
0x191: {  	[hbm4b:s12+s3] =	stream.linear.scatter [tilespmem:s20], [sflag:$0x3], $0x2800, $0x38;
	[tilespmem:$0x1C000] =	vst v63  }
0x192: {  	s30 =	sadd.s32 $0x1, s30;
	_ =	swait.ge [sflag:s15], $0x2800  }
0x193: {  	p0 =	sne.s32 s30, s14;
	[sflag:s15] =	ssyncset.done $0x0  }
.Ltmp3:
0x194: {  	[sflag:s15] =	ssyncadd.s32 $0xFFFFD800;
	(pc) =	sbr.rel @p0 .LBB2_1-.Ltmp3, $4  }
0x195: {  	[hbm4b:s13+s3] =	stream.linear.scatter [tilespmem:s22], [sflag:$0x3], $0x2800, $0x38;
	[tilespmem:$0x1C000] =	vst v63  }
0x196: {  	_ =	swait.ge [sflag:s15], $0x2800  }
0x197: {  	[sflag:s15] =	ssyncset.done $0x0  }
0x198: {  	[sflag:s15] =	ssyncadd.s32 $0xFFFFD800  }
0x199: {  	_ =	sfence.sel $0x180000  }
0x19a: {  	[bflag:$0x0] =	sbarrier.arrive $0xFFFF  }
0x19b: {  	_ =	strace $0x90000056  }
0x19c: {  	s0 =	stileid.u32;
	[bflag:$0x2] =	sbarrier.arrive $0xFFFF  }
0x19d: {  	p0 =	sne.s32 s0, $0x0;
	s0 =	rddreg [dreg:$0x2]  }
0x19e: {  	s0 =	sadd.s32 @!p0 $0x100000, s0  }
0x19f: {  	[sflag:s0] =	ssyncadd.tile.s32 @!p0 $0x1;
	_ =	shalt  }
.Lfunc_end2:
_tile_overlayer_lowered:
.L_overlay_start_2:
0x1a0: {  	(tag) =	ssettag $0x2  }
0x1a1: {  	s0 =	rddreg [dreg:$0x0];
	s2 =	stileid.u32  }
0x1a2: {  	s1 =	rddreg [dreg:$0x1];
	p0 =	sne.s32 s2, $0x0  }
0x1a3: {  	s3 =	rddreg [dreg:$0x2];
	[bflag:$0x3] =	sbarrier.arrive $0xFFFF;
	s2 =	simm.s32 @!p0 $0x1C03  }
0x1a4: {  	[timem:s3], [sflag:s2] =	dma.local @!p0 [hbm:s0], s1  }
0x1a5: {  	s0 =	simm.s32 @!p0 $0x3  }
0x1a6: {  	_ =	swait.ge @!p0 [sflag:s0], s1  }
0x1a7: {  	s1 =	ssub.s32 @!p0 $0x0, s1;
	[sflag:s0] =	ssyncset.done @!p0 $0x0  }
0x1a8: {  	[sflag:s0] =	ssyncadd.s32 @!p0 s1  }
0x1a9: {  	[bflag:$0x3] =	sbarrier.arrive $0xFFFF  }
0x1aa: {  	_ =	shalt  }

// kernel: kernel.26.cloned.1.call-start
scs
__scs_entry_jumppad:
0x0: {  	(pc) =	sbr.rel $0x88, $3  }
0x1: {  	(tag) =	ssettag $0x0;
	lr =	simm.s32 $0x1  }
0x2: {  	[smem:$0x3F99] =	sst lr;
	_ =	strace $0xD0000000  }
0x3: {  	_ = 	snop  }
0x4: {  	_ = 	snop  }
0x5: {  	_ = 	snop  }
0x6: {  	_ = 	snop  }
0x7: {  	_ = 	snop  }
__scs_overlays_trampoline_lowered:
0x8: {  	[smem:$0x3FA8] =	sst s0  }
0x9: {  	[smem:$0x3FA9] =	sst s1  }
0xa: {  	[smem:$0x3FAA] =	sst s2  }
0xb: {  	[smem:$0x3FAB] =	sst s3  }
0xc: {  	[smem:$0x3FAC] =	sst s4  }
0xd: {  	[smem:$0x3FAD] =	sst s5  }
0xe: {  	[smem:$0x3FAE] =	sst s6  }
0xf: {  	[smem:$0x3FAF] =	sst s7  }
0x10: {  	[smem:$0x3FB0] =	sst s8  }
0x11: {  	[smem:$0x3FB1] =	sst s9;
	s0 =	simm.s32 @!p0 $0x0  }
0x12: {  	s1 =	sld [smem:$0x3F97];
	s0 =	simm.s32 @p0 $0x1  }
0x13: {  	[smem:$0x3FB2] =	sst s0;
	s0 =	simm.s32 @!p1 $0x0  }
0x14: {  	s2 =	sld [smem:$0x3F96];
	s0 =	simm.s32 @p1 $0x1  }
0x15: {  	[smem:$0x3FB3] =	sst s0;
	s0 =	simm.s32 @!p2 $0x0  }
0x16: {  	s3 =	sld [smem:$0x3FDB];
	s0 =	simm.s32 @p2 $0x1  }
0x17: {  	s4 =	simm.s32 $0x1BF5;
	[smem:$0x3FB5] =	sst s0  }
0x18: {  	s0 =	sld [smem:$0x3F98];
	_ =	swait.ge [sflag:s4], $0x0  }
0x19: {  	s7 =	sld [smem:$0x3F99]  }
0x1a: {  	s8 =	sadd.s32 $0xFFFFE003, lr  }
0x1b: {  	s9 =	sadd.s32 $0xFFFFFEF7, lr;
	s5 =	simm.s32 $0xFFFFFFFF;
	p2 =	slt.u32 s8, $0xFFFFF086  }
0x1c: {  	p1 =	slt.u32 s9, $0xF7A;
	s5 =	simm.s32 @!p2 $0x0  }
0x1d: {  	s5 =	simm.s32 @p1 $0x1;
	p0 =	seq.s32 s7, s2  }
0x1e: {  	s7 =	smul.u32 @!p0 $0xF7A, s2;
	p2 =	seq.s32 @!p0 s5, $0x0  }
0x1f: {  	s9 =	smul.u32 $0xF7A, s1;
	s8 =	simm.s32 @!p0 $0x1BF5;
	p2 =	por !p2, p0  }
0x20: {  	[sflag:s8] =	ssyncset.s32 @!p0 $0xFFFFF086;
	s6 =	sadd.s32 @!p0 s3, s7;
	s7 =	simm.s32 @!p0 $0x108  }
0x21: {  	s3 =	sadd.s32 s3, s9;
	s6 =	sadd.s32 @!p0 $0x88, s6;
	s7 =	simm.s32 @p2 $0x1082  }
0x22: {  	[simem:s7], [sflag:s8] =	dma.local @!p0 [hbm:s6], $0xF7A  }
0x23: {  	s9 =	sor.u32 $0xD0000000, s2;
	s6 =	simm.s32 $0x108;
	_ =	swait.ge @!p0 [sflag:s8], $0x0  }
0x24: {  	s3 =	sadd.s32 $0x88, s3;
	s6 =	simm.s32 @!p1 $0x1082;
	[sflag:s4] =	ssyncset.s32 $0xFFFFF086  }
0x25: {  	[simem:s6], [sflag:s4] =	dma.local [hbm:s3], $0xF7A  }
0x26: {  	[smem:$0x3F99] =	sst s1;
	(tag) =	ssettag s2;
	_ =	strace s9  }
0x27: {  	s1 =	sld [smem:$0x3FA9]  }
0x28: {  	s2 =	sld [smem:$0x3FAA]  }
0x29: {  	s4 =	sld [smem:$0x3FAC]  }
0x2a: {  	p0 =	seq.s32 s5, $0x0;
	s5 =	sld [smem:$0x3FAD]  }
0x2b: {  	s6 =	sld [smem:$0x3FAE]  }
0x2c: {  	s7 =	sld [smem:$0x3FAF]  }
0x2d: {  	s3 =	simm.s32 $0x108;
	s8 =	sld [smem:$0x3FB0]  }
0x2e: {  	s3 =	simm.s32 @!p0 $0x1082;
	s9 =	sld [smem:$0x3FB1]  }
0x2f: {  	lr =	sadd.s32 s0, s3;
	s0 =	sld [smem:$0x3FA8]  }
0x30: {  	s3 =	sld [smem:$0x3FAB]  }
0x31: {  	[smem:$0x3FB4] =	sst s10  }
0x32: {  	s10 =	sld [smem:$0x3FB2];
	_ =	sdelay $0x3  }
0x33: {  	p0 =	seq.s32 s10, $0x1;
	s10 =	sld [smem:$0x3FB4];
	_ =	sdelay $0x3  }
0x34: {  	[smem:$0x3FB4] =	sst s10  }
0x35: {  	s10 =	sld [smem:$0x3FB3];
	_ =	sdelay $0x3  }
0x36: {  	p1 =	seq.s32 s10, $0x1;
	s10 =	sld [smem:$0x3FB4];
	_ =	sdelay $0x3  }
0x37: {  	[smem:$0x3FB4] =	sst s10  }
0x38: {  	s10 =	sld [smem:$0x3FB5]  }
0x39: {  	_ = 	snop;
	(pc) =	sbr.ind lr, $3  }
0x3a: {  	_ = 	snop  }
0x3b: {  	_ = 	snop  }
0x3c: {  	p2 =	seq.s32 s10, $0x1;
	s10 =	sld [smem:$0x3FB4]  }
0x3d: {  	_ =	shalt  }
0x3e: {  	_ =	shalt  }
0x3f: {  	_ =	shalt  }
0x40: {  	_ =	shalt  }
0x41: {  	_ =	shalt  }
0x42: {  	_ =	shalt  }
0x43: {  	_ =	shalt  }
0x44: {  	_ =	shalt  }
0x45: {  	_ =	shalt  }
0x46: {  	_ =	shalt  }
0x47: {  	_ =	shalt  }
0x48: {  	_ =	shalt  }
0x49: {  	_ =	shalt  }
0x4a: {  	_ =	shalt  }
0x4b: {  	_ =	shalt  }
0x4c: {  	_ =	shalt  }
0x4d: {  	_ =	shalt  }
0x4e: {  	_ =	shalt  }
0x4f: {  	_ =	shalt  }
0x50: {  	_ =	shalt  }
0x51: {  	_ =	shalt  }
0x52: {  	_ =	shalt  }
0x53: {  	_ =	shalt  }
0x54: {  	_ =	shalt  }
0x55: {  	_ =	shalt  }
0x56: {  	_ =	shalt  }
0x57: {  	_ =	shalt  }
0x58: {  	_ =	shalt  }
0x59: {  	_ =	shalt  }
0x5a: {  	_ =	shalt  }
0x5b: {  	_ =	shalt  }
0x5c: {  	_ =	shalt  }
0x5d: {  	_ =	shalt  }
0x5e: {  	_ =	shalt  }
0x5f: {  	_ =	shalt  }
0x60: {  	_ =	shalt  }
0x61: {  	_ =	shalt  }
0x62: {  	_ =	shalt  }
0x63: {  	_ =	shalt  }
0x64: {  	_ =	shalt  }
0x65: {  	_ =	shalt  }
0x66: {  	_ =	shalt  }
0x67: {  	_ =	shalt  }
0x68: {  	_ =	shalt  }
0x69: {  	_ =	shalt  }
0x6a: {  	_ =	shalt  }
0x6b: {  	_ =	shalt  }
0x6c: {  	_ =	shalt  }
0x6d: {  	_ =	shalt  }
0x6e: {  	_ =	shalt  }
0x6f: {  	_ =	shalt  }
0x70: {  	_ =	shalt  }
0x71: {  	_ =	shalt  }
0x72: {  	_ =	shalt  }
0x73: {  	_ =	shalt  }
0x74: {  	_ =	shalt  }
0x75: {  	_ =	shalt  }
0x76: {  	_ =	shalt  }
0x77: {  	_ =	shalt  }
0x78: {  	_ =	shalt  }
0x79: {  	_ =	shalt  }
0x7a: {  	_ =	shalt  }
0x7b: {  	_ =	shalt  }
0x7c: {  	_ =	shalt  }
0x7d: {  	_ =	shalt  }
0x7e: {  	_ =	shalt  }
0x7f: {  	_ =	shalt  }
0x80: {  	_ =	shalt  }
0x81: {  	_ =	shalt  }
0x82: {  	_ =	shalt  }
0x83: {  	_ =	shalt  }
0x84: {  	_ =	shalt  }
0x85: {  	_ =	shalt  }
0x86: {  	_ =	shalt  }
0x87: {  	_ =	shalt  }
.Lfunc_end0:
.L_simem_size_0:
called_computation.4_lowered:
.L_overlay_start_0:
0x88: {  	s2 =	sld [smem:$0x3FD9]  }
0x89: {  	s3 =	sld [smem:$0x3FFE];
	_ =	sdelay $0x1  }
0x8a: {  	s1 =	srdreg.scid  }
0x8b: {  	s0 =	sand.u32 $0x1, s1  }
0x8c: {  	s15 =	sshll.u32 s0, $0xA;
	s2 =	sadd.s32 s3, s2  }
0x8d: {  	s2 =	sadd.s32 s2, s15  }
0x8e: {  	[smem:$0x3FC0] =	sst s2  }
0x8f: {  	_ = 	snop  }
0x90: {  	s2 =	sld [smem:$0x3FD0];
	_ =	sdelay $0x2  }
0x91: {  	s16 =	simm.s32 $0xB;
	s4 =	simm.s32 $0x10  }
0x92: {  	[smem:s4], [sflag:s16] =	dma.local [hbm:s2], $0x1  }
0x93: {  	_ =	swait.eq [sflag:s16], $0x1  }
0x94: {  	[sflag:s16] =	ssyncset.done $0x0  }
0x95: {  	[sflag:s16] =	ssyncadd.s32 $0xFFFFFFFF  }
0x96: {  	s17 =	sld [smem:$0x11];
	(tm) =	ssettm $0x1  }
0x97: {  	s18 =	sld [smem:$0x3FFB];
	_ =	sdelay $0x3  }
0x98: {  	_ =	strace s18  }
0x99: {  	s2 =	sld [smem:$0x3FFC];
	_ =	sdelay $0x3  }
0x9a: {  	_ =	strace s2  }
0x9b: {  	s2 =	sld [smem:$0x3FFD];
	_ =	sdelay $0x3  }
0x9c: {  	_ =	strace s2  }
0x9d: {  	_ =	strace $0x8FFFFFFF  }
0x9e: {  	s19 =	sld [smem:$0x3FDB];
	_ =	sdelay $0x1  }
0x9f: {  	s20 =	simm.s32 $_scs_section_size  }
0xa0: {  	s5 =	simm.s32 $_size__tile_overlayer_lowered;
	s6 =	simm.s32 $_tile_overlayer_lowered  }
0xa1: {  	s7 =	simm.s32 $0x1BFF;
	s21 =	sshll.u32 s6, $0x1;
	s4 =	sadd.s32 s20, s19  }
0xa2: {  	s22 =	simm.s32 $0x0;
	s5 =	sshll.u32 s5, $0x1;
	s6 =	sadd.s32 s21, s4  }
0xa3: {  	[timem:s22], [sflag:s7] =	dma.local [hbm:s6], s5  }
0xa4: {  	_ =	swait.ge [sflag:s7], s5  }
0xa5: {  	s5 =	ssub.s32 $0x0, s5;
	[sflag:s7] =	ssyncset.done $0x0  }
0xa6: {  	[sflag:s7] =	ssyncadd.s32 s5;
	_ =	sdelay $0x1  }
0xa7: {  	s23 =	simm.s32 $0x1B8B  }
0xa8: {  	_ =	swait.ge [sflag:s23], $0x1  }
0xa9: {  	[sflag:s23] =	ssyncset.done $0x0  }
0xaa: {  	[sflag:s23] =	ssyncadd.s32 $0xFFFFFFFF  }
0xab: {  	s5 =	sld [smem:$0x0]  }
0xac: {  	s6 =	sand.u32 $0xFFFFFFFE, s1  }
0xad: {  	p0 =	sne.s32 s1, s6  }
0xae: {  	s6 =	sshll.u32 @p0 s6, $0xE  }
0xaf: {  	s6 =	sadd.s32 @p0 $0x11B8D, s6;
	s7 =	sshll.u32 @p0 s5, $0x11  }
0xb0: {  	s6 =	sor.u32 @p0 s7, s6  }
0xb1: {  	[sflag:s6] =	ssyncadd.remote.s32 @p0 $0x1;
	_ =	sdelay $0x1  }
0xb2: {  	s6 =	simm.s32 @p0 $0x1B8D  }
0xb3: {  	_ =	swait.eq @p0 [sflag:s6], $0x1  }
0xb4: {  	[sflag:s6] =	ssyncadd.s32 @p0 $0xFFFFFFFF  }
0xb5: {  	s7 =	sshll.u32 @!p0 s1, $0xE  }
0xb6: {  	s7 =	sor.u32 @!p0 $0x4000, s7;
	s6 =	simm.s32 @!p0 $0x1B8D  }
0xb7: {  	s5 =	sshll.u32 @!p0 s5, $0x11;
	s7 =	sadd.s32 @!p0 $0x11B8D, s7;
	_ =	swait.eq @!p0 [sflag:s6], $0x1  }
0xb8: {  	s5 =	sor.u32 @!p0 s5, s7;
	[sflag:s6] =	ssyncadd.s32 @!p0 $0xFFFFFFFF  }
0xb9: {  	s25 =	simm.s32 $0x1B8E;
	s24 =	sld [smem:$0x3FFE];
	[sflag:s5] =	ssyncadd.remote.s32 @!p0 $0x1  }
0xba: {  	s26 =	simm.s32 $execute0_lowered;
	[smem:$0x3FD2] =	sst s25  }
0xbb: {  	s6 =	sshll.u32 s26, $0x1;
	_ =	strace $0x8000004C;
	[dreg:$0x1] =	wrdreg $0xFFFFFFFF  }
0xbc: {  	s28 =	simm.s32 $_size_execute0_lowered;
	s4 =	sadd.s32 s4, s6;
	[dreg:$0x0] =	wrdreg $0x0  }
0xbd: {  	s6 =	sshll.u32 s28, $0x1;
	[dreg:$0x2] =	wrdreg s4  }
0xbe: {  	[dreg:$0x3] =	wrdreg s6  }
0xbf: {  	[dreg:$0x4] =	wrdreg $0xC0  }
0xc0: {  	_ =	task [dreg:s22], $0x5FFFF  }
0xc1: {  	[dreg:$0x1] =	wrdreg $0xFFFFFFFF  }
0xc2: {  	[dreg:$0x0] =	wrdreg $0x60  }
0xc3: {  	[dreg:$0x2] =	wrdreg s24  }
0xc4: {  	[dreg:$0x3] =	wrdreg s17  }
0xc5: {  	[dreg:$0x4] =	wrdreg $0xA  }
0xc6: {  	_ =	task.clear_ibuf [dreg:s22], $0x5FFFF;
	_ =	strace $0x9000004C  }
0xc7: {  	s29 =	simm.s32 $0xA;
	_ =	strace $0x8000004E  }
0xc8: {  	_ =	swait.ge [sflag:s29], $0x1  }
0xc9: {  	[sflag:s29] =	ssyncadd.s32 $0xFFFFFFFF  }
0xca: {  	_ =	strace $0x9000004E  }
0xcb: {  	_ =	sfence  }
0xcc: {  	s30 =	sld [smem:$0x0];
	_ =	sdelay $0x2  }
0xcd: {  	s31 =	sshll.u32 s1, $0xD;
	s1 =	sshrl.u32 s1, $0x2  }
0xce: {  	s4 =	sand.u32 $0x4000, s31;
	s1 =	sadd.s32 s1, s30  }
0xcf: {  	s0 =	sor.u32 s4, s0;
	s1 =	sshll.u32 s1, $0x11  }
0xd0: {  	s0 =	sor.u32 s1, s0  }
0xd1: {  	s0 =	sadd.s32 $0x8F2B, s0  }
0xd2: {  	[sflag:s0] =	ssyncadd.remote.s32 $0x1  }
0xd3: {  	_ =	sfence.sel $0xFFFF  }
0xd4: {  	[dreg:$0x0] =	wrdreg $0xFFFFFFFF;
	(pc) =	sbr.abs _section_cstart, $3  }
0xd5: {  	[dreg:$0x1] =	wrdreg $0xFFFFFFFF  }
0xd6: {  	_ =	task.clear_ibuf [dreg:s22], $0x2FFFF;
	_ =	strace $0x9FFFFFFF  }
0xd7: {  	(tm) =	ssettm $0x7FFFFFFF  }
tec
execute0_lowered:
.L_overlay_start_1:
0x0: {  	(tag) =	ssettag $0x1  }
0x1: {  	s0 =	rddreg [dreg:$0x0]  }
0x2: {  	s2 =	rddreg [dreg:$0x1];
	s1 =	srdreg.scid;
	s3 =	simm.s32 $0x0  }
0x3: {  	s4 =	stileid.u32;
	s15 =	simm.s32 $0x3;
	s16 =	simm.s32 $0xA000  }
0x4: {  	s17 =	simm.s32 $0x2800;
	s18 =	simm.s32 $0xC800;
	s19 =	simm.s32 $0x5000  }
0x5: {  	s20 =	simm.s32 $0xF000;
	s21 =	simm.s32 $0x7800;
	s22 =	simm.s32 $0x11800  }
0x6: {  	s25 =	simm.s32 $0x1;
	s26 =	simm.s32 $0x16000;
	s28 =	simm.s32 $0x1A000  }
0x7: {  	s29 =	simm.s32 $0x2;
	s30 =	simm.s32 $0x0;
	s1 =	sand.u32 $0x1, s1  }
0x8: {  	[smem:$0x7FF] =	sst s3;
	s4 =	sshll.u32 s4, $0x3;
	s5 =	sshll.u32 s1, $0x2  }
0x9: {  	s9 =	sadd.s32 $0x20A00, s0;
	_ =	strace $0x8000004D;
	s6 =	sor.u32 s5, s4  }
0xa: {  	s1 =	ssub.s32 $0x2, s1;
	s4 =	sadd.s32 $0x16A00, s0;
	s7 =	smul.u32 $0x2800, s6  }
0xb: {  	s5 =	sadd.s32 $0x2400, s0;
	s8 =	sshrl.u32 s1, $0x1;
	s10 =	smul.u32 $0x500, s6  }
0xc: {  	s0 =	sadd.s32 $0x48A00, s0;
	s1 =	ssub.s32 s1, s8;
	s11 =	sshrl.u32 s7, $0x3  }
0xd: {  	s6 =	sadd.s32 s9, s10;
	s10 =	sadd.s32 s0, s10;
	s12 =	sadd.s32 $0x500, s11  }
0xe: {  	s13 =	sadd.s32 $0xA00, s11;
	s14 =	sadd.s32 $0xF00, s11;
	s7 =	sadd.s32 s9, s12  }
0xf: {  	s8 =	sadd.s32 s9, s13;
	s9 =	sadd.s32 s9, s14;
	s11 =	sadd.s32 s0, s12  }
0x10: {  	s12 =	sadd.s32 s0, s13;
	s13 =	sadd.s32 s0, s14;
	s14 =	smax.u32 s1, $0x1  }
.LBB2_1:
0x11: {  	[tilespmem:s3], [sflag:$0x3] =	stream.linear.gather [hbm4b:s6+s3], $0x2800, $0x38;
	[tilespmem:$0x1C000] =	vst v63  }
0x12: {  	_ =	swait.ge [sflag:s15], $0x2800  }
0x13: {  	[sflag:s15] =	ssyncset.done $0x0  }
0x14: {  	[sflag:s15] =	ssyncadd.s32 $0xFFFFD800  }
0x15: {  	[tilespmem:s16], [sflag:$0x3] =	stream.linear.gather [hbm4b:s5+s3], $0x2800, $0x38;
	[tilespmem:$0x1C000] =	vst v63  }
0x16: {  	_ =	swait.ge [sflag:s15], $0x2800  }
0x17: {  	[sflag:s15] =	ssyncset.done $0x0  }
0x18: {  	[sflag:s15] =	ssyncadd.s32 $0xFFFFD800  }
0x19: {  	[tilespmem:s17], [sflag:$0x3] =	stream.linear.gather [hbm4b:s7+s3], $0x2800, $0x38;
	[tilespmem:$0x1C000] =	vst v63  }
0x1a: {  	_ =	swait.ge [sflag:s15], $0x2800  }
0x1b: {  	[sflag:s15] =	ssyncset.done $0x0  }
0x1c: {  	[sflag:s15] =	ssyncadd.s32 $0xFFFFD800  }
0x1d: {  	[tilespmem:s18], [sflag:$0x3] =	stream.linear.gather [hbm4b:s5+s3], $0x2800, $0x38;
	[tilespmem:$0x1C000] =	vst v63  }
0x1e: {  	_ =	swait.ge [sflag:s15], $0x2800  }
0x1f: {  	[sflag:s15] =	ssyncset.done $0x0  }
0x20: {  	[sflag:s15] =	ssyncadd.s32 $0xFFFFD800  }
0x21: {  	[tilespmem:s19], [sflag:$0x3] =	stream.linear.gather [hbm4b:s8+s3], $0x2800, $0x38;
	[tilespmem:$0x1C000] =	vst v63  }
0x22: {  	_ =	swait.ge [sflag:s15], $0x2800  }
0x23: {  	[sflag:s15] =	ssyncset.done $0x0  }
0x24: {  	[sflag:s15] =	ssyncadd.s32 $0xFFFFD800  }
0x25: {  	[tilespmem:s20], [sflag:$0x3] =	stream.linear.gather [hbm4b:s5+s3], $0x2800, $0x38;
	[tilespmem:$0x1C000] =	vst v63  }
0x26: {  	_ =	swait.ge [sflag:s15], $0x2800  }
0x27: {  	[sflag:s15] =	ssyncset.done $0x0  }
0x28: {  	[sflag:s15] =	ssyncadd.s32 $0xFFFFD800  }
0x29: {  	[tilespmem:s21], [sflag:$0x3] =	stream.linear.gather [hbm4b:s9+s3], $0x2800, $0x38;
	[tilespmem:$0x1C000] =	vst v63  }
0x2a: {  	_ =	swait.ge [sflag:s15], $0x2800  }
0x2b: {  	[sflag:s15] =	ssyncset.done $0x0  }
0x2c: {  	[sflag:s15] =	ssyncadd.s32 $0xFFFFD800  }
0x2d: {  	[tilespmem:s22], [sflag:$0x3] =	stream.linear.gather [hbm4b:s5+s3], $0x2800, $0x38;
	[tilespmem:$0x1C000] =	vst v63  }
0x2e: {  	_ =	swait.ge [sflag:s15], $0x2800  }
0x2f: {  	[sflag:s15] =	ssyncset.done $0x0  }
0x30: {  	s0 =	simm.s32 $0x14000;
	[sflag:s15] =	ssyncadd.s32 $0xFFFFD800  }
0x31: {  	[tilespmem:s0], [sflag:$0x1] =	stream.linear.gather [hbm4b:s4+s3], $0x2000, $0x38;
	[tilespmem:$0x1C000] =	vst v63  }
0x32: {  	s24 =	simm.s32 $0x18000;
	s31 =	simm.s32 $0x0  }
0x33: {  	[tilespmem:s24], [sflag:$0x1] =	stream.linear.gather [hbm4b:s2+s3], $0x2000, $0x38;
	[tilespmem:$0x1C000] =	vst v63  }
.LBB2_2:
0x34: {  	_ =	swait.ge [sflag:s25], $0x2000  }
0x35: {  	[sflag:s25] =	ssyncset.done $0x0  }
0x36: {  	[sflag:s25] =	ssyncadd.s32 $0xFFFFE000  }
0x37: {  	s0 =	sshll.u32 s31, $0xB;
	_ =	swait.ge [sflag:s25], $0x2000  }
0x38: {  	s1 =	sor.u32 $0x400, s0;
	[sflag:s25] =	ssyncset.done $0x0  }
0x39: {  	s24 =	simm.s32 $0x0;
	s23 =	sadd.s32 s4, s1;
	[sflag:s25] =	ssyncadd.s32 $0xFFFFE000  }
0x3a: {  	[tilespmem:s26], [sflag:$0x2] =	stream.linear.gather [hbm4b:s23+s24], $0x2000, $0x38;
	[tilespmem:$0x1C000] =	vst v63  }
0x3b: {  	s1 =	sadd.s32 s2, s1  }
0x3c: {  	[tilespmem:s28], [sflag:$0x2] =	stream.linear.gather [hbm4b:s1+s24], $0x2000, $0x38;
	[tilespmem:$0x1C000] =	vst v63  }
0x3d: {  	s24 =	simm.s32 $0x0  }
0x3e: {  	v0 =	vld [tilespmem:s24+$0x14000]  }
0x3f: {  	v1 =	vld [tilespmem:s24+$0x14030]  }
0x40: {  	v2 =	vld [tilespmem:s24+$0x18030]  }
0x41: {  	v3 =	vld [tilespmem:s24+$0x18020]  }
0x42: {  	v4 =	vld [tilespmem:s24+$0x14010]  }
0x43: {  	v5 =	vld [tilespmem:s24+$0x18010]  }
0x44: {  	v6 =	vld [tilespmem:s24+$0x18000]  }
0x45: {  	v7 =	vld [tilespmem:s24+$0x14020]  }
0x46: {  	v8 =	vld.idx.msk [tilespmem:v0+s21+$0x0], $0xffff  }
0x47: {  	v9 =	vld.idx.msk [tilespmem:v0+s17+$0x0], $0xffff  }
0x48: {  	v10 =	vld.idx.msk [tilespmem:v0+s19+$0x0], $0xffff  }
0x49: {  	v0 =	vld.idx.msk [tilespmem:v0+s3+$0x0], $0xffff  }
0x4a: {  	v11 =	vld.idx.msk [tilespmem:v4+s21+$0x0], $0xffff  }
0x4b: {  	v12 =	vld.idx.msk [tilespmem:v4+s19+$0x0], $0xffff  }
0x4c: {  	v13 =	vld.idx.msk [tilespmem:v1+s19+$0x0], $0xffff  }
0x4d: {  	v14 =	vld.idx.msk [tilespmem:v4+s3+$0x0], $0xffff  }
0x4e: {  	v4 =	vld.idx.msk [tilespmem:v4+s17+$0x0], $0xffff  }
0x4f: {  	v15 =	vld.idx.msk [tilespmem:v1+s21+$0x0], $0xffff  }
0x50: {  	v16 =	vld.idx.msk [tilespmem:v7+s21+$0x0], $0xffff  }
0x51: {  	v17 =	vld.idx.msk [tilespmem:v7+s19+$0x0], $0xffff  }
0x52: {  	v18 =	vld.idx.msk [tilespmem:v7+s3+$0x0], $0xffff  }
0x53: {  	v19 =	vld.idx.msk [tilespmem:v1+s3+$0x0], $0xffff  }
0x54: {  	v1 =	vld.idx.msk [tilespmem:v1+s17+$0x0], $0xffff  }
0x55: {  	v7 =	vld.idx.msk [tilespmem:v7+s17+$0x0], $0xffff  }
0x56: {  	[tilespmem:v6+s16+$0x0] =	vst.idx.add.f32.msk $0xffff, v0  }
0x57: {  	[tilespmem:v6+s18+$0x0] =	vst.idx.add.f32.msk $0xffff, v9  }
0x58: {  	[tilespmem:v6+s20+$0x0] =	vst.idx.add.f32.msk $0xffff, v10  }
0x59: {  	[tilespmem:v6+s22+$0x0] =	vst.idx.add.f32.msk $0xffff, v8  }
0x5a: {  	[tilespmem:v5+s16+$0x0] =	vst.idx.add.f32.msk $0xffff, v14  }
0x5b: {  	[tilespmem:v5+s18+$0x0] =	vst.idx.add.f32.msk $0xffff, v4  }
0x5c: {  	[tilespmem:v5+s20+$0x0] =	vst.idx.add.f32.msk $0xffff, v12  }
0x5d: {  	[tilespmem:v5+s22+$0x0] =	vst.idx.add.f32.msk $0xffff, v11  }
0x5e: {  	[tilespmem:v3+s16+$0x0] =	vst.idx.add.f32.msk $0xffff, v18  }
0x5f: {  	[tilespmem:v3+s18+$0x0] =	vst.idx.add.f32.msk $0xffff, v7  }
0x60: {  	[tilespmem:v3+s20+$0x0] =	vst.idx.add.f32.msk $0xffff, v17  }
0x61: {  	[tilespmem:v3+s22+$0x0] =	vst.idx.add.f32.msk $0xffff, v16  }
0x62: {  	[tilespmem:v2+s16+$0x0] =	vst.idx.add.f32.msk $0xffff, v19  }
0x63: {  	[tilespmem:v2+s18+$0x0] =	vst.idx.add.f32.msk $0xffff, v1  }
0x64: {  	[tilespmem:v2+s20+$0x0] =	vst.idx.add.f32.msk $0xffff, v13  }
0x65: {  	[tilespmem:v2+s22+$0x0] =	vst.idx.add.f32.msk $0xffff, v15  }
0x66: {  	v7 =	vld [tilespmem:s24+$0x14040]  }
0x67: {  	v5 =	vld [tilespmem:s24+$0x14050]  }
0x68: {  	v6 =	vld [tilespmem:s24+$0x14060]  }
0x69: {  	v13 =	vld [tilespmem:s24+$0x14070]  }
0x6a: {  	v0 =	vld [tilespmem:s24+$0x18070]  }
0x6b: {  	v1 =	vld [tilespmem:s24+$0x18060]  }
0x6c: {  	v2 =	vld [tilespmem:s24+$0x18050]  }
0x6d: {  	v8 =	vld [tilespmem:s24+$0x18040]  }
0x6e: {  	v11 =	vld.idx.msk [tilespmem:v7+s3+$0x0], $0xffff  }
0x6f: {  	v12 =	vld.idx.msk [tilespmem:v7+s17+$0x0], $0xffff  }
0x70: {  	v4 =	vld.idx.msk [tilespmem:v6+s3+$0x0], $0xffff  }
0x71: {  	v9 =	vld.idx.msk [tilespmem:v5+s21+$0x0], $0xffff  }
0x72: {  	v10 =	vld.idx.msk [tilespmem:v5+s19+$0x0], $0xffff  }
0x73: {  	s1 =	simm.s32 $0x200;
	v3 =	vld.idx.msk [tilespmem:v13+s19+$0x0], $0xffff  }
.LBB2_3:
0x74: {  	s23 =	sshra.s32 s1, $0x2;
	p0 =	sne.s32 s1, $0x7E00;
	s1 =	sadd.s32 $0x200, s1;
	v14 =	vld.idx.msk [tilespmem:v13+s17+$0x0], $0xffff  }
0x75: {  	v15 =	vld.idx.msk [tilespmem:v13+s3+$0x0], $0xffff  }
0x76: {  	v16 =	vld.idx.msk [tilespmem:v5+s17+$0x0], $0xffff  }
0x77: {  	v17 =	vld.idx.msk [tilespmem:v6+s17+$0x0], $0xffff  }
0x78: {  	v13 =	vld.idx.msk [tilespmem:v13+s21+$0x0], $0xffff  }
0x79: {  	v18 =	vld.idx.msk [tilespmem:v6+s19+$0x0], $0xffff  }
0x7a: {  	v19 =	vld.idx.msk [tilespmem:v7+s19+$0x0], $0xffff  }
0x7b: {  	v7 =	vld.idx.msk [tilespmem:v7+s21+$0x0], $0xffff  }
0x7c: {  	v5 =	vld.idx.msk [tilespmem:v5+s3+$0x0], $0xffff  }
0x7d: {  	v6 =	vld.idx.msk [tilespmem:v6+s21+$0x0], $0xffff  }
0x7e: {  	[tilespmem:v8+s16+$0x0] =	vst.idx.add.f32.msk $0xffff, v11  }
0x7f: {  	[tilespmem:v8+s18+$0x0] =	vst.idx.add.f32.msk $0xffff, v12  }
0x80: {  	[tilespmem:v8+s20+$0x0] =	vst.idx.add.f32.msk $0xffff, v19  }
0x81: {  	[tilespmem:v8+s22+$0x0] =	vst.idx.add.f32.msk $0xffff, v7  }
0x82: {  	[tilespmem:v2+s16+$0x0] =	vst.idx.add.f32.msk $0xffff, v5  }
0x83: {  	[tilespmem:v2+s18+$0x0] =	vst.idx.add.f32.msk $0xffff, v16  }
0x84: {  	[tilespmem:v2+s20+$0x0] =	vst.idx.add.f32.msk $0xffff, v10  }
0x85: {  	[tilespmem:v2+s22+$0x0] =	vst.idx.add.f32.msk $0xffff, v9  }
0x86: {  	[tilespmem:v1+s16+$0x0] =	vst.idx.add.f32.msk $0xffff, v4  }
0x87: {  	[tilespmem:v1+s18+$0x0] =	vst.idx.add.f32.msk $0xffff, v17  }
0x88: {  	[tilespmem:v1+s20+$0x0] =	vst.idx.add.f32.msk $0xffff, v18  }
0x89: {  	[tilespmem:v1+s22+$0x0] =	vst.idx.add.f32.msk $0xffff, v6  }
0x8a: {  	[tilespmem:v0+s16+$0x0] =	vst.idx.add.f32.msk $0xffff, v15  }
0x8b: {  	[tilespmem:v0+s18+$0x0] =	vst.idx.add.f32.msk $0xffff, v14  }
0x8c: {  	[tilespmem:v0+s20+$0x0] =	vst.idx.add.f32.msk $0xffff, v3  }
0x8d: {  	[tilespmem:v0+s22+$0x0] =	vst.idx.add.f32.msk $0xffff, v13  }
0x8e: {  	v0 =	vld [tilespmem:s23+$0x14000]  }
0x8f: {  	v1 =	vld [tilespmem:s23+$0x14030]  }
0x90: {  	v2 =	vld [tilespmem:s23+$0x18030]  }
0x91: {  	v3 =	vld [tilespmem:s23+$0x18020]  }
0x92: {  	v4 =	vld [tilespmem:s23+$0x14010]  }
0x93: {  	v5 =	vld [tilespmem:s23+$0x18010]  }
0x94: {  	v6 =	vld [tilespmem:s23+$0x18000]  }
0x95: {  	v7 =	vld [tilespmem:s23+$0x14020]  }
0x96: {  	v8 =	vld.idx.msk [tilespmem:v0+s21+$0x0], $0xffff  }
0x97: {  	v9 =	vld.idx.msk [tilespmem:v0+s17+$0x0], $0xffff  }
0x98: {  	v10 =	vld.idx.msk [tilespmem:v0+s19+$0x0], $0xffff  }
0x99: {  	v0 =	vld.idx.msk [tilespmem:v0+s3+$0x0], $0xffff  }
0x9a: {  	v11 =	vld.idx.msk [tilespmem:v4+s21+$0x0], $0xffff  }
0x9b: {  	v12 =	vld.idx.msk [tilespmem:v4+s19+$0x0], $0xffff  }
0x9c: {  	v13 =	vld.idx.msk [tilespmem:v1+s19+$0x0], $0xffff  }
0x9d: {  	v14 =	vld.idx.msk [tilespmem:v4+s3+$0x0], $0xffff  }
0x9e: {  	v4 =	vld.idx.msk [tilespmem:v4+s17+$0x0], $0xffff  }
0x9f: {  	v15 =	vld.idx.msk [tilespmem:v1+s21+$0x0], $0xffff  }
0xa0: {  	v16 =	vld.idx.msk [tilespmem:v7+s21+$0x0], $0xffff  }
0xa1: {  	v17 =	vld.idx.msk [tilespmem:v7+s19+$0x0], $0xffff  }
0xa2: {  	v18 =	vld.idx.msk [tilespmem:v7+s3+$0x0], $0xffff  }
0xa3: {  	v19 =	vld.idx.msk [tilespmem:v1+s3+$0x0], $0xffff  }
0xa4: {  	v1 =	vld.idx.msk [tilespmem:v1+s17+$0x0], $0xffff  }
0xa5: {  	v7 =	vld.idx.msk [tilespmem:v7+s17+$0x0], $0xffff  }
0xa6: {  	[tilespmem:v6+s16+$0x0] =	vst.idx.add.f32.msk $0xffff, v0  }
0xa7: {  	[tilespmem:v6+s18+$0x0] =	vst.idx.add.f32.msk $0xffff, v9  }
0xa8: {  	[tilespmem:v6+s20+$0x0] =	vst.idx.add.f32.msk $0xffff, v10  }
0xa9: {  	[tilespmem:v6+s22+$0x0] =	vst.idx.add.f32.msk $0xffff, v8  }
0xaa: {  	[tilespmem:v5+s16+$0x0] =	vst.idx.add.f32.msk $0xffff, v14  }
0xab: {  	[tilespmem:v5+s18+$0x0] =	vst.idx.add.f32.msk $0xffff, v4  }
0xac: {  	[tilespmem:v5+s20+$0x0] =	vst.idx.add.f32.msk $0xffff, v12  }
0xad: {  	[tilespmem:v5+s22+$0x0] =	vst.idx.add.f32.msk $0xffff, v11  }
0xae: {  	[tilespmem:v3+s16+$0x0] =	vst.idx.add.f32.msk $0xffff, v18  }
0xaf: {  	[tilespmem:v3+s18+$0x0] =	vst.idx.add.f32.msk $0xffff, v7  }
0xb0: {  	[tilespmem:v3+s20+$0x0] =	vst.idx.add.f32.msk $0xffff, v17  }
0xb1: {  	[tilespmem:v3+s22+$0x0] =	vst.idx.add.f32.msk $0xffff, v16  }
0xb2: {  	[tilespmem:v2+s16+$0x0] =	vst.idx.add.f32.msk $0xffff, v19  }
0xb3: {  	[tilespmem:v2+s18+$0x0] =	vst.idx.add.f32.msk $0xffff, v1  }
0xb4: {  	[tilespmem:v2+s20+$0x0] =	vst.idx.add.f32.msk $0xffff, v13  }
0xb5: {  	[tilespmem:v2+s22+$0x0] =	vst.idx.add.f32.msk $0xffff, v15  }
0xb6: {  	v7 =	vld [tilespmem:s23+$0x14040]  }
0xb7: {  	v5 =	vld [tilespmem:s23+$0x14050]  }
0xb8: {  	v6 =	vld [tilespmem:s23+$0x14060]  }
0xb9: {  	v13 =	vld [tilespmem:s23+$0x14070]  }
0xba: {  	v0 =	vld [tilespmem:s23+$0x18070]  }
0xbb: {  	v1 =	vld [tilespmem:s23+$0x18060]  }
0xbc: {  	v2 =	vld [tilespmem:s23+$0x18050]  }
0xbd: {  	v8 =	vld [tilespmem:s23+$0x18040]  }
0xbe: {  	v11 =	vld.idx.msk [tilespmem:v7+s3+$0x0], $0xffff  }
.Ltmp0:
0xbf: {  	v12 =	vld.idx.msk [tilespmem:v7+s17+$0x0], $0xffff;
	(pc) =	sbr.rel @p0 .LBB2_3-.Ltmp0, $4  }
0xc0: {  	v4 =	vld.idx.msk [tilespmem:v6+s3+$0x0], $0xffff  }
0xc1: {  	v9 =	vld.idx.msk [tilespmem:v5+s21+$0x0], $0xffff  }
0xc2: {  	v10 =	vld.idx.msk [tilespmem:v5+s19+$0x0], $0xffff  }
0xc3: {  	v3 =	vld.idx.msk [tilespmem:v13+s19+$0x0], $0xffff  }
0xc4: {  	_ =	sdelay $0x3  }
0xc5: {  	v14 =	vld.idx.msk [tilespmem:v13+s17+$0x0], $0xffff  }
0xc6: {  	v15 =	vld.idx.msk [tilespmem:v13+s3+$0x0], $0xffff  }
0xc7: {  	v16 =	vld.idx.msk [tilespmem:v5+s17+$0x0], $0xffff  }
0xc8: {  	v17 =	vld.idx.msk [tilespmem:v6+s17+$0x0], $0xffff  }
0xc9: {  	v13 =	vld.idx.msk [tilespmem:v13+s21+$0x0], $0xffff  }
0xca: {  	v18 =	vld.idx.msk [tilespmem:v6+s19+$0x0], $0xffff  }
0xcb: {  	v19 =	vld.idx.msk [tilespmem:v7+s19+$0x0], $0xffff  }
0xcc: {  	v7 =	vld.idx.msk [tilespmem:v7+s21+$0x0], $0xffff  }
0xcd: {  	v5 =	vld.idx.msk [tilespmem:v5+s3+$0x0], $0xffff  }
0xce: {  	v6 =	vld.idx.msk [tilespmem:v6+s21+$0x0], $0xffff  }
0xcf: {  	[tilespmem:v8+s16+$0x0] =	vst.idx.add.f32.msk $0xffff, v11  }
0xd0: {  	[tilespmem:v8+s18+$0x0] =	vst.idx.add.f32.msk $0xffff, v12  }
0xd1: {  	[tilespmem:v8+s20+$0x0] =	vst.idx.add.f32.msk $0xffff, v19  }
0xd2: {  	[tilespmem:v8+s22+$0x0] =	vst.idx.add.f32.msk $0xffff, v7  }
0xd3: {  	[tilespmem:v2+s16+$0x0] =	vst.idx.add.f32.msk $0xffff, v5  }
0xd4: {  	[tilespmem:v2+s18+$0x0] =	vst.idx.add.f32.msk $0xffff, v16  }
0xd5: {  	[tilespmem:v2+s20+$0x0] =	vst.idx.add.f32.msk $0xffff, v10  }
0xd6: {  	[tilespmem:v2+s22+$0x0] =	vst.idx.add.f32.msk $0xffff, v9  }
0xd7: {  	[tilespmem:v1+s16+$0x0] =	vst.idx.add.f32.msk $0xffff, v4  }
0xd8: {  	[tilespmem:v1+s18+$0x0] =	vst.idx.add.f32.msk $0xffff, v17  }
0xd9: {  	[tilespmem:v1+s20+$0x0] =	vst.idx.add.f32.msk $0xffff, v18  }
0xda: {  	[tilespmem:v1+s22+$0x0] =	vst.idx.add.f32.msk $0xffff, v6  }
0xdb: {  	[tilespmem:v0+s16+$0x0] =	vst.idx.add.f32.msk $0xffff, v15  }
0xdc: {  	[tilespmem:v0+s18+$0x0] =	vst.idx.add.f32.msk $0xffff, v14  }
0xdd: {  	[tilespmem:v0+s20+$0x0] =	vst.idx.add.f32.msk $0xffff, v3  }
0xde: {  	[tilespmem:v0+s22+$0x0] =	vst.idx.add.f32.msk $0xffff, v13  }
0xdf: {  	_ =	swait.ge [sflag:s29], $0x2000  }
0xe0: {  	[sflag:s29] =	ssyncset.done $0x0  }
0xe1: {  	[sflag:s29] =	ssyncadd.s32 $0xFFFFE000  }
0xe2: {  	p0 =	seq.s32 s31, $0x13;
	_ =	swait.ge [sflag:s29], $0x2000  }
0xe3: {  	s0 =	sadd.s32 @!p0 $0x800, s0;
	s23 =	simm.s32 @!p0 $0x0;
	[sflag:s29] =	ssyncset.done $0x0  }
0xe4: {  	s24 =	simm.s32 @!p0 $0x14000;
	s1 =	sadd.s32 @!p0 s4, s0;
	[sflag:s29] =	ssyncadd.s32 $0xFFFFE000  }
0xe5: {  	[tilespmem:s24], [sflag:$0x1] =	stream.linear.gather @!p0 [hbm4b:s1+s23], $0x2000, $0x38;
	[tilespmem:$0x1C000] =	vst v63  }
0xe6: {  	s0 =	sadd.s32 @!p0 s2, s0;
	s1 =	simm.s32 @!p0 $0x18000;
	s24 =	simm.s32 $0x0  }
0xe7: {  	[tilespmem:s1], [sflag:$0x1] =	stream.linear.gather @!p0 [hbm4b:s0+s23], $0x2000, $0x38;
	[tilespmem:$0x1C000] =	vst v63  }
0xe8: {  	v0 =	vld [tilespmem:s24+$0x16000]  }
0xe9: {  	v1 =	vld [tilespmem:s24+$0x16030]  }
0xea: {  	v2 =	vld [tilespmem:s24+$0x1A030]  }
0xeb: {  	v3 =	vld [tilespmem:s24+$0x1A020]  }
0xec: {  	v4 =	vld [tilespmem:s24+$0x16010]  }
0xed: {  	v5 =	vld [tilespmem:s24+$0x1A010]  }
0xee: {  	v6 =	vld [tilespmem:s24+$0x1A000]  }
0xef: {  	v7 =	vld [tilespmem:s24+$0x16020]  }
0xf0: {  	v8 =	vld.idx.msk [tilespmem:v0+s21+$0x0], $0xffff  }
0xf1: {  	v9 =	vld.idx.msk [tilespmem:v0+s17+$0x0], $0xffff  }
0xf2: {  	v10 =	vld.idx.msk [tilespmem:v0+s19+$0x0], $0xffff  }
0xf3: {  	v0 =	vld.idx.msk [tilespmem:v0+s3+$0x0], $0xffff  }
0xf4: {  	v11 =	vld.idx.msk [tilespmem:v4+s21+$0x0], $0xffff  }
0xf5: {  	v12 =	vld.idx.msk [tilespmem:v4+s19+$0x0], $0xffff  }
0xf6: {  	v13 =	vld.idx.msk [tilespmem:v1+s19+$0x0], $0xffff  }
0xf7: {  	v14 =	vld.idx.msk [tilespmem:v4+s3+$0x0], $0xffff  }
0xf8: {  	v4 =	vld.idx.msk [tilespmem:v4+s17+$0x0], $0xffff  }
0xf9: {  	v15 =	vld.idx.msk [tilespmem:v1+s21+$0x0], $0xffff  }
0xfa: {  	v60 =	vld.idx.msk [tilespmem:v7+s21+$0x0], $0xffff  }
0xfb: {  	v61 =	vld.idx.msk [tilespmem:v7+s19+$0x0], $0xffff  }
0xfc: {  	v62 =	vld.idx.msk [tilespmem:v7+s3+$0x0], $0xffff  }
0xfd: {  	v63 =	vld.idx.msk [tilespmem:v1+s3+$0x0], $0xffff  }
0xfe: {  	v1 =	vld.idx.msk [tilespmem:v1+s17+$0x0], $0xffff  }
0xff: {  	v7 =	vld.idx.msk [tilespmem:v7+s17+$0x0], $0xffff  }
0x100: {  	[tilespmem:v6+s16+$0x0] =	vst.idx.add.f32.msk $0xffff, v0  }
0x101: {  	[tilespmem:v6+s18+$0x0] =	vst.idx.add.f32.msk $0xffff, v9  }
0x102: {  	[tilespmem:v6+s20+$0x0] =	vst.idx.add.f32.msk $0xffff, v10  }
0x103: {  	[tilespmem:v6+s22+$0x0] =	vst.idx.add.f32.msk $0xffff, v8  }
0x104: {  	[tilespmem:v5+s16+$0x0] =	vst.idx.add.f32.msk $0xffff, v14  }
0x105: {  	[tilespmem:v5+s18+$0x0] =	vst.idx.add.f32.msk $0xffff, v4  }
0x106: {  	[tilespmem:v5+s20+$0x0] =	vst.idx.add.f32.msk $0xffff, v12  }
0x107: {  	[tilespmem:v5+s22+$0x0] =	vst.idx.add.f32.msk $0xffff, v11  }
0x108: {  	[tilespmem:v3+s16+$0x0] =	vst.idx.add.f32.msk $0xffff, v62  }
0x109: {  	[tilespmem:v3+s18+$0x0] =	vst.idx.add.f32.msk $0xffff, v7  }
0x10a: {  	[tilespmem:v3+s20+$0x0] =	vst.idx.add.f32.msk $0xffff, v61  }
0x10b: {  	[tilespmem:v3+s22+$0x0] =	vst.idx.add.f32.msk $0xffff, v60  }
0x10c: {  	[tilespmem:v2+s16+$0x0] =	vst.idx.add.f32.msk $0xffff, v63  }
0x10d: {  	[tilespmem:v2+s18+$0x0] =	vst.idx.add.f32.msk $0xffff, v1  }
0x10e: {  	[tilespmem:v2+s20+$0x0] =	vst.idx.add.f32.msk $0xffff, v13  }
0x10f: {  	[tilespmem:v2+s22+$0x0] =	vst.idx.add.f32.msk $0xffff, v15  }
0x110: {  	v7 =	vld [tilespmem:s24+$0x16040]  }
0x111: {  	v5 =	vld [tilespmem:s24+$0x16050]  }
0x112: {  	v6 =	vld [tilespmem:s24+$0x16060]  }
0x113: {  	v13 =	vld [tilespmem:s24+$0x16070]  }
0x114: {  	v0 =	vld [tilespmem:s24+$0x1A070]  }
0x115: {  	v1 =	vld [tilespmem:s24+$0x1A060]  }
0x116: {  	v2 =	vld [tilespmem:s24+$0x1A050]  }
0x117: {  	v8 =	vld [tilespmem:s24+$0x1A040]  }
0x118: {  	v11 =	vld.idx.msk [tilespmem:v7+s3+$0x0], $0xffff  }
0x119: {  	v12 =	vld.idx.msk [tilespmem:v7+s17+$0x0], $0xffff  }
0x11a: {  	v4 =	vld.idx.msk [tilespmem:v6+s3+$0x0], $0xffff  }
0x11b: {  	v9 =	vld.idx.msk [tilespmem:v5+s21+$0x0], $0xffff  }
0x11c: {  	v10 =	vld.idx.msk [tilespmem:v5+s19+$0x0], $0xffff  }
0x11d: {  	s0 =	simm.s32 $0x200;
	v3 =	vld.idx.msk [tilespmem:v13+s19+$0x0], $0xffff  }
.LBB2_5:
0x11e: {  	s1 =	sshra.s32 s0, $0x2;
	p0 =	sne.s32 s0, $0x7E00;
	s0 =	sadd.s32 $0x200, s0;
	v14 =	vld.idx.msk [tilespmem:v13+s17+$0x0], $0xffff  }
0x11f: {  	v15 =	vld.idx.msk [tilespmem:v13+s3+$0x0], $0xffff  }
0x120: {  	v16 =	vld.idx.msk [tilespmem:v5+s17+$0x0], $0xffff  }
0x121: {  	v17 =	vld.idx.msk [tilespmem:v6+s17+$0x0], $0xffff  }
0x122: {  	v13 =	vld.idx.msk [tilespmem:v13+s21+$0x0], $0xffff  }
0x123: {  	v18 =	vld.idx.msk [tilespmem:v6+s19+$0x0], $0xffff  }
0x124: {  	v19 =	vld.idx.msk [tilespmem:v7+s19+$0x0], $0xffff  }
0x125: {  	v7 =	vld.idx.msk [tilespmem:v7+s21+$0x0], $0xffff  }
0x126: {  	v5 =	vld.idx.msk [tilespmem:v5+s3+$0x0], $0xffff  }
0x127: {  	v6 =	vld.idx.msk [tilespmem:v6+s21+$0x0], $0xffff  }
0x128: {  	[tilespmem:v8+s16+$0x0] =	vst.idx.add.f32.msk $0xffff, v11  }
0x129: {  	[tilespmem:v8+s18+$0x0] =	vst.idx.add.f32.msk $0xffff, v12  }
0x12a: {  	[tilespmem:v8+s20+$0x0] =	vst.idx.add.f32.msk $0xffff, v19  }
0x12b: {  	[tilespmem:v8+s22+$0x0] =	vst.idx.add.f32.msk $0xffff, v7  }
0x12c: {  	[tilespmem:v2+s16+$0x0] =	vst.idx.add.f32.msk $0xffff, v5  }
0x12d: {  	[tilespmem:v2+s18+$0x0] =	vst.idx.add.f32.msk $0xffff, v16  }
0x12e: {  	[tilespmem:v2+s20+$0x0] =	vst.idx.add.f32.msk $0xffff, v10  }
0x12f: {  	[tilespmem:v2+s22+$0x0] =	vst.idx.add.f32.msk $0xffff, v9  }
0x130: {  	[tilespmem:v1+s16+$0x0] =	vst.idx.add.f32.msk $0xffff, v4  }
0x131: {  	[tilespmem:v1+s18+$0x0] =	vst.idx.add.f32.msk $0xffff, v17  }
0x132: {  	[tilespmem:v1+s20+$0x0] =	vst.idx.add.f32.msk $0xffff, v18  }
0x133: {  	[tilespmem:v1+s22+$0x0] =	vst.idx.add.f32.msk $0xffff, v6  }
0x134: {  	[tilespmem:v0+s16+$0x0] =	vst.idx.add.f32.msk $0xffff, v15  }
0x135: {  	[tilespmem:v0+s18+$0x0] =	vst.idx.add.f32.msk $0xffff, v14  }
0x136: {  	[tilespmem:v0+s20+$0x0] =	vst.idx.add.f32.msk $0xffff, v3  }
0x137: {  	[tilespmem:v0+s22+$0x0] =	vst.idx.add.f32.msk $0xffff, v13  }
0x138: {  	v0 =	vld [tilespmem:s1+$0x16000]  }
0x139: {  	v1 =	vld [tilespmem:s1+$0x16030]  }
0x13a: {  	v2 =	vld [tilespmem:s1+$0x1A030]  }
0x13b: {  	v3 =	vld [tilespmem:s1+$0x1A020]  }
0x13c: {  	v4 =	vld [tilespmem:s1+$0x16010]  }
0x13d: {  	v5 =	vld [tilespmem:s1+$0x1A010]  }
0x13e: {  	v6 =	vld [tilespmem:s1+$0x1A000]  }
0x13f: {  	v7 =	vld [tilespmem:s1+$0x16020]  }
0x140: {  	v8 =	vld.idx.msk [tilespmem:v0+s21+$0x0], $0xffff  }
0x141: {  	v9 =	vld.idx.msk [tilespmem:v0+s17+$0x0], $0xffff  }
0x142: {  	v10 =	vld.idx.msk [tilespmem:v0+s19+$0x0], $0xffff  }
0x143: {  	v0 =	vld.idx.msk [tilespmem:v0+s3+$0x0], $0xffff  }
0x144: {  	v11 =	vld.idx.msk [tilespmem:v4+s21+$0x0], $0xffff  }
0x145: {  	v12 =	vld.idx.msk [tilespmem:v4+s19+$0x0], $0xffff  }
0x146: {  	v13 =	vld.idx.msk [tilespmem:v1+s19+$0x0], $0xffff  }
0x147: {  	v14 =	vld.idx.msk [tilespmem:v4+s3+$0x0], $0xffff  }
0x148: {  	v4 =	vld.idx.msk [tilespmem:v4+s17+$0x0], $0xffff  }
0x149: {  	v15 =	vld.idx.msk [tilespmem:v1+s21+$0x0], $0xffff  }
0x14a: {  	v16 =	vld.idx.msk [tilespmem:v7+s21+$0x0], $0xffff  }
0x14b: {  	v17 =	vld.idx.msk [tilespmem:v7+s19+$0x0], $0xffff  }
0x14c: {  	v18 =	vld.idx.msk [tilespmem:v7+s3+$0x0], $0xffff  }
0x14d: {  	v19 =	vld.idx.msk [tilespmem:v1+s3+$0x0], $0xffff  }
0x14e: {  	v1 =	vld.idx.msk [tilespmem:v1+s17+$0x0], $0xffff  }
0x14f: {  	v7 =	vld.idx.msk [tilespmem:v7+s17+$0x0], $0xffff  }
0x150: {  	[tilespmem:v6+s16+$0x0] =	vst.idx.add.f32.msk $0xffff, v0  }
0x151: {  	[tilespmem:v6+s18+$0x0] =	vst.idx.add.f32.msk $0xffff, v9  }
0x152: {  	[tilespmem:v6+s20+$0x0] =	vst.idx.add.f32.msk $0xffff, v10  }
0x153: {  	[tilespmem:v6+s22+$0x0] =	vst.idx.add.f32.msk $0xffff, v8  }
0x154: {  	[tilespmem:v5+s16+$0x0] =	vst.idx.add.f32.msk $0xffff, v14  }
0x155: {  	[tilespmem:v5+s18+$0x0] =	vst.idx.add.f32.msk $0xffff, v4  }
0x156: {  	[tilespmem:v5+s20+$0x0] =	vst.idx.add.f32.msk $0xffff, v12  }
0x157: {  	[tilespmem:v5+s22+$0x0] =	vst.idx.add.f32.msk $0xffff, v11  }
0x158: {  	[tilespmem:v3+s16+$0x0] =	vst.idx.add.f32.msk $0xffff, v18  }
0x159: {  	[tilespmem:v3+s18+$0x0] =	vst.idx.add.f32.msk $0xffff, v7  }
0x15a: {  	[tilespmem:v3+s20+$0x0] =	vst.idx.add.f32.msk $0xffff, v17  }
0x15b: {  	[tilespmem:v3+s22+$0x0] =	vst.idx.add.f32.msk $0xffff, v16  }
0x15c: {  	[tilespmem:v2+s16+$0x0] =	vst.idx.add.f32.msk $0xffff, v19  }
0x15d: {  	[tilespmem:v2+s18+$0x0] =	vst.idx.add.f32.msk $0xffff, v1  }
0x15e: {  	[tilespmem:v2+s20+$0x0] =	vst.idx.add.f32.msk $0xffff, v13  }
0x15f: {  	[tilespmem:v2+s22+$0x0] =	vst.idx.add.f32.msk $0xffff, v15  }
0x160: {  	v7 =	vld [tilespmem:s1+$0x16040]  }
0x161: {  	v5 =	vld [tilespmem:s1+$0x16050]  }
0x162: {  	v6 =	vld [tilespmem:s1+$0x16060]  }
0x163: {  	v13 =	vld [tilespmem:s1+$0x16070]  }
0x164: {  	v0 =	vld [tilespmem:s1+$0x1A070]  }
0x165: {  	v1 =	vld [tilespmem:s1+$0x1A060]  }
0x166: {  	v2 =	vld [tilespmem:s1+$0x1A050]  }
0x167: {  	v8 =	vld [tilespmem:s1+$0x1A040]  }
0x168: {  	v11 =	vld.idx.msk [tilespmem:v7+s3+$0x0], $0xffff  }
.Ltmp1:
0x169: {  	v12 =	vld.idx.msk [tilespmem:v7+s17+$0x0], $0xffff;
	(pc) =	sbr.rel @p0 .LBB2_5-.Ltmp1, $4  }
0x16a: {  	v4 =	vld.idx.msk [tilespmem:v6+s3+$0x0], $0xffff  }
0x16b: {  	v9 =	vld.idx.msk [tilespmem:v5+s21+$0x0], $0xffff  }
0x16c: {  	v10 =	vld.idx.msk [tilespmem:v5+s19+$0x0], $0xffff  }
0x16d: {  	v3 =	vld.idx.msk [tilespmem:v13+s19+$0x0], $0xffff  }
0x16e: {  	_ =	sdelay $0x3  }
0x16f: {  	v14 =	vld.idx.msk [tilespmem:v13+s17+$0x0], $0xffff  }
0x170: {  	v15 =	vld.idx.msk [tilespmem:v13+s3+$0x0], $0xffff  }
0x171: {  	v16 =	vld.idx.msk [tilespmem:v5+s17+$0x0], $0xffff  }
0x172: {  	v17 =	vld.idx.msk [tilespmem:v6+s17+$0x0], $0xffff  }
0x173: {  	v60 =	vld.idx.msk [tilespmem:v13+s21+$0x0], $0xffff  }
0x174: {  	v18 =	vld.idx.msk [tilespmem:v6+s19+$0x0], $0xffff  }
0x175: {  	v19 =	vld.idx.msk [tilespmem:v7+s19+$0x0], $0xffff  }
0x176: {  	v61 =	vld.idx.msk [tilespmem:v7+s21+$0x0], $0xffff  }
0x177: {  	v62 =	vld.idx.msk [tilespmem:v5+s3+$0x0], $0xffff  }
0x178: {  	v63 =	vld.idx.msk [tilespmem:v6+s21+$0x0], $0xffff  }
0x179: {  	[tilespmem:v8+s16+$0x0] =	vst.idx.add.f32.msk $0xffff, v11  }
0x17a: {  	[tilespmem:v8+s18+$0x0] =	vst.idx.add.f32.msk $0xffff, v12  }
0x17b: {  	[tilespmem:v8+s20+$0x0] =	vst.idx.add.f32.msk $0xffff, v19  }
0x17c: {  	[tilespmem:v8+s22+$0x0] =	vst.idx.add.f32.msk $0xffff, v61  }
0x17d: {  	[tilespmem:v2+s16+$0x0] =	vst.idx.add.f32.msk $0xffff, v62  }
0x17e: {  	[tilespmem:v2+s18+$0x0] =	vst.idx.add.f32.msk $0xffff, v16  }
0x17f: {  	[tilespmem:v2+s20+$0x0] =	vst.idx.add.f32.msk $0xffff, v10  }
0x180: {  	[tilespmem:v2+s22+$0x0] =	vst.idx.add.f32.msk $0xffff, v9  }
0x181: {  	[tilespmem:v1+s16+$0x0] =	vst.idx.add.f32.msk $0xffff, v4  }
0x182: {  	s31 =	sadd.s32 $0x1, s31;
	[tilespmem:v1+s18+$0x0] =	vst.idx.add.f32.msk $0xffff, v17  }
0x183: {  	p0 =	sne.s32 s31, $0x14;
	[tilespmem:v1+s20+$0x0] =	vst.idx.add.f32.msk $0xffff, v18  }
.Ltmp2:
0x184: {  	[tilespmem:v1+s22+$0x0] =	vst.idx.add.f32.msk $0xffff, v63;
	(pc) =	sbr.rel @p0 .LBB2_2-.Ltmp2, $4  }
0x185: {  	[tilespmem:v0+s16+$0x0] =	vst.idx.add.f32.msk $0xffff, v15  }
0x186: {  	[tilespmem:v0+s18+$0x0] =	vst.idx.add.f32.msk $0xffff, v14  }
0x187: {  	[tilespmem:v0+s20+$0x0] =	vst.idx.add.f32.msk $0xffff, v3  }
0x188: {  	[tilespmem:v0+s22+$0x0] =	vst.idx.add.f32.msk $0xffff, v60  }
0x189: {  	[hbm4b:s10+s3] =	stream.linear.scatter [tilespmem:s16], [sflag:$0x3], $0x2800, $0x38;
	[tilespmem:$0x1C000] =	vst v63  }
0x18a: {  	_ =	swait.ge [sflag:s15], $0x2800  }
0x18b: {  	[sflag:s15] =	ssyncset.done $0x0  }
0x18c: {  	[sflag:s15] =	ssyncadd.s32 $0xFFFFD800  }
0x18d: {  	[hbm4b:s11+s3] =	stream.linear.scatter [tilespmem:s18], [sflag:$0x3], $0x2800, $0x38;
	[tilespmem:$0x1C000] =	vst v63  }
0x18e: {  	_ =	swait.ge [sflag:s15], $0x2800  }
0x18f: {  	[sflag:s15] =	ssyncset.done $0x0  }
0x190: {  	[sflag:s15] =	ssyncadd.s32 $0xFFFFD800  }
0x191: {  	[hbm4b:s12+s3] =	stream.linear.scatter [tilespmem:s20], [sflag:$0x3], $0x2800, $0x38;
	[tilespmem:$0x1C000] =	vst v63  }
0x192: {  	s30 =	sadd.s32 $0x1, s30;
	_ =	swait.ge [sflag:s15], $0x2800  }
0x193: {  	p0 =	sne.s32 s30, s14;
	[sflag:s15] =	ssyncset.done $0x0  }
.Ltmp3:
0x194: {  	[sflag:s15] =	ssyncadd.s32 $0xFFFFD800;
	(pc) =	sbr.rel @p0 .LBB2_1-.Ltmp3, $4  }
0x195: {  	[hbm4b:s13+s3] =	stream.linear.scatter [tilespmem:s22], [sflag:$0x3], $0x2800, $0x38;
	[tilespmem:$0x1C000] =	vst v63  }
0x196: {  	_ =	swait.ge [sflag:s15], $0x2800  }
0x197: {  	[sflag:s15] =	ssyncset.done $0x0  }
0x198: {  	[sflag:s15] =	ssyncadd.s32 $0xFFFFD800  }
0x199: {  	_ =	sfence.sel $0x180000  }
0x19a: {  	[bflag:$0x0] =	sbarrier.arrive $0xFFFF  }
0x19b: {  	_ =	strace $0x9000004D  }
0x19c: {  	s0 =	stileid.u32;
	[bflag:$0x2] =	sbarrier.arrive $0xFFFF  }
0x19d: {  	p0 =	sne.s32 s0, $0x0;
	s0 =	rddreg [dreg:$0x2]  }
0x19e: {  	s0 =	sadd.s32 @!p0 $0x100000, s0  }
0x19f: {  	[sflag:s0] =	ssyncadd.tile.s32 @!p0 $0x1;
	_ =	shalt  }
.Lfunc_end2:
_tile_overlayer_lowered:
.L_overlay_start_2:
0x1a0: {  	(tag) =	ssettag $0x2  }
0x1a1: {  	s0 =	rddreg [dreg:$0x0];
	s2 =	stileid.u32  }
0x1a2: {  	s1 =	rddreg [dreg:$0x1];
	p0 =	sne.s32 s2, $0x0  }
0x1a3: {  	s3 =	rddreg [dreg:$0x2];
	[bflag:$0x3] =	sbarrier.arrive $0xFFFF;
	s2 =	simm.s32 @!p0 $0x1C03  }
0x1a4: {  	[timem:s3], [sflag:s2] =	dma.local @!p0 [hbm:s0], s1  }
0x1a5: {  	s0 =	simm.s32 @!p0 $0x3  }
0x1a6: {  	_ =	swait.ge @!p0 [sflag:s0], s1  }
0x1a7: {  	s1 =	ssub.s32 @!p0 $0x0, s1;
	[sflag:s0] =	ssyncset.done @!p0 $0x0  }
0x1a8: {  	[sflag:s0] =	ssyncadd.s32 @!p0 s1  }
0x1a9: {  	[bflag:$0x3] =	sbarrier.arrive $0xFFFF  }
0x1aa: {  	_ =	shalt  }

// kernel: kernel.29.cloned.1.call-start
scs
__scs_entry_jumppad:
0x0: {  	(pc) =	sbr.rel $0x88, $3  }
0x1: {  	(tag) =	ssettag $0x0;
	lr =	simm.s32 $0x1  }
0x2: {  	[smem:$0x3F99] =	sst lr;
	_ =	strace $0xD0000000  }
0x3: {  	_ = 	snop  }
0x4: {  	_ = 	snop  }
0x5: {  	_ = 	snop  }
0x6: {  	_ = 	snop  }
0x7: {  	_ = 	snop  }
__scs_overlays_trampoline_lowered:
0x8: {  	[smem:$0x3FA8] =	sst s0  }
0x9: {  	[smem:$0x3FA9] =	sst s1  }
0xa: {  	[smem:$0x3FAA] =	sst s2  }
0xb: {  	[smem:$0x3FAB] =	sst s3  }
0xc: {  	[smem:$0x3FAC] =	sst s4  }
0xd: {  	[smem:$0x3FAD] =	sst s5  }
0xe: {  	[smem:$0x3FAE] =	sst s6  }
0xf: {  	[smem:$0x3FAF] =	sst s7  }
0x10: {  	[smem:$0x3FB0] =	sst s8  }
0x11: {  	[smem:$0x3FB1] =	sst s9;
	s0 =	simm.s32 @!p0 $0x0  }
0x12: {  	s1 =	sld [smem:$0x3F97];
	s0 =	simm.s32 @p0 $0x1  }
0x13: {  	[smem:$0x3FB2] =	sst s0;
	s0 =	simm.s32 @!p1 $0x0  }
0x14: {  	s2 =	sld [smem:$0x3F96];
	s0 =	simm.s32 @p1 $0x1  }
0x15: {  	[smem:$0x3FB3] =	sst s0;
	s0 =	simm.s32 @!p2 $0x0  }
0x16: {  	s3 =	sld [smem:$0x3FDB];
	s0 =	simm.s32 @p2 $0x1  }
0x17: {  	s4 =	simm.s32 $0x1BF5;
	[smem:$0x3FB5] =	sst s0  }
0x18: {  	s0 =	sld [smem:$0x3F98];
	_ =	swait.ge [sflag:s4], $0x0  }
0x19: {  	s7 =	sld [smem:$0x3F99]  }
0x1a: {  	s8 =	sadd.s32 $0xFFFFE003, lr  }
0x1b: {  	s9 =	sadd.s32 $0xFFFFFEF7, lr;
	s5 =	simm.s32 $0xFFFFFFFF;
	p2 =	slt.u32 s8, $0xFFFFF086  }
0x1c: {  	p1 =	slt.u32 s9, $0xF7A;
	s5 =	simm.s32 @!p2 $0x0  }
0x1d: {  	s5 =	simm.s32 @p1 $0x1;
	p0 =	seq.s32 s7, s2  }
0x1e: {  	s7 =	smul.u32 @!p0 $0xF7A, s2;
	p2 =	seq.s32 @!p0 s5, $0x0  }
0x1f: {  	s9 =	smul.u32 $0xF7A, s1;
	s8 =	simm.s32 @!p0 $0x1BF5;
	p2 =	por !p2, p0  }
0x20: {  	[sflag:s8] =	ssyncset.s32 @!p0 $0xFFFFF086;
	s6 =	sadd.s32 @!p0 s3, s7;
	s7 =	simm.s32 @!p0 $0x108  }
0x21: {  	s3 =	sadd.s32 s3, s9;
	s6 =	sadd.s32 @!p0 $0x88, s6;
	s7 =	simm.s32 @p2 $0x1082  }
0x22: {  	[simem:s7], [sflag:s8] =	dma.local @!p0 [hbm:s6], $0xF7A  }
0x23: {  	s9 =	sor.u32 $0xD0000000, s2;
	s6 =	simm.s32 $0x108;
	_ =	swait.ge @!p0 [sflag:s8], $0x0  }
0x24: {  	s3 =	sadd.s32 $0x88, s3;
	s6 =	simm.s32 @!p1 $0x1082;
	[sflag:s4] =	ssyncset.s32 $0xFFFFF086  }
0x25: {  	[simem:s6], [sflag:s4] =	dma.local [hbm:s3], $0xF7A  }
0x26: {  	[smem:$0x3F99] =	sst s1;
	(tag) =	ssettag s2;
	_ =	strace s9  }
0x27: {  	s1 =	sld [smem:$0x3FA9]  }
0x28: {  	s2 =	sld [smem:$0x3FAA]  }
0x29: {  	s4 =	sld [smem:$0x3FAC]  }
0x2a: {  	p0 =	seq.s32 s5, $0x0;
	s5 =	sld [smem:$0x3FAD]  }
0x2b: {  	s6 =	sld [smem:$0x3FAE]  }
0x2c: {  	s7 =	sld [smem:$0x3FAF]  }
0x2d: {  	s3 =	simm.s32 $0x108;
	s8 =	sld [smem:$0x3FB0]  }
0x2e: {  	s3 =	simm.s32 @!p0 $0x1082;
	s9 =	sld [smem:$0x3FB1]  }
0x2f: {  	lr =	sadd.s32 s0, s3;
	s0 =	sld [smem:$0x3FA8]  }
0x30: {  	s3 =	sld [smem:$0x3FAB]  }
0x31: {  	[smem:$0x3FB4] =	sst s10  }
0x32: {  	s10 =	sld [smem:$0x3FB2];
	_ =	sdelay $0x3  }
0x33: {  	p0 =	seq.s32 s10, $0x1;
	s10 =	sld [smem:$0x3FB4];
	_ =	sdelay $0x3  }
0x34: {  	[smem:$0x3FB4] =	sst s10  }
0x35: {  	s10 =	sld [smem:$0x3FB3];
	_ =	sdelay $0x3  }
0x36: {  	p1 =	seq.s32 s10, $0x1;
	s10 =	sld [smem:$0x3FB4];
	_ =	sdelay $0x3  }
0x37: {  	[smem:$0x3FB4] =	sst s10  }
0x38: {  	s10 =	sld [smem:$0x3FB5]  }
0x39: {  	_ = 	snop;
	(pc) =	sbr.ind lr, $3  }
0x3a: {  	_ = 	snop  }
0x3b: {  	_ = 	snop  }
0x3c: {  	p2 =	seq.s32 s10, $0x1;
	s10 =	sld [smem:$0x3FB4]  }
0x3d: {  	_ =	shalt  }
0x3e: {  	_ =	shalt  }
0x3f: {  	_ =	shalt  }
0x40: {  	_ =	shalt  }
0x41: {  	_ =	shalt  }
0x42: {  	_ =	shalt  }
0x43: {  	_ =	shalt  }
0x44: {  	_ =	shalt  }
0x45: {  	_ =	shalt  }
0x46: {  	_ =	shalt  }
0x47: {  	_ =	shalt  }
0x48: {  	_ =	shalt  }
0x49: {  	_ =	shalt  }
0x4a: {  	_ =	shalt  }
0x4b: {  	_ =	shalt  }
0x4c: {  	_ =	shalt  }
0x4d: {  	_ =	shalt  }
0x4e: {  	_ =	shalt  }
0x4f: {  	_ =	shalt  }
0x50: {  	_ =	shalt  }
0x51: {  	_ =	shalt  }
0x52: {  	_ =	shalt  }
0x53: {  	_ =	shalt  }
0x54: {  	_ =	shalt  }
0x55: {  	_ =	shalt  }
0x56: {  	_ =	shalt  }
0x57: {  	_ =	shalt  }
0x58: {  	_ =	shalt  }
0x59: {  	_ =	shalt  }
0x5a: {  	_ =	shalt  }
0x5b: {  	_ =	shalt  }
0x5c: {  	_ =	shalt  }
0x5d: {  	_ =	shalt  }
0x5e: {  	_ =	shalt  }
0x5f: {  	_ =	shalt  }
0x60: {  	_ =	shalt  }
0x61: {  	_ =	shalt  }
0x62: {  	_ =	shalt  }
0x63: {  	_ =	shalt  }
0x64: {  	_ =	shalt  }
0x65: {  	_ =	shalt  }
0x66: {  	_ =	shalt  }
0x67: {  	_ =	shalt  }
0x68: {  	_ =	shalt  }
0x69: {  	_ =	shalt  }
0x6a: {  	_ =	shalt  }
0x6b: {  	_ =	shalt  }
0x6c: {  	_ =	shalt  }
0x6d: {  	_ =	shalt  }
0x6e: {  	_ =	shalt  }
0x6f: {  	_ =	shalt  }
0x70: {  	_ =	shalt  }
0x71: {  	_ =	shalt  }
0x72: {  	_ =	shalt  }
0x73: {  	_ =	shalt  }
0x74: {  	_ =	shalt  }
0x75: {  	_ =	shalt  }
0x76: {  	_ =	shalt  }
0x77: {  	_ =	shalt  }
0x78: {  	_ =	shalt  }
0x79: {  	_ =	shalt  }
0x7a: {  	_ =	shalt  }
0x7b: {  	_ =	shalt  }
0x7c: {  	_ =	shalt  }
0x7d: {  	_ =	shalt  }
0x7e: {  	_ =	shalt  }
0x7f: {  	_ =	shalt  }
0x80: {  	_ =	shalt  }
0x81: {  	_ =	shalt  }
0x82: {  	_ =	shalt  }
0x83: {  	_ =	shalt  }
0x84: {  	_ =	shalt  }
0x85: {  	_ =	shalt  }
0x86: {  	_ =	shalt  }
0x87: {  	_ =	shalt  }
.Lfunc_end0:
.L_simem_size_0:
called_computation.5_lowered:
.L_overlay_start_0:
0x88: {  	s2 =	sld [smem:$0x3FD9]  }
0x89: {  	s3 =	sld [smem:$0x3FFE];
	_ =	sdelay $0x1  }
0x8a: {  	s1 =	srdreg.scid  }
0x8b: {  	s0 =	sand.u32 $0x1, s1  }
0x8c: {  	s15 =	sshll.u32 s0, $0xA;
	s2 =	sadd.s32 s3, s2  }
0x8d: {  	s2 =	sadd.s32 s2, s15  }
0x8e: {  	[smem:$0x3FC0] =	sst s2  }
0x8f: {  	_ = 	snop  }
0x90: {  	s2 =	sld [smem:$0x3FD0];
	_ =	sdelay $0x2  }
0x91: {  	s16 =	simm.s32 $0xB;
	s4 =	simm.s32 $0x10  }
0x92: {  	[smem:s4], [sflag:s16] =	dma.local [hbm:s2], $0x1  }
0x93: {  	_ =	swait.eq [sflag:s16], $0x1  }
0x94: {  	[sflag:s16] =	ssyncset.done $0x0  }
0x95: {  	[sflag:s16] =	ssyncadd.s32 $0xFFFFFFFF  }
0x96: {  	s17 =	sld [smem:$0x11];
	(tm) =	ssettm $0x1  }
0x97: {  	s18 =	sld [smem:$0x3FFB];
	_ =	sdelay $0x3  }
0x98: {  	_ =	strace s18  }
0x99: {  	s2 =	sld [smem:$0x3FFC];
	_ =	sdelay $0x3  }
0x9a: {  	_ =	strace s2  }
0x9b: {  	s2 =	sld [smem:$0x3FFD];
	_ =	sdelay $0x3  }
0x9c: {  	_ =	strace s2  }
0x9d: {  	_ =	strace $0x8FFFFFFF  }
0x9e: {  	s19 =	sld [smem:$0x3FDB];
	_ =	sdelay $0x1  }
0x9f: {  	s20 =	simm.s32 $_scs_section_size  }
0xa0: {  	s5 =	simm.s32 $_size__tile_overlayer_lowered;
	s6 =	simm.s32 $_tile_overlayer_lowered  }
0xa1: {  	s7 =	simm.s32 $0x1BFF;
	s21 =	sshll.u32 s6, $0x1;
	s4 =	sadd.s32 s20, s19  }
0xa2: {  	s22 =	simm.s32 $0x0;
	s5 =	sshll.u32 s5, $0x1;
	s6 =	sadd.s32 s21, s4  }
0xa3: {  	[timem:s22], [sflag:s7] =	dma.local [hbm:s6], s5  }
0xa4: {  	_ =	swait.ge [sflag:s7], s5  }
0xa5: {  	s5 =	ssub.s32 $0x0, s5;
	[sflag:s7] =	ssyncset.done $0x0  }
0xa6: {  	[sflag:s7] =	ssyncadd.s32 s5;
	_ =	sdelay $0x1  }
0xa7: {  	s23 =	simm.s32 $0x1B8B  }
0xa8: {  	_ =	swait.ge [sflag:s23], $0x1  }
0xa9: {  	[sflag:s23] =	ssyncset.done $0x0  }
0xaa: {  	[sflag:s23] =	ssyncadd.s32 $0xFFFFFFFF  }
0xab: {  	s5 =	sld [smem:$0x0]  }
0xac: {  	s6 =	sand.u32 $0xFFFFFFFE, s1  }
0xad: {  	p0 =	sne.s32 s1, s6  }
0xae: {  	s6 =	sshll.u32 @p0 s6, $0xE  }
0xaf: {  	s6 =	sadd.s32 @p0 $0x11B8D, s6;
	s7 =	sshll.u32 @p0 s5, $0x11  }
0xb0: {  	s6 =	sor.u32 @p0 s7, s6  }
0xb1: {  	[sflag:s6] =	ssyncadd.remote.s32 @p0 $0x1;
	_ =	sdelay $0x1  }
0xb2: {  	s6 =	simm.s32 @p0 $0x1B8D  }
0xb3: {  	_ =	swait.eq @p0 [sflag:s6], $0x1  }
0xb4: {  	[sflag:s6] =	ssyncadd.s32 @p0 $0xFFFFFFFF  }
0xb5: {  	s7 =	sshll.u32 @!p0 s1, $0xE  }
0xb6: {  	s7 =	sor.u32 @!p0 $0x4000, s7;
	s6 =	simm.s32 @!p0 $0x1B8D  }
0xb7: {  	s5 =	sshll.u32 @!p0 s5, $0x11;
	s7 =	sadd.s32 @!p0 $0x11B8D, s7;
	_ =	swait.eq @!p0 [sflag:s6], $0x1  }
0xb8: {  	s5 =	sor.u32 @!p0 s5, s7;
	[sflag:s6] =	ssyncadd.s32 @!p0 $0xFFFFFFFF  }
0xb9: {  	s25 =	simm.s32 $0x1B8E;
	s24 =	sld [smem:$0x3FFE];
	[sflag:s5] =	ssyncadd.remote.s32 @!p0 $0x1  }
0xba: {  	s26 =	simm.s32 $execute0_lowered;
	[smem:$0x3FD2] =	sst s25  }
0xbb: {  	s6 =	sshll.u32 s26, $0x1;
	_ =	strace $0x80000052;
	[dreg:$0x1] =	wrdreg $0xFFFFFFFF  }
0xbc: {  	s28 =	simm.s32 $_size_execute0_lowered;
	s4 =	sadd.s32 s4, s6;
	[dreg:$0x0] =	wrdreg $0x0  }
0xbd: {  	s6 =	sshll.u32 s28, $0x1;
	[dreg:$0x2] =	wrdreg s4  }
0xbe: {  	[dreg:$0x3] =	wrdreg s6  }
0xbf: {  	[dreg:$0x4] =	wrdreg $0xC0  }
0xc0: {  	_ =	task [dreg:s22], $0x5FFFF  }
0xc1: {  	[dreg:$0x1] =	wrdreg $0xFFFFFFFF  }
0xc2: {  	[dreg:$0x0] =	wrdreg $0x60  }
0xc3: {  	[dreg:$0x2] =	wrdreg s24  }
0xc4: {  	[dreg:$0x3] =	wrdreg s17  }
0xc5: {  	[dreg:$0x4] =	wrdreg $0xA  }
0xc6: {  	_ =	task.clear_ibuf [dreg:s22], $0x5FFFF;
	_ =	strace $0x90000052  }
0xc7: {  	s29 =	simm.s32 $0xA;
	_ =	strace $0x80000054  }
0xc8: {  	_ =	swait.ge [sflag:s29], $0x1  }
0xc9: {  	[sflag:s29] =	ssyncadd.s32 $0xFFFFFFFF  }
0xca: {  	_ =	strace $0x90000054  }
0xcb: {  	_ =	sfence  }
0xcc: {  	s30 =	sld [smem:$0x0];
	_ =	sdelay $0x2  }
0xcd: {  	s31 =	sshll.u32 s1, $0xD;
	s1 =	sshrl.u32 s1, $0x2  }
0xce: {  	s4 =	sand.u32 $0x4000, s31;
	s1 =	sadd.s32 s1, s30  }
0xcf: {  	s0 =	sor.u32 s4, s0;
	s1 =	sshll.u32 s1, $0x11  }
0xd0: {  	s0 =	sor.u32 s1, s0  }
0xd1: {  	s0 =	sadd.s32 $0x8F2B, s0  }
0xd2: {  	[sflag:s0] =	ssyncadd.remote.s32 $0x1  }
0xd3: {  	_ =	sfence.sel $0xFFFF  }
0xd4: {  	[dreg:$0x0] =	wrdreg $0xFFFFFFFF;
	(pc) =	sbr.abs _section_cstart, $3  }
0xd5: {  	[dreg:$0x1] =	wrdreg $0xFFFFFFFF  }
0xd6: {  	_ =	task.clear_ibuf [dreg:s22], $0x2FFFF;
	_ =	strace $0x9FFFFFFF  }
0xd7: {  	(tm) =	ssettm $0x7FFFFFFF  }
tec
execute0_lowered:
.L_overlay_start_1:
0x0: {  	(tag) =	ssettag $0x1  }
0x1: {  	s0 =	rddreg [dreg:$0x0]  }
0x2: {  	s2 =	rddreg [dreg:$0x1];
	s1 =	srdreg.scid;
	s3 =	simm.s32 $0x0  }
0x3: {  	s4 =	stileid.u32;
	s15 =	simm.s32 $0x3;
	s16 =	simm.s32 $0xA000  }
0x4: {  	s17 =	simm.s32 $0x2800;
	s18 =	simm.s32 $0xC800;
	s19 =	simm.s32 $0x5000  }
0x5: {  	s20 =	simm.s32 $0xF000;
	s21 =	simm.s32 $0x7800;
	s22 =	simm.s32 $0x11800  }
0x6: {  	s25 =	simm.s32 $0x1;
	s26 =	simm.s32 $0x16000;
	s28 =	simm.s32 $0x1A000  }
0x7: {  	s29 =	simm.s32 $0x2;
	s30 =	simm.s32 $0x0;
	s1 =	sand.u32 $0x1, s1  }
0x8: {  	[smem:$0x7FF] =	sst s3;
	s4 =	sshll.u32 s4, $0x3;
	s5 =	sshll.u32 s1, $0x2  }
0x9: {  	s9 =	sadd.s32 $0x20A00, s0;
	_ =	strace $0x80000053;
	s6 =	sor.u32 s5, s4  }
0xa: {  	s1 =	ssub.s32 $0x2, s1;
	s4 =	sadd.s32 $0x16A00, s0;
	s7 =	smul.u32 $0x2800, s6  }
0xb: {  	s5 =	sadd.s32 $0x2400, s0;
	s8 =	sshrl.u32 s1, $0x1;
	s10 =	smul.u32 $0x500, s6  }
0xc: {  	s0 =	sadd.s32 $0x48A00, s0;
	s1 =	ssub.s32 s1, s8;
	s11 =	sshrl.u32 s7, $0x3  }
0xd: {  	s6 =	sadd.s32 s9, s10;
	s10 =	sadd.s32 s0, s10;
	s12 =	sadd.s32 $0x500, s11  }
0xe: {  	s13 =	sadd.s32 $0xA00, s11;
	s14 =	sadd.s32 $0xF00, s11;
	s7 =	sadd.s32 s9, s12  }
0xf: {  	s8 =	sadd.s32 s9, s13;
	s9 =	sadd.s32 s9, s14;
	s11 =	sadd.s32 s0, s12  }
0x10: {  	s12 =	sadd.s32 s0, s13;
	s13 =	sadd.s32 s0, s14;
	s14 =	smax.u32 s1, $0x1  }
.LBB2_1:
0x11: {  	[tilespmem:s3], [sflag:$0x3] =	stream.linear.gather [hbm4b:s6+s3], $0x2800, $0x38;
	[tilespmem:$0x1C000] =	vst v63  }
0x12: {  	_ =	swait.ge [sflag:s15], $0x2800  }
0x13: {  	[sflag:s15] =	ssyncset.done $0x0  }
0x14: {  	[sflag:s15] =	ssyncadd.s32 $0xFFFFD800  }
0x15: {  	[tilespmem:s16], [sflag:$0x3] =	stream.linear.gather [hbm4b:s5+s3], $0x2800, $0x38;
	[tilespmem:$0x1C000] =	vst v63  }
0x16: {  	_ =	swait.ge [sflag:s15], $0x2800  }
0x17: {  	[sflag:s15] =	ssyncset.done $0x0  }
0x18: {  	[sflag:s15] =	ssyncadd.s32 $0xFFFFD800  }
0x19: {  	[tilespmem:s17], [sflag:$0x3] =	stream.linear.gather [hbm4b:s7+s3], $0x2800, $0x38;
	[tilespmem:$0x1C000] =	vst v63  }
0x1a: {  	_ =	swait.ge [sflag:s15], $0x2800  }
0x1b: {  	[sflag:s15] =	ssyncset.done $0x0  }
0x1c: {  	[sflag:s15] =	ssyncadd.s32 $0xFFFFD800  }
0x1d: {  	[tilespmem:s18], [sflag:$0x3] =	stream.linear.gather [hbm4b:s5+s3], $0x2800, $0x38;
	[tilespmem:$0x1C000] =	vst v63  }
0x1e: {  	_ =	swait.ge [sflag:s15], $0x2800  }
0x1f: {  	[sflag:s15] =	ssyncset.done $0x0  }
0x20: {  	[sflag:s15] =	ssyncadd.s32 $0xFFFFD800  }
0x21: {  	[tilespmem:s19], [sflag:$0x3] =	stream.linear.gather [hbm4b:s8+s3], $0x2800, $0x38;
	[tilespmem:$0x1C000] =	vst v63  }
0x22: {  	_ =	swait.ge [sflag:s15], $0x2800  }
0x23: {  	[sflag:s15] =	ssyncset.done $0x0  }
0x24: {  	[sflag:s15] =	ssyncadd.s32 $0xFFFFD800  }
0x25: {  	[tilespmem:s20], [sflag:$0x3] =	stream.linear.gather [hbm4b:s5+s3], $0x2800, $0x38;
	[tilespmem:$0x1C000] =	vst v63  }
0x26: {  	_ =	swait.ge [sflag:s15], $0x2800  }
0x27: {  	[sflag:s15] =	ssyncset.done $0x0  }
0x28: {  	[sflag:s15] =	ssyncadd.s32 $0xFFFFD800  }
0x29: {  	[tilespmem:s21], [sflag:$0x3] =	stream.linear.gather [hbm4b:s9+s3], $0x2800, $0x38;
	[tilespmem:$0x1C000] =	vst v63  }
0x2a: {  	_ =	swait.ge [sflag:s15], $0x2800  }
0x2b: {  	[sflag:s15] =	ssyncset.done $0x0  }
0x2c: {  	[sflag:s15] =	ssyncadd.s32 $0xFFFFD800  }
0x2d: {  	[tilespmem:s22], [sflag:$0x3] =	stream.linear.gather [hbm4b:s5+s3], $0x2800, $0x38;
	[tilespmem:$0x1C000] =	vst v63  }
0x2e: {  	_ =	swait.ge [sflag:s15], $0x2800  }
0x2f: {  	[sflag:s15] =	ssyncset.done $0x0  }
0x30: {  	s0 =	simm.s32 $0x14000;
	[sflag:s15] =	ssyncadd.s32 $0xFFFFD800  }
0x31: {  	[tilespmem:s0], [sflag:$0x1] =	stream.linear.gather [hbm4b:s4+s3], $0x2000, $0x38;
	[tilespmem:$0x1C000] =	vst v63  }
0x32: {  	s24 =	simm.s32 $0x18000;
	s31 =	simm.s32 $0x0  }
0x33: {  	[tilespmem:s24], [sflag:$0x1] =	stream.linear.gather [hbm4b:s2+s3], $0x2000, $0x38;
	[tilespmem:$0x1C000] =	vst v63  }
.LBB2_2:
0x34: {  	_ =	swait.ge [sflag:s25], $0x2000  }
0x35: {  	[sflag:s25] =	ssyncset.done $0x0  }
0x36: {  	[sflag:s25] =	ssyncadd.s32 $0xFFFFE000  }
0x37: {  	s0 =	sshll.u32 s31, $0xB;
	_ =	swait.ge [sflag:s25], $0x2000  }
0x38: {  	s1 =	sor.u32 $0x400, s0;
	[sflag:s25] =	ssyncset.done $0x0  }
0x39: {  	s24 =	simm.s32 $0x0;
	s23 =	sadd.s32 s4, s1;
	[sflag:s25] =	ssyncadd.s32 $0xFFFFE000  }
0x3a: {  	[tilespmem:s26], [sflag:$0x2] =	stream.linear.gather [hbm4b:s23+s24], $0x2000, $0x38;
	[tilespmem:$0x1C000] =	vst v63  }
0x3b: {  	s1 =	sadd.s32 s2, s1  }
0x3c: {  	[tilespmem:s28], [sflag:$0x2] =	stream.linear.gather [hbm4b:s1+s24], $0x2000, $0x38;
	[tilespmem:$0x1C000] =	vst v63  }
0x3d: {  	s24 =	simm.s32 $0x0  }
0x3e: {  	v0 =	vld [tilespmem:s24+$0x14000]  }
0x3f: {  	v1 =	vld [tilespmem:s24+$0x14030]  }
0x40: {  	v2 =	vld [tilespmem:s24+$0x18030]  }
0x41: {  	v3 =	vld [tilespmem:s24+$0x18020]  }
0x42: {  	v4 =	vld [tilespmem:s24+$0x14010]  }
0x43: {  	v5 =	vld [tilespmem:s24+$0x18010]  }
0x44: {  	v6 =	vld [tilespmem:s24+$0x18000]  }
0x45: {  	v7 =	vld [tilespmem:s24+$0x14020]  }
0x46: {  	v8 =	vld.idx.msk [tilespmem:v0+s21+$0x0], $0xffff  }
0x47: {  	v9 =	vld.idx.msk [tilespmem:v0+s17+$0x0], $0xffff  }
0x48: {  	v10 =	vld.idx.msk [tilespmem:v0+s19+$0x0], $0xffff  }
0x49: {  	v0 =	vld.idx.msk [tilespmem:v0+s3+$0x0], $0xffff  }
0x4a: {  	v11 =	vld.idx.msk [tilespmem:v4+s21+$0x0], $0xffff  }
0x4b: {  	v12 =	vld.idx.msk [tilespmem:v4+s19+$0x0], $0xffff  }
0x4c: {  	v13 =	vld.idx.msk [tilespmem:v1+s19+$0x0], $0xffff  }
0x4d: {  	v14 =	vld.idx.msk [tilespmem:v4+s3+$0x0], $0xffff  }
0x4e: {  	v4 =	vld.idx.msk [tilespmem:v4+s17+$0x0], $0xffff  }
0x4f: {  	v15 =	vld.idx.msk [tilespmem:v1+s21+$0x0], $0xffff  }
0x50: {  	v16 =	vld.idx.msk [tilespmem:v7+s21+$0x0], $0xffff  }
0x51: {  	v17 =	vld.idx.msk [tilespmem:v7+s19+$0x0], $0xffff  }
0x52: {  	v18 =	vld.idx.msk [tilespmem:v7+s3+$0x0], $0xffff  }
0x53: {  	v19 =	vld.idx.msk [tilespmem:v1+s3+$0x0], $0xffff  }
0x54: {  	v1 =	vld.idx.msk [tilespmem:v1+s17+$0x0], $0xffff  }
0x55: {  	v7 =	vld.idx.msk [tilespmem:v7+s17+$0x0], $0xffff  }
0x56: {  	[tilespmem:v6+s16+$0x0] =	vst.idx.add.f32.msk $0xffff, v0  }
0x57: {  	[tilespmem:v6+s18+$0x0] =	vst.idx.add.f32.msk $0xffff, v9  }
0x58: {  	[tilespmem:v6+s20+$0x0] =	vst.idx.add.f32.msk $0xffff, v10  }
0x59: {  	[tilespmem:v6+s22+$0x0] =	vst.idx.add.f32.msk $0xffff, v8  }
0x5a: {  	[tilespmem:v5+s16+$0x0] =	vst.idx.add.f32.msk $0xffff, v14  }
0x5b: {  	[tilespmem:v5+s18+$0x0] =	vst.idx.add.f32.msk $0xffff, v4  }
0x5c: {  	[tilespmem:v5+s20+$0x0] =	vst.idx.add.f32.msk $0xffff, v12  }
0x5d: {  	[tilespmem:v5+s22+$0x0] =	vst.idx.add.f32.msk $0xffff, v11  }
0x5e: {  	[tilespmem:v3+s16+$0x0] =	vst.idx.add.f32.msk $0xffff, v18  }
0x5f: {  	[tilespmem:v3+s18+$0x0] =	vst.idx.add.f32.msk $0xffff, v7  }
0x60: {  	[tilespmem:v3+s20+$0x0] =	vst.idx.add.f32.msk $0xffff, v17  }
0x61: {  	[tilespmem:v3+s22+$0x0] =	vst.idx.add.f32.msk $0xffff, v16  }
0x62: {  	[tilespmem:v2+s16+$0x0] =	vst.idx.add.f32.msk $0xffff, v19  }
0x63: {  	[tilespmem:v2+s18+$0x0] =	vst.idx.add.f32.msk $0xffff, v1  }
0x64: {  	[tilespmem:v2+s20+$0x0] =	vst.idx.add.f32.msk $0xffff, v13  }
0x65: {  	[tilespmem:v2+s22+$0x0] =	vst.idx.add.f32.msk $0xffff, v15  }
0x66: {  	v7 =	vld [tilespmem:s24+$0x14040]  }
0x67: {  	v5 =	vld [tilespmem:s24+$0x14050]  }
0x68: {  	v6 =	vld [tilespmem:s24+$0x14060]  }
0x69: {  	v13 =	vld [tilespmem:s24+$0x14070]  }
0x6a: {  	v0 =	vld [tilespmem:s24+$0x18070]  }
0x6b: {  	v1 =	vld [tilespmem:s24+$0x18060]  }
0x6c: {  	v2 =	vld [tilespmem:s24+$0x18050]  }
0x6d: {  	v8 =	vld [tilespmem:s24+$0x18040]  }
0x6e: {  	v11 =	vld.idx.msk [tilespmem:v7+s3+$0x0], $0xffff  }
0x6f: {  	v12 =	vld.idx.msk [tilespmem:v7+s17+$0x0], $0xffff  }
0x70: {  	v4 =	vld.idx.msk [tilespmem:v6+s3+$0x0], $0xffff  }
0x71: {  	v9 =	vld.idx.msk [tilespmem:v5+s21+$0x0], $0xffff  }
0x72: {  	v10 =	vld.idx.msk [tilespmem:v5+s19+$0x0], $0xffff  }
0x73: {  	s1 =	simm.s32 $0x200;
	v3 =	vld.idx.msk [tilespmem:v13+s19+$0x0], $0xffff  }
.LBB2_3:
0x74: {  	s23 =	sshra.s32 s1, $0x2;
	p0 =	sne.s32 s1, $0x7E00;
	s1 =	sadd.s32 $0x200, s1;
	v14 =	vld.idx.msk [tilespmem:v13+s17+$0x0], $0xffff  }
0x75: {  	v15 =	vld.idx.msk [tilespmem:v13+s3+$0x0], $0xffff  }
0x76: {  	v16 =	vld.idx.msk [tilespmem:v5+s17+$0x0], $0xffff  }
0x77: {  	v17 =	vld.idx.msk [tilespmem:v6+s17+$0x0], $0xffff  }
0x78: {  	v13 =	vld.idx.msk [tilespmem:v13+s21+$0x0], $0xffff  }
0x79: {  	v18 =	vld.idx.msk [tilespmem:v6+s19+$0x0], $0xffff  }
0x7a: {  	v19 =	vld.idx.msk [tilespmem:v7+s19+$0x0], $0xffff  }
0x7b: {  	v7 =	vld.idx.msk [tilespmem:v7+s21+$0x0], $0xffff  }
0x7c: {  	v5 =	vld.idx.msk [tilespmem:v5+s3+$0x0], $0xffff  }
0x7d: {  	v6 =	vld.idx.msk [tilespmem:v6+s21+$0x0], $0xffff  }
0x7e: {  	[tilespmem:v8+s16+$0x0] =	vst.idx.add.f32.msk $0xffff, v11  }
0x7f: {  	[tilespmem:v8+s18+$0x0] =	vst.idx.add.f32.msk $0xffff, v12  }
0x80: {  	[tilespmem:v8+s20+$0x0] =	vst.idx.add.f32.msk $0xffff, v19  }
0x81: {  	[tilespmem:v8+s22+$0x0] =	vst.idx.add.f32.msk $0xffff, v7  }
0x82: {  	[tilespmem:v2+s16+$0x0] =	vst.idx.add.f32.msk $0xffff, v5  }
0x83: {  	[tilespmem:v2+s18+$0x0] =	vst.idx.add.f32.msk $0xffff, v16  }
0x84: {  	[tilespmem:v2+s20+$0x0] =	vst.idx.add.f32.msk $0xffff, v10  }
0x85: {  	[tilespmem:v2+s22+$0x0] =	vst.idx.add.f32.msk $0xffff, v9  }
0x86: {  	[tilespmem:v1+s16+$0x0] =	vst.idx.add.f32.msk $0xffff, v4  }
0x87: {  	[tilespmem:v1+s18+$0x0] =	vst.idx.add.f32.msk $0xffff, v17  }
0x88: {  	[tilespmem:v1+s20+$0x0] =	vst.idx.add.f32.msk $0xffff, v18  }
0x89: {  	[tilespmem:v1+s22+$0x0] =	vst.idx.add.f32.msk $0xffff, v6  }
0x8a: {  	[tilespmem:v0+s16+$0x0] =	vst.idx.add.f32.msk $0xffff, v15  }
0x8b: {  	[tilespmem:v0+s18+$0x0] =	vst.idx.add.f32.msk $0xffff, v14  }
0x8c: {  	[tilespmem:v0+s20+$0x0] =	vst.idx.add.f32.msk $0xffff, v3  }
0x8d: {  	[tilespmem:v0+s22+$0x0] =	vst.idx.add.f32.msk $0xffff, v13  }
0x8e: {  	v0 =	vld [tilespmem:s23+$0x14000]  }
0x8f: {  	v1 =	vld [tilespmem:s23+$0x14030]  }
0x90: {  	v2 =	vld [tilespmem:s23+$0x18030]  }
0x91: {  	v3 =	vld [tilespmem:s23+$0x18020]  }
0x92: {  	v4 =	vld [tilespmem:s23+$0x14010]  }
0x93: {  	v5 =	vld [tilespmem:s23+$0x18010]  }
0x94: {  	v6 =	vld [tilespmem:s23+$0x18000]  }
0x95: {  	v7 =	vld [tilespmem:s23+$0x14020]  }
0x96: {  	v8 =	vld.idx.msk [tilespmem:v0+s21+$0x0], $0xffff  }
0x97: {  	v9 =	vld.idx.msk [tilespmem:v0+s17+$0x0], $0xffff  }
0x98: {  	v10 =	vld.idx.msk [tilespmem:v0+s19+$0x0], $0xffff  }
0x99: {  	v0 =	vld.idx.msk [tilespmem:v0+s3+$0x0], $0xffff  }
0x9a: {  	v11 =	vld.idx.msk [tilespmem:v4+s21+$0x0], $0xffff  }
0x9b: {  	v12 =	vld.idx.msk [tilespmem:v4+s19+$0x0], $0xffff  }
0x9c: {  	v13 =	vld.idx.msk [tilespmem:v1+s19+$0x0], $0xffff  }
0x9d: {  	v14 =	vld.idx.msk [tilespmem:v4+s3+$0x0], $0xffff  }
0x9e: {  	v4 =	vld.idx.msk [tilespmem:v4+s17+$0x0], $0xffff  }
0x9f: {  	v15 =	vld.idx.msk [tilespmem:v1+s21+$0x0], $0xffff  }
0xa0: {  	v16 =	vld.idx.msk [tilespmem:v7+s21+$0x0], $0xffff  }
0xa1: {  	v17 =	vld.idx.msk [tilespmem:v7+s19+$0x0], $0xffff  }
0xa2: {  	v18 =	vld.idx.msk [tilespmem:v7+s3+$0x0], $0xffff  }
0xa3: {  	v19 =	vld.idx.msk [tilespmem:v1+s3+$0x0], $0xffff  }
0xa4: {  	v1 =	vld.idx.msk [tilespmem:v1+s17+$0x0], $0xffff  }
0xa5: {  	v7 =	vld.idx.msk [tilespmem:v7+s17+$0x0], $0xffff  }
0xa6: {  	[tilespmem:v6+s16+$0x0] =	vst.idx.add.f32.msk $0xffff, v0  }
0xa7: {  	[tilespmem:v6+s18+$0x0] =	vst.idx.add.f32.msk $0xffff, v9  }
0xa8: {  	[tilespmem:v6+s20+$0x0] =	vst.idx.add.f32.msk $0xffff, v10  }
0xa9: {  	[tilespmem:v6+s22+$0x0] =	vst.idx.add.f32.msk $0xffff, v8  }
0xaa: {  	[tilespmem:v5+s16+$0x0] =	vst.idx.add.f32.msk $0xffff, v14  }
0xab: {  	[tilespmem:v5+s18+$0x0] =	vst.idx.add.f32.msk $0xffff, v4  }
0xac: {  	[tilespmem:v5+s20+$0x0] =	vst.idx.add.f32.msk $0xffff, v12  }
0xad: {  	[tilespmem:v5+s22+$0x0] =	vst.idx.add.f32.msk $0xffff, v11  }
0xae: {  	[tilespmem:v3+s16+$0x0] =	vst.idx.add.f32.msk $0xffff, v18  }
0xaf: {  	[tilespmem:v3+s18+$0x0] =	vst.idx.add.f32.msk $0xffff, v7  }
0xb0: {  	[tilespmem:v3+s20+$0x0] =	vst.idx.add.f32.msk $0xffff, v17  }
0xb1: {  	[tilespmem:v3+s22+$0x0] =	vst.idx.add.f32.msk $0xffff, v16  }
0xb2: {  	[tilespmem:v2+s16+$0x0] =	vst.idx.add.f32.msk $0xffff, v19  }
0xb3: {  	[tilespmem:v2+s18+$0x0] =	vst.idx.add.f32.msk $0xffff, v1  }
0xb4: {  	[tilespmem:v2+s20+$0x0] =	vst.idx.add.f32.msk $0xffff, v13  }
0xb5: {  	[tilespmem:v2+s22+$0x0] =	vst.idx.add.f32.msk $0xffff, v15  }
0xb6: {  	v7 =	vld [tilespmem:s23+$0x14040]  }
0xb7: {  	v5 =	vld [tilespmem:s23+$0x14050]  }
0xb8: {  	v6 =	vld [tilespmem:s23+$0x14060]  }
0xb9: {  	v13 =	vld [tilespmem:s23+$0x14070]  }
0xba: {  	v0 =	vld [tilespmem:s23+$0x18070]  }
0xbb: {  	v1 =	vld [tilespmem:s23+$0x18060]  }
0xbc: {  	v2 =	vld [tilespmem:s23+$0x18050]  }
0xbd: {  	v8 =	vld [tilespmem:s23+$0x18040]  }
0xbe: {  	v11 =	vld.idx.msk [tilespmem:v7+s3+$0x0], $0xffff  }
.Ltmp0:
0xbf: {  	v12 =	vld.idx.msk [tilespmem:v7+s17+$0x0], $0xffff;
	(pc) =	sbr.rel @p0 .LBB2_3-.Ltmp0, $4  }
0xc0: {  	v4 =	vld.idx.msk [tilespmem:v6+s3+$0x0], $0xffff  }
0xc1: {  	v9 =	vld.idx.msk [tilespmem:v5+s21+$0x0], $0xffff  }
0xc2: {  	v10 =	vld.idx.msk [tilespmem:v5+s19+$0x0], $0xffff  }
0xc3: {  	v3 =	vld.idx.msk [tilespmem:v13+s19+$0x0], $0xffff  }
0xc4: {  	_ =	sdelay $0x3  }
0xc5: {  	v14 =	vld.idx.msk [tilespmem:v13+s17+$0x0], $0xffff  }
0xc6: {  	v15 =	vld.idx.msk [tilespmem:v13+s3+$0x0], $0xffff  }
0xc7: {  	v16 =	vld.idx.msk [tilespmem:v5+s17+$0x0], $0xffff  }
0xc8: {  	v17 =	vld.idx.msk [tilespmem:v6+s17+$0x0], $0xffff  }
0xc9: {  	v13 =	vld.idx.msk [tilespmem:v13+s21+$0x0], $0xffff  }
0xca: {  	v18 =	vld.idx.msk [tilespmem:v6+s19+$0x0], $0xffff  }
0xcb: {  	v19 =	vld.idx.msk [tilespmem:v7+s19+$0x0], $0xffff  }
0xcc: {  	v7 =	vld.idx.msk [tilespmem:v7+s21+$0x0], $0xffff  }
0xcd: {  	v5 =	vld.idx.msk [tilespmem:v5+s3+$0x0], $0xffff  }
0xce: {  	v6 =	vld.idx.msk [tilespmem:v6+s21+$0x0], $0xffff  }
0xcf: {  	[tilespmem:v8+s16+$0x0] =	vst.idx.add.f32.msk $0xffff, v11  }
0xd0: {  	[tilespmem:v8+s18+$0x0] =	vst.idx.add.f32.msk $0xffff, v12  }
0xd1: {  	[tilespmem:v8+s20+$0x0] =	vst.idx.add.f32.msk $0xffff, v19  }
0xd2: {  	[tilespmem:v8+s22+$0x0] =	vst.idx.add.f32.msk $0xffff, v7  }
0xd3: {  	[tilespmem:v2+s16+$0x0] =	vst.idx.add.f32.msk $0xffff, v5  }
0xd4: {  	[tilespmem:v2+s18+$0x0] =	vst.idx.add.f32.msk $0xffff, v16  }
0xd5: {  	[tilespmem:v2+s20+$0x0] =	vst.idx.add.f32.msk $0xffff, v10  }
0xd6: {  	[tilespmem:v2+s22+$0x0] =	vst.idx.add.f32.msk $0xffff, v9  }
0xd7: {  	[tilespmem:v1+s16+$0x0] =	vst.idx.add.f32.msk $0xffff, v4  }
0xd8: {  	[tilespmem:v1+s18+$0x0] =	vst.idx.add.f32.msk $0xffff, v17  }
0xd9: {  	[tilespmem:v1+s20+$0x0] =	vst.idx.add.f32.msk $0xffff, v18  }
0xda: {  	[tilespmem:v1+s22+$0x0] =	vst.idx.add.f32.msk $0xffff, v6  }
0xdb: {  	[tilespmem:v0+s16+$0x0] =	vst.idx.add.f32.msk $0xffff, v15  }
0xdc: {  	[tilespmem:v0+s18+$0x0] =	vst.idx.add.f32.msk $0xffff, v14  }
0xdd: {  	[tilespmem:v0+s20+$0x0] =	vst.idx.add.f32.msk $0xffff, v3  }
0xde: {  	[tilespmem:v0+s22+$0x0] =	vst.idx.add.f32.msk $0xffff, v13  }
0xdf: {  	_ =	swait.ge [sflag:s29], $0x2000  }
0xe0: {  	[sflag:s29] =	ssyncset.done $0x0  }
0xe1: {  	[sflag:s29] =	ssyncadd.s32 $0xFFFFE000  }
0xe2: {  	p0 =	seq.s32 s31, $0x13;
	_ =	swait.ge [sflag:s29], $0x2000  }
0xe3: {  	s0 =	sadd.s32 @!p0 $0x800, s0;
	s23 =	simm.s32 @!p0 $0x0;
	[sflag:s29] =	ssyncset.done $0x0  }
0xe4: {  	s24 =	simm.s32 @!p0 $0x14000;
	s1 =	sadd.s32 @!p0 s4, s0;
	[sflag:s29] =	ssyncadd.s32 $0xFFFFE000  }
0xe5: {  	[tilespmem:s24], [sflag:$0x1] =	stream.linear.gather @!p0 [hbm4b:s1+s23], $0x2000, $0x38;
	[tilespmem:$0x1C000] =	vst v63  }
0xe6: {  	s0 =	sadd.s32 @!p0 s2, s0;
	s1 =	simm.s32 @!p0 $0x18000;
	s24 =	simm.s32 $0x0  }
0xe7: {  	[tilespmem:s1], [sflag:$0x1] =	stream.linear.gather @!p0 [hbm4b:s0+s23], $0x2000, $0x38;
	[tilespmem:$0x1C000] =	vst v63  }
0xe8: {  	v0 =	vld [tilespmem:s24+$0x16000]  }
0xe9: {  	v1 =	vld [tilespmem:s24+$0x16030]  }
0xea: {  	v2 =	vld [tilespmem:s24+$0x1A030]  }
0xeb: {  	v3 =	vld [tilespmem:s24+$0x1A020]  }
0xec: {  	v4 =	vld [tilespmem:s24+$0x16010]  }
0xed: {  	v5 =	vld [tilespmem:s24+$0x1A010]  }
0xee: {  	v6 =	vld [tilespmem:s24+$0x1A000]  }
0xef: {  	v7 =	vld [tilespmem:s24+$0x16020]  }
0xf0: {  	v8 =	vld.idx.msk [tilespmem:v0+s21+$0x0], $0xffff  }
0xf1: {  	v9 =	vld.idx.msk [tilespmem:v0+s17+$0x0], $0xffff  }
0xf2: {  	v10 =	vld.idx.msk [tilespmem:v0+s19+$0x0], $0xffff  }
0xf3: {  	v0 =	vld.idx.msk [tilespmem:v0+s3+$0x0], $0xffff  }
0xf4: {  	v11 =	vld.idx.msk [tilespmem:v4+s21+$0x0], $0xffff  }
0xf5: {  	v12 =	vld.idx.msk [tilespmem:v4+s19+$0x0], $0xffff  }
0xf6: {  	v13 =	vld.idx.msk [tilespmem:v1+s19+$0x0], $0xffff  }
0xf7: {  	v14 =	vld.idx.msk [tilespmem:v4+s3+$0x0], $0xffff  }
0xf8: {  	v4 =	vld.idx.msk [tilespmem:v4+s17+$0x0], $0xffff  }
0xf9: {  	v15 =	vld.idx.msk [tilespmem:v1+s21+$0x0], $0xffff  }
0xfa: {  	v60 =	vld.idx.msk [tilespmem:v7+s21+$0x0], $0xffff  }
0xfb: {  	v61 =	vld.idx.msk [tilespmem:v7+s19+$0x0], $0xffff  }
0xfc: {  	v62 =	vld.idx.msk [tilespmem:v7+s3+$0x0], $0xffff  }
0xfd: {  	v63 =	vld.idx.msk [tilespmem:v1+s3+$0x0], $0xffff  }
0xfe: {  	v1 =	vld.idx.msk [tilespmem:v1+s17+$0x0], $0xffff  }
0xff: {  	v7 =	vld.idx.msk [tilespmem:v7+s17+$0x0], $0xffff  }
0x100: {  	[tilespmem:v6+s16+$0x0] =	vst.idx.add.f32.msk $0xffff, v0  }
0x101: {  	[tilespmem:v6+s18+$0x0] =	vst.idx.add.f32.msk $0xffff, v9  }
0x102: {  	[tilespmem:v6+s20+$0x0] =	vst.idx.add.f32.msk $0xffff, v10  }
0x103: {  	[tilespmem:v6+s22+$0x0] =	vst.idx.add.f32.msk $0xffff, v8  }
0x104: {  	[tilespmem:v5+s16+$0x0] =	vst.idx.add.f32.msk $0xffff, v14  }
0x105: {  	[tilespmem:v5+s18+$0x0] =	vst.idx.add.f32.msk $0xffff, v4  }
0x106: {  	[tilespmem:v5+s20+$0x0] =	vst.idx.add.f32.msk $0xffff, v12  }
0x107: {  	[tilespmem:v5+s22+$0x0] =	vst.idx.add.f32.msk $0xffff, v11  }
0x108: {  	[tilespmem:v3+s16+$0x0] =	vst.idx.add.f32.msk $0xffff, v62  }
0x109: {  	[tilespmem:v3+s18+$0x0] =	vst.idx.add.f32.msk $0xffff, v7  }
0x10a: {  	[tilespmem:v3+s20+$0x0] =	vst.idx.add.f32.msk $0xffff, v61  }
0x10b: {  	[tilespmem:v3+s22+$0x0] =	vst.idx.add.f32.msk $0xffff, v60  }
0x10c: {  	[tilespmem:v2+s16+$0x0] =	vst.idx.add.f32.msk $0xffff, v63  }
0x10d: {  	[tilespmem:v2+s18+$0x0] =	vst.idx.add.f32.msk $0xffff, v1  }
0x10e: {  	[tilespmem:v2+s20+$0x0] =	vst.idx.add.f32.msk $0xffff, v13  }
0x10f: {  	[tilespmem:v2+s22+$0x0] =	vst.idx.add.f32.msk $0xffff, v15  }
0x110: {  	v7 =	vld [tilespmem:s24+$0x16040]  }
0x111: {  	v5 =	vld [tilespmem:s24+$0x16050]  }
0x112: {  	v6 =	vld [tilespmem:s24+$0x16060]  }
0x113: {  	v13 =	vld [tilespmem:s24+$0x16070]  }
0x114: {  	v0 =	vld [tilespmem:s24+$0x1A070]  }
0x115: {  	v1 =	vld [tilespmem:s24+$0x1A060]  }
0x116: {  	v2 =	vld [tilespmem:s24+$0x1A050]  }
0x117: {  	v8 =	vld [tilespmem:s24+$0x1A040]  }
0x118: {  	v11 =	vld.idx.msk [tilespmem:v7+s3+$0x0], $0xffff  }
0x119: {  	v12 =	vld.idx.msk [tilespmem:v7+s17+$0x0], $0xffff  }
0x11a: {  	v4 =	vld.idx.msk [tilespmem:v6+s3+$0x0], $0xffff  }
0x11b: {  	v9 =	vld.idx.msk [tilespmem:v5+s21+$0x0], $0xffff  }
0x11c: {  	v10 =	vld.idx.msk [tilespmem:v5+s19+$0x0], $0xffff  }
0x11d: {  	s0 =	simm.s32 $0x200;
	v3 =	vld.idx.msk [tilespmem:v13+s19+$0x0], $0xffff  }
.LBB2_5:
0x11e: {  	s1 =	sshra.s32 s0, $0x2;
	p0 =	sne.s32 s0, $0x7E00;
	s0 =	sadd.s32 $0x200, s0;
	v14 =	vld.idx.msk [tilespmem:v13+s17+$0x0], $0xffff  }
0x11f: {  	v15 =	vld.idx.msk [tilespmem:v13+s3+$0x0], $0xffff  }
0x120: {  	v16 =	vld.idx.msk [tilespmem:v5+s17+$0x0], $0xffff  }
0x121: {  	v17 =	vld.idx.msk [tilespmem:v6+s17+$0x0], $0xffff  }
0x122: {  	v13 =	vld.idx.msk [tilespmem:v13+s21+$0x0], $0xffff  }
0x123: {  	v18 =	vld.idx.msk [tilespmem:v6+s19+$0x0], $0xffff  }
0x124: {  	v19 =	vld.idx.msk [tilespmem:v7+s19+$0x0], $0xffff  }
0x125: {  	v7 =	vld.idx.msk [tilespmem:v7+s21+$0x0], $0xffff  }
0x126: {  	v5 =	vld.idx.msk [tilespmem:v5+s3+$0x0], $0xffff  }
0x127: {  	v6 =	vld.idx.msk [tilespmem:v6+s21+$0x0], $0xffff  }
0x128: {  	[tilespmem:v8+s16+$0x0] =	vst.idx.add.f32.msk $0xffff, v11  }
0x129: {  	[tilespmem:v8+s18+$0x0] =	vst.idx.add.f32.msk $0xffff, v12  }
0x12a: {  	[tilespmem:v8+s20+$0x0] =	vst.idx.add.f32.msk $0xffff, v19  }
0x12b: {  	[tilespmem:v8+s22+$0x0] =	vst.idx.add.f32.msk $0xffff, v7  }
0x12c: {  	[tilespmem:v2+s16+$0x0] =	vst.idx.add.f32.msk $0xffff, v5  }
0x12d: {  	[tilespmem:v2+s18+$0x0] =	vst.idx.add.f32.msk $0xffff, v16  }
0x12e: {  	[tilespmem:v2+s20+$0x0] =	vst.idx.add.f32.msk $0xffff, v10  }
0x12f: {  	[tilespmem:v2+s22+$0x0] =	vst.idx.add.f32.msk $0xffff, v9  }
0x130: {  	[tilespmem:v1+s16+$0x0] =	vst.idx.add.f32.msk $0xffff, v4  }
0x131: {  	[tilespmem:v1+s18+$0x0] =	vst.idx.add.f32.msk $0xffff, v17  }
0x132: {  	[tilespmem:v1+s20+$0x0] =	vst.idx.add.f32.msk $0xffff, v18  }
0x133: {  	[tilespmem:v1+s22+$0x0] =	vst.idx.add.f32.msk $0xffff, v6  }
0x134: {  	[tilespmem:v0+s16+$0x0] =	vst.idx.add.f32.msk $0xffff, v15  }
0x135: {  	[tilespmem:v0+s18+$0x0] =	vst.idx.add.f32.msk $0xffff, v14  }
0x136: {  	[tilespmem:v0+s20+$0x0] =	vst.idx.add.f32.msk $0xffff, v3  }
0x137: {  	[tilespmem:v0+s22+$0x0] =	vst.idx.add.f32.msk $0xffff, v13  }
0x138: {  	v0 =	vld [tilespmem:s1+$0x16000]  }
0x139: {  	v1 =	vld [tilespmem:s1+$0x16030]  }
0x13a: {  	v2 =	vld [tilespmem:s1+$0x1A030]  }
0x13b: {  	v3 =	vld [tilespmem:s1+$0x1A020]  }
0x13c: {  	v4 =	vld [tilespmem:s1+$0x16010]  }
0x13d: {  	v5 =	vld [tilespmem:s1+$0x1A010]  }
0x13e: {  	v6 =	vld [tilespmem:s1+$0x1A000]  }
0x13f: {  	v7 =	vld [tilespmem:s1+$0x16020]  }
0x140: {  	v8 =	vld.idx.msk [tilespmem:v0+s21+$0x0], $0xffff  }
0x141: {  	v9 =	vld.idx.msk [tilespmem:v0+s17+$0x0], $0xffff  }
0x142: {  	v10 =	vld.idx.msk [tilespmem:v0+s19+$0x0], $0xffff  }
0x143: {  	v0 =	vld.idx.msk [tilespmem:v0+s3+$0x0], $0xffff  }
0x144: {  	v11 =	vld.idx.msk [tilespmem:v4+s21+$0x0], $0xffff  }
0x145: {  	v12 =	vld.idx.msk [tilespmem:v4+s19+$0x0], $0xffff  }
0x146: {  	v13 =	vld.idx.msk [tilespmem:v1+s19+$0x0], $0xffff  }
0x147: {  	v14 =	vld.idx.msk [tilespmem:v4+s3+$0x0], $0xffff  }
0x148: {  	v4 =	vld.idx.msk [tilespmem:v4+s17+$0x0], $0xffff  }
0x149: {  	v15 =	vld.idx.msk [tilespmem:v1+s21+$0x0], $0xffff  }
0x14a: {  	v16 =	vld.idx.msk [tilespmem:v7+s21+$0x0], $0xffff  }
0x14b: {  	v17 =	vld.idx.msk [tilespmem:v7+s19+$0x0], $0xffff  }
0x14c: {  	v18 =	vld.idx.msk [tilespmem:v7+s3+$0x0], $0xffff  }
0x14d: {  	v19 =	vld.idx.msk [tilespmem:v1+s3+$0x0], $0xffff  }
0x14e: {  	v1 =	vld.idx.msk [tilespmem:v1+s17+$0x0], $0xffff  }
0x14f: {  	v7 =	vld.idx.msk [tilespmem:v7+s17+$0x0], $0xffff  }
0x150: {  	[tilespmem:v6+s16+$0x0] =	vst.idx.add.f32.msk $0xffff, v0  }
0x151: {  	[tilespmem:v6+s18+$0x0] =	vst.idx.add.f32.msk $0xffff, v9  }
0x152: {  	[tilespmem:v6+s20+$0x0] =	vst.idx.add.f32.msk $0xffff, v10  }
0x153: {  	[tilespmem:v6+s22+$0x0] =	vst.idx.add.f32.msk $0xffff, v8  }
0x154: {  	[tilespmem:v5+s16+$0x0] =	vst.idx.add.f32.msk $0xffff, v14  }
0x155: {  	[tilespmem:v5+s18+$0x0] =	vst.idx.add.f32.msk $0xffff, v4  }
0x156: {  	[tilespmem:v5+s20+$0x0] =	vst.idx.add.f32.msk $0xffff, v12  }
0x157: {  	[tilespmem:v5+s22+$0x0] =	vst.idx.add.f32.msk $0xffff, v11  }
0x158: {  	[tilespmem:v3+s16+$0x0] =	vst.idx.add.f32.msk $0xffff, v18  }
0x159: {  	[tilespmem:v3+s18+$0x0] =	vst.idx.add.f32.msk $0xffff, v7  }
0x15a: {  	[tilespmem:v3+s20+$0x0] =	vst.idx.add.f32.msk $0xffff, v17  }
0x15b: {  	[tilespmem:v3+s22+$0x0] =	vst.idx.add.f32.msk $0xffff, v16  }
0x15c: {  	[tilespmem:v2+s16+$0x0] =	vst.idx.add.f32.msk $0xffff, v19  }
0x15d: {  	[tilespmem:v2+s18+$0x0] =	vst.idx.add.f32.msk $0xffff, v1  }
0x15e: {  	[tilespmem:v2+s20+$0x0] =	vst.idx.add.f32.msk $0xffff, v13  }
0x15f: {  	[tilespmem:v2+s22+$0x0] =	vst.idx.add.f32.msk $0xffff, v15  }
0x160: {  	v7 =	vld [tilespmem:s1+$0x16040]  }
0x161: {  	v5 =	vld [tilespmem:s1+$0x16050]  }
0x162: {  	v6 =	vld [tilespmem:s1+$0x16060]  }
0x163: {  	v13 =	vld [tilespmem:s1+$0x16070]  }
0x164: {  	v0 =	vld [tilespmem:s1+$0x1A070]  }
0x165: {  	v1 =	vld [tilespmem:s1+$0x1A060]  }
0x166: {  	v2 =	vld [tilespmem:s1+$0x1A050]  }
0x167: {  	v8 =	vld [tilespmem:s1+$0x1A040]  }
0x168: {  	v11 =	vld.idx.msk [tilespmem:v7+s3+$0x0], $0xffff  }
.Ltmp1:
0x169: {  	v12 =	vld.idx.msk [tilespmem:v7+s17+$0x0], $0xffff;
	(pc) =	sbr.rel @p0 .LBB2_5-.Ltmp1, $4  }
0x16a: {  	v4 =	vld.idx.msk [tilespmem:v6+s3+$0x0], $0xffff  }
0x16b: {  	v9 =	vld.idx.msk [tilespmem:v5+s21+$0x0], $0xffff  }
0x16c: {  	v10 =	vld.idx.msk [tilespmem:v5+s19+$0x0], $0xffff  }
0x16d: {  	v3 =	vld.idx.msk [tilespmem:v13+s19+$0x0], $0xffff  }
0x16e: {  	_ =	sdelay $0x3  }
0x16f: {  	v14 =	vld.idx.msk [tilespmem:v13+s17+$0x0], $0xffff  }
0x170: {  	v15 =	vld.idx.msk [tilespmem:v13+s3+$0x0], $0xffff  }
0x171: {  	v16 =	vld.idx.msk [tilespmem:v5+s17+$0x0], $0xffff  }
0x172: {  	v17 =	vld.idx.msk [tilespmem:v6+s17+$0x0], $0xffff  }
0x173: {  	v60 =	vld.idx.msk [tilespmem:v13+s21+$0x0], $0xffff  }
0x174: {  	v18 =	vld.idx.msk [tilespmem:v6+s19+$0x0], $0xffff  }
0x175: {  	v19 =	vld.idx.msk [tilespmem:v7+s19+$0x0], $0xffff  }
0x176: {  	v61 =	vld.idx.msk [tilespmem:v7+s21+$0x0], $0xffff  }
0x177: {  	v62 =	vld.idx.msk [tilespmem:v5+s3+$0x0], $0xffff  }
0x178: {  	v63 =	vld.idx.msk [tilespmem:v6+s21+$0x0], $0xffff  }
0x179: {  	[tilespmem:v8+s16+$0x0] =	vst.idx.add.f32.msk $0xffff, v11  }
0x17a: {  	[tilespmem:v8+s18+$0x0] =	vst.idx.add.f32.msk $0xffff, v12  }
0x17b: {  	[tilespmem:v8+s20+$0x0] =	vst.idx.add.f32.msk $0xffff, v19  }
0x17c: {  	[tilespmem:v8+s22+$0x0] =	vst.idx.add.f32.msk $0xffff, v61  }
0x17d: {  	[tilespmem:v2+s16+$0x0] =	vst.idx.add.f32.msk $0xffff, v62  }
0x17e: {  	[tilespmem:v2+s18+$0x0] =	vst.idx.add.f32.msk $0xffff, v16  }
0x17f: {  	[tilespmem:v2+s20+$0x0] =	vst.idx.add.f32.msk $0xffff, v10  }
0x180: {  	[tilespmem:v2+s22+$0x0] =	vst.idx.add.f32.msk $0xffff, v9  }
0x181: {  	[tilespmem:v1+s16+$0x0] =	vst.idx.add.f32.msk $0xffff, v4  }
0x182: {  	s31 =	sadd.s32 $0x1, s31;
	[tilespmem:v1+s18+$0x0] =	vst.idx.add.f32.msk $0xffff, v17  }
0x183: {  	p0 =	sne.s32 s31, $0x14;
	[tilespmem:v1+s20+$0x0] =	vst.idx.add.f32.msk $0xffff, v18  }
.Ltmp2:
0x184: {  	[tilespmem:v1+s22+$0x0] =	vst.idx.add.f32.msk $0xffff, v63;
	(pc) =	sbr.rel @p0 .LBB2_2-.Ltmp2, $4  }
0x185: {  	[tilespmem:v0+s16+$0x0] =	vst.idx.add.f32.msk $0xffff, v15  }
0x186: {  	[tilespmem:v0+s18+$0x0] =	vst.idx.add.f32.msk $0xffff, v14  }
0x187: {  	[tilespmem:v0+s20+$0x0] =	vst.idx.add.f32.msk $0xffff, v3  }
0x188: {  	[tilespmem:v0+s22+$0x0] =	vst.idx.add.f32.msk $0xffff, v60  }
0x189: {  	[hbm4b:s10+s3] =	stream.linear.scatter [tilespmem:s16], [sflag:$0x3], $0x2800, $0x38;
	[tilespmem:$0x1C000] =	vst v63  }
0x18a: {  	_ =	swait.ge [sflag:s15], $0x2800  }
0x18b: {  	[sflag:s15] =	ssyncset.done $0x0  }
0x18c: {  	[sflag:s15] =	ssyncadd.s32 $0xFFFFD800  }
0x18d: {  	[hbm4b:s11+s3] =	stream.linear.scatter [tilespmem:s18], [sflag:$0x3], $0x2800, $0x38;
	[tilespmem:$0x1C000] =	vst v63  }
0x18e: {  	_ =	swait.ge [sflag:s15], $0x2800  }
0x18f: {  	[sflag:s15] =	ssyncset.done $0x0  }
0x190: {  	[sflag:s15] =	ssyncadd.s32 $0xFFFFD800  }
0x191: {  	[hbm4b:s12+s3] =	stream.linear.scatter [tilespmem:s20], [sflag:$0x3], $0x2800, $0x38;
	[tilespmem:$0x1C000] =	vst v63  }
0x192: {  	s30 =	sadd.s32 $0x1, s30;
	_ =	swait.ge [sflag:s15], $0x2800  }
0x193: {  	p0 =	sne.s32 s30, s14;
	[sflag:s15] =	ssyncset.done $0x0  }
.Ltmp3:
0x194: {  	[sflag:s15] =	ssyncadd.s32 $0xFFFFD800;
	(pc) =	sbr.rel @p0 .LBB2_1-.Ltmp3, $4  }
0x195: {  	[hbm4b:s13+s3] =	stream.linear.scatter [tilespmem:s22], [sflag:$0x3], $0x2800, $0x38;
	[tilespmem:$0x1C000] =	vst v63  }
0x196: {  	_ =	swait.ge [sflag:s15], $0x2800  }
0x197: {  	[sflag:s15] =	ssyncset.done $0x0  }
0x198: {  	[sflag:s15] =	ssyncadd.s32 $0xFFFFD800  }
0x199: {  	_ =	sfence.sel $0x180000  }
0x19a: {  	[bflag:$0x0] =	sbarrier.arrive $0xFFFF  }
0x19b: {  	_ =	strace $0x90000053  }
0x19c: {  	s0 =	stileid.u32;
	[bflag:$0x2] =	sbarrier.arrive $0xFFFF  }
0x19d: {  	p0 =	sne.s32 s0, $0x0;
	s0 =	rddreg [dreg:$0x2]  }
0x19e: {  	s0 =	sadd.s32 @!p0 $0x100000, s0  }
0x19f: {  	[sflag:s0] =	ssyncadd.tile.s32 @!p0 $0x1;
	_ =	shalt  }
.Lfunc_end2:
_tile_overlayer_lowered:
.L_overlay_start_2:
0x1a0: {  	(tag) =	ssettag $0x2  }
0x1a1: {  	s0 =	rddreg [dreg:$0x0];
	s2 =	stileid.u32  }
0x1a2: {  	s1 =	rddreg [dreg:$0x1];
	p0 =	sne.s32 s2, $0x0  }
0x1a3: {  	s3 =	rddreg [dreg:$0x2];
	[bflag:$0x3] =	sbarrier.arrive $0xFFFF;
	s2 =	simm.s32 @!p0 $0x1C03  }
0x1a4: {  	[timem:s3], [sflag:s2] =	dma.local @!p0 [hbm:s0], s1  }
0x1a5: {  	s0 =	simm.s32 @!p0 $0x3  }
0x1a6: {  	_ =	swait.ge @!p0 [sflag:s0], s1  }
0x1a7: {  	s1 =	ssub.s32 @!p0 $0x0, s1;
	[sflag:s0] =	ssyncset.done @!p0 $0x0  }
0x1a8: {  	[sflag:s0] =	ssyncadd.s32 @!p0 s1  }
0x1a9: {  	[bflag:$0x3] =	sbarrier.arrive $0xFFFF  }
0x1aa: {  	_ =	shalt  }

</sc_bundles>
